<compile_context>
chip_gen: v7x
topology: tpu7x:2x2x1
jax: 0.10.2.dev20260603
libtpu: 0.0.44.dev20260713+nightly
codegen_flags: <defaults>
</compile_context>

<pallas_src>
import functools

import jax
import jax.numpy as jnp
from jax import lax
from jax.experimental import pallas as pl
from jax.experimental.pallas import tpu as pltpu
from jax.experimental.pallas import tpu_sc as plsc

N = 10000
NPAD = 10240
E = 320000
D = 128
HALF = 64
OUT = 128

NC = 2
NT = 16
LANES = 16

GROUP = 128
GROUPS_PER_CHUNK = 8
CHUNK = GROUP * GROUPS_PER_CHUNK
CHUNKS_PER_TILE = 20
EDGES_PER_TILE = CHUNK * CHUNKS_PER_TILE
E_PAD = EDGES_PER_TILE * NT
ROWS_PER_TILE = NPAD // NT


def _spmm2_sc(xs, col2, row2, adjf):
    mesh = plsc.VectorSubcoreMesh(core_axis_name="c", subcore_axis_name="s")
    y_t = jax.ShapeDtypeStruct((NC * NPAD, HALF), jnp.float32)

    @functools.partial(
        pl.kernel,
        out_type=[y_t, y_t],
        mesh=mesh,
        compiler_params=pltpu.CompilerParams(use_tc_tiling_on_sc=False),
        scratch_types=[
            pltpu.VMEM((GROUPS_PER_CHUNK, GROUP), jnp.int32),
            pltpu.VMEM((GROUPS_PER_CHUNK, GROUP), jnp.int32),
            pltpu.VMEM((CHUNK,), jnp.float32),
            pltpu.VMEM((CHUNK, HALF), jnp.float32),
            pltpu.VMEM_SHARED((NPAD, HALF), jnp.float32),
            pltpu.SemaphoreType.DMA,
        ],
    )
    def k(xs_hbm, col_hbm, row_hbm, adj_hbm, y1_hbm, y2_hbm,
          colv, rowv, adjv, buf, acc, sem):
        core = lax.axis_index("c")
        tid = lax.axis_index("s")
        src_off = core * NPAD

        def zero_acc():
            @pl.loop(0, ROWS_PER_TILE)
            def _(r):
                for c in range(HALF // LANES):
                    buf[r, pl.ds(c * LANES, LANES)] = jnp.zeros(
                        (LANES,), jnp.float32)

            pltpu.sync_copy(buf.at[pl.ds(0, ROWS_PER_TILE)],
                            acc.at[pl.ds(tid * ROWS_PER_TILE, ROWS_PER_TILE)])
            plsc.subcore_barrier()

        zero_acc()

        def hop(src_hbm, out_hbm):
            @pl.loop(0, CHUNKS_PER_TILE)
            def _(s):
                base_g = (tid * CHUNKS_PER_TILE + s) * GROUPS_PER_CHUNK
                pltpu.sync_copy(col_hbm.at[pl.ds(base_g, GROUPS_PER_CHUNK)], colv)
                pltpu.sync_copy(row_hbm.at[pl.ds(base_g, GROUPS_PER_CHUNK)], rowv)
                pltpu.sync_copy(adj_hbm.at[pl.ds(base_g * GROUP, CHUNK)], adjv)

                @pl.loop(0, GROUPS_PER_CHUNK)
                def _(j):
                    for c in range(GROUP // LANES):
                        sl = pl.ds(c * LANES, LANES)
                        colv[j, sl] = colv[j, sl] + src_off

                waits = []
                for j in range(GROUPS_PER_CHUNK):
                    waits.append(pltpu.async_copy(
                        src_hbm.at[colv.at[j]],
                        buf.at[pl.ds(j * GROUP, GROUP)], sem))
                for w in waits:
                    w.wait()

                @pl.loop(0, CHUNK // LANES)
                def _(g):
                    av = adjv[pl.ds(g * LANES, LANES)]
                    for l in range(LANES):
                        e = g * LANES + l
                        a = av[l]
                        for c in range(HALF // LANES):
                            sl = pl.ds(c * LANES, LANES)
                            buf[e, sl] = buf[e, sl] * a

                for j in range(GROUPS_PER_CHUNK):
                    pltpu.sync_copy(buf.at[pl.ds(j * GROUP, GROUP)],
                                    acc.at[rowv.at[j]], add=True)

            plsc.subcore_barrier()
            pltpu.sync_copy(
                acc.at[pl.ds(tid * ROWS_PER_TILE, ROWS_PER_TILE)],
                out_hbm.at[pl.ds(src_off + tid * ROWS_PER_TILE, ROWS_PER_TILE)])
            plsc.subcore_barrier()

        hop(xs_hbm, y1_hbm)
        zero_acc()
        hop(y1_hbm, y2_hbm)

    return k(xs, col2, row2, adjf)


def _linear_tc(x, y1f, y2f, W, b2):
    BN = 640

    def body(x_ref, y1a, y1b, y2a, y2b, w_ref, b_ref, o_ref):
        p = jax.lax.Precision.HIGHEST
        acc = jnp.dot(x_ref[...], w_ref[0:D, :], precision=p,
                      preferred_element_type=jnp.float32)
        acc += jnp.dot(y1a[...], w_ref[D:D + HALF, :], precision=p,
                       preferred_element_type=jnp.float32)
        acc += jnp.dot(y1b[...], w_ref[D + HALF:2 * D, :], precision=p,
                       preferred_element_type=jnp.float32)
        acc += jnp.dot(y2a[...], w_ref[2 * D:2 * D + HALF, :], precision=p,
                       preferred_element_type=jnp.float32)
        acc += jnp.dot(y2b[...], w_ref[2 * D + HALF:3 * D, :], precision=p,
                       preferred_element_type=jnp.float32)
        o_ref[...] = acc + b_ref[...]

    nb = NPAD // BN
    return pl.pallas_call(
        body,
        grid=(nb,),
        in_specs=[
            pl.BlockSpec((BN, D), lambda i: (i, 0)),
            pl.BlockSpec((BN, HALF), lambda i: (i, 0)),
            pl.BlockSpec((BN, HALF), lambda i: (i + nb, 0)),
            pl.BlockSpec((BN, HALF), lambda i: (i, 0)),
            pl.BlockSpec((BN, HALF), lambda i: (i + nb, 0)),
            pl.BlockSpec((3 * D, OUT), lambda i: (0, 0)),
            pl.BlockSpec((1, OUT), lambda i: (0, 0)),
        ],
        out_specs=pl.BlockSpec((BN, OUT), lambda i: (i, 0)),
        out_shape=jax.ShapeDtypeStruct((NPAD, OUT), jnp.float32),
    )(x, y1f, y1f, y2f, y2f, W, b2)


def kernel(x, edge_index, adj_values, W, b):
    row = edge_index[0].astype(jnp.int32)
    col = edge_index[1].astype(jnp.int32)
    adj = adj_values.astype(jnp.float32)

    pad = E_PAD - E
    col2 = jnp.concatenate([col, jnp.zeros((pad,), jnp.int32)]).reshape(-1, GROUP)
    row2 = jnp.concatenate([row, jnp.zeros((pad,), jnp.int32)]).reshape(-1, GROUP)
    adjf = jnp.concatenate([adj, jnp.zeros((pad,), jnp.float32)])

    zrows = jnp.zeros((NPAD - N, HALF), jnp.float32)
    xs = jnp.concatenate([x[:, :HALF], zrows, x[:, HALF:], zrows], axis=0)
    y1f, y2f = _spmm2_sc(xs, col2, row2, adjf)
    xp = jnp.concatenate([x, jnp.zeros((NPAD - N, D), jnp.float32)], axis=0)
    return _linear_tc(xp, y1f, y2f, W, b.reshape(1, OUT))[:N]

# --- scband reference (transcript-rebuilt; emitter-appended) ---
"""Pipeline reference for scband-tagraph-6665789243857 (READ-ONLY COPY).

The authoritative reference and input builder live on the scoring server;
editing this copy changes nothing except your own understanding.
"""

import jax, jax.numpy as jnp
import numpy as np

N = 10000
E = 320000
D = 128
K = 2
OUT = 128


def setup_inputs(seed: int = 0) -> dict:
    key = jax.random.key(seed)
    k1, k2, k3, k4 = jax.random.split(key, 4)
    x = jax.random.normal(k1, (N, D), dtype=jnp.float32)
    edge_index = jax.random.randint(k2, (2, E), 0, N, dtype=jnp.int64)
    adj_values = jax.random.uniform(k3, (E,), dtype=jnp.float32)
    # Linear: in_features*(k+1)=384 -> out_features=128, xavier_normal with relu gain
    fan_in = D * (K + 1)
    gain = float(np.sqrt(2.0))
    std = gain * float(np.sqrt(2.0 / (fan_in + OUT)))
    W = jax.random.normal(k4, (fan_in, OUT), dtype=jnp.float32) * std
    b = jnp.zeros((OUT,), dtype=jnp.float32)
    return {"x": x, "edge_index": edge_index, "adj_values": adj_values, "W": W, "b": b}


def reference(x, edge_index, adj_values, W, b):
    # torch.spmm(adj, x): out[row] += value * x[col]
    row = edge_index[0]
    col = edge_index[1]
    fstack = [x]
    for _ in range(K):
        msg = adj_values[:, None] * jnp.take(fstack[-1], col, axis=0)
        y = jax.ops.segment_sum(msg, row, num_segments=N)
        fstack.append(y)
    h = jnp.concatenate(fstack, axis=-1)
    out = h @ W + b
    # activation=None, norm=False, dropout=False (defaults)
    return out

if __name__ == "__main__":
    import jax
    _d = setup_inputs()
    print(jax.jit(kernel)(*tuple(_d.values())))

</pallas_src>

<mosaic_0001>
#map = affine_map<(d0, d1) -> (0, 0)>
#map1 = affine_map<(d0, d1) -> (0)>
module attributes {stable_mosaic.version = 14 : i64} {
  func.func @k(%arg0: i32, %arg1: i32, %arg2: memref<20480x64xf32, #tpu.memory_space<hbm>>, %arg3: memref<2560x128xi32, #tpu.memory_space<hbm>>, %arg4: memref<2560x128xi32, #tpu.memory_space<hbm>>, %arg5: memref<327680xf32, #tpu.memory_space<hbm>>, %arg6: memref<20480x64xf32, #tpu.memory_space<hbm>>, %arg7: memref<20480x64xf32, #tpu.memory_space<hbm>>, %arg8: memref<8x128xi32, #tpu.memory_space<vmem>>, %arg9: memref<8x128xi32, #tpu.memory_space<vmem>>, %arg10: memref<1024xf32, #tpu.memory_space<vmem>>, %arg11: memref<1024x64xf32, #tpu.memory_space<vmem>>, %arg12: memref<10240x64xf32, #tpu.memory_space<vmem_shared>>, %arg13: memref<!tpu.dma_semaphore, #tpu.memory_space<semaphore_mem>>) attributes {dimension_semantics = [#tpu.dimension_semantics<core_parallel>, #tpu.dimension_semantics<subcore_parallel>], iteration_bounds = array<i64: 2, 16>, scalar_prefetch = 0 : i64, scratch_operands = 6 : i64, tpu.core_type = #tpu.core_type<sc_vector_subcore>, window_params = [{transform_indices = #map}, {transform_indices = #map}, {transform_indices = #map}, {transform_indices = #map1}, {transform_indices = #map}, {transform_indices = #map}]} {
    %mul3A = arith.constant 10240 : i32
    %mul3A_0 = arith.muli %arg0, %mul3A : i32
    %scan3A = arith.constant 0 : i32
    %scan3A_1 = arith.constant 640 : i32
    %scan3A_2 = arith.addi %scan3A, %scan3A_1 : i32
    %scan3A_3 = arith.constant 1 : i32
    scf.for %scan3A_38 = %scan3A to %scan3A_2 step %scan3A_3  : i32 {
      %mul3A_39 = arith.constant 1 : i32
      %mul3A_40 = arith.muli %scan3A_38, %mul3A_39 : i32
      %add3A_41 = arith.constant 0 : i32
      %add3A_42 = arith.addi %add3A_41, %mul3A_40 : i32
      %broadcast_in_dim3A = arith.constant 0.000000e+00 : f32
      %broadcast_in_dim3A_43 = vector.broadcast %broadcast_in_dim3A : f32 to vector<16xf32>
      %swap3A = arith.index_cast %add3A_42 : i32 to index
      %swap3A_44 = arith.constant 0 : index
      %swap3A_45 = tpu.vector_load %arg11[%swap3A, %swap3A_44] {strides = array<i32>} : memref<1024x64xf32, #tpu.memory_space<vmem>>, vector<1x16xf32>,
      %swap3A_46 = vector.shape_cast %swap3A_45 : vector<1x16xf32> to vector<16xf32>
      %swap3A_47 = vector.shape_cast %broadcast_in_dim3A_43 : vector<16xf32> to vector<1x16xf32>
      tpu.vector_store %arg11[%swap3A, %swap3A_44], %swap3A_47 {strides = array<i32>} : memref<1024x64xf32, #tpu.memory_space<vmem>>, vector<1x16xf32>,
      %broadcast_in_dim3A_48 = arith.constant 0.000000e+00 : f32
      %broadcast_in_dim3A_49 = vector.broadcast %broadcast_in_dim3A_48 : f32 to vector<16xf32>
      %swap3A_50 = arith.index_cast %add3A_42 : i32 to index
      %swap3A_51 = arith.constant 16 : index
      %swap3A_52 = tpu.vector_load %arg11[%swap3A_50, %swap3A_51] {strides = array<i32>} : memref<1024x64xf32, #tpu.memory_space<vmem>>, vector<1x16xf32>,
      %swap3A_53 = vector.shape_cast %swap3A_52 : vector<1x16xf32> to vector<16xf32>
      %swap3A_54 = vector.shape_cast %broadcast_in_dim3A_49 : vector<16xf32> to vector<1x16xf32>
      tpu.vector_store %arg11[%swap3A_50, %swap3A_51], %swap3A_54 {strides = array<i32>} : memref<1024x64xf32, #tpu.memory_space<vmem>>, vector<1x16xf32>,
      %broadcast_in_dim3A_55 = arith.constant 0.000000e+00 : f32
      %broadcast_in_dim3A_56 = vector.broadcast %broadcast_in_dim3A_55 : f32 to vector<16xf32>
      %swap3A_57 = arith.index_cast %add3A_42 : i32 to index
      %swap3A_58 = arith.constant 32 : index
      %swap3A_59 = tpu.vector_load %arg11[%swap3A_57, %swap3A_58] {strides = array<i32>} : memref<1024x64xf32, #tpu.memory_space<vmem>>, vector<1x16xf32>,
      %swap3A_60 = vector.shape_cast %swap3A_59 : vector<1x16xf32> to vector<16xf32>
      %swap3A_61 = vector.shape_cast %broadcast_in_dim3A_56 : vector<16xf32> to vector<1x16xf32>
      tpu.vector_store %arg11[%swap3A_57, %swap3A_58], %swap3A_61 {strides = array<i32>} : memref<1024x64xf32, #tpu.memory_space<vmem>>, vector<1x16xf32>,
      %broadcast_in_dim3A_62 = arith.constant 0.000000e+00 : f32
      %broadcast_in_dim3A_63 = vector.broadcast %broadcast_in_dim3A_62 : f32 to vector<16xf32>
      %swap3A_64 = arith.index_cast %add3A_42 : i32 to index
      %swap3A_65 = arith.constant 48 : index
      %swap3A_66 = tpu.vector_load %arg11[%swap3A_64, %swap3A_65] {strides = array<i32>} : memref<1024x64xf32, #tpu.memory_space<vmem>>, vector<1x16xf32>,
      %swap3A_67 = vector.shape_cast %swap3A_66 : vector<1x16xf32> to vector<16xf32>
      %swap3A_68 = vector.shape_cast %broadcast_in_dim3A_63 : vector<16xf32> to vector<1x16xf32>
      tpu.vector_store %arg11[%swap3A_64, %swap3A_65], %swap3A_68 {strides = array<i32>} : memref<1024x64xf32, #tpu.memory_space<vmem>>, vector<1x16xf32>,
    }
    %scan3A_4 = arith.constant 640 : i32
    %mul3A_5 = arith.constant 640 : i32
    %mul3A_6 = arith.muli %arg1, %mul3A_5 : i32
    "tpu.region"() ({
      %run_scoped3A = tpu.sem_alloc : memref<!tpu.dma_semaphore, #tpu.memory_space<semaphore_mem>>
      %dma_start3A = arith.constant 0 : i32
      %dma_start3A_38 = arith.constant 0 : i32
      %dma_start3A_39 = tpu.memref_slice %arg11[%dma_start3A, %dma_start3A_38] : memref<1024x64xf32, #tpu.memory_space<vmem>> -> memref<640x64xf32, #tpu.memory_space<vmem>>
      %dma_start3A_40 = arith.constant 0 : i32
      %dma_start3A_41 = tpu.memref_slice %arg12[%mul3A_6, %dma_start3A_40] : memref<10240x64xf32, #tpu.memory_space<vmem_shared>> -> memref<640x64xf32, #tpu.memory_space<vmem_shared>>
      %dma_start3A_42 = arith.constant 0 : i32
      %dma_start3A_43 = tpu.memref_slice %arg12[%mul3A_6, %dma_start3A_42] : memref<10240x64xf32, #tpu.memory_space<vmem_shared>> -> memref<640x64xf32, #tpu.memory_space<vmem_shared>>
      %dma_start3A_44 = arith.constant 0 : i32
      %dma_start3A_45 = arith.constant 0 : i32
      %dma_start3A_46 = tpu.memref_slice %arg11[%dma_start3A_44, %dma_start3A_45] : memref<1024x64xf32, #tpu.memory_space<vmem>> -> memref<640x64xf32, #tpu.memory_space<vmem>>
      tpu.enqueue_dma source(%dma_start3A_46 : memref<640x64xf32, #tpu.memory_space<vmem>>) target(%dma_start3A_43 : memref<640x64xf32, #tpu.memory_space<vmem_shared>>) target_semaphore(%run_scoped3A : memref<!tpu.dma_semaphore, #tpu.memory_space<semaphore_mem>>)
      %dma_wait3A = arith.constant 0 : i32
      %dma_wait3A_47 = arith.constant 0 : i32
      %dma_wait3A_48 = tpu.memref_slice %arg11[%dma_wait3A, %dma_wait3A_47] : memref<1024x64xf32, #tpu.memory_space<vmem>> -> memref<640x64xf32, #tpu.memory_space<vmem>>
      %dma_wait3A_49 = arith.constant 0 : i32
      %dma_wait3A_50 = tpu.memref_slice %arg12[%mul3A_6, %dma_wait3A_49] : memref<10240x64xf32, #tpu.memory_space<vmem_shared>> -> memref<640x64xf32, #tpu.memory_space<vmem_shared>>
      %dma_wait3A_51 = arith.constant 0 : i32
      %dma_wait3A_52 = tpu.memref_slice %arg12[%mul3A_6, %dma_wait3A_51] : memref<10240x64xf32, #tpu.memory_space<vmem_shared>> -> memref<640x64xf32, #tpu.memory_space<vmem_shared>>
      %dma_wait3A_53 = arith.constant 0 : i32
      %dma_wait3A_54 = arith.constant 0 : i32
      %dma_wait3A_55 = tpu.memref_slice %arg11[%dma_wait3A_53, %dma_wait3A_54] : memref<1024x64xf32, #tpu.memory_space<vmem>> -> memref<640x64xf32, #tpu.memory_space<vmem>>
      tpu.wait_dma2 semaphore(%run_scoped3A : memref<!tpu.dma_semaphore, #tpu.memory_space<semaphore_mem>>) src(%dma_wait3A_55 : memref<640x64xf32, #tpu.memory_space<vmem>>) dst(%dma_wait3A_52 : memref<640x64xf32, #tpu.memory_space<vmem_shared>>)
      tpu.yield
    }) : () -> ()
    %barrier3A = arith.constant 0 : index
    tpu.barrier barrier_id(%barrier3A)
    %scan3A_7 = arith.constant 0 : i32
    %scan3A_8 = arith.constant 20 : i32
    %scan3A_9 = arith.addi %scan3A_7, %scan3A_8 : i32
    %scan3A_10 = arith.constant 1 : i32
    scf.for %scan3A_38 = %scan3A_7 to %scan3A_9 step %scan3A_10  : i32 {
      %mul3A_39 = arith.constant 1 : i32
      %mul3A_40 = arith.muli %scan3A_38, %mul3A_39 : i32
      %add3A_41 = arith.constant 0 : i32
      %add3A_42 = arith.addi %add3A_41, %mul3A_40 : i32
      %mul3A_43 = arith.constant 20 : i32
      %mul3A_44 = arith.muli %arg1, %mul3A_43 : i32
      %add3A_45 = arith.addi %mul3A_44, %add3A_42 : i32
      %mul3A_46 = arith.constant 8 : i32
      %mul3A_47 = arith.muli %add3A_45, %mul3A_46 : i32
      "tpu.region"() ({
        %run_scoped3A_225 = tpu.sem_alloc : memref<!tpu.dma_semaphore, #tpu.memory_space<semaphore_mem>>
        %dma_start3A_226 = arith.constant 0 : i32
        %dma_start3A_227 = tpu.memref_slice %arg3[%mul3A_47, %dma_start3A_226] : memref<2560x128xi32, #tpu.memory_space<hbm>> -> memref<8x128xi32, #tpu.memory_space<hbm>>
        %dma_start3A_228 = arith.constant 0 : i32
        %dma_start3A_229 = tpu.memref_slice %arg3[%mul3A_47, %dma_start3A_228] : memref<2560x128xi32, #tpu.memory_space<hbm>> -> memref<8x128xi32, #tpu.memory_space<hbm>>
        tpu.enqueue_dma source(%dma_start3A_229 : memref<8x128xi32, #tpu.memory_space<hbm>>) target(%arg8 : memref<8x128xi32, #tpu.memory_space<vmem>>) target_semaphore(%run_scoped3A_225 : memref<!tpu.dma_semaphore, #tpu.memory_space<semaphore_mem>>)
        %dma_wait3A_230 = arith.constant 0 : i32
        %dma_wait3A_231 = tpu.memref_slice %arg3[%mul3A_47, %dma_wait3A_230] : memref<2560x128xi32, #tpu.memory_space<hbm>> -> memref<8x128xi32, #tpu.memory_space<hbm>>
        %dma_wait3A_232 = arith.constant 0 : i32
        %dma_wait3A_233 = tpu.memref_slice %arg3[%mul3A_47, %dma_wait3A_232] : memref<2560x128xi32, #tpu.memory_space<hbm>> -> memref<8x128xi32, #tpu.memory_space<hbm>>
        tpu.wait_dma2 semaphore(%run_scoped3A_225 : memref<!tpu.dma_semaphore, #tpu.memory_space<semaphore_mem>>) src(%dma_wait3A_233 : memref<8x128xi32, #tpu.memory_space<hbm>>) dst(%arg8 : memref<8x128xi32, #tpu.memory_space<vmem>>)
        tpu.yield
      }) : () -> ()
      "tpu.region"() ({
        %run_scoped3A_225 = tpu.sem_alloc : memref<!tpu.dma_semaphore, #tpu.memory_space<semaphore_mem>>
        %dma_start3A_226 = arith.constant 0 : i32
        %dma_start3A_227 = tpu.memref_slice %arg4[%mul3A_47, %dma_start3A_226] : memref<2560x128xi32, #tpu.memory_space<hbm>> -> memref<8x128xi32, #tpu.memory_space<hbm>>
        %dma_start3A_228 = arith.constant 0 : i32
        %dma_start3A_229 = tpu.memref_slice %arg4[%mul3A_47, %dma_start3A_228] : memref<2560x128xi32, #tpu.memory_space<hbm>> -> memref<8x128xi32, #tpu.memory_space<hbm>>
        tpu.enqueue_dma source(%dma_start3A_229 : memref<8x128xi32, #tpu.memory_space<hbm>>) target(%arg9 : memref<8x128xi32, #tpu.memory_space<vmem>>) target_semaphore(%run_scoped3A_225 : memref<!tpu.dma_semaphore, #tpu.memory_space<semaphore_mem>>)
        %dma_wait3A_230 = arith.constant 0 : i32
        %dma_wait3A_231 = tpu.memref_slice %arg4[%mul3A_47, %dma_wait3A_230] : memref<2560x128xi32, #tpu.memory_space<hbm>> -> memref<8x128xi32, #tpu.memory_space<hbm>>
        %dma_wait3A_232 = arith.constant 0 : i32
        %dma_wait3A_233 = tpu.memref_slice %arg4[%mul3A_47, %dma_wait3A_232] : memref<2560x128xi32, #tpu.memory_space<hbm>> -> memref<8x128xi32, #tpu.memory_space<hbm>>
        tpu.wait_dma2 semaphore(%run_scoped3A_225 : memref<!tpu.dma_semaphore, #tpu.memory_space<semaphore_mem>>) src(%dma_wait3A_233 : memref<8x128xi32, #tpu.memory_space<hbm>>) dst(%arg9 : memref<8x128xi32, #tpu.memory_space<vmem>>)
        tpu.yield
      }) : () -> ()
      %mul3A_48 = arith.constant 128 : i32
      %mul3A_49 = arith.muli %mul3A_47, %mul3A_48 : i32
      "tpu.region"() ({
        %run_scoped3A_225 = tpu.sem_alloc : memref<!tpu.dma_semaphore, #tpu.memory_space<semaphore_mem>>
        %dma_start3A_226 = tpu.memref_slice %arg5[%mul3A_49] : memref<327680xf32, #tpu.memory_space<hbm>> -> memref<1024xf32, #tpu.memory_space<hbm>>
        %dma_start3A_227 = tpu.memref_slice %arg5[%mul3A_49] : memref<327680xf32, #tpu.memory_space<hbm>> -> memref<1024xf32, #tpu.memory_space<hbm>>
        tpu.enqueue_dma source(%dma_start3A_227 : memref<1024xf32, #tpu.memory_space<hbm>>) target(%arg10 : memref<1024xf32, #tpu.memory_space<vmem>>) target_semaphore(%run_scoped3A_225 : memref<!tpu.dma_semaphore, #tpu.memory_space<semaphore_mem>>)
        %dma_wait3A_228 = tpu.memref_slice %arg5[%mul3A_49] : memref<327680xf32, #tpu.memory_space<hbm>> -> memref<1024xf32, #tpu.memory_space<hbm>>
        %dma_wait3A_229 = tpu.memref_slice %arg5[%mul3A_49] : memref<327680xf32, #tpu.memory_space<hbm>> -> memref<1024xf32, #tpu.memory_space<hbm>>
        tpu.wait_dma2 semaphore(%run_scoped3A_225 : memref<!tpu.dma_semaphore, #tpu.memory_space<semaphore_mem>>) src(%dma_wait3A_229 : memref<1024xf32, #tpu.memory_space<hbm>>) dst(%arg10 : memref<1024xf32, #tpu.memory_space<vmem>>)
        tpu.yield
      }) : () -> ()
      %scan3A_50 = arith.constant 0 : i32
      %scan3A_51 = arith.constant 8 : i32
      %scan3A_52 = arith.addi %scan3A_50, %scan3A_51 : i32
      %scan3A_53 = arith.constant 1 : i32
      scf.for %scan3A_225 = %scan3A_50 to %scan3A_52 step %scan3A_53  : i32 {
        %mul3A_226 = arith.constant 1 : i32
        %mul3A_227 = arith.muli %scan3A_225, %mul3A_226 : i32
        %add3A_228 = arith.constant 0 : i32
        %add3A_229 = arith.addi %add3A_228, %mul3A_227 : i32
        %get3A = arith.index_cast %add3A_229 : i32 to index
        %get3A_230 = arith.constant 0 : index
        %get3A_231 = tpu.vector_load %arg8[%get3A, %get3A_230] {strides = array<i32>} : memref<8x128xi32, #tpu.memory_space<vmem>>, vector<1x16xi32>,
        %get3A_232 = vector.shape_cast %get3A_231 : vector<1x16xi32> to vector<16xi32>
        %add3A_233 = vector.broadcast %mul3A_0 : i32 to vector<16xi32>
        %add3A_234 = arith.addi %get3A_232, %add3A_233 : vector<16xi32>
        %swap3A = arith.index_cast %add3A_229 : i32 to index
        %swap3A_235 = arith.constant 0 : index
        %swap3A_236 = tpu.vector_load %arg8[%swap3A, %swap3A_235] {strides = array<i32>} : memref<8x128xi32, #tpu.memory_space<vmem>>, vector<1x16xi32>,
        %swap3A_237 = vector.shape_cast %swap3A_236 : vector<1x16xi32> to vector<16xi32>
        %swap3A_238 = vector.shape_cast %add3A_234 : vector<16xi32> to vector<1x16xi32>
        tpu.vector_store %arg8[%swap3A, %swap3A_235], %swap3A_238 {strides = array<i32>} : memref<8x128xi32, #tpu.memory_space<vmem>>, vector<1x16xi32>,
        %get3A_239 = arith.index_cast %add3A_229 : i32 to index
        %get3A_240 = arith.constant 16 : index
        %get3A_241 = tpu.vector_load %arg8[%get3A_239, %get3A_240] {strides = array<i32>} : memref<8x128xi32, #tpu.memory_space<vmem>>, vector<1x16xi32>,
        %get3A_242 = vector.shape_cast %get3A_241 : vector<1x16xi32> to vector<16xi32>
        %add3A_243 = vector.broadcast %mul3A_0 : i32 to vector<16xi32>
        %add3A_244 = arith.addi %get3A_242, %add3A_243 : vector<16xi32>
        %swap3A_245 = arith.index_cast %add3A_229 : i32 to index
        %swap3A_246 = arith.constant 16 : index
        %swap3A_247 = tpu.vector_load %arg8[%swap3A_245, %swap3A_246] {strides = array<i32>} : memref<8x128xi32, #tpu.memory_space<vmem>>, vector<1x16xi32>,
        %swap3A_248 = vector.shape_cast %swap3A_247 : vector<1x16xi32> to vector<16xi32>
        %swap3A_249 = vector.shape_cast %add3A_244 : vector<16xi32> to vector<1x16xi32>
        tpu.vector_store %arg8[%swap3A_245, %swap3A_246], %swap3A_249 {strides = array<i32>} : memref<8x128xi32, #tpu.memory_space<vmem>>, vector<1x16xi32>,
        %get3A_250 = arith.index_cast %add3A_229 : i32 to index
        %get3A_251 = arith.constant 32 : index
        %get3A_252 = tpu.vector_load %arg8[%get3A_250, %get3A_251] {strides = array<i32>} : memref<8x128xi32, #tpu.memory_space<vmem>>, vector<1x16xi32>,
        %get3A_253 = vector.shape_cast %get3A_252 : vector<1x16xi32> to vector<16xi32>
        %add3A_254 = vector.broadcast %mul3A_0 : i32 to vector<16xi32>
        %add3A_255 = arith.addi %get3A_253, %add3A_254 : vector<16xi32>
        %swap3A_256 = arith.index_cast %add3A_229 : i32 to index
        %swap3A_257 = arith.constant 32 : index
        %swap3A_258 = tpu.vector_load %arg8[%swap3A_256, %swap3A_257] {strides = array<i32>} : memref<8x128xi32, #tpu.memory_space<vmem>>, vector<1x16xi32>,
        %swap3A_259 = vector.shape_cast %swap3A_258 : vector<1x16xi32> to vector<16xi32>
        %swap3A_260 = vector.shape_cast %add3A_255 : vector<16xi32> to vector<1x16xi32>
        tpu.vector_store %arg8[%swap3A_256, %swap3A_257], %swap3A_260 {strides = array<i32>} : memref<8x128xi32, #tpu.memory_space<vmem>>, vector<1x16xi32>,
        %get3A_261 = arith.index_cast %add3A_229 : i32 to index
        %get3A_262 = arith.constant 48 : index
        %get3A_263 = tpu.vector_load %arg8[%get3A_261, %get3A_262] {strides = array<i32>} : memref<8x128xi32, #tpu.memory_space<vmem>>, vector<1x16xi32>,
        %get3A_264 = vector.shape_cast %get3A_263 : vector<1x16xi32> to vector<16xi32>
        %add3A_265 = vector.broadcast %mul3A_0 : i32 to vector<16xi32>
        %add3A_266 = arith.addi %get3A_264, %add3A_265 : vector<16xi32>
        %swap3A_267 = arith.index_cast %add3A_229 : i32 to index
        %swap3A_268 = arith.constant 48 : index
        %swap3A_269 = tpu.vector_load %arg8[%swap3A_267, %swap3A_268] {strides = array<i32>} : memref<8x128xi32, #tpu.memory_space<vmem>>, vector<1x16xi32>,
        %swap3A_270 = vector.shape_cast %swap3A_269 : vector<1x16xi32> to vector<16xi32>
        %swap3A_271 = vector.shape_cast %add3A_266 : vector<16xi32> to vector<1x16xi32>
        tpu.vector_store %arg8[%swap3A_267, %swap3A_268], %swap3A_271 {strides = array<i32>} : memref<8x128xi32, #tpu.memory_space<vmem>>, vector<1x16xi32>,
        %get3A_272 = arith.index_cast %add3A_229 : i32 to index
        %get3A_273 = arith.constant 64 : index
        %get3A_274 = tpu.vector_load %arg8[%get3A_272, %get3A_273] {strides = array<i32>} : memref<8x128xi32, #tpu.memory_space<vmem>>, vector<1x16xi32>,
        %get3A_275 = vector.shape_cast %get3A_274 : vector<1x16xi32> to vector<16xi32>
        %add3A_276 = vector.broadcast %mul3A_0 : i32 to vector<16xi32>
        %add3A_277 = arith.addi %get3A_275, %add3A_276 : vector<16xi32>
        %swap3A_278 = arith.index_cast %add3A_229 : i32 to index
        %swap3A_279 = arith.constant 64 : index
        %swap3A_280 = tpu.vector_load %arg8[%swap3A_278, %swap3A_279] {strides = array<i32>} : memref<8x128xi32, #tpu.memory_space<vmem>>, vector<1x16xi32>,
        %swap3A_281 = vector.shape_cast %swap3A_280 : vector<1x16xi32> to vector<16xi32>
        %swap3A_282 = vector.shape_cast %add3A_277 : vector<16xi32> to vector<1x16xi32>
        tpu.vector_store %arg8[%swap3A_278, %swap3A_279], %swap3A_282 {strides = array<i32>} : memref<8x128xi32, #tpu.memory_space<vmem>>, vector<1x16xi32>,
        %get3A_283 = arith.index_cast %add3A_229 : i32 to index
        %get3A_284 = arith.constant 80 : index
        %get3A_285 = tpu.vector_load %arg8[%get3A_283, %get3A_284] {strides = array<i32>} : memref<8x128xi32, #tpu.memory_space<vmem>>, vector<1x16xi32>,
        %get3A_286 = vector.shape_cast %get3A_285 : vector<1x16xi32> to vector<16xi32>
        %add3A_287 = vector.broadcast %mul3A_0 : i32 to vector<16xi32>
        %add3A_288 = arith.addi %get3A_286, %add3A_287 : vector<16xi32>
        %swap3A_289 = arith.index_cast %add3A_229 : i32 to index
        %swap3A_290 = arith.constant 80 : index
        %swap3A_291 = tpu.vector_load %arg8[%swap3A_289, %swap3A_290] {strides = array<i32>} : memref<8x128xi32, #tpu.memory_space<vmem>>, vector<1x16xi32>,
        %swap3A_292 = vector.shape_cast %swap3A_291 : vector<1x16xi32> to vector<16xi32>
        %swap3A_293 = vector.shape_cast %add3A_288 : vector<16xi32> to vector<1x16xi32>
        tpu.vector_store %arg8[%swap3A_289, %swap3A_290], %swap3A_293 {strides = array<i32>} : memref<8x128xi32, #tpu.memory_space<vmem>>, vector<1x16xi32>,
        %get3A_294 = arith.index_cast %add3A_229 : i32 to index
        %get3A_295 = arith.constant 96 : index
        %get3A_296 = tpu.vector_load %arg8[%get3A_294, %get3A_295] {strides = array<i32>} : memref<8x128xi32, #tpu.memory_space<vmem>>, vector<1x16xi32>,
        %get3A_297 = vector.shape_cast %get3A_296 : vector<1x16xi32> to vector<16xi32>
        %add3A_298 = vector.broadcast %mul3A_0 : i32 to vector<16xi32>
        %add3A_299 = arith.addi %get3A_297, %add3A_298 : vector<16xi32>
        %swap3A_300 = arith.index_cast %add3A_229 : i32 to index
        %swap3A_301 = arith.constant 96 : index
        %swap3A_302 = tpu.vector_load %arg8[%swap3A_300, %swap3A_301] {strides = array<i32>} : memref<8x128xi32, #tpu.memory_space<vmem>>, vector<1x16xi32>,
        %swap3A_303 = vector.shape_cast %swap3A_302 : vector<1x16xi32> to vector<16xi32>
        %swap3A_304 = vector.shape_cast %add3A_299 : vector<16xi32> to vector<1x16xi32>
        tpu.vector_store %arg8[%swap3A_300, %swap3A_301], %swap3A_304 {strides = array<i32>} : memref<8x128xi32, #tpu.memory_space<vmem>>, vector<1x16xi32>,
        %get3A_305 = arith.index_cast %add3A_229 : i32 to index
        %get3A_306 = arith.constant 112 : index
        %get3A_307 = tpu.vector_load %arg8[%get3A_305, %get3A_306] {strides = array<i32>} : memref<8x128xi32, #tpu.memory_space<vmem>>, vector<1x16xi32>,
        %get3A_308 = vector.shape_cast %get3A_307 : vector<1x16xi32> to vector<16xi32>
        %add3A_309 = vector.broadcast %mul3A_0 : i32 to vector<16xi32>
        %add3A_310 = arith.addi %get3A_308, %add3A_309 : vector<16xi32>
        %swap3A_311 = arith.index_cast %add3A_229 : i32 to index
        %swap3A_312 = arith.constant 112 : index
        %swap3A_313 = tpu.vector_load %arg8[%swap3A_311, %swap3A_312] {strides = array<i32>} : memref<8x128xi32, #tpu.memory_space<vmem>>, vector<1x16xi32>,
        %swap3A_314 = vector.shape_cast %swap3A_313 : vector<1x16xi32> to vector<16xi32>
        %swap3A_315 = vector.shape_cast %add3A_310 : vector<16xi32> to vector<1x16xi32>
        tpu.vector_store %arg8[%swap3A_311, %swap3A_312], %swap3A_315 {strides = array<i32>} : memref<8x128xi32, #tpu.memory_space<vmem>>, vector<1x16xi32>,
      }
      %scan3A_54 = arith.constant 8 : i32
      %dma_start3A = arith.constant 0 : i32
      %dma_start3A_55 = arith.constant 0 : i32
      %dma_start3A_56 = arith.constant 0 : i32
      %dma_start3A_57 = tpu.memref_slice %arg11[%dma_start3A_55, %dma_start3A_56] : memref<1024x64xf32, #tpu.memory_space<vmem>> -> memref<128x64xf32, #tpu.memory_space<vmem>>
      %dma_start3A_58 = arith.constant 0 : i32
      %dma_start3A_59 = tpu.memref_slice %arg8[%dma_start3A, %dma_start3A_58] : memref<8x128xi32, #tpu.memory_space<vmem>> -> memref<1x128xi32, #tpu.memory_space<vmem>>
      %dma_start3A_60 = tpu.memref_squeeze %dma_start3A_59 : memref<1x128xi32, #tpu.memory_space<vmem>> -> memref<128xi32, #tpu.memory_space<vmem>>
      %dma_start3A_61 = arith.constant 0 : i32
      %dma_start3A_62 = arith.constant 0 : i32
      %dma_start3A_63 = tpu.memref_slice %arg2[%dma_start3A_61, %dma_start3A_62] : memref<20480x64xf32, #tpu.memory_space<hbm>> -> memref<20480x64xf32, #tpu.memory_space<hbm>>
      tpu.enqueue_indirect_dma source(%dma_start3A_63 : memref<20480x64xf32, #tpu.memory_space<hbm>>) target(%dma_start3A_57 : memref<128x64xf32, #tpu.memory_space<vmem>>) offsets(%dma_start3A_60 : memref<128xi32, #tpu.memory_space<vmem>>) semaphore(%arg13 : memref<!tpu.dma_semaphore, #tpu.memory_space<semaphore_mem>>)
      %dma_start3A_64 = arith.constant 1 : i32
      %dma_start3A_65 = arith.constant 128 : i32
      %dma_start3A_66 = arith.constant 0 : i32
      %dma_start3A_67 = tpu.memref_slice %arg11[%dma_start3A_65, %dma_start3A_66] : memref<1024x64xf32, #tpu.memory_space<vmem>> -> memref<128x64xf32, #tpu.memory_space<vmem>>
      %dma_start3A_68 = arith.constant 0 : i32
      %dma_start3A_69 = tpu.memref_slice %arg8[%dma_start3A_64, %dma_start3A_68] : memref<8x128xi32, #tpu.memory_space<vmem>> -> memref<1x128xi32, #tpu.memory_space<vmem>>
      %dma_start3A_70 = tpu.memref_squeeze %dma_start3A_69 : memref<1x128xi32, #tpu.memory_space<vmem>> -> memref<128xi32, #tpu.memory_space<vmem>>
      %dma_start3A_71 = arith.constant 0 : i32
      %dma_start3A_72 = arith.constant 0 : i32
      %dma_start3A_73 = tpu.memref_slice %arg2[%dma_start3A_71, %dma_start3A_72] : memref<20480x64xf32, #tpu.memory_space<hbm>> -> memref<20480x64xf32, #tpu.memory_space<hbm>>
      tpu.enqueue_indirect_dma source(%dma_start3A_73 : memref<20480x64xf32, #tpu.memory_space<hbm>>) target(%dma_start3A_67 : memref<128x64xf32, #tpu.memory_space<vmem>>) offsets(%dma_start3A_70 : memref<128xi32, #tpu.memory_space<vmem>>) semaphore(%arg13 : memref<!tpu.dma_semaphore, #tpu.memory_space<semaphore_mem>>)
      %dma_start3A_74 = arith.constant 2 : i32
      %dma_start3A_75 = arith.constant 256 : i32
      %dma_start3A_76 = arith.constant 0 : i32
      %dma_start3A_77 = tpu.memref_slice %arg11[%dma_start3A_75, %dma_start3A_76] : memref<1024x64xf32, #tpu.memory_space<vmem>> -> memref<128x64xf32, #tpu.memory_space<vmem>>
      %dma_start3A_78 = arith.constant 0 : i32
      %dma_start3A_79 = tpu.memref_slice %arg8[%dma_start3A_74, %dma_start3A_78] : memref<8x128xi32, #tpu.memory_space<vmem>> -> memref<1x128xi32, #tpu.memory_space<vmem>>
      %dma_start3A_80 = tpu.memref_squeeze %dma_start3A_79 : memref<1x128xi32, #tpu.memory_space<vmem>> -> memref<128xi32, #tpu.memory_space<vmem>>
      %dma_start3A_81 = arith.constant 0 : i32
      %dma_start3A_82 = arith.constant 0 : i32
      %dma_start3A_83 = tpu.memref_slice %arg2[%dma_start3A_81, %dma_start3A_82] : memref<20480x64xf32, #tpu.memory_space<hbm>> -> memref<20480x64xf32, #tpu.memory_space<hbm>>
      tpu.enqueue_indirect_dma source(%dma_start3A_83 : memref<20480x64xf32, #tpu.memory_space<hbm>>) target(%dma_start3A_77 : memref<128x64xf32, #tpu.memory_space<vmem>>) offsets(%dma_start3A_80 : memref<128xi32, #tpu.memory_space<vmem>>) semaphore(%arg13 : memref<!tpu.dma_semaphore, #tpu.memory_space<semaphore_mem>>)
      %dma_start3A_84 = arith.constant 3 : i32
      %dma_start3A_85 = arith.constant 384 : i32
      %dma_start3A_86 = arith.constant 0 : i32
      %dma_start3A_87 = tpu.memref_slice %arg11[%dma_start3A_85, %dma_start3A_86] : memref<1024x64xf32, #tpu.memory_space<vmem>> -> memref<128x64xf32, #tpu.memory_space<vmem>>
      %dma_start3A_88 = arith.constant 0 : i32
      %dma_start3A_89 = tpu.memref_slice %arg8[%dma_start3A_84, %dma_start3A_88] : memref<8x128xi32, #tpu.memory_space<vmem>> -> memref<1x128xi32, #tpu.memory_space<vmem>>
      %dma_start3A_90 = tpu.memref_squeeze %dma_start3A_89 : memref<1x128xi32, #tpu.memory_space<vmem>> -> memref<128xi32, #tpu.memory_space<vmem>>
      %dma_start3A_91 = arith.constant 0 : i32
      %dma_start3A_92 = arith.constant 0 : i32
      %dma_start3A_93 = tpu.memref_slice %arg2[%dma_start3A_91, %dma_start3A_92] : memref<20480x64xf32, #tpu.memory_space<hbm>> -> memref<20480x64xf32, #tpu.memory_space<hbm>>
      tpu.enqueue_indirect_dma source(%dma_start3A_93 : memref<20480x64xf32, #tpu.memory_space<hbm>>) target(%dma_start3A_87 : memref<128x64xf32, #tpu.memory_space<vmem>>) offsets(%dma_start3A_90 : memref<128xi32, #tpu.memory_space<vmem>>) semaphore(%arg13 : memref<!tpu.dma_semaphore, #tpu.memory_space<semaphore_mem>>)
      %dma_start3A_94 = arith.constant 4 : i32
      %dma_start3A_95 = arith.constant 512 : i32
      %dma_start3A_96 = arith.constant 0 : i32
      %dma_start3A_97 = tpu.memref_slice %arg11[%dma_start3A_95, %dma_start3A_96] : memref<1024x64xf32, #tpu.memory_space<vmem>> -> memref<128x64xf32, #tpu.memory_space<vmem>>
      %dma_start3A_98 = arith.constant 0 : i32
      %dma_start3A_99 = tpu.memref_slice %arg8[%dma_start3A_94, %dma_start3A_98] : memref<8x128xi32, #tpu.memory_space<vmem>> -> memref<1x128xi32, #tpu.memory_space<vmem>>
      %dma_start3A_100 = tpu.memref_squeeze %dma_start3A_99 : memref<1x128xi32, #tpu.memory_space<vmem>> -> memref<128xi32, #tpu.memory_space<vmem>>
      %dma_start3A_101 = arith.constant 0 : i32
      %dma_start3A_102 = arith.constant 0 : i32
      %dma_start3A_103 = tpu.memref_slice %arg2[%dma_start3A_101, %dma_start3A_102] : memref<20480x64xf32, #tpu.memory_space<hbm>> -> memref<20480x64xf32, #tpu.memory_space<hbm>>
      tpu.enqueue_indirect_dma source(%dma_start3A_103 : memref<20480x64xf32, #tpu.memory_space<hbm>>) target(%dma_start3A_97 : memref<128x64xf32, #tpu.memory_space<vmem>>) offsets(%dma_start3A_100 : memref<128xi32, #tpu.memory_space<vmem>>) semaphore(%arg13 : memref<!tpu.dma_semaphore, #tpu.memory_space<semaphore_mem>>)
      %dma_start3A_104 = arith.constant 5 : i32
      %dma_start3A_105 = arith.constant 640 : i32
      %dma_start3A_106 = arith.constant 0 : i32
      %dma_start3A_107 = tpu.memref_slice %arg11[%dma_start3A_105, %dma_start3A_106] : memref<1024x64xf32, #tpu.memory_space<vmem>> -> memref<128x64xf32, #tpu.memory_space<vmem>>
      %dma_start3A_108 = arith.constant 0 : i32
      %dma_start3A_109 = tpu.memref_slice %arg8[%dma_start3A_104, %dma_start3A_108] : memref<8x128xi32, #tpu.memory_space<vmem>> -> memref<1x128xi32, #tpu.memory_space<vmem>>
      %dma_start3A_110 = tpu.memref_squeeze %dma_start3A_109 : memref<1x128xi32, #tpu.memory_space<vmem>> -> memref<128xi32, #tpu.memory_space<vmem>>
      %dma_start3A_111 = arith.constant 0 : i32
      %dma_start3A_112 = arith.constant 0 : i32
      %dma_start3A_113 = tpu.memref_slice %arg2[%dma_start3A_111, %dma_start3A_112] : memref<20480x64xf32, #tpu.memory_space<hbm>> -> memref<20480x64xf32, #tpu.memory_space<hbm>>
      tpu.enqueue_indirect_dma source(%dma_start3A_113 : memref<20480x64xf32, #tpu.memory_space<hbm>>) target(%dma_start3A_107 : memref<128x64xf32, #tpu.memory_space<vmem>>) offsets(%dma_start3A_110 : memref<128xi32, #tpu.memory_space<vmem>>) semaphore(%arg13 : memref<!tpu.dma_semaphore, #tpu.memory_space<semaphore_mem>>)
      %dma_start3A_114 = arith.constant 6 : i32
      %dma_start3A_115 = arith.constant 768 : i32
      %dma_start3A_116 = arith.constant 0 : i32
      %dma_start3A_117 = tpu.memref_slice %arg11[%dma_start3A_115, %dma_start3A_116] : memref<1024x64xf32, #tpu.memory_space<vmem>> -> memref<128x64xf32, #tpu.memory_space<vmem>>
      %dma_start3A_118 = arith.constant 0 : i32
      %dma_start3A_119 = tpu.memref_slice %arg8[%dma_start3A_114, %dma_start3A_118] : memref<8x128xi32, #tpu.memory_space<vmem>> -> memref<1x128xi32, #tpu.memory_space<vmem>>
      %dma_start3A_120 = tpu.memref_squeeze %dma_start3A_119 : memref<1x128xi32, #tpu.memory_space<vmem>> -> memref<128xi32, #tpu.memory_space<vmem>>
      %dma_start3A_121 = arith.constant 0 : i32
      %dma_start3A_122 = arith.constant 0 : i32
      %dma_start3A_123 = tpu.memref_slice %arg2[%dma_start3A_121, %dma_start3A_122] : memref<20480x64xf32, #tpu.memory_space<hbm>> -> memref<20480x64xf32, #tpu.memory_space<hbm>>
      tpu.enqueue_indirect_dma source(%dma_start3A_123 : memref<20480x64xf32, #tpu.memory_space<hbm>>) target(%dma_start3A_117 : memref<128x64xf32, #tpu.memory_space<vmem>>) offsets(%dma_start3A_120 : memref<128xi32, #tpu.memory_space<vmem>>) semaphore(%arg13 : memref<!tpu.dma_semaphore, #tpu.memory_space<semaphore_mem>>)
      %dma_start3A_124 = arith.constant 7 : i32
      %dma_start3A_125 = arith.constant 896 : i32
      %dma_start3A_126 = arith.constant 0 : i32
      %dma_start3A_127 = tpu.memref_slice %arg11[%dma_start3A_125, %dma_start3A_126] : memref<1024x64xf32, #tpu.memory_space<vmem>> -> memref<128x64xf32, #tpu.memory_space<vmem>>
      %dma_start3A_128 = arith.constant 0 : i32
      %dma_start3A_129 = tpu.memref_slice %arg8[%dma_start3A_124, %dma_start3A_128] : memref<8x128xi32, #tpu.memory_space<vmem>> -> memref<1x128xi32, #tpu.memory_space<vmem>>
      %dma_start3A_130 = tpu.memref_squeeze %dma_start3A_129 : memref<1x128xi32, #tpu.memory_space<vmem>> -> memref<128xi32, #tpu.memory_space<vmem>>
      %dma_start3A_131 = arith.constant 0 : i32
      %dma_start3A_132 = arith.constant 0 : i32
      %dma_start3A_133 = tpu.memref_slice %arg2[%dma_start3A_131, %dma_start3A_132] : memref<20480x64xf32, #tpu.memory_space<hbm>> -> memref<20480x64xf32, #tpu.memory_space<hbm>>
      tpu.enqueue_indirect_dma source(%dma_start3A_133 : memref<20480x64xf32, #tpu.memory_space<hbm>>) target(%dma_start3A_127 : memref<128x64xf32, #tpu.memory_space<vmem>>) offsets(%dma_start3A_130 : memref<128xi32, #tpu.memory_space<vmem>>) semaphore(%arg13 : memref<!tpu.dma_semaphore, #tpu.memory_space<semaphore_mem>>)
      %dma_wait3A = arith.constant 0 : i32
      %dma_wait3A_134 = arith.constant 0 : i32
      %dma_wait3A_135 = arith.constant 0 : i32
      %dma_wait3A_136 = tpu.memref_slice %arg11[%dma_wait3A_134, %dma_wait3A_135] : memref<1024x64xf32, #tpu.memory_space<vmem>> -> memref<128x64xf32, #tpu.memory_space<vmem>>
      %dma_wait3A_137 = arith.constant 0 : i32
      %dma_wait3A_138 = tpu.memref_slice %arg8[%dma_wait3A, %dma_wait3A_137] : memref<8x128xi32, #tpu.memory_space<vmem>> -> memref<1x128xi32, #tpu.memory_space<vmem>>
      %dma_wait3A_139 = tpu.memref_squeeze %dma_wait3A_138 : memref<1x128xi32, #tpu.memory_space<vmem>> -> memref<128xi32, #tpu.memory_space<vmem>>
      %dma_wait3A_140 = arith.constant 0 : i32
      %dma_wait3A_141 = arith.constant 0 : i32
      %dma_wait3A_142 = tpu.memref_slice %arg2[%dma_wait3A_140, %dma_wait3A_141] : memref<20480x64xf32, #tpu.memory_space<hbm>> -> memref<20480x64xf32, #tpu.memory_space<hbm>>
      tpu.wait_indirect_dma semaphore(%arg13 : memref<!tpu.dma_semaphore, #tpu.memory_space<semaphore_mem>>) src(%dma_wait3A_142 : memref<20480x64xf32, #tpu.memory_space<hbm>>) dst(%dma_wait3A_136 : memref<128x64xf32, #tpu.memory_space<vmem>>)
      %dma_wait3A_143 = arith.constant 1 : i32
      %dma_wait3A_144 = arith.constant 128 : i32
      %dma_wait3A_145 = arith.constant 0 : i32
      %dma_wait3A_146 = tpu.memref_slice %arg11[%dma_wait3A_144, %dma_wait3A_145] : memref<1024x64xf32, #tpu.memory_space<vmem>> -> memref<128x64xf32, #tpu.memory_space<vmem>>
      %dma_wait3A_147 = arith.constant 0 : i32
      %dma_wait3A_148 = tpu.memref_slice %arg8[%dma_wait3A_143, %dma_wait3A_147] : memref<8x128xi32, #tpu.memory_space<vmem>> -> memref<1x128xi32, #tpu.memory_space<vmem>>
      %dma_wait3A_149 = tpu.memref_squeeze %dma_wait3A_148 : memref<1x128xi32, #tpu.memory_space<vmem>> -> memref<128xi32, #tpu.memory_space<vmem>>
      %dma_wait3A_150 = arith.constant 0 : i32
      %dma_wait3A_151 = arith.constant 0 : i32
      %dma_wait3A_152 = tpu.memref_slice %arg2[%dma_wait3A_150, %dma_wait3A_151] : memref<20480x64xf32, #tpu.memory_space<hbm>> -> memref<20480x64xf32, #tpu.memory_space<hbm>>
      tpu.wait_indirect_dma semaphore(%arg13 : memref<!tpu.dma_semaphore, #tpu.memory_space<semaphore_mem>>) src(%dma_wait3A_152 : memref<20480x64xf32, #tpu.memory_space<hbm>>) dst(%dma_wait3A_146 : memref<128x64xf32, #tpu.memory_space<vmem>>)
      %dma_wait3A_153 = arith.constant 2 : i32
      %dma_wait3A_154 = arith.constant 256 : i32
      %dma_wait3A_155 = arith.constant 0 : i32
      %dma_wait3A_156 = tpu.memref_slice %arg11[%dma_wait3A_154, %dma_wait3A_155] : memref<1024x64xf32, #tpu.memory_space<vmem>> -> memref<128x64xf32, #tpu.memory_space<vmem>>
      %dma_wait3A_157 = arith.constant 0 : i32
      %dma_wait3A_158 = tpu.memref_slice %arg8[%dma_wait3A_153, %dma_wait3A_157] : memref<8x128xi32, #tpu.memory_space<vmem>> -> memref<1x128xi32, #tpu.memory_space<vmem>>
      %dma_wait3A_159 = tpu.memref_squeeze %dma_wait3A_158 : memref<1x128xi32, #tpu.memory_space<vmem>> -> memref<128xi32, #tpu.memory_space<vmem>>
      %dma_wait3A_160 = arith.constant 0 : i32
      %dma_wait3A_161 = arith.constant 0 : i32
      %dma_wait3A_162 = tpu.memref_slice %arg2[%dma_wait3A_160, %dma_wait3A_161] : memref<20480x64xf32, #tpu.memory_space<hbm>> -> memref<20480x64xf32, #tpu.memory_space<hbm>>
      tpu.wait_indirect_dma semaphore(%arg13 : memref<!tpu.dma_semaphore, #tpu.memory_space<semaphore_mem>>) src(%dma_wait3A_162 : memref<20480x64xf32, #tpu.memory_space<hbm>>) dst(%dma_wait3A_156 : memref<128x64xf32, #tpu.memory_space<vmem>>)
      %dma_wait3A_163 = arith.constant 3 : i32
      %dma_wait3A_164 = arith.constant 384 : i32
      %dma_wait3A_165 = arith.constant 0 : i32
      %dma_wait3A_166 = tpu.memref_slice %arg11[%dma_wait3A_164, %dma_wait3A_165] : memref<1024x64xf32, #tpu.memory_space<vmem>> -> memref<128x64xf32, #tpu.memory_space<vmem>>
      %dma_wait3A_167 = arith.constant 0 : i32
      %dma_wait3A_168 = tpu.memref_slice %arg8[%dma_wait3A_163, %dma_wait3A_167] : memref<8x128xi32, #tpu.memory_space<vmem>> -> memref<1x128xi32, #tpu.memory_space<vmem>>
      %dma_wait3A_169 = tpu.memref_squeeze %dma_wait3A_168 : memref<1x128xi32, #tpu.memory_space<vmem>> -> memref<128xi32, #tpu.memory_space<vmem>>
      %dma_wait3A_170 = arith.constant 0 : i32
      %dma_wait3A_171 = arith.constant 0 : i32
      %dma_wait3A_172 = tpu.memref_slice %arg2[%dma_wait3A_170, %dma_wait3A_171] : memref<20480x64xf32, #tpu.memory_space<hbm>> -> memref<20480x64xf32, #tpu.memory_space<hbm>>
      tpu.wait_indirect_dma semaphore(%arg13 : memref<!tpu.dma_semaphore, #tpu.memory_space<semaphore_mem>>) src(%dma_wait3A_172 : memref<20480x64xf32, #tpu.memory_space<hbm>>) dst(%dma_wait3A_166 : memref<128x64xf32, #tpu.memory_space<vmem>>)
      %dma_wait3A_173 = arith.constant 4 : i32
      %dma_wait3A_174 = arith.constant 512 : i32
      %dma_wait3A_175 = arith.constant 0 : i32
      %dma_wait3A_176 = tpu.memref_slice %arg11[%dma_wait3A_174, %dma_wait3A_175] : memref<1024x64xf32, #tpu.memory_space<vmem>> -> memref<128x64xf32, #tpu.memory_space<vmem>>
      %dma_wait3A_177 = arith.constant 0 : i32
      %dma_wait3A_178 = tpu.memref_slice %arg8[%dma_wait3A_173, %dma_wait3A_177] : memref<8x128xi32, #tpu.memory_space<vmem>> -> memref<1x128xi32, #tpu.memory_space<vmem>>
      %dma_wait3A_179 = tpu.memref_squeeze %dma_wait3A_178 : memref<1x128xi32, #tpu.memory_space<vmem>> -> memref<128xi32, #tpu.memory_space<vmem>>
      %dma_wait3A_180 = arith.constant 0 : i32
      %dma_wait3A_181 = arith.constant 0 : i32
      %dma_wait3A_182 = tpu.memref_slice %arg2[%dma_wait3A_180, %dma_wait3A_181] : memref<20480x64xf32, #tpu.memory_space<hbm>> -> memref<20480x64xf32, #tpu.memory_space<hbm>>
      tpu.wait_indirect_dma semaphore(%arg13 : memref<!tpu.dma_semaphore, #tpu.memory_space<semaphore_mem>>) src(%dma_wait3A_182 : memref<20480x64xf32, #tpu.memory_space<hbm>>) dst(%dma_wait3A_176 : memref<128x64xf32, #tpu.memory_space<vmem>>)
      %dma_wait3A_183 = arith.constant 5 : i32
      %dma_wait3A_184 = arith.constant 640 : i32
      %dma_wait3A_185 = arith.constant 0 : i32
      %dma_wait3A_186 = tpu.memref_slice %arg11[%dma_wait3A_184, %dma_wait3A_185] : memref<1024x64xf32, #tpu.memory_space<vmem>> -> memref<128x64xf32, #tpu.memory_space<vmem>>
      %dma_wait3A_187 = arith.constant 0 : i32
      %dma_wait3A_188 = tpu.memref_slice %arg8[%dma_wait3A_183, %dma_wait3A_187] : memref<8x128xi32, #tpu.memory_space<vmem>> -> memref<1x128xi32, #tpu.memory_space<vmem>>
      %dma_wait3A_189 = tpu.memref_squeeze %dma_wait3A_188 : memref<1x128xi32, #tpu.memory_space<vmem>> -> memref<128xi32, #tpu.memory_space<vmem>>
      %dma_wait3A_190 = arith.constant 0 : i32
      %dma_wait3A_191 = arith.constant 0 : i32
      %dma_wait3A_192 = tpu.memref_slice %arg2[%dma_wait3A_190, %dma_wait3A_191] : memref<20480x64xf32, #tpu.memory_space<hbm>> -> memref<20480x64xf32, #tpu.memory_space<hbm>>
      tpu.wait_indirect_dma semaphore(%arg13 : memref<!tpu.dma_semaphore, #tpu.memory_space<semaphore_mem>>) src(%dma_wait3A_192 : memref<20480x64xf32, #tpu.memory_space<hbm>>) dst(%dma_wait3A_186 : memref<128x64xf32, #tpu.memory_space<vmem>>)
      %dma_wait3A_193 = arith.constant 6 : i32
      %dma_wait3A_194 = arith.constant 768 : i32
      %dma_wait3A_195 = arith.constant 0 : i32
      %dma_wait3A_196 = tpu.memref_slice %arg11[%dma_wait3A_194, %dma_wait3A_195] : memref<1024x64xf32, #tpu.memory_space<vmem>> -> memref<128x64xf32, #tpu.memory_space<vmem>>
      %dma_wait3A_197 = arith.constant 0 : i32
      %dma_wait3A_198 = tpu.memref_slice %arg8[%dma_wait3A_193, %dma_wait3A_197] : memref<8x128xi32, #tpu.memory_space<vmem>> -> memref<1x128xi32, #tpu.memory_space<vmem>>
      %dma_wait3A_199 = tpu.memref_squeeze %dma_wait3A_198 : memref<1x128xi32, #tpu.memory_space<vmem>> -> memref<128xi32, #tpu.memory_space<vmem>>
      %dma_wait3A_200 = arith.constant 0 : i32
      %dma_wait3A_201 = arith.constant 0 : i32
      %dma_wait3A_202 = tpu.memref_slice %arg2[%dma_wait3A_200, %dma_wait3A_201] : memref<20480x64xf32, #tpu.memory_space<hbm>> -> memref<20480x64xf32, #tpu.memory_space<hbm>>
      tpu.wait_indirect_dma semaphore(%arg13 : memref<!tpu.dma_semaphore, #tpu.memory_space<semaphore_mem>>) src(%dma_wait3A_202 : memref<20480x64xf32, #tpu.memory_space<hbm>>) dst(%dma_wait3A_196 : memref<128x64xf32, #tpu.memory_space<vmem>>)
      %dma_wait3A_203 = arith.constant 7 : i32
      %dma_wait3A_204 = arith.constant 896 : i32
      %dma_wait3A_205 = arith.constant 0 : i32
      %dma_wait3A_206 = tpu.memref_slice %arg11[%dma_wait3A_204, %dma_wait3A_205] : memref<1024x64xf32, #tpu.memory_space<vmem>> -> memref<128x64xf32, #tpu.memory_space<vmem>>
      %dma_wait3A_207 = arith.constant 0 : i32
      %dma_wait3A_208 = tpu.memref_slice %arg8[%dma_wait3A_203, %dma_wait3A_207] : memref<8x128xi32, #tpu.memory_space<vmem>> -> memref<1x128xi32, #tpu.memory_space<vmem>>
      %dma_wait3A_209 = tpu.memref_squeeze %dma_wait3A_208 : memref<1x128xi32, #tpu.memory_space<vmem>> -> memref<128xi32, #tpu.memory_space<vmem>>
      %dma_wait3A_210 = arith.constant 0 : i32
      %dma_wait3A_211 = arith.constant 0 : i32
      %dma_wait3A_212 = tpu.memref_slice %arg2[%dma_wait3A_210, %dma_wait3A_211] : memref<20480x64xf32, #tpu.memory_space<hbm>> -> memref<20480x64xf32, #tpu.memory_space<hbm>>
      tpu.wait_indirect_dma semaphore(%arg13 : memref<!tpu.dma_semaphore, #tpu.memory_space<semaphore_mem>>) src(%dma_wait3A_212 : memref<20480x64xf32, #tpu.memory_space<hbm>>) dst(%dma_wait3A_206 : memref<128x64xf32, #tpu.memory_space<vmem>>)
      %scan3A_213 = arith.constant 0 : i32
      %scan3A_214 = arith.constant 64 : i32
      %scan3A_215 = arith.addi %scan3A_213, %scan3A_214 : i32
      %scan3A_216 = arith.constant 1 : i32
      scf.for %scan3A_225 = %scan3A_213 to %scan3A_215 step %scan3A_216  : i32 {
        %mul3A_226 = arith.constant 1 : i32
        %mul3A_227 = arith.muli %scan3A_225, %mul3A_226 : i32
        %add3A_228 = arith.constant 0 : i32
        %add3A_229 = arith.addi %add3A_228, %mul3A_227 : i32
        %mul3A_230 = arith.constant 16 : i32
        %mul3A_231 = arith.muli %add3A_229, %mul3A_230 : i32
        %get3A = arith.index_cast %mul3A_231 : i32 to index
        %get3A_232 = tpu.vector_load %arg10[%get3A] {strides = array<i32>} : memref<1024xf32, #tpu.memory_space<vmem>>, vector<16xf32>,
        %get3A_233 = vector.shape_cast %get3A_232 : vector<16xf32> to vector<16xf32>
        %mul3A_234 = arith.constant 16 : i32
        %mul3A_235 = arith.muli %add3A_229, %mul3A_234 : i32
        %add3A_236 = arith.constant 0 : i32
        %add3A_237 = arith.addi %mul3A_235, %add3A_236 : i32
        %slice3A = vector.extract_strided_slice %get3A_233 {offsets = [0], sizes = [1], strides = [1]} : vector<16xf32> to vector<1xf32>
        %squeeze3A = vector.extract %slice3A[0] : f32 from vector<1xf32>
        %get3A_238 = arith.index_cast %add3A_237 : i32 to index
        %get3A_239 = arith.constant 0 : index
        %get3A_240 = tpu.vector_load %arg11[%get3A_238, %get3A_239] {strides = array<i32>} : memref<1024x64xf32, #tpu.memory_space<vmem>>, vector<1x16xf32>,
        %get3A_241 = vector.shape_cast %get3A_240 : vector<1x16xf32> to vector<16xf32>
        %mul3A_242 = vector.broadcast %squeeze3A : f32 to vector<16xf32>
        %mul3A_243 = arith.mulf %get3A_241, %mul3A_242 : vector<16xf32>
        %swap3A = arith.index_cast %add3A_237 : i32 to index
        %swap3A_244 = arith.constant 0 : index
        %swap3A_245 = tpu.vector_load %arg11[%swap3A, %swap3A_244] {strides = array<i32>} : memref<1024x64xf32, #tpu.memory_space<vmem>>, vector<1x16xf32>,
        %swap3A_246 = vector.shape_cast %swap3A_245 : vector<1x16xf32> to vector<16xf32>
        %swap3A_247 = vector.shape_cast %mul3A_243 : vector<16xf32> to vector<1x16xf32>
        tpu.vector_store %arg11[%swap3A, %swap3A_244], %swap3A_247 {strides = array<i32>} : memref<1024x64xf32, #tpu.memory_space<vmem>>, vector<1x16xf32>,
        %get3A_248 = arith.index_cast %add3A_237 : i32 to index
        %get3A_249 = arith.constant 16 : index
        %get3A_250 = tpu.vector_load %arg11[%get3A_248, %get3A_249] {strides = array<i32>} : memref<1024x64xf32, #tpu.memory_space<vmem>>, vector<1x16xf32>,
        %get3A_251 = vector.shape_cast %get3A_250 : vector<1x16xf32> to vector<16xf32>
        %mul3A_252 = vector.broadcast %squeeze3A : f32 to vector<16xf32>
        %mul3A_253 = arith.mulf %get3A_251, %mul3A_252 : vector<16xf32>
        %swap3A_254 = arith.index_cast %add3A_237 : i32 to index
        %swap3A_255 = arith.constant 16 : index
        %swap3A_256 = tpu.vector_load %arg11[%swap3A_254, %swap3A_255] {strides = array<i32>} : memref<1024x64xf32, #tpu.memory_space<vmem>>, vector<1x16xf32>,
        %swap3A_257 = vector.shape_cast %swap3A_256 : vector<1x16xf32> to vector<16xf32>
        %swap3A_258 = vector.shape_cast %mul3A_253 : vector<16xf32> to vector<1x16xf32>
        tpu.vector_store %arg11[%swap3A_254, %swap3A_255], %swap3A_258 {strides = array<i32>} : memref<1024x64xf32, #tpu.memory_space<vmem>>, vector<1x16xf32>,
        %get3A_259 = arith.index_cast %add3A_237 : i32 to index
        %get3A_260 = arith.constant 32 : index
        %get3A_261 = tpu.vector_load %arg11[%get3A_259, %get3A_260] {strides = array<i32>} : memref<1024x64xf32, #tpu.memory_space<vmem>>, vector<1x16xf32>,
        %get3A_262 = vector.shape_cast %get3A_261 : vector<1x16xf32> to vector<16xf32>
        %mul3A_263 = vector.broadcast %squeeze3A : f32 to vector<16xf32>
        %mul3A_264 = arith.mulf %get3A_262, %mul3A_263 : vector<16xf32>
        %swap3A_265 = arith.index_cast %add3A_237 : i32 to index
        %swap3A_266 = arith.constant 32 : index
        %swap3A_267 = tpu.vector_load %arg11[%swap3A_265, %swap3A_266] {strides = array<i32>} : memref<1024x64xf32, #tpu.memory_space<vmem>>, vector<1x16xf32>,
        %swap3A_268 = vector.shape_cast %swap3A_267 : vector<1x16xf32> to vector<16xf32>
        %swap3A_269 = vector.shape_cast %mul3A_264 : vector<16xf32> to vector<1x16xf32>
        tpu.vector_store %arg11[%swap3A_265, %swap3A_266], %swap3A_269 {strides = array<i32>} : memref<1024x64xf32, #tpu.memory_space<vmem>>, vector<1x16xf32>,
        %get3A_270 = arith.index_cast %add3A_237 : i32 to index
        %get3A_271 = arith.constant 48 : index
        %get3A_272 = tpu.vector_load %arg11[%get3A_270, %get3A_271] {strides = array<i32>} : memref<1024x64xf32, #tpu.memory_space<vmem>>, vector<1x16xf32>,
        %get3A_273 = vector.shape_cast %get3A_272 : vector<1x16xf32> to vector<16xf32>
        %mul3A_274 = vector.broadcast %squeeze3A : f32 to vector<16xf32>
        %mul3A_275 = arith.mulf %get3A_273, %mul3A_274 : vector<16xf32>
        %swap3A_276 = arith.index_cast %add3A_237 : i32 to index
        %swap3A_277 = arith.constant 48 : index
        %swap3A_278 = tpu.vector_load %arg11[%swap3A_276, %swap3A_277] {strides = array<i32>} : memref<1024x64xf32, #tpu.memory_space<vmem>>, vector<1x16xf32>,
        %swap3A_279 = vector.shape_cast %swap3A_278 : vector<1x16xf32> to vector<16xf32>
        %swap3A_280 = vector.shape_cast %mul3A_275 : vector<16xf32> to vector<1x16xf32>
        tpu.vector_store %arg11[%swap3A_276, %swap3A_277], %swap3A_280 {strides = array<i32>} : memref<1024x64xf32, #tpu.memory_space<vmem>>, vector<1x16xf32>,
        %mul3A_281 = arith.constant 16 : i32
        %mul3A_282 = arith.muli %add3A_229, %mul3A_281 : i32
        %add3A_283 = arith.constant 1 : i32
        %add3A_284 = arith.addi %mul3A_282, %add3A_283 : i32
        %slice3A_285 = vector.extract_strided_slice %get3A_233 {offsets = [1], sizes = [1], strides = [1]} : vector<16xf32> to vector<1xf32>
        %squeeze3A_286 = vector.extract %slice3A_285[0] : f32 from vector<1xf32>
        %get3A_287 = arith.index_cast %add3A_284 : i32 to index
        %get3A_288 = arith.constant 0 : index
        %get3A_289 = tpu.vector_load %arg11[%get3A_287, %get3A_288] {strides = array<i32>} : memref<1024x64xf32, #tpu.memory_space<vmem>>, vector<1x16xf32>,
        %get3A_290 = vector.shape_cast %get3A_289 : vector<1x16xf32> to vector<16xf32>
        %mul3A_291 = vector.broadcast %squeeze3A_286 : f32 to vector<16xf32>
        %mul3A_292 = arith.mulf %get3A_290, %mul3A_291 : vector<16xf32>
        %swap3A_293 = arith.index_cast %add3A_284 : i32 to index
        %swap3A_294 = arith.constant 0 : index
        %swap3A_295 = tpu.vector_load %arg11[%swap3A_293, %swap3A_294] {strides = array<i32>} : memref<1024x64xf32, #tpu.memory_space<vmem>>, vector<1x16xf32>,
        %swap3A_296 = vector.shape_cast %swap3A_295 : vector<1x16xf32> to vector<16xf32>
        %swap3A_297 = vector.shape_cast %mul3A_292 : vector<16xf32> to vector<1x16xf32>
        tpu.vector_store %arg11[%swap3A_293, %swap3A_294], %swap3A_297 {strides = array<i32>} : memref<1024x64xf32, #tpu.memory_space<vmem>>, vector<1x16xf32>,
        %get3A_298 = arith.index_cast %add3A_284 : i32 to index
        %get3A_299 = arith.constant 16 : index
        %get3A_300 = tpu.vector_load %arg11[%get3A_298, %get3A_299] {strides = array<i32>} : memref<1024x64xf32, #tpu.memory_space<vmem>>, vector<1x16xf32>,
        %get3A_301 = vector.shape_cast %get3A_300 : vector<1x16xf32> to vector<16xf32>
        %mul3A_302 = vector.broadcast %squeeze3A_286 : f32 to vector<16xf32>
        %mul3A_303 = arith.mulf %get3A_301, %mul3A_302 : vector<16xf32>
        %swap3A_304 = arith.index_cast %add3A_284 : i32 to index
        %swap3A_305 = arith.constant 16 : index
        %swap3A_306 = tpu.vector_load %arg11[%swap3A_304, %swap3A_305] {strides = array<i32>} : memref<1024x64xf32, #tpu.memory_space<vmem>>, vector<1x16xf32>,
        %swap3A_307 = vector.shape_cast %swap3A_306 : vector<1x16xf32> to vector<16xf32>
        %swap3A_308 = vector.shape_cast %mul3A_303 : vector<16xf32> to vector<1x16xf32>
        tpu.vector_store %arg11[%swap3A_304, %swap3A_305], %swap3A_308 {strides = array<i32>} : memref<1024x64xf32, #tpu.memory_space<vmem>>, vector<1x16xf32>,
        %get3A_309 = arith.index_cast %add3A_284 : i32 to index
        %get3A_310 = arith.constant 32 : index
        %get3A_311 = tpu.vector_load %arg11[%get3A_309, %get3A_310] {strides = array<i32>} : memref<1024x64xf32, #tpu.memory_space<vmem>>, vector<1x16xf32>,
        %get3A_312 = vector.shape_cast %get3A_311 : vector<1x16xf32> to vector<16xf32>
        %mul3A_313 = vector.broadcast %squeeze3A_286 : f32 to vector<16xf32>
        %mul3A_314 = arith.mulf %get3A_312, %mul3A_313 : vector<16xf32>
        %swap3A_315 = arith.index_cast %add3A_284 : i32 to index
        %swap3A_316 = arith.constant 32 : index
        %swap3A_317 = tpu.vector_load %arg11[%swap3A_315, %swap3A_316] {strides = array<i32>} : memref<1024x64xf32, #tpu.memory_space<vmem>>, vector<1x16xf32>,
        %swap3A_318 = vector.shape_cast %swap3A_317 : vector<1x16xf32> to vector<16xf32>
        %swap3A_319 = vector.shape_cast %mul3A_314 : vector<16xf32> to vector<1x16xf32>
        tpu.vector_store %arg11[%swap3A_315, %swap3A_316], %swap3A_319 {strides = array<i32>} : memref<1024x64xf32, #tpu.memory_space<vmem>>, vector<1x16xf32>,
        %get3A_320 = arith.index_cast %add3A_284 : i32 to index
        %get3A_321 = arith.constant 48 : index
        %get3A_322 = tpu.vector_load %arg11[%get3A_320, %get3A_321] {strides = array<i32>} : memref<1024x64xf32, #tpu.memory_space<vmem>>, vector<1x16xf32>,
        %get3A_323 = vector.shape_cast %get3A_322 : vector<1x16xf32> to vector<16xf32>
        %mul3A_324 = vector.broadcast %squeeze3A_286 : f32 to vector<16xf32>
        %mul3A_325 = arith.mulf %get3A_323, %mul3A_324 : vector<16xf32>
        %swap3A_326 = arith.index_cast %add3A_284 : i32 to index
        %swap3A_327 = arith.constant 48 : index
        %swap3A_328 = tpu.vector_load %arg11[%swap3A_326, %swap3A_327] {strides = array<i32>} : memref<1024x64xf32, #tpu.memory_space<vmem>>, vector<1x16xf32>,
        %swap3A_329 = vector.shape_cast %swap3A_328 : vector<1x16xf32> to vector<16xf32>
        %swap3A_330 = vector.shape_cast %mul3A_325 : vector<16xf32> to vector<1x16xf32>
        tpu.vector_store %arg11[%swap3A_326, %swap3A_327], %swap3A_330 {strides = array<i32>} : memref<1024x64xf32, #tpu.memory_space<vmem>>, vector<1x16xf32>,
        %mul3A_331 = arith.constant 16 : i32
        %mul3A_332 = arith.muli %add3A_229, %mul3A_331 : i32
        %add3A_333 = arith.constant 2 : i32
        %add3A_334 = arith.addi %mul3A_332, %add3A_333 : i32
        %slice3A_335 = vector.extract_strided_slice %get3A_233 {offsets = [2], sizes = [1], strides = [1]} : vector<16xf32> to vector<1xf32>
        %squeeze3A_336 = vector.extract %slice3A_335[0] : f32 from vector<1xf32>
        %get3A_337 = arith.index_cast %add3A_334 : i32 to index
        %get3A_338 = arith.constant 0 : index
        %get3A_339 = tpu.vector_load %arg11[%get3A_337, %get3A_338] {strides = array<i32>} : memref<1024x64xf32, #tpu.memory_space<vmem>>, vector<1x16xf32>,
        %get3A_340 = vector.shape_cast %get3A_339 : vector<1x16xf32> to vector<16xf32>
        %mul3A_341 = vector.broadcast %squeeze3A_336 : f32 to vector<16xf32>
        %mul3A_342 = arith.mulf %get3A_340, %mul3A_341 : vector<16xf32>
        %swap3A_343 = arith.index_cast %add3A_334 : i32 to index
        %swap3A_344 = arith.constant 0 : index
        %swap3A_345 = tpu.vector_load %arg11[%swap3A_343, %swap3A_344] {strides = array<i32>} : memref<1024x64xf32, #tpu.memory_space<vmem>>, vector<1x16xf32>,
        %swap3A_346 = vector.shape_cast %swap3A_345 : vector<1x16xf32> to vector<16xf32>
        %swap3A_347 = vector.shape_cast %mul3A_342 : vector<16xf32> to vector<1x16xf32>
        tpu.vector_store %arg11[%swap3A_343, %swap3A_344], %swap3A_347 {strides = array<i32>} : memref<1024x64xf32, #tpu.memory_space<vmem>>, vector<1x16xf32>,
        %get3A_348 = arith.index_cast %add3A_334 : i32 to index
        %get3A_349 = arith.constant 16 : index
        %get3A_350 = tpu.vector_load %arg11[%get3A_348, %get3A_349] {strides = array<i32>} : memref<1024x64xf32, #tpu.memory_space<vmem>>, vector<1x16xf32>,
        %get3A_351 = vector.shape_cast %get3A_350 : vector<1x16xf32> to vector<16xf32>
        %mul3A_352 = vector.broadcast %squeeze3A_336 : f32 to vector<16xf32>
        %mul3A_353 = arith.mulf %get3A_351, %mul3A_352 : vector<16xf32>
        %swap3A_354 = arith.index_cast %add3A_334 : i32 to index
        %swap3A_355 = arith.constant 16 : index
        %swap3A_356 = tpu.vector_load %arg11[%swap3A_354, %swap3A_355] {strides = array<i32>} : memref<1024x64xf32, #tpu.memory_space<vmem>>, vector<1x16xf32>,
        %swap3A_357 = vector.shape_cast %swap3A_356 : vector<1x16xf32> to vector<16xf32>
        %swap3A_358 = vector.shape_cast %mul3A_353 : vector<16xf32> to vector<1x16xf32>
        tpu.vector_store %arg11[%swap3A_354, %swap3A_355], %swap3A_358 {strides = array<i32>} : memref<1024x64xf32, #tpu.memory_space<vmem>>, vector<1x16xf32>,
        %get3A_359 = arith.index_cast %add3A_334 : i32 to index
        %get3A_360 = arith.constant 32 : index
        %get3A_361 = tpu.vector_load %arg11[%get3A_359, %get3A_360] {strides = array<i32>} : memref<1024x64xf32, #tpu.memory_space<vmem>>, vector<1x16xf32>,
        %get3A_362 = vector.shape_cast %get3A_361 : vector<1x16xf32> to vector<16xf32>
        %mul3A_363 = vector.broadcast %squeeze3A_336 : f32 to vector<16xf32>
        %mul3A_364 = arith.mulf %get3A_362, %mul3A_363 : vector<16xf32>
        %swap3A_365 = arith.index_cast %add3A_334 : i32 to index
        %swap3A_366 = arith.constant 32 : index
        %swap3A_367 = tpu.vector_load %arg11[%swap3A_365, %swap3A_366] {strides = array<i32>} : memref<1024x64xf32, #tpu.memory_space<vmem>>, vector<1x16xf32>,
        %swap3A_368 = vector.shape_cast %swap3A_367 : vector<1x16xf32> to vector<16xf32>
        %swap3A_369 = vector.shape_cast %mul3A_364 : vector<16xf32> to vector<1x16xf32>
        tpu.vector_store %arg11[%swap3A_365, %swap3A_366], %swap3A_369 {strides = array<i32>} : memref<1024x64xf32, #tpu.memory_space<vmem>>, vector<1x16xf32>,
        %get3A_370 = arith.index_cast %add3A_334 : i32 to index
        %get3A_371 = arith.constant 48 : index
        %get3A_372 = tpu.vector_load %arg11[%get3A_370, %get3A_371] {strides = array<i32>} : memref<1024x64xf32, #tpu.memory_space<vmem>>, vector<1x16xf32>,
        %get3A_373 = vector.shape_cast %get3A_372 : vector<1x16xf32> to vector<16xf32>
        %mul3A_374 = vector.broadcast %squeeze3A_336 : f32 to vector<16xf32>
        %mul3A_375 = arith.mulf %get3A_373, %mul3A_374 : vector<16xf32>
        %swap3A_376 = arith.index_cast %add3A_334 : i32 to index
        %swap3A_377 = arith.constant 48 : index
        %swap3A_378 = tpu.vector_load %arg11[%swap3A_376, %swap3A_377] {strides = array<i32>} : memref<1024x64xf32, #tpu.memory_space<vmem>>, vector<1x16xf32>,
        %swap3A_379 = vector.shape_cast %swap3A_378 : vector<1x16xf32> to vector<16xf32>
        %swap3A_380 = vector.shape_cast %mul3A_375 : vector<16xf32> to vector<1x16xf32>
        tpu.vector_store %arg11[%swap3A_376, %swap3A_377], %swap3A_380 {strides = array<i32>} : memref<1024x64xf32, #tpu.memory_space<vmem>>, vector<1x16xf32>,
        %mul3A_381 = arith.constant 16 : i32
        %mul3A_382 = arith.muli %add3A_229, %mul3A_381 : i32
        %add3A_383 = arith.constant 3 : i32
        %add3A_384 = arith.addi %mul3A_382, %add3A_383 : i32
        %slice3A_385 = vector.extract_strided_slice %get3A_233 {offsets = [3], sizes = [1], strides = [1]} : vector<16xf32> to vector<1xf32>
        %squeeze3A_386 = vector.extract %slice3A_385[0] : f32 from vector<1xf32>
        %get3A_387 = arith.index_cast %add3A_384 : i32 to index
        %get3A_388 = arith.constant 0 : index
        %get3A_389 = tpu.vector_load %arg11[%get3A_387, %get3A_388] {strides = array<i32>} : memref<1024x64xf32, #tpu.memory_space<vmem>>, vector<1x16xf32>,
        %get3A_390 = vector.shape_cast %get3A_389 : vector<1x16xf32> to vector<16xf32>
        %mul3A_391 = vector.broadcast %squeeze3A_386 : f32 to vector<16xf32>
        %mul3A_392 = arith.mulf %get3A_390, %mul3A_391 : vector<16xf32>
        %swap3A_393 = arith.index_cast %add3A_384 : i32 to index
        %swap3A_394 = arith.constant 0 : index
        %swap3A_395 = tpu.vector_load %arg11[%swap3A_393, %swap3A_394] {strides = array<i32>} : memref<1024x64xf32, #tpu.memory_space<vmem>>, vector<1x16xf32>,
        %swap3A_396 = vector.shape_cast %swap3A_395 : vector<1x16xf32> to vector<16xf32>
        %swap3A_397 = vector.shape_cast %mul3A_392 : vector<16xf32> to vector<1x16xf32>
        tpu.vector_store %arg11[%swap3A_393, %swap3A_394], %swap3A_397 {strides = array<i32>} : memref<1024x64xf32, #tpu.memory_space<vmem>>, vector<1x16xf32>,
        %get3A_398 = arith.index_cast %add3A_384 : i32 to index
        %get3A_399 = arith.constant 16 : index
        %get3A_400 = tpu.vector_load %arg11[%get3A_398, %get3A_399] {strides = array<i32>} : memref<1024x64xf32, #tpu.memory_space<vmem>>, vector<1x16xf32>,
        %get3A_401 = vector.shape_cast %get3A_400 : vector<1x16xf32> to vector<16xf32>
        %mul3A_402 = vector.broadcast %squeeze3A_386 : f32 to vector<16xf32>
        %mul3A_403 = arith.mulf %get3A_401, %mul3A_402 : vector<16xf32>
        %swap3A_404 = arith.index_cast %add3A_384 : i32 to index
        %swap3A_405 = arith.constant 16 : index
        %swap3A_406 = tpu.vector_load %arg11[%swap3A_404, %swap3A_405] {strides = array<i32>} : memref<1024x64xf32, #tpu.memory_space<vmem>>, vector<1x16xf32>,
        %swap3A_407 = vector.shape_cast %swap3A_406 : vector<1x16xf32> to vector<16xf32>
        %swap3A_408 = vector.shape_cast %mul3A_403 : vector<16xf32> to vector<1x16xf32>
        tpu.vector_store %arg11[%swap3A_404, %swap3A_405], %swap3A_408 {strides = array<i32>} : memref<1024x64xf32, #tpu.memory_space<vmem>>, vector<1x16xf32>,
        %get3A_409 = arith.index_cast %add3A_384 : i32 to index
        %get3A_410 = arith.constant 32 : index
        %get3A_411 = tpu.vector_load %arg11[%get3A_409, %get3A_410] {strides = array<i32>} : memref<1024x64xf32, #tpu.memory_space<vmem>>, vector<1x16xf32>,
        %get3A_412 = vector.shape_cast %get3A_411 : vector<1x16xf32> to vector<16xf32>
        %mul3A_413 = vector.broadcast %squeeze3A_386 : f32 to vector<16xf32>
        %mul3A_414 = arith.mulf %get3A_412, %mul3A_413 : vector<16xf32>
        %swap3A_415 = arith.index_cast %add3A_384 : i32 to index
        %swap3A_416 = arith.constant 32 : index
        %swap3A_417 = tpu.vector_load %arg11[%swap3A_415, %swap3A_416] {strides = array<i32>} : memref<1024x64xf32, #tpu.memory_space<vmem>>, vector<1x16xf32>,
        %swap3A_418 = vector.shape_cast %swap3A_417 : vector<1x16xf32> to vector<16xf32>
        %swap3A_419 = vector.shape_cast %mul3A_414 : vector<16xf32> to vector<1x16xf32>
        tpu.vector_store %arg11[%swap3A_415, %swap3A_416], %swap3A_419 {strides = array<i32>} : memref<1024x64xf32, #tpu.memory_space<vmem>>, vector<1x16xf32>,
        %get3A_420 = arith.index_cast %add3A_384 : i32 to index
        %get3A_421 = arith.constant 48 : index
        %get3A_422 = tpu.vector_load %arg11[%get3A_420, %get3A_421] {strides = array<i32>} : memref<1024x64xf32, #tpu.memory_space<vmem>>, vector<1x16xf32>,
        %get3A_423 = vector.shape_cast %get3A_422 : vector<1x16xf32> to vector<16xf32>
        %mul3A_424 = vector.broadcast %squeeze3A_386 : f32 to vector<16xf32>
        %mul3A_425 = arith.mulf %get3A_423, %mul3A_424 : vector<16xf32>
        %swap3A_426 = arith.index_cast %add3A_384 : i32 to index
        %swap3A_427 = arith.constant 48 : index
        %swap3A_428 = tpu.vector_load %arg11[%swap3A_426, %swap3A_427] {strides = array<i32>} : memref<1024x64xf32, #tpu.memory_space<vmem>>, vector<1x16xf32>,
        %swap3A_429 = vector.shape_cast %swap3A_428 : vector<1x16xf32> to vector<16xf32>
        %swap3A_430 = vector.shape_cast %mul3A_425 : vector<16xf32> to vector<1x16xf32>
        tpu.vector_store %arg11[%swap3A_426, %swap3A_427], %swap3A_430 {strides = array<i32>} : memref<1024x64xf32, #tpu.memory_space<vmem>>, vector<1x16xf32>,
        %mul3A_431 = arith.constant 16 : i32
        %mul3A_432 = arith.muli %add3A_229, %mul3A_431 : i32
        %add3A_433 = arith.constant 4 : i32
        %add3A_434 = arith.addi %mul3A_432, %add3A_433 : i32
        %slice3A_435 = vector.extract_strided_slice %get3A_233 {offsets = [4], sizes = [1], strides = [1]} : vector<16xf32> to vector<1xf32>
        %squeeze3A_436 = vector.extract %slice3A_435[0] : f32 from vector<1xf32>
        %get3A_437 = arith.index_cast %add3A_434 : i32 to index
        %get3A_438 = arith.constant 0 : index
        %get3A_439 = tpu.vector_load %arg11[%get3A_437, %get3A_438] {strides = array<i32>} : memref<1024x64xf32, #tpu.memory_space<vmem>>, vector<1x16xf32>,
        %get3A_440 = vector.shape_cast %get3A_439 : vector<1x16xf32> to vector<16xf32>
        %mul3A_441 = vector.broadcast %squeeze3A_436 : f32 to vector<16xf32>
        %mul3A_442 = arith.mulf %get3A_440, %mul3A_441 : vector<16xf32>
        %swap3A_443 = arith.index_cast %add3A_434 : i32 to index
        %swap3A_444 = arith.constant 0 : index
        %swap3A_445 = tpu.vector_load %arg11[%swap3A_443, %swap3A_444] {strides = array<i32>} : memref<1024x64xf32, #tpu.memory_space<vmem>>, vector<1x16xf32>,
        %swap3A_446 = vector.shape_cast %swap3A_445 : vector<1x16xf32> to vector<16xf32>
        %swap3A_447 = vector.shape_cast %mul3A_442 : vector<16xf32> to vector<1x16xf32>
        tpu.vector_store %arg11[%swap3A_443, %swap3A_444], %swap3A_447 {strides = array<i32>} : memref<1024x64xf32, #tpu.memory_space<vmem>>, vector<1x16xf32>,
        %get3A_448 = arith.index_cast %add3A_434 : i32 to index
        %get3A_449 = arith.constant 16 : index
        %get3A_450 = tpu.vector_load %arg11[%get3A_448, %get3A_449] {strides = array<i32>} : memref<1024x64xf32, #tpu.memory_space<vmem>>, vector<1x16xf32>,
        %get3A_451 = vector.shape_cast %get3A_450 : vector<1x16xf32> to vector<16xf32>
        %mul3A_452 = vector.broadcast %squeeze3A_436 : f32 to vector<16xf32>
        %mul3A_453 = arith.mulf %get3A_451, %mul3A_452 : vector<16xf32>
        %swap3A_454 = arith.index_cast %add3A_434 : i32 to index
        %swap3A_455 = arith.constant 16 : index
        %swap3A_456 = tpu.vector_load %arg11[%swap3A_454, %swap3A_455] {strides = array<i32>} : memref<1024x64xf32, #tpu.memory_space<vmem>>, vector<1x16xf32>,
        %swap3A_457 = vector.shape_cast %swap3A_456 : vector<1x16xf32> to vector<16xf32>
        %swap3A_458 = vector.shape_cast %mul3A_453 : vector<16xf32> to vector<1x16xf32>
        tpu.vector_store %arg11[%swap3A_454, %swap3A_455], %swap3A_458 {strides = array<i32>} : memref<1024x64xf32, #tpu.memory_space<vmem>>, vector<1x16xf32>,
        %get3A_459 = arith.index_cast %add3A_434 : i32 to index
        %get3A_460 = arith.constant 32 : index
        %get3A_461 = tpu.vector_load %arg11[%get3A_459, %get3A_460] {strides = array<i32>} : memref<1024x64xf32, #tpu.memory_space<vmem>>, vector<1x16xf32>,
        %get3A_462 = vector.shape_cast %get3A_461 : vector<1x16xf32> to vector<16xf32>
        %mul3A_463 = vector.broadcast %squeeze3A_436 : f32 to vector<16xf32>
        %mul3A_464 = arith.mulf %get3A_462, %mul3A_463 : vector<16xf32>
        %swap3A_465 = arith.index_cast %add3A_434 : i32 to index
        %swap3A_466 = arith.constant 32 : index
        %swap3A_467 = tpu.vector_load %arg11[%swap3A_465, %swap3A_466] {strides = array<i32>} : memref<1024x64xf32, #tpu.memory_space<vmem>>, vector<1x16xf32>,
        %swap3A_468 = vector.shape_cast %swap3A_467 : vector<1x16xf32> to vector<16xf32>
        %swap3A_469 = vector.shape_cast %mul3A_464 : vector<16xf32> to vector<1x16xf32>
        tpu.vector_store %arg11[%swap3A_465, %swap3A_466], %swap3A_469 {strides = array<i32>} : memref<1024x64xf32, #tpu.memory_space<vmem>>, vector<1x16xf32>,
        %get3A_470 = arith.index_cast %add3A_434 : i32 to index
        %get3A_471 = arith.constant 48 : index
        %get3A_472 = tpu.vector_load %arg11[%get3A_470, %get3A_471] {strides = array<i32>} : memref<1024x64xf32, #tpu.memory_space<vmem>>, vector<1x16xf32>,
        %get3A_473 = vector.shape_cast %get3A_472 : vector<1x16xf32> to vector<16xf32>
        %mul3A_474 = vector.broadcast %squeeze3A_436 : f32 to vector<16xf32>
        %mul3A_475 = arith.mulf %get3A_473, %mul3A_474 : vector<16xf32>
        %swap3A_476 = arith.index_cast %add3A_434 : i32 to index
        %swap3A_477 = arith.constant 48 : index
        %swap3A_478 = tpu.vector_load %arg11[%swap3A_476, %swap3A_477] {strides = array<i32>} : memref<1024x64xf32, #tpu.memory_space<vmem>>, vector<1x16xf32>,
        %swap3A_479 = vector.shape_cast %swap3A_478 : vector<1x16xf32> to vector<16xf32>
        %swap3A_480 = vector.shape_cast %mul3A_475 : vector<16xf32> to vector<1x16xf32>
        tpu.vector_store %arg11[%swap3A_476, %swap3A_477], %swap3A_480 {strides = array<i32>} : memref<1024x64xf32, #tpu.memory_space<vmem>>, vector<1x16xf32>,
        %mul3A_481 = arith.constant 16 : i32
        %mul3A_482 = arith.muli %add3A_229, %mul3A_481 : i32
        %add3A_483 = arith.constant 5 : i32
        %add3A_484 = arith.addi %mul3A_482, %add3A_483 : i32
        %slice3A_485 = vector.extract_strided_slice %get3A_233 {offsets = [5], sizes = [1], strides = [1]} : vector<16xf32> to vector<1xf32>
        %squeeze3A_486 = vector.extract %slice3A_485[0] : f32 from vector<1xf32>
        %get3A_487 = arith.index_cast %add3A_484 : i32 to index
        %get3A_488 = arith.constant 0 : index
        %get3A_489 = tpu.vector_load %arg11[%get3A_487, %get3A_488] {strides = array<i32>} : memref<1024x64xf32, #tpu.memory_space<vmem>>, vector<1x16xf32>,
        %get3A_490 = vector.shape_cast %get3A_489 : vector<1x16xf32> to vector<16xf32>
        %mul3A_491 = vector.broadcast %squeeze3A_486 : f32 to vector<16xf32>
        %mul3A_492 = arith.mulf %get3A_490, %mul3A_491 : vector<16xf32>
        %swap3A_493 = arith.index_cast %add3A_484 : i32 to index
        %swap3A_494 = arith.constant 0 : index
        %swap3A_495 = tpu.vector_load %arg11[%swap3A_493, %swap3A_494] {strides = array<i32>} : memref<1024x64xf32, #tpu.memory_space<vmem>>, vector<1x16xf32>,
        %swap3A_496 = vector.shape_cast %swap3A_495 : vector<1x16xf32> to vector<16xf32>
        %swap3A_497 = vector.shape_cast %mul3A_492 : vector<16xf32> to vector<1x16xf32>
        tpu.vector_store %arg11[%swap3A_493, %swap3A_494], %swap3A_497 {strides = array<i32>} : memref<1024x64xf32, #tpu.memory_space<vmem>>, vector<1x16xf32>,
        %get3A_498 = arith.index_cast %add3A_484 : i32 to index
        %get3A_499 = arith.constant 16 : index
        %get3A_500 = tpu.vector_load %arg11[%get3A_498, %get3A_499] {strides = array<i32>} : memref<1024x64xf32, #tpu.memory_space<vmem>>, vector<1x16xf32>,
        %get3A_501 = vector.shape_cast %get3A_500 : vector<1x16xf32> to vector<16xf32>
        %mul3A_502 = vector.broadcast %squeeze3A_486 : f32 to vector<16xf32>
        %mul3A_503 = arith.mulf %get3A_501, %mul3A_502 : vector<16xf32>
        %swap3A_504 = arith.index_cast %add3A_484 : i32 to index
        %swap3A_505 = arith.constant 16 : index
        %swap3A_506 = tpu.vector_load %arg11[%swap3A_504, %swap3A_505] {strides = array<i32>} : memref<1024x64xf32, #tpu.memory_space<vmem>>, vector<1x16xf32>,
        %swap3A_507 = vector.shape_cast %swap3A_506 : vector<1x16xf32> to vector<16xf32>
        %swap3A_508 = vector.shape_cast %mul3A_503 : vector<16xf32> to vector<1x16xf32>
        tpu.vector_store %arg11[%swap3A_504, %swap3A_505], %swap3A_508 {strides = array<i32>} : memref<1024x64xf32, #tpu.memory_space<vmem>>, vector<1x16xf32>,
        %get3A_509 = arith.index_cast %add3A_484 : i32 to index
        %get3A_510 = arith.constant 32 : index
        %get3A_511 = tpu.vector_load %arg11[%get3A_509, %get3A_510] {strides = array<i32>} : memref<1024x64xf32, #tpu.memory_space<vmem>>, vector<1x16xf32>,
        %get3A_512 = vector.shape_cast %get3A_511 : vector<1x16xf32> to vector<16xf32>
        %mul3A_513 = vector.broadcast %squeeze3A_486 : f32 to vector<16xf32>
        %mul3A_514 = arith.mulf %get3A_512, %mul3A_513 : vector<16xf32>
        %swap3A_515 = arith.index_cast %add3A_484 : i32 to index
        %swap3A_516 = arith.constant 32 : index
        %swap3A_517 = tpu.vector_load %arg11[%swap3A_515, %swap3A_516] {strides = array<i32>} : memref<1024x64xf32, #tpu.memory_space<vmem>>, vector<1x16xf32>,
        %swap3A_518 = vector.shape_cast %swap3A_517 : vector<1x16xf32> to vector<16xf32>
        %swap3A_519 = vector.shape_cast %mul3A_514 : vector<16xf32> to vector<1x16xf32>
        tpu.vector_store %arg11[%swap3A_515, %swap3A_516], %swap3A_519 {strides = array<i32>} : memref<1024x64xf32, #tpu.memory_space<vmem>>, vector<1x16xf32>,
        %get3A_520 = arith.index_cast %add3A_484 : i32 to index
        %get3A_521 = arith.constant 48 : index
        %get3A_522 = tpu.vector_load %arg11[%get3A_520, %get3A_521] {strides = array<i32>} : memref<1024x64xf32, #tpu.memory_space<vmem>>, vector<1x16xf32>,
        %get3A_523 = vector.shape_cast %get3A_522 : vector<1x16xf32> to vector<16xf32>
        %mul3A_524 = vector.broadcast %squeeze3A_486 : f32 to vector<16xf32>
        %mul3A_525 = arith.mulf %get3A_523, %mul3A_524 : vector<16xf32>
        %swap3A_526 = arith.index_cast %add3A_484 : i32 to index
        %swap3A_527 = arith.constant 48 : index
        %swap3A_528 = tpu.vector_load %arg11[%swap3A_526, %swap3A_527] {strides = array<i32>} : memref<1024x64xf32, #tpu.memory_space<vmem>>, vector<1x16xf32>,
        %swap3A_529 = vector.shape_cast %swap3A_528 : vector<1x16xf32> to vector<16xf32>
        %swap3A_530 = vector.shape_cast %mul3A_525 : vector<16xf32> to vector<1x16xf32>
        tpu.vector_store %arg11[%swap3A_526, %swap3A_527], %swap3A_530 {strides = array<i32>} : memref<1024x64xf32, #tpu.memory_space<vmem>>, vector<1x16xf32>,
        %mul3A_531 = arith.constant 16 : i32
        %mul3A_532 = arith.muli %add3A_229, %mul3A_531 : i32
        %add3A_533 = arith.constant 6 : i32
        %add3A_534 = arith.addi %mul3A_532, %add3A_533 : i32
        %slice3A_535 = vector.extract_strided_slice %get3A_233 {offsets = [6], sizes = [1], strides = [1]} : vector<16xf32> to vector<1xf32>
        %squeeze3A_536 = vector.extract %slice3A_535[0] : f32 from vector<1xf32>
        %get3A_537 = arith.index_cast %add3A_534 : i32 to index
        %get3A_538 = arith.constant 0 : index
        %get3A_539 = tpu.vector_load %arg11[%get3A_537, %get3A_538] {strides = array<i32>} : memref<1024x64xf32, #tpu.memory_space<vmem>>, vector<1x16xf32>,
        %get3A_540 = vector.shape_cast %get3A_539 : vector<1x16xf32> to vector<16xf32>
        %mul3A_541 = vector.broadcast %squeeze3A_536 : f32 to vector<16xf32>
        %mul3A_542 = arith.mulf %get3A_540, %mul3A_541 : vector<16xf32>
        %swap3A_543 = arith.index_cast %add3A_534 : i32 to index
        %swap3A_544 = arith.constant 0 : index
        %swap3A_545 = tpu.vector_load %arg11[%swap3A_543, %swap3A_544] {strides = array<i32>} : memref<1024x64xf32, #tpu.memory_space<vmem>>, vector<1x16xf32>,
        %swap3A_546 = vector.shape_cast %swap3A_545 : vector<1x16xf32> to vector<16xf32>
        %swap3A_547 = vector.shape_cast %mul3A_542 : vector<16xf32> to vector<1x16xf32>
        tpu.vector_store %arg11[%swap3A_543, %swap3A_544], %swap3A_547 {strides = array<i32>} : memref<1024x64xf32, #tpu.memory_space<vmem>>, vector<1x16xf32>,
        %get3A_548 = arith.index_cast %add3A_534 : i32 to index
        %get3A_549 = arith.constant 16 : index
        %get3A_550 = tpu.vector_load %arg11[%get3A_548, %get3A_549] {strides = array<i32>} : memref<1024x64xf32, #tpu.memory_space<vmem>>, vector<1x16xf32>,
        %get3A_551 = vector.shape_cast %get3A_550 : vector<1x16xf32> to vector<16xf32>
        %mul3A_552 = vector.broadcast %squeeze3A_536 : f32 to vector<16xf32>
        %mul3A_553 = arith.mulf %get3A_551, %mul3A_552 : vector<16xf32>
        %swap3A_554 = arith.index_cast %add3A_534 : i32 to index
        %swap3A_555 = arith.constant 16 : index
        %swap3A_556 = tpu.vector_load %arg11[%swap3A_554, %swap3A_555] {strides = array<i32>} : memref<1024x64xf32, #tpu.memory_space<vmem>>, vector<1x16xf32>,
        %swap3A_557 = vector.shape_cast %swap3A_556 : vector<1x16xf32> to vector<16xf32>
        %swap3A_558 = vector.shape_cast %mul3A_553 : vector<16xf32> to vector<1x16xf32>
        tpu.vector_store %arg11[%swap3A_554, %swap3A_555], %swap3A_558 {strides = array<i32>} : memref<1024x64xf32, #tpu.memory_space<vmem>>, vector<1x16xf32>,
        %get3A_559 = arith.index_cast %add3A_534 : i32 to index
        %get3A_560 = arith.constant 32 : index
        %get3A_561 = tpu.vector_load %arg11[%get3A_559, %get3A_560] {strides = array<i32>} : memref<1024x64xf32, #tpu.memory_space<vmem>>, vector<1x16xf32>,
        %get3A_562 = vector.shape_cast %get3A_561 : vector<1x16xf32> to vector<16xf32>
        %mul3A_563 = vector.broadcast %squeeze3A_536 : f32 to vector<16xf32>
        %mul3A_564 = arith.mulf %get3A_562, %mul3A_563 : vector<16xf32>
        %swap3A_565 = arith.index_cast %add3A_534 : i32 to index
        %swap3A_566 = arith.constant 32 : index
        %swap3A_567 = tpu.vector_load %arg11[%swap3A_565, %swap3A_566] {strides = array<i32>} : memref<1024x64xf32, #tpu.memory_space<vmem>>, vector<1x16xf32>,
        %swap3A_568 = vector.shape_cast %swap3A_567 : vector<1x16xf32> to vector<16xf32>
        %swap3A_569 = vector.shape_cast %mul3A_564 : vector<16xf32> to vector<1x16xf32>
        tpu.vector_store %arg11[%swap3A_565, %swap3A_566], %swap3A_569 {strides = array<i32>} : memref<1024x64xf32, #tpu.memory_space<vmem>>, vector<1x16xf32>,
        %get3A_570 = arith.index_cast %add3A_534 : i32 to index
        %get3A_571 = arith.constant 48 : index
        %get3A_572 = tpu.vector_load %arg11[%get3A_570, %get3A_571] {strides = array<i32>} : memref<1024x64xf32, #tpu.memory_space<vmem>>, vector<1x16xf32>,
        %get3A_573 = vector.shape_cast %get3A_572 : vector<1x16xf32> to vector<16xf32>
        %mul3A_574 = vector.broadcast %squeeze3A_536 : f32 to vector<16xf32>
        %mul3A_575 = arith.mulf %get3A_573, %mul3A_574 : vector<16xf32>
        %swap3A_576 = arith.index_cast %add3A_534 : i32 to index
        %swap3A_577 = arith.constant 48 : index
        %swap3A_578 = tpu.vector_load %arg11[%swap3A_576, %swap3A_577] {strides = array<i32>} : memref<1024x64xf32, #tpu.memory_space<vmem>>, vector<1x16xf32>,
        %swap3A_579 = vector.shape_cast %swap3A_578 : vector<1x16xf32> to vector<16xf32>
        %swap3A_580 = vector.shape_cast %mul3A_575 : vector<16xf32> to vector<1x16xf32>
        tpu.vector_store %arg11[%swap3A_576, %swap3A_577], %swap3A_580 {strides = array<i32>} : memref<1024x64xf32, #tpu.memory_space<vmem>>, vector<1x16xf32>,
        %mul3A_581 = arith.constant 16 : i32
        %mul3A_582 = arith.muli %add3A_229, %mul3A_581 : i32
        %add3A_583 = arith.constant 7 : i32
        %add3A_584 = arith.addi %mul3A_582, %add3A_583 : i32
        %slice3A_585 = vector.extract_strided_slice %get3A_233 {offsets = [7], sizes = [1], strides = [1]} : vector<16xf32> to vector<1xf32>
        %squeeze3A_586 = vector.extract %slice3A_585[0] : f32 from vector<1xf32>
        %get3A_587 = arith.index_cast %add3A_584 : i32 to index
        %get3A_588 = arith.constant 0 : index
        %get3A_589 = tpu.vector_load %arg11[%get3A_587, %get3A_588] {strides = array<i32>} : memref<1024x64xf32, #tpu.memory_space<vmem>>, vector<1x16xf32>,
        %get3A_590 = vector.shape_cast %get3A_589 : vector<1x16xf32> to vector<16xf32>
        %mul3A_591 = vector.broadcast %squeeze3A_586 : f32 to vector<16xf32>
        %mul3A_592 = arith.mulf %get3A_590, %mul3A_591 : vector<16xf32>
        %swap3A_593 = arith.index_cast %add3A_584 : i32 to index
        %swap3A_594 = arith.constant 0 : index
        %swap3A_595 = tpu.vector_load %arg11[%swap3A_593, %swap3A_594] {strides = array<i32>} : memref<1024x64xf32, #tpu.memory_space<vmem>>, vector<1x16xf32>,
        %swap3A_596 = vector.shape_cast %swap3A_595 : vector<1x16xf32> to vector<16xf32>
        %swap3A_597 = vector.shape_cast %mul3A_592 : vector<16xf32> to vector<1x16xf32>
        tpu.vector_store %arg11[%swap3A_593, %swap3A_594], %swap3A_597 {strides = array<i32>} : memref<1024x64xf32, #tpu.memory_space<vmem>>, vector<1x16xf32>,
        %get3A_598 = arith.index_cast %add3A_584 : i32 to index
        %get3A_599 = arith.constant 16 : index
        %get3A_600 = tpu.vector_load %arg11[%get3A_598, %get3A_599] {strides = array<i32>} : memref<1024x64xf32, #tpu.memory_space<vmem>>, vector<1x16xf32>,
        %get3A_601 = vector.shape_cast %get3A_600 : vector<1x16xf32> to vector<16xf32>
        %mul3A_602 = vector.broadcast %squeeze3A_586 : f32 to vector<16xf32>
        %mul3A_603 = arith.mulf %get3A_601, %mul3A_602 : vector<16xf32>
        %swap3A_604 = arith.index_cast %add3A_584 : i32 to index
        %swap3A_605 = arith.constant 16 : index
        %swap3A_606 = tpu.vector_load %arg11[%swap3A_604, %swap3A_605] {strides = array<i32>} : memref<1024x64xf32, #tpu.memory_space<vmem>>, vector<1x16xf32>,
        %swap3A_607 = vector.shape_cast %swap3A_606 : vector<1x16xf32> to vector<16xf32>
        %swap3A_608 = vector.shape_cast %mul3A_603 : vector<16xf32> to vector<1x16xf32>
        tpu.vector_store %arg11[%swap3A_604, %swap3A_605], %swap3A_608 {strides = array<i32>} : memref<1024x64xf32, #tpu.memory_space<vmem>>, vector<1x16xf32>,
        %get3A_609 = arith.index_cast %add3A_584 : i32 to index
        %get3A_610 = arith.constant 32 : index
        %get3A_611 = tpu.vector_load %arg11[%get3A_609, %get3A_610] {strides = array<i32>} : memref<1024x64xf32, #tpu.memory_space<vmem>>, vector<1x16xf32>,
        %get3A_612 = vector.shape_cast %get3A_611 : vector<1x16xf32> to vector<16xf32>
        %mul3A_613 = vector.broadcast %squeeze3A_586 : f32 to vector<16xf32>
        %mul3A_614 = arith.mulf %get3A_612, %mul3A_613 : vector<16xf32>
        %swap3A_615 = arith.index_cast %add3A_584 : i32 to index
        %swap3A_616 = arith.constant 32 : index
        %swap3A_617 = tpu.vector_load %arg11[%swap3A_615, %swap3A_616] {strides = array<i32>} : memref<1024x64xf32, #tpu.memory_space<vmem>>, vector<1x16xf32>,
        %swap3A_618 = vector.shape_cast %swap3A_617 : vector<1x16xf32> to vector<16xf32>
        %swap3A_619 = vector.shape_cast %mul3A_614 : vector<16xf32> to vector<1x16xf32>
        tpu.vector_store %arg11[%swap3A_615, %swap3A_616], %swap3A_619 {strides = array<i32>} : memref<1024x64xf32, #tpu.memory_space<vmem>>, vector<1x16xf32>,
        %get3A_620 = arith.index_cast %add3A_584 : i32 to index
        %get3A_621 = arith.constant 48 : index
        %get3A_622 = tpu.vector_load %arg11[%get3A_620, %get3A_621] {strides = array<i32>} : memref<1024x64xf32, #tpu.memory_space<vmem>>, vector<1x16xf32>,
        %get3A_623 = vector.shape_cast %get3A_622 : vector<1x16xf32> to vector<16xf32>
        %mul3A_624 = vector.broadcast %squeeze3A_586 : f32 to vector<16xf32>
        %mul3A_625 = arith.mulf %get3A_623, %mul3A_624 : vector<16xf32>
        %swap3A_626 = arith.index_cast %add3A_584 : i32 to index
        %swap3A_627 = arith.constant 48 : index
        %swap3A_628 = tpu.vector_load %arg11[%swap3A_626, %swap3A_627] {strides = array<i32>} : memref<1024x64xf32, #tpu.memory_space<vmem>>, vector<1x16xf32>,
        %swap3A_629 = vector.shape_cast %swap3A_628 : vector<1x16xf32> to vector<16xf32>
        %swap3A_630 = vector.shape_cast %mul3A_625 : vector<16xf32> to vector<1x16xf32>
        tpu.vector_store %arg11[%swap3A_626, %swap3A_627], %swap3A_630 {strides = array<i32>} : memref<1024x64xf32, #tpu.memory_space<vmem>>, vector<1x16xf32>,
        %mul3A_631 = arith.constant 16 : i32
        %mul3A_632 = arith.muli %add3A_229, %mul3A_631 : i32
        %add3A_633 = arith.constant 8 : i32
        %add3A_634 = arith.addi %mul3A_632, %add3A_633 : i32
        %slice3A_635 = vector.extract_strided_slice %get3A_233 {offsets = [8], sizes = [1], strides = [1]} : vector<16xf32> to vector<1xf32>
        %squeeze3A_636 = vector.extract %slice3A_635[0] : f32 from vector<1xf32>
        %get3A_637 = arith.index_cast %add3A_634 : i32 to index
        %get3A_638 = arith.constant 0 : index
        %get3A_639 = tpu.vector_load %arg11[%get3A_637, %get3A_638] {strides = array<i32>} : memref<1024x64xf32, #tpu.memory_space<vmem>>, vector<1x16xf32>,
        %get3A_640 = vector.shape_cast %get3A_639 : vector<1x16xf32> to vector<16xf32>
        %mul3A_641 = vector.broadcast %squeeze3A_636 : f32 to vector<16xf32>
        %mul3A_642 = arith.mulf %get3A_640, %mul3A_641 : vector<16xf32>
        %swap3A_643 = arith.index_cast %add3A_634 : i32 to index
        %swap3A_644 = arith.constant 0 : index
        %swap3A_645 = tpu.vector_load %arg11[%swap3A_643, %swap3A_644] {strides = array<i32>} : memref<1024x64xf32, #tpu.memory_space<vmem>>, vector<1x16xf32>,
        %swap3A_646 = vector.shape_cast %swap3A_645 : vector<1x16xf32> to vector<16xf32>
        %swap3A_647 = vector.shape_cast %mul3A_642 : vector<16xf32> to vector<1x16xf32>
        tpu.vector_store %arg11[%swap3A_643, %swap3A_644], %swap3A_647 {strides = array<i32>} : memref<1024x64xf32, #tpu.memory_space<vmem>>, vector<1x16xf32>,
        %get3A_648 = arith.index_cast %add3A_634 : i32 to index
        %get3A_649 = arith.constant 16 : index
        %get3A_650 = tpu.vector_load %arg11[%get3A_648, %get3A_649] {strides = array<i32>} : memref<1024x64xf32, #tpu.memory_space<vmem>>, vector<1x16xf32>,
        %get3A_651 = vector.shape_cast %get3A_650 : vector<1x16xf32> to vector<16xf32>
        %mul3A_652 = vector.broadcast %squeeze3A_636 : f32 to vector<16xf32>
        %mul3A_653 = arith.mulf %get3A_651, %mul3A_652 : vector<16xf32>
        %swap3A_654 = arith.index_cast %add3A_634 : i32 to index
        %swap3A_655 = arith.constant 16 : index
        %swap3A_656 = tpu.vector_load %arg11[%swap3A_654, %swap3A_655] {strides = array<i32>} : memref<1024x64xf32, #tpu.memory_space<vmem>>, vector<1x16xf32>,
        %swap3A_657 = vector.shape_cast %swap3A_656 : vector<1x16xf32> to vector<16xf32>
        %swap3A_658 = vector.shape_cast %mul3A_653 : vector<16xf32> to vector<1x16xf32>
        tpu.vector_store %arg11[%swap3A_654, %swap3A_655], %swap3A_658 {strides = array<i32>} : memref<1024x64xf32, #tpu.memory_space<vmem>>, vector<1x16xf32>,
        %get3A_659 = arith.index_cast %add3A_634 : i32 to index
        %get3A_660 = arith.constant 32 : index
        %get3A_661 = tpu.vector_load %arg11[%get3A_659, %get3A_660] {strides = array<i32>} : memref<1024x64xf32, #tpu.memory_space<vmem>>, vector<1x16xf32>,
        %get3A_662 = vector.shape_cast %get3A_661 : vector<1x16xf32> to vector<16xf32>
        %mul3A_663 = vector.broadcast %squeeze3A_636 : f32 to vector<16xf32>
        %mul3A_664 = arith.mulf %get3A_662, %mul3A_663 : vector<16xf32>
        %swap3A_665 = arith.index_cast %add3A_634 : i32 to index
        %swap3A_666 = arith.constant 32 : index
        %swap3A_667 = tpu.vector_load %arg11[%swap3A_665, %swap3A_666] {strides = array<i32>} : memref<1024x64xf32, #tpu.memory_space<vmem>>, vector<1x16xf32>,
        %swap3A_668 = vector.shape_cast %swap3A_667 : vector<1x16xf32> to vector<16xf32>
        %swap3A_669 = vector.shape_cast %mul3A_664 : vector<16xf32> to vector<1x16xf32>
        tpu.vector_store %arg11[%swap3A_665, %swap3A_666], %swap3A_669 {strides = array<i32>} : memref<1024x64xf32, #tpu.memory_space<vmem>>, vector<1x16xf32>,
        %get3A_670 = arith.index_cast %add3A_634 : i32 to index
        %get3A_671 = arith.constant 48 : index
        %get3A_672 = tpu.vector_load %arg11[%get3A_670, %get3A_671] {strides = array<i32>} : memref<1024x64xf32, #tpu.memory_space<vmem>>, vector<1x16xf32>,
        %get3A_673 = vector.shape_cast %get3A_672 : vector<1x16xf32> to vector<16xf32>
        %mul3A_674 = vector.broadcast %squeeze3A_636 : f32 to vector<16xf32>
        %mul3A_675 = arith.mulf %get3A_673, %mul3A_674 : vector<16xf32>
        %swap3A_676 = arith.index_cast %add3A_634 : i32 to index
        %swap3A_677 = arith.constant 48 : index
        %swap3A_678 = tpu.vector_load %arg11[%swap3A_676, %swap3A_677] {strides = array<i32>} : memref<1024x64xf32, #tpu.memory_space<vmem>>, vector<1x16xf32>,
        %swap3A_679 = vector.shape_cast %swap3A_678 : vector<1x16xf32> to vector<16xf32>
        %swap3A_680 = vector.shape_cast %mul3A_675 : vector<16xf32> to vector<1x16xf32>
        tpu.vector_store %arg11[%swap3A_676, %swap3A_677], %swap3A_680 {strides = array<i32>} : memref<1024x64xf32, #tpu.memory_space<vmem>>, vector<1x16xf32>,
        %mul3A_681 = arith.constant 16 : i32
        %mul3A_682 = arith.muli %add3A_229, %mul3A_681 : i32
        %add3A_683 = arith.constant 9 : i32
        %add3A_684 = arith.addi %mul3A_682, %add3A_683 : i32
        %slice3A_685 = vector.extract_strided_slice %get3A_233 {offsets = [9], sizes = [1], strides = [1]} : vector<16xf32> to vector<1xf32>
        %squeeze3A_686 = vector.extract %slice3A_685[0] : f32 from vector<1xf32>
        %get3A_687 = arith.index_cast %add3A_684 : i32 to index
        %get3A_688 = arith.constant 0 : index
        %get3A_689 = tpu.vector_load %arg11[%get3A_687, %get3A_688] {strides = array<i32>} : memref<1024x64xf32, #tpu.memory_space<vmem>>, vector<1x16xf32>,
        %get3A_690 = vector.shape_cast %get3A_689 : vector<1x16xf32> to vector<16xf32>
        %mul3A_691 = vector.broadcast %squeeze3A_686 : f32 to vector<16xf32>
        %mul3A_692 = arith.mulf %get3A_690, %mul3A_691 : vector<16xf32>
        %swap3A_693 = arith.index_cast %add3A_684 : i32 to index
        %swap3A_694 = arith.constant 0 : index
        %swap3A_695 = tpu.vector_load %arg11[%swap3A_693, %swap3A_694] {strides = array<i32>} : memref<1024x64xf32, #tpu.memory_space<vmem>>, vector<1x16xf32>,
        %swap3A_696 = vector.shape_cast %swap3A_695 : vector<1x16xf32> to vector<16xf32>
        %swap3A_697 = vector.shape_cast %mul3A_692 : vector<16xf32> to vector<1x16xf32>
        tpu.vector_store %arg11[%swap3A_693, %swap3A_694], %swap3A_697 {strides = array<i32>} : memref<1024x64xf32, #tpu.memory_space<vmem>>, vector<1x16xf32>,
        %get3A_698 = arith.index_cast %add3A_684 : i32 to index
        %get3A_699 = arith.constant 16 : index
        %get3A_700 = tpu.vector_load %arg11[%get3A_698, %get3A_699] {strides = array<i32>} : memref<1024x64xf32, #tpu.memory_space<vmem>>, vector<1x16xf32>,
        %get3A_701 = vector.shape_cast %get3A_700 : vector<1x16xf32> to vector<16xf32>
        %mul3A_702 = vector.broadcast %squeeze3A_686 : f32 to vector<16xf32>
        %mul3A_703 = arith.mulf %get3A_701, %mul3A_702 : vector<16xf32>
        %swap3A_704 = arith.index_cast %add3A_684 : i32 to index
        %swap3A_705 = arith.constant 16 : index
        %swap3A_706 = tpu.vector_load %arg11[%swap3A_704, %swap3A_705] {strides = array<i32>} : memref<1024x64xf32, #tpu.memory_space<vmem>>, vector<1x16xf32>,
        %swap3A_707 = vector.shape_cast %swap3A_706 : vector<1x16xf32> to vector<16xf32>
        %swap3A_708 = vector.shape_cast %mul3A_703 : vector<16xf32> to vector<1x16xf32>
        tpu.vector_store %arg11[%swap3A_704, %swap3A_705], %swap3A_708 {strides = array<i32>} : memref<1024x64xf32, #tpu.memory_space<vmem>>, vector<1x16xf32>,
        %get3A_709 = arith.index_cast %add3A_684 : i32 to index
        %get3A_710 = arith.constant 32 : index
        %get3A_711 = tpu.vector_load %arg11[%get3A_709, %get3A_710] {strides = array<i32>} : memref<1024x64xf32, #tpu.memory_space<vmem>>, vector<1x16xf32>,
        %get3A_712 = vector.shape_cast %get3A_711 : vector<1x16xf32> to vector<16xf32>
        %mul3A_713 = vector.broadcast %squeeze3A_686 : f32 to vector<16xf32>
        %mul3A_714 = arith.mulf %get3A_712, %mul3A_713 : vector<16xf32>
        %swap3A_715 = arith.index_cast %add3A_684 : i32 to index
        %swap3A_716 = arith.constant 32 : index
        %swap3A_717 = tpu.vector_load %arg11[%swap3A_715, %swap3A_716] {strides = array<i32>} : memref<1024x64xf32, #tpu.memory_space<vmem>>, vector<1x16xf32>,
        %swap3A_718 = vector.shape_cast %swap3A_717 : vector<1x16xf32> to vector<16xf32>
        %swap3A_719 = vector.shape_cast %mul3A_714 : vector<16xf32> to vector<1x16xf32>
        tpu.vector_store %arg11[%swap3A_715, %swap3A_716], %swap3A_719 {strides = array<i32>} : memref<1024x64xf32, #tpu.memory_space<vmem>>, vector<1x16xf32>,
        %get3A_720 = arith.index_cast %add3A_684 : i32 to index
        %get3A_721 = arith.constant 48 : index
        %get3A_722 = tpu.vector_load %arg11[%get3A_720, %get3A_721] {strides = array<i32>} : memref<1024x64xf32, #tpu.memory_space<vmem>>, vector<1x16xf32>,
        %get3A_723 = vector.shape_cast %get3A_722 : vector<1x16xf32> to vector<16xf32>
        %mul3A_724 = vector.broadcast %squeeze3A_686 : f32 to vector<16xf32>
        %mul3A_725 = arith.mulf %get3A_723, %mul3A_724 : vector<16xf32>
        %swap3A_726 = arith.index_cast %add3A_684 : i32 to index
        %swap3A_727 = arith.constant 48 : index
        %swap3A_728 = tpu.vector_load %arg11[%swap3A_726, %swap3A_727] {strides = array<i32>} : memref<1024x64xf32, #tpu.memory_space<vmem>>, vector<1x16xf32>,
        %swap3A_729 = vector.shape_cast %swap3A_728 : vector<1x16xf32> to vector<16xf32>
        %swap3A_730 = vector.shape_cast %mul3A_725 : vector<16xf32> to vector<1x16xf32>
        tpu.vector_store %arg11[%swap3A_726, %swap3A_727], %swap3A_730 {strides = array<i32>} : memref<1024x64xf32, #tpu.memory_space<vmem>>, vector<1x16xf32>,
        %mul3A_731 = arith.constant 16 : i32
        %mul3A_732 = arith.muli %add3A_229, %mul3A_731 : i32
        %add3A_733 = arith.constant 10 : i32
        %add3A_734 = arith.addi %mul3A_732, %add3A_733 : i32
        %slice3A_735 = vector.extract_strided_slice %get3A_233 {offsets = [10], sizes = [1], strides = [1]} : vector<16xf32> to vector<1xf32>
        %squeeze3A_736 = vector.extract %slice3A_735[0] : f32 from vector<1xf32>
        %get3A_737 = arith.index_cast %add3A_734 : i32 to index
        %get3A_738 = arith.constant 0 : index
        %get3A_739 = tpu.vector_load %arg11[%get3A_737, %get3A_738] {strides = array<i32>} : memref<1024x64xf32, #tpu.memory_space<vmem>>, vector<1x16xf32>,
        %get3A_740 = vector.shape_cast %get3A_739 : vector<1x16xf32> to vector<16xf32>
        %mul3A_741 = vector.broadcast %squeeze3A_736 : f32 to vector<16xf32>
        %mul3A_742 = arith.mulf %get3A_740, %mul3A_741 : vector<16xf32>
        %swap3A_743 = arith.index_cast %add3A_734 : i32 to index
        %swap3A_744 = arith.constant 0 : index
        %swap3A_745 = tpu.vector_load %arg11[%swap3A_743, %swap3A_744] {strides = array<i32>} : memref<1024x64xf32, #tpu.memory_space<vmem>>, vector<1x16xf32>,
        %swap3A_746 = vector.shape_cast %swap3A_745 : vector<1x16xf32> to vector<16xf32>
        %swap3A_747 = vector.shape_cast %mul3A_742 : vector<16xf32> to vector<1x16xf32>
        tpu.vector_store %arg11[%swap3A_743, %swap3A_744], %swap3A_747 {strides = array<i32>} : memref<1024x64xf32, #tpu.memory_space<vmem>>, vector<1x16xf32>,
        %get3A_748 = arith.index_cast %add3A_734 : i32 to index
        %get3A_749 = arith.constant 16 : index
        %get3A_750 = tpu.vector_load %arg11[%get3A_748, %get3A_749] {strides = array<i32>} : memref<1024x64xf32, #tpu.memory_space<vmem>>, vector<1x16xf32>,
        %get3A_751 = vector.shape_cast %get3A_750 : vector<1x16xf32> to vector<16xf32>
        %mul3A_752 = vector.broadcast %squeeze3A_736 : f32 to vector<16xf32>
        %mul3A_753 = arith.mulf %get3A_751, %mul3A_752 : vector<16xf32>
        %swap3A_754 = arith.index_cast %add3A_734 : i32 to index
        %swap3A_755 = arith.constant 16 : index
        %swap3A_756 = tpu.vector_load %arg11[%swap3A_754, %swap3A_755] {strides = array<i32>} : memref<1024x64xf32, #tpu.memory_space<vmem>>, vector<1x16xf32>,
        %swap3A_757 = vector.shape_cast %swap3A_756 : vector<1x16xf32> to vector<16xf32>
        %swap3A_758 = vector.shape_cast %mul3A_753 : vector<16xf32> to vector<1x16xf32>
        tpu.vector_store %arg11[%swap3A_754, %swap3A_755], %swap3A_758 {strides = array<i32>} : memref<1024x64xf32, #tpu.memory_space<vmem>>, vector<1x16xf32>,
        %get3A_759 = arith.index_cast %add3A_734 : i32 to index
        %get3A_760 = arith.constant 32 : index
        %get3A_761 = tpu.vector_load %arg11[%get3A_759, %get3A_760] {strides = array<i32>} : memref<1024x64xf32, #tpu.memory_space<vmem>>, vector<1x16xf32>,
        %get3A_762 = vector.shape_cast %get3A_761 : vector<1x16xf32> to vector<16xf32>
        %mul3A_763 = vector.broadcast %squeeze3A_736 : f32 to vector<16xf32>
        %mul3A_764 = arith.mulf %get3A_762, %mul3A_763 : vector<16xf32>
        %swap3A_765 = arith.index_cast %add3A_734 : i32 to index
        %swap3A_766 = arith.constant 32 : index
        %swap3A_767 = tpu.vector_load %arg11[%swap3A_765, %swap3A_766] {strides = array<i32>} : memref<1024x64xf32, #tpu.memory_space<vmem>>, vector<1x16xf32>,
        %swap3A_768 = vector.shape_cast %swap3A_767 : vector<1x16xf32> to vector<16xf32>
        %swap3A_769 = vector.shape_cast %mul3A_764 : vector<16xf32> to vector<1x16xf32>
        tpu.vector_store %arg11[%swap3A_765, %swap3A_766], %swap3A_769 {strides = array<i32>} : memref<1024x64xf32, #tpu.memory_space<vmem>>, vector<1x16xf32>,
        %get3A_770 = arith.index_cast %add3A_734 : i32 to index
        %get3A_771 = arith.constant 48 : index
        %get3A_772 = tpu.vector_load %arg11[%get3A_770, %get3A_771] {strides = array<i32>} : memref<1024x64xf32, #tpu.memory_space<vmem>>, vector<1x16xf32>,
        %get3A_773 = vector.shape_cast %get3A_772 : vector<1x16xf32> to vector<16xf32>
        %mul3A_774 = vector.broadcast %squeeze3A_736 : f32 to vector<16xf32>
        %mul3A_775 = arith.mulf %get3A_773, %mul3A_774 : vector<16xf32>
        %swap3A_776 = arith.index_cast %add3A_734 : i32 to index
        %swap3A_777 = arith.constant 48 : index
        %swap3A_778 = tpu.vector_load %arg11[%swap3A_776, %swap3A_777] {strides = array<i32>} : memref<1024x64xf32, #tpu.memory_space<vmem>>, vector<1x16xf32>,
        %swap3A_779 = vector.shape_cast %swap3A_778 : vector<1x16xf32> to vector<16xf32>
        %swap3A_780 = vector.shape_cast %mul3A_775 : vector<16xf32> to vector<1x16xf32>
        tpu.vector_store %arg11[%swap3A_776, %swap3A_777], %swap3A_780 {strides = array<i32>} : memref<1024x64xf32, #tpu.memory_space<vmem>>, vector<1x16xf32>,
        %mul3A_781 = arith.constant 16 : i32
        %mul3A_782 = arith.muli %add3A_229, %mul3A_781 : i32
        %add3A_783 = arith.constant 11 : i32
        %add3A_784 = arith.addi %mul3A_782, %add3A_783 : i32
        %slice3A_785 = vector.extract_strided_slice %get3A_233 {offsets = [11], sizes = [1], strides = [1]} : vector<16xf32> to vector<1xf32>
        %squeeze3A_786 = vector.extract %slice3A_785[0] : f32 from vector<1xf32>
        %get3A_787 = arith.index_cast %add3A_784 : i32 to index
        %get3A_788 = arith.constant 0 : index
        %get3A_789 = tpu.vector_load %arg11[%get3A_787, %get3A_788] {strides = array<i32>} : memref<1024x64xf32, #tpu.memory_space<vmem>>, vector<1x16xf32>,
        %get3A_790 = vector.shape_cast %get3A_789 : vector<1x16xf32> to vector<16xf32>
        %mul3A_791 = vector.broadcast %squeeze3A_786 : f32 to vector<16xf32>
        %mul3A_792 = arith.mulf %get3A_790, %mul3A_791 : vector<16xf32>
        %swap3A_793 = arith.index_cast %add3A_784 : i32 to index
        %swap3A_794 = arith.constant 0 : index
        %swap3A_795 = tpu.vector_load %arg11[%swap3A_793, %swap3A_794] {strides = array<i32>} : memref<1024x64xf32, #tpu.memory_space<vmem>>, vector<1x16xf32>,
        %swap3A_796 = vector.shape_cast %swap3A_795 : vector<1x16xf32> to vector<16xf32>
        %swap3A_797 = vector.shape_cast %mul3A_792 : vector<16xf32> to vector<1x16xf32>
        tpu.vector_store %arg11[%swap3A_793, %swap3A_794], %swap3A_797 {strides = array<i32>} : memref<1024x64xf32, #tpu.memory_space<vmem>>, vector<1x16xf32>,
        %get3A_798 = arith.index_cast %add3A_784 : i32 to index
        %get3A_799 = arith.constant 16 : index
        %get3A_800 = tpu.vector_load %arg11[%get3A_798, %get3A_799] {strides = array<i32>} : memref<1024x64xf32, #tpu.memory_space<vmem>>, vector<1x16xf32>,
        %get3A_801 = vector.shape_cast %get3A_800 : vector<1x16xf32> to vector<16xf32>
        %mul3A_802 = vector.broadcast %squeeze3A_786 : f32 to vector<16xf32>
        %mul3A_803 = arith.mulf %get3A_801, %mul3A_802 : vector<16xf32>
        %swap3A_804 = arith.index_cast %add3A_784 : i32 to index
        %swap3A_805 = arith.constant 16 : index
        %swap3A_806 = tpu.vector_load %arg11[%swap3A_804, %swap3A_805] {strides = array<i32>} : memref<1024x64xf32, #tpu.memory_space<vmem>>, vector<1x16xf32>,
        %swap3A_807 = vector.shape_cast %swap3A_806 : vector<1x16xf32> to vector<16xf32>
        %swap3A_808 = vector.shape_cast %mul3A_803 : vector<16xf32> to vector<1x16xf32>
        tpu.vector_store %arg11[%swap3A_804, %swap3A_805], %swap3A_808 {strides = array<i32>} : memref<1024x64xf32, #tpu.memory_space<vmem>>, vector<1x16xf32>,
        %get3A_809 = arith.index_cast %add3A_784 : i32 to index
        %get3A_810 = arith.constant 32 : index
        %get3A_811 = tpu.vector_load %arg11[%get3A_809, %get3A_810] {strides = array<i32>} : memref<1024x64xf32, #tpu.memory_space<vmem>>, vector<1x16xf32>,
        %get3A_812 = vector.shape_cast %get3A_811 : vector<1x16xf32> to vector<16xf32>
        %mul3A_813 = vector.broadcast %squeeze3A_786 : f32 to vector<16xf32>
        %mul3A_814 = arith.mulf %get3A_812, %mul3A_813 : vector<16xf32>
        %swap3A_815 = arith.index_cast %add3A_784 : i32 to index
        %swap3A_816 = arith.constant 32 : index
        %swap3A_817 = tpu.vector_load %arg11[%swap3A_815, %swap3A_816] {strides = array<i32>} : memref<1024x64xf32, #tpu.memory_space<vmem>>, vector<1x16xf32>,
        %swap3A_818 = vector.shape_cast %swap3A_817 : vector<1x16xf32> to vector<16xf32>
        %swap3A_819 = vector.shape_cast %mul3A_814 : vector<16xf32> to vector<1x16xf32>
        tpu.vector_store %arg11[%swap3A_815, %swap3A_816], %swap3A_819 {strides = array<i32>} : memref<1024x64xf32, #tpu.memory_space<vmem>>, vector<1x16xf32>,
        %get3A_820 = arith.index_cast %add3A_784 : i32 to index
        %get3A_821 = arith.constant 48 : index
        %get3A_822 = tpu.vector_load %arg11[%get3A_820, %get3A_821] {strides = array<i32>} : memref<1024x64xf32, #tpu.memory_space<vmem>>, vector<1x16xf32>,
        %get3A_823 = vector.shape_cast %get3A_822 : vector<1x16xf32> to vector<16xf32>
        %mul3A_824 = vector.broadcast %squeeze3A_786 : f32 to vector<16xf32>
        %mul3A_825 = arith.mulf %get3A_823, %mul3A_824 : vector<16xf32>
        %swap3A_826 = arith.index_cast %add3A_784 : i32 to index
        %swap3A_827 = arith.constant 48 : index
        %swap3A_828 = tpu.vector_load %arg11[%swap3A_826, %swap3A_827] {strides = array<i32>} : memref<1024x64xf32, #tpu.memory_space<vmem>>, vector<1x16xf32>,
        %swap3A_829 = vector.shape_cast %swap3A_828 : vector<1x16xf32> to vector<16xf32>
        %swap3A_830 = vector.shape_cast %mul3A_825 : vector<16xf32> to vector<1x16xf32>
        tpu.vector_store %arg11[%swap3A_826, %swap3A_827], %swap3A_830 {strides = array<i32>} : memref<1024x64xf32, #tpu.memory_space<vmem>>, vector<1x16xf32>,
        %mul3A_831 = arith.constant 16 : i32
        %mul3A_832 = arith.muli %add3A_229, %mul3A_831 : i32
        %add3A_833 = arith.constant 12 : i32
        %add3A_834 = arith.addi %mul3A_832, %add3A_833 : i32
        %slice3A_835 = vector.extract_strided_slice %get3A_233 {offsets = [12], sizes = [1], strides = [1]} : vector<16xf32> to vector<1xf32>
        %squeeze3A_836 = vector.extract %slice3A_835[0] : f32 from vector<1xf32>
        %get3A_837 = arith.index_cast %add3A_834 : i32 to index
        %get3A_838 = arith.constant 0 : index
        %get3A_839 = tpu.vector_load %arg11[%get3A_837, %get3A_838] {strides = array<i32>} : memref<1024x64xf32, #tpu.memory_space<vmem>>, vector<1x16xf32>,
        %get3A_840 = vector.shape_cast %get3A_839 : vector<1x16xf32> to vector<16xf32>
        %mul3A_841 = vector.broadcast %squeeze3A_836 : f32 to vector<16xf32>
        %mul3A_842 = arith.mulf %get3A_840, %mul3A_841 : vector<16xf32>
        %swap3A_843 = arith.index_cast %add3A_834 : i32 to index
        %swap3A_844 = arith.constant 0 : index
        %swap3A_845 = tpu.vector_load %arg11[%swap3A_843, %swap3A_844] {strides = array<i32>} : memref<1024x64xf32, #tpu.memory_space<vmem>>, vector<1x16xf32>,
        %swap3A_846 = vector.shape_cast %swap3A_845 : vector<1x16xf32> to vector<16xf32>
        %swap3A_847 = vector.shape_cast %mul3A_842 : vector<16xf32> to vector<1x16xf32>
        tpu.vector_store %arg11[%swap3A_843, %swap3A_844], %swap3A_847 {strides = array<i32>} : memref<1024x64xf32, #tpu.memory_space<vmem>>, vector<1x16xf32>,
        %get3A_848 = arith.index_cast %add3A_834 : i32 to index
        %get3A_849 = arith.constant 16 : index
        %get3A_850 = tpu.vector_load %arg11[%get3A_848, %get3A_849] {strides = array<i32>} : memref<1024x64xf32, #tpu.memory_space<vmem>>, vector<1x16xf32>,
        %get3A_851 = vector.shape_cast %get3A_850 : vector<1x16xf32> to vector<16xf32>
        %mul3A_852 = vector.broadcast %squeeze3A_836 : f32 to vector<16xf32>
        %mul3A_853 = arith.mulf %get3A_851, %mul3A_852 : vector<16xf32>
        %swap3A_854 = arith.index_cast %add3A_834 : i32 to index
        %swap3A_855 = arith.constant 16 : index
        %swap3A_856 = tpu.vector_load %arg11[%swap3A_854, %swap3A_855] {strides = array<i32>} : memref<1024x64xf32, #tpu.memory_space<vmem>>, vector<1x16xf32>,
        %swap3A_857 = vector.shape_cast %swap3A_856 : vector<1x16xf32> to vector<16xf32>
        %swap3A_858 = vector.shape_cast %mul3A_853 : vector<16xf32> to vector<1x16xf32>
        tpu.vector_store %arg11[%swap3A_854, %swap3A_855], %swap3A_858 {strides = array<i32>} : memref<1024x64xf32, #tpu.memory_space<vmem>>, vector<1x16xf32>,
        %get3A_859 = arith.index_cast %add3A_834 : i32 to index
        %get3A_860 = arith.constant 32 : index
        %get3A_861 = tpu.vector_load %arg11[%get3A_859, %get3A_860] {strides = array<i32>} : memref<1024x64xf32, #tpu.memory_space<vmem>>, vector<1x16xf32>,
        %get3A_862 = vector.shape_cast %get3A_861 : vector<1x16xf32> to vector<16xf32>
        %mul3A_863 = vector.broadcast %squeeze3A_836 : f32 to vector<16xf32>
        %mul3A_864 = arith.mulf %get3A_862, %mul3A_863 : vector<16xf32>
        %swap3A_865 = arith.index_cast %add3A_834 : i32 to index
        %swap3A_866 = arith.constant 32 : index
        %swap3A_867 = tpu.vector_load %arg11[%swap3A_865, %swap3A_866] {strides = array<i32>} : memref<1024x64xf32, #tpu.memory_space<vmem>>, vector<1x16xf32>,
        %swap3A_868 = vector.shape_cast %swap3A_867 : vector<1x16xf32> to vector<16xf32>
        %swap3A_869 = vector.shape_cast %mul3A_864 : vector<16xf32> to vector<1x16xf32>
        tpu.vector_store %arg11[%swap3A_865, %swap3A_866], %swap3A_869 {strides = array<i32>} : memref<1024x64xf32, #tpu.memory_space<vmem>>, vector<1x16xf32>,
        %get3A_870 = arith.index_cast %add3A_834 : i32 to index
        %get3A_871 = arith.constant 48 : index
        %get3A_872 = tpu.vector_load %arg11[%get3A_870, %get3A_871] {strides = array<i32>} : memref<1024x64xf32, #tpu.memory_space<vmem>>, vector<1x16xf32>,
        %get3A_873 = vector.shape_cast %get3A_872 : vector<1x16xf32> to vector<16xf32>
        %mul3A_874 = vector.broadcast %squeeze3A_836 : f32 to vector<16xf32>
        %mul3A_875 = arith.mulf %get3A_873, %mul3A_874 : vector<16xf32>
        %swap3A_876 = arith.index_cast %add3A_834 : i32 to index
        %swap3A_877 = arith.constant 48 : index
        %swap3A_878 = tpu.vector_load %arg11[%swap3A_876, %swap3A_877] {strides = array<i32>} : memref<1024x64xf32, #tpu.memory_space<vmem>>, vector<1x16xf32>,
        %swap3A_879 = vector.shape_cast %swap3A_878 : vector<1x16xf32> to vector<16xf32>
        %swap3A_880 = vector.shape_cast %mul3A_875 : vector<16xf32> to vector<1x16xf32>
        tpu.vector_store %arg11[%swap3A_876, %swap3A_877], %swap3A_880 {strides = array<i32>} : memref<1024x64xf32, #tpu.memory_space<vmem>>, vector<1x16xf32>,
        %mul3A_881 = arith.constant 16 : i32
        %mul3A_882 = arith.muli %add3A_229, %mul3A_881 : i32
        %add3A_883 = arith.constant 13 : i32
        %add3A_884 = arith.addi %mul3A_882, %add3A_883 : i32
        %slice3A_885 = vector.extract_strided_slice %get3A_233 {offsets = [13], sizes = [1], strides = [1]} : vector<16xf32> to vector<1xf32>
        %squeeze3A_886 = vector.extract %slice3A_885[0] : f32 from vector<1xf32>
        %get3A_887 = arith.index_cast %add3A_884 : i32 to index
        %get3A_888 = arith.constant 0 : index
        %get3A_889 = tpu.vector_load %arg11[%get3A_887, %get3A_888] {strides = array<i32>} : memref<1024x64xf32, #tpu.memory_space<vmem>>, vector<1x16xf32>,
        %get3A_890 = vector.shape_cast %get3A_889 : vector<1x16xf32> to vector<16xf32>
        %mul3A_891 = vector.broadcast %squeeze3A_886 : f32 to vector<16xf32>
        %mul3A_892 = arith.mulf %get3A_890, %mul3A_891 : vector<16xf32>
        %swap3A_893 = arith.index_cast %add3A_884 : i32 to index
        %swap3A_894 = arith.constant 0 : index
        %swap3A_895 = tpu.vector_load %arg11[%swap3A_893, %swap3A_894] {strides = array<i32>} : memref<1024x64xf32, #tpu.memory_space<vmem>>, vector<1x16xf32>,
        %swap3A_896 = vector.shape_cast %swap3A_895 : vector<1x16xf32> to vector<16xf32>
        %swap3A_897 = vector.shape_cast %mul3A_892 : vector<16xf32> to vector<1x16xf32>
        tpu.vector_store %arg11[%swap3A_893, %swap3A_894], %swap3A_897 {strides = array<i32>} : memref<1024x64xf32, #tpu.memory_space<vmem>>, vector<1x16xf32>,
        %get3A_898 = arith.index_cast %add3A_884 : i32 to index
        %get3A_899 = arith.constant 16 : index
        %get3A_900 = tpu.vector_load %arg11[%get3A_898, %get3A_899] {strides = array<i32>} : memref<1024x64xf32, #tpu.memory_space<vmem>>, vector<1x16xf32>,
        %get3A_901 = vector.shape_cast %get3A_900 : vector<1x16xf32> to vector<16xf32>
        %mul3A_902 = vector.broadcast %squeeze3A_886 : f32 to vector<16xf32>
        %mul3A_903 = arith.mulf %get3A_901, %mul3A_902 : vector<16xf32>
        %swap3A_904 = arith.index_cast %add3A_884 : i32 to index
        %swap3A_905 = arith.constant 16 : index
        %swap3A_906 = tpu.vector_load %arg11[%swap3A_904, %swap3A_905] {strides = array<i32>} : memref<1024x64xf32, #tpu.memory_space<vmem>>, vector<1x16xf32>,
        %swap3A_907 = vector.shape_cast %swap3A_906 : vector<1x16xf32> to vector<16xf32>
        %swap3A_908 = vector.shape_cast %mul3A_903 : vector<16xf32> to vector<1x16xf32>
        tpu.vector_store %arg11[%swap3A_904, %swap3A_905], %swap3A_908 {strides = array<i32>} : memref<1024x64xf32, #tpu.memory_space<vmem>>, vector<1x16xf32>,
        %get3A_909 = arith.index_cast %add3A_884 : i32 to index
        %get3A_910 = arith.constant 32 : index
        %get3A_911 = tpu.vector_load %arg11[%get3A_909, %get3A_910] {strides = array<i32>} : memref<1024x64xf32, #tpu.memory_space<vmem>>, vector<1x16xf32>,
        %get3A_912 = vector.shape_cast %get3A_911 : vector<1x16xf32> to vector<16xf32>
        %mul3A_913 = vector.broadcast %squeeze3A_886 : f32 to vector<16xf32>
        %mul3A_914 = arith.mulf %get3A_912, %mul3A_913 : vector<16xf32>
        %swap3A_915 = arith.index_cast %add3A_884 : i32 to index
        %swap3A_916 = arith.constant 32 : index
        %swap3A_917 = tpu.vector_load %arg11[%swap3A_915, %swap3A_916] {strides = array<i32>} : memref<1024x64xf32, #tpu.memory_space<vmem>>, vector<1x16xf32>,
        %swap3A_918 = vector.shape_cast %swap3A_917 : vector<1x16xf32> to vector<16xf32>
        %swap3A_919 = vector.shape_cast %mul3A_914 : vector<16xf32> to vector<1x16xf32>
        tpu.vector_store %arg11[%swap3A_915, %swap3A_916], %swap3A_919 {strides = array<i32>} : memref<1024x64xf32, #tpu.memory_space<vmem>>, vector<1x16xf32>,
        %get3A_920 = arith.index_cast %add3A_884 : i32 to index
        %get3A_921 = arith.constant 48 : index
        %get3A_922 = tpu.vector_load %arg11[%get3A_920, %get3A_921] {strides = array<i32>} : memref<1024x64xf32, #tpu.memory_space<vmem>>, vector<1x16xf32>,
        %get3A_923 = vector.shape_cast %get3A_922 : vector<1x16xf32> to vector<16xf32>
        %mul3A_924 = vector.broadcast %squeeze3A_886 : f32 to vector<16xf32>
        %mul3A_925 = arith.mulf %get3A_923, %mul3A_924 : vector<16xf32>
        %swap3A_926 = arith.index_cast %add3A_884 : i32 to index
        %swap3A_927 = arith.constant 48 : index
        %swap3A_928 = tpu.vector_load %arg11[%swap3A_926, %swap3A_927] {strides = array<i32>} : memref<1024x64xf32, #tpu.memory_space<vmem>>, vector<1x16xf32>,
        %swap3A_929 = vector.shape_cast %swap3A_928 : vector<1x16xf32> to vector<16xf32>
        %swap3A_930 = vector.shape_cast %mul3A_925 : vector<16xf32> to vector<1x16xf32>
        tpu.vector_store %arg11[%swap3A_926, %swap3A_927], %swap3A_930 {strides = array<i32>} : memref<1024x64xf32, #tpu.memory_space<vmem>>, vector<1x16xf32>,
        %mul3A_931 = arith.constant 16 : i32
        %mul3A_932 = arith.muli %add3A_229, %mul3A_931 : i32
        %add3A_933 = arith.constant 14 : i32
        %add3A_934 = arith.addi %mul3A_932, %add3A_933 : i32
        %slice3A_935 = vector.extract_strided_slice %get3A_233 {offsets = [14], sizes = [1], strides = [1]} : vector<16xf32> to vector<1xf32>
        %squeeze3A_936 = vector.extract %slice3A_935[0] : f32 from vector<1xf32>
        %get3A_937 = arith.index_cast %add3A_934 : i32 to index
        %get3A_938 = arith.constant 0 : index
        %get3A_939 = tpu.vector_load %arg11[%get3A_937, %get3A_938] {strides = array<i32>} : memref<1024x64xf32, #tpu.memory_space<vmem>>, vector<1x16xf32>,
        %get3A_940 = vector.shape_cast %get3A_939 : vector<1x16xf32> to vector<16xf32>
        %mul3A_941 = vector.broadcast %squeeze3A_936 : f32 to vector<16xf32>
        %mul3A_942 = arith.mulf %get3A_940, %mul3A_941 : vector<16xf32>
        %swap3A_943 = arith.index_cast %add3A_934 : i32 to index
        %swap3A_944 = arith.constant 0 : index
        %swap3A_945 = tpu.vector_load %arg11[%swap3A_943, %swap3A_944] {strides = array<i32>} : memref<1024x64xf32, #tpu.memory_space<vmem>>, vector<1x16xf32>,
        %swap3A_946 = vector.shape_cast %swap3A_945 : vector<1x16xf32> to vector<16xf32>
        %swap3A_947 = vector.shape_cast %mul3A_942 : vector<16xf32> to vector<1x16xf32>
        tpu.vector_store %arg11[%swap3A_943, %swap3A_944], %swap3A_947 {strides = array<i32>} : memref<1024x64xf32, #tpu.memory_space<vmem>>, vector<1x16xf32>,
        %get3A_948 = arith.index_cast %add3A_934 : i32 to index
        %get3A_949 = arith.constant 16 : index
        %get3A_950 = tpu.vector_load %arg11[%get3A_948, %get3A_949] {strides = array<i32>} : memref<1024x64xf32, #tpu.memory_space<vmem>>, vector<1x16xf32>,
        %get3A_951 = vector.shape_cast %get3A_950 : vector<1x16xf32> to vector<16xf32>
        %mul3A_952 = vector.broadcast %squeeze3A_936 : f32 to vector<16xf32>
        %mul3A_953 = arith.mulf %get3A_951, %mul3A_952 : vector<16xf32>
        %swap3A_954 = arith.index_cast %add3A_934 : i32 to index
        %swap3A_955 = arith.constant 16 : index
        %swap3A_956 = tpu.vector_load %arg11[%swap3A_954, %swap3A_955] {strides = array<i32>} : memref<1024x64xf32, #tpu.memory_space<vmem>>, vector<1x16xf32>,
        %swap3A_957 = vector.shape_cast %swap3A_956 : vector<1x16xf32> to vector<16xf32>
        %swap3A_958 = vector.shape_cast %mul3A_953 : vector<16xf32> to vector<1x16xf32>
        tpu.vector_store %arg11[%swap3A_954, %swap3A_955], %swap3A_958 {strides = array<i32>} : memref<1024x64xf32, #tpu.memory_space<vmem>>, vector<1x16xf32>,
        %get3A_959 = arith.index_cast %add3A_934 : i32 to index
        %get3A_960 = arith.constant 32 : index
        %get3A_961 = tpu.vector_load %arg11[%get3A_959, %get3A_960] {strides = array<i32>} : memref<1024x64xf32, #tpu.memory_space<vmem>>, vector<1x16xf32>,
        %get3A_962 = vector.shape_cast %get3A_961 : vector<1x16xf32> to vector<16xf32>
        %mul3A_963 = vector.broadcast %squeeze3A_936 : f32 to vector<16xf32>
        %mul3A_964 = arith.mulf %get3A_962, %mul3A_963 : vector<16xf32>
        %swap3A_965 = arith.index_cast %add3A_934 : i32 to index
        %swap3A_966 = arith.constant 32 : index
        %swap3A_967 = tpu.vector_load %arg11[%swap3A_965, %swap3A_966] {strides = array<i32>} : memref<1024x64xf32, #tpu.memory_space<vmem>>, vector<1x16xf32>,
        %swap3A_968 = vector.shape_cast %swap3A_967 : vector<1x16xf32> to vector<16xf32>
        %swap3A_969 = vector.shape_cast %mul3A_964 : vector<16xf32> to vector<1x16xf32>
        tpu.vector_store %arg11[%swap3A_965, %swap3A_966], %swap3A_969 {strides = array<i32>} : memref<1024x64xf32, #tpu.memory_space<vmem>>, vector<1x16xf32>,
        %get3A_970 = arith.index_cast %add3A_934 : i32 to index
        %get3A_971 = arith.constant 48 : index
        %get3A_972 = tpu.vector_load %arg11[%get3A_970, %get3A_971] {strides = array<i32>} : memref<1024x64xf32, #tpu.memory_space<vmem>>, vector<1x16xf32>,
        %get3A_973 = vector.shape_cast %get3A_972 : vector<1x16xf32> to vector<16xf32>
        %mul3A_974 = vector.broadcast %squeeze3A_936 : f32 to vector<16xf32>
        %mul3A_975 = arith.mulf %get3A_973, %mul3A_974 : vector<16xf32>
        %swap3A_976 = arith.index_cast %add3A_934 : i32 to index
        %swap3A_977 = arith.constant 48 : index
        %swap3A_978 = tpu.vector_load %arg11[%swap3A_976, %swap3A_977] {strides = array<i32>} : memref<1024x64xf32, #tpu.memory_space<vmem>>, vector<1x16xf32>,
        %swap3A_979 = vector.shape_cast %swap3A_978 : vector<1x16xf32> to vector<16xf32>
        %swap3A_980 = vector.shape_cast %mul3A_975 : vector<16xf32> to vector<1x16xf32>
        tpu.vector_store %arg11[%swap3A_976, %swap3A_977], %swap3A_980 {strides = array<i32>} : memref<1024x64xf32, #tpu.memory_space<vmem>>, vector<1x16xf32>,
        %mul3A_981 = arith.constant 16 : i32
        %mul3A_982 = arith.muli %add3A_229, %mul3A_981 : i32
        %add3A_983 = arith.constant 15 : i32
        %add3A_984 = arith.addi %mul3A_982, %add3A_983 : i32
        %slice3A_985 = vector.extract_strided_slice %get3A_233 {offsets = [15], sizes = [1], strides = [1]} : vector<16xf32> to vector<1xf32>
        %squeeze3A_986 = vector.extract %slice3A_985[0] : f32 from vector<1xf32>
        %get3A_987 = arith.index_cast %add3A_984 : i32 to index
        %get3A_988 = arith.constant 0 : index
        %get3A_989 = tpu.vector_load %arg11[%get3A_987, %get3A_988] {strides = array<i32>} : memref<1024x64xf32, #tpu.memory_space<vmem>>, vector<1x16xf32>,
        %get3A_990 = vector.shape_cast %get3A_989 : vector<1x16xf32> to vector<16xf32>
        %mul3A_991 = vector.broadcast %squeeze3A_986 : f32 to vector<16xf32>
        %mul3A_992 = arith.mulf %get3A_990, %mul3A_991 : vector<16xf32>
        %swap3A_993 = arith.index_cast %add3A_984 : i32 to index
        %swap3A_994 = arith.constant 0 : index
        %swap3A_995 = tpu.vector_load %arg11[%swap3A_993, %swap3A_994] {strides = array<i32>} : memref<1024x64xf32, #tpu.memory_space<vmem>>, vector<1x16xf32>,
        %swap3A_996 = vector.shape_cast %swap3A_995 : vector<1x16xf32> to vector<16xf32>
        %swap3A_997 = vector.shape_cast %mul3A_992 : vector<16xf32> to vector<1x16xf32>
        tpu.vector_store %arg11[%swap3A_993, %swap3A_994], %swap3A_997 {strides = array<i32>} : memref<1024x64xf32, #tpu.memory_space<vmem>>, vector<1x16xf32>,
        %get3A_998 = arith.index_cast %add3A_984 : i32 to index
        %get3A_999 = arith.constant 16 : index
        %get3A_1000 = tpu.vector_load %arg11[%get3A_998, %get3A_999] {strides = array<i32>} : memref<1024x64xf32, #tpu.memory_space<vmem>>, vector<1x16xf32>,
        %get3A_1001 = vector.shape_cast %get3A_1000 : vector<1x16xf32> to vector<16xf32>
        %mul3A_1002 = vector.broadcast %squeeze3A_986 : f32 to vector<16xf32>
        %mul3A_1003 = arith.mulf %get3A_1001, %mul3A_1002 : vector<16xf32>
        %swap3A_1004 = arith.index_cast %add3A_984 : i32 to index
        %swap3A_1005 = arith.constant 16 : index
        %swap3A_1006 = tpu.vector_load %arg11[%swap3A_1004, %swap3A_1005] {strides = array<i32>} : memref<1024x64xf32, #tpu.memory_space<vmem>>, vector<1x16xf32>,
        %swap3A_1007 = vector.shape_cast %swap3A_1006 : vector<1x16xf32> to vector<16xf32>
        %swap3A_1008 = vector.shape_cast %mul3A_1003 : vector<16xf32> to vector<1x16xf32>
        tpu.vector_store %arg11[%swap3A_1004, %swap3A_1005], %swap3A_1008 {strides = array<i32>} : memref<1024x64xf32, #tpu.memory_space<vmem>>, vector<1x16xf32>,
        %get3A_1009 = arith.index_cast %add3A_984 : i32 to index
        %get3A_1010 = arith.constant 32 : index
        %get3A_1011 = tpu.vector_load %arg11[%get3A_1009, %get3A_1010] {strides = array<i32>} : memref<1024x64xf32, #tpu.memory_space<vmem>>, vector<1x16xf32>,
        %get3A_1012 = vector.shape_cast %get3A_1011 : vector<1x16xf32> to vector<16xf32>
        %mul3A_1013 = vector.broadcast %squeeze3A_986 : f32 to vector<16xf32>
        %mul3A_1014 = arith.mulf %get3A_1012, %mul3A_1013 : vector<16xf32>
        %swap3A_1015 = arith.index_cast %add3A_984 : i32 to index
        %swap3A_1016 = arith.constant 32 : index
        %swap3A_1017 = tpu.vector_load %arg11[%swap3A_1015, %swap3A_1016] {strides = array<i32>} : memref<1024x64xf32, #tpu.memory_space<vmem>>, vector<1x16xf32>,
        %swap3A_1018 = vector.shape_cast %swap3A_1017 : vector<1x16xf32> to vector<16xf32>
        %swap3A_1019 = vector.shape_cast %mul3A_1014 : vector<16xf32> to vector<1x16xf32>
        tpu.vector_store %arg11[%swap3A_1015, %swap3A_1016], %swap3A_1019 {strides = array<i32>} : memref<1024x64xf32, #tpu.memory_space<vmem>>, vector<1x16xf32>,
        %get3A_1020 = arith.index_cast %add3A_984 : i32 to index
        %get3A_1021 = arith.constant 48 : index
        %get3A_1022 = tpu.vector_load %arg11[%get3A_1020, %get3A_1021] {strides = array<i32>} : memref<1024x64xf32, #tpu.memory_space<vmem>>, vector<1x16xf32>,
        %get3A_1023 = vector.shape_cast %get3A_1022 : vector<1x16xf32> to vector<16xf32>
        %mul3A_1024 = vector.broadcast %squeeze3A_986 : f32 to vector<16xf32>
        %mul3A_1025 = arith.mulf %get3A_1023, %mul3A_1024 : vector<16xf32>
        %swap3A_1026 = arith.index_cast %add3A_984 : i32 to index
        %swap3A_1027 = arith.constant 48 : index
        %swap3A_1028 = tpu.vector_load %arg11[%swap3A_1026, %swap3A_1027] {strides = array<i32>} : memref<1024x64xf32, #tpu.memory_space<vmem>>, vector<1x16xf32>,
        %swap3A_1029 = vector.shape_cast %swap3A_1028 : vector<1x16xf32> to vector<16xf32>
        %swap3A_1030 = vector.shape_cast %mul3A_1025 : vector<16xf32> to vector<1x16xf32>
        tpu.vector_store %arg11[%swap3A_1026, %swap3A_1027], %swap3A_1030 {strides = array<i32>} : memref<1024x64xf32, #tpu.memory_space<vmem>>, vector<1x16xf32>,
      }
      %scan3A_217 = arith.constant 64 : i32
      %run_scoped3A = arith.constant 0 : i32
      "tpu.region"() ({
        %run_scoped3A_225 = tpu.sem_alloc : memref<!tpu.dma_semaphore, #tpu.memory_space<semaphore_mem>>
        %dma_start3A_226 = arith.constant 0 : i32
        %dma_start3A_227 = arith.constant 0 : i32
        %dma_start3A_228 = tpu.memref_slice %arg11[%dma_start3A_226, %dma_start3A_227] : memref<1024x64xf32, #tpu.memory_space<vmem>> -> memref<128x64xf32, #tpu.memory_space<vmem>>
        %dma_start3A_229 = arith.constant 0 : i32
        %dma_start3A_230 = tpu.memref_slice %arg9[%run_scoped3A, %dma_start3A_229] : memref<8x128xi32, #tpu.memory_space<vmem>> -> memref<1x128xi32, #tpu.memory_space<vmem>>
        %dma_start3A_231 = tpu.memref_squeeze %dma_start3A_230 : memref<1x128xi32, #tpu.memory_space<vmem>> -> memref<128xi32, #tpu.memory_space<vmem>>
        %dma_start3A_232 = arith.constant 0 : i32
        %dma_start3A_233 = arith.constant 0 : i32
        %dma_start3A_234 = tpu.memref_slice %arg12[%dma_start3A_232, %dma_start3A_233] : memref<10240x64xf32, #tpu.memory_space<vmem_shared>> -> memref<10240x64xf32, #tpu.memory_space<vmem_shared>>
        tpu.enqueue_indirect_dma source(%dma_start3A_228 : memref<128x64xf32, #tpu.memory_space<vmem>>) target(%dma_start3A_234 : memref<10240x64xf32, #tpu.memory_space<vmem_shared>>) offsets(%dma_start3A_231 : memref<128xi32, #tpu.memory_space<vmem>>) semaphore(%run_scoped3A_225 : memref<!tpu.dma_semaphore, #tpu.memory_space<semaphore_mem>>) {add = true}
        %dma_wait3A_235 = arith.constant 0 : i32
        %dma_wait3A_236 = arith.constant 0 : i32
        %dma_wait3A_237 = tpu.memref_slice %arg11[%dma_wait3A_235, %dma_wait3A_236] : memref<1024x64xf32, #tpu.memory_space<vmem>> -> memref<128x64xf32, #tpu.memory_space<vmem>>
        %dma_wait3A_238 = arith.constant 0 : i32
        %dma_wait3A_239 = tpu.memref_slice %arg9[%run_scoped3A, %dma_wait3A_238] : memref<8x128xi32, #tpu.memory_space<vmem>> -> memref<1x128xi32, #tpu.memory_space<vmem>>
        %dma_wait3A_240 = tpu.memref_squeeze %dma_wait3A_239 : memref<1x128xi32, #tpu.memory_space<vmem>> -> memref<128xi32, #tpu.memory_space<vmem>>
        %dma_wait3A_241 = arith.constant 0 : i32
        %dma_wait3A_242 = arith.constant 0 : i32
        %dma_wait3A_243 = tpu.memref_slice %arg12[%dma_wait3A_241, %dma_wait3A_242] : memref<10240x64xf32, #tpu.memory_space<vmem_shared>> -> memref<10240x64xf32, #tpu.memory_space<vmem_shared>>
        tpu.wait_indirect_dma semaphore(%run_scoped3A_225 : memref<!tpu.dma_semaphore, #tpu.memory_space<semaphore_mem>>) src(%dma_wait3A_237 : memref<128x64xf32, #tpu.memory_space<vmem>>) dst(%dma_wait3A_243 : memref<10240x64xf32, #tpu.memory_space<vmem_shared>>)
        tpu.yield
      }) : () -> ()
      %run_scoped3A_218 = arith.constant 1 : i32
      "tpu.region"() ({
        %run_scoped3A_225 = tpu.sem_alloc : memref<!tpu.dma_semaphore, #tpu.memory_space<semaphore_mem>>
        %dma_start3A_226 = arith.constant 128 : i32
        %dma_start3A_227 = arith.constant 0 : i32
        %dma_start3A_228 = tpu.memref_slice %arg11[%dma_start3A_226, %dma_start3A_227] : memref<1024x64xf32, #tpu.memory_space<vmem>> -> memref<128x64xf32, #tpu.memory_space<vmem>>
        %dma_start3A_229 = arith.constant 0 : i32
        %dma_start3A_230 = tpu.memref_slice %arg9[%run_scoped3A_218, %dma_start3A_229] : memref<8x128xi32, #tpu.memory_space<vmem>> -> memref<1x128xi32, #tpu.memory_space<vmem>>
        %dma_start3A_231 = tpu.memref_squeeze %dma_start3A_230 : memref<1x128xi32, #tpu.memory_space<vmem>> -> memref<128xi32, #tpu.memory_space<vmem>>
        %dma_start3A_232 = arith.constant 0 : i32
        %dma_start3A_233 = arith.constant 0 : i32
        %dma_start3A_234 = tpu.memref_slice %arg12[%dma_start3A_232, %dma_start3A_233] : memref<10240x64xf32, #tpu.memory_space<vmem_shared>> -> memref<10240x64xf32, #tpu.memory_space<vmem_shared>>
        tpu.enqueue_indirect_dma source(%dma_start3A_228 : memref<128x64xf32, #tpu.memory_space<vmem>>) target(%dma_start3A_234 : memref<10240x64xf32, #tpu.memory_space<vmem_shared>>) offsets(%dma_start3A_231 : memref<128xi32, #tpu.memory_space<vmem>>) semaphore(%run_scoped3A_225 : memref<!tpu.dma_semaphore, #tpu.memory_space<semaphore_mem>>) {add = true}
        %dma_wait3A_235 = arith.constant 128 : i32
        %dma_wait3A_236 = arith.constant 0 : i32
        %dma_wait3A_237 = tpu.memref_slice %arg11[%dma_wait3A_235, %dma_wait3A_236] : memref<1024x64xf32, #tpu.memory_space<vmem>> -> memref<128x64xf32, #tpu.memory_space<vmem>>
        %dma_wait3A_238 = arith.constant 0 : i32
        %dma_wait3A_239 = tpu.memref_slice %arg9[%run_scoped3A_218, %dma_wait3A_238] : memref<8x128xi32, #tpu.memory_space<vmem>> -> memref<1x128xi32, #tpu.memory_space<vmem>>
        %dma_wait3A_240 = tpu.memref_squeeze %dma_wait3A_239 : memref<1x128xi32, #tpu.memory_space<vmem>> -> memref<128xi32, #tpu.memory_space<vmem>>
        %dma_wait3A_241 = arith.constant 0 : i32
        %dma_wait3A_242 = arith.constant 0 : i32
        %dma_wait3A_243 = tpu.memref_slice %arg12[%dma_wait3A_241, %dma_wait3A_242] : memref<10240x64xf32, #tpu.memory_space<vmem_shared>> -> memref<10240x64xf32, #tpu.memory_space<vmem_shared>>
        tpu.wait_indirect_dma semaphore(%run_scoped3A_225 : memref<!tpu.dma_semaphore, #tpu.memory_space<semaphore_mem>>) src(%dma_wait3A_237 : memref<128x64xf32, #tpu.memory_space<vmem>>) dst(%dma_wait3A_243 : memref<10240x64xf32, #tpu.memory_space<vmem_shared>>)
        tpu.yield
      }) : () -> ()
      %run_scoped3A_219 = arith.constant 2 : i32
      "tpu.region"() ({
        %run_scoped3A_225 = tpu.sem_alloc : memref<!tpu.dma_semaphore, #tpu.memory_space<semaphore_mem>>
        %dma_start3A_226 = arith.constant 256 : i32
        %dma_start3A_227 = arith.constant 0 : i32
        %dma_start3A_228 = tpu.memref_slice %arg11[%dma_start3A_226, %dma_start3A_227] : memref<1024x64xf32, #tpu.memory_space<vmem>> -> memref<128x64xf32, #tpu.memory_space<vmem>>
        %dma_start3A_229 = arith.constant 0 : i32
        %dma_start3A_230 = tpu.memref_slice %arg9[%run_scoped3A_219, %dma_start3A_229] : memref<8x128xi32, #tpu.memory_space<vmem>> -> memref<1x128xi32, #tpu.memory_space<vmem>>
        %dma_start3A_231 = tpu.memref_squeeze %dma_start3A_230 : memref<1x128xi32, #tpu.memory_space<vmem>> -> memref<128xi32, #tpu.memory_space<vmem>>
        %dma_start3A_232 = arith.constant 0 : i32
        %dma_start3A_233 = arith.constant 0 : i32
        %dma_start3A_234 = tpu.memref_slice %arg12[%dma_start3A_232, %dma_start3A_233] : memref<10240x64xf32, #tpu.memory_space<vmem_shared>> -> memref<10240x64xf32, #tpu.memory_space<vmem_shared>>
        tpu.enqueue_indirect_dma source(%dma_start3A_228 : memref<128x64xf32, #tpu.memory_space<vmem>>) target(%dma_start3A_234 : memref<10240x64xf32, #tpu.memory_space<vmem_shared>>) offsets(%dma_start3A_231 : memref<128xi32, #tpu.memory_space<vmem>>) semaphore(%run_scoped3A_225 : memref<!tpu.dma_semaphore, #tpu.memory_space<semaphore_mem>>) {add = true}
        %dma_wait3A_235 = arith.constant 256 : i32
        %dma_wait3A_236 = arith.constant 0 : i32
        %dma_wait3A_237 = tpu.memref_slice %arg11[%dma_wait3A_235, %dma_wait3A_236] : memref<1024x64xf32, #tpu.memory_space<vmem>> -> memref<128x64xf32, #tpu.memory_space<vmem>>
        %dma_wait3A_238 = arith.constant 0 : i32
        %dma_wait3A_239 = tpu.memref_slice %arg9[%run_scoped3A_219, %dma_wait3A_238] : memref<8x128xi32, #tpu.memory_space<vmem>> -> memref<1x128xi32, #tpu.memory_space<vmem>>
        %dma_wait3A_240 = tpu.memref_squeeze %dma_wait3A_239 : memref<1x128xi32, #tpu.memory_space<vmem>> -> memref<128xi32, #tpu.memory_space<vmem>>
        %dma_wait3A_241 = arith.constant 0 : i32
        %dma_wait3A_242 = arith.constant 0 : i32
        %dma_wait3A_243 = tpu.memref_slice %arg12[%dma_wait3A_241, %dma_wait3A_242] : memref<10240x64xf32, #tpu.memory_space<vmem_shared>> -> memref<10240x64xf32, #tpu.memory_space<vmem_shared>>
        tpu.wait_indirect_dma semaphore(%run_scoped3A_225 : memref<!tpu.dma_semaphore, #tpu.memory_space<semaphore_mem>>) src(%dma_wait3A_237 : memref<128x64xf32, #tpu.memory_space<vmem>>) dst(%dma_wait3A_243 : memref<10240x64xf32, #tpu.memory_space<vmem_shared>>)
        tpu.yield
      }) : () -> ()
      %run_scoped3A_220 = arith.constant 3 : i32
      "tpu.region"() ({
        %run_scoped3A_225 = tpu.sem_alloc : memref<!tpu.dma_semaphore, #tpu.memory_space<semaphore_mem>>
        %dma_start3A_226 = arith.constant 384 : i32
        %dma_start3A_227 = arith.constant 0 : i32
        %dma_start3A_228 = tpu.memref_slice %arg11[%dma_start3A_226, %dma_start3A_227] : memref<1024x64xf32, #tpu.memory_space<vmem>> -> memref<128x64xf32, #tpu.memory_space<vmem>>
        %dma_start3A_229 = arith.constant 0 : i32
        %dma_start3A_230 = tpu.memref_slice %arg9[%run_scoped3A_220, %dma_start3A_229] : memref<8x128xi32, #tpu.memory_space<vmem>> -> memref<1x128xi32, #tpu.memory_space<vmem>>
        %dma_start3A_231 = tpu.memref_squeeze %dma_start3A_230 : memref<1x128xi32, #tpu.memory_space<vmem>> -> memref<128xi32, #tpu.memory_space<vmem>>
        %dma_start3A_232 = arith.constant 0 : i32
        %dma_start3A_233 = arith.constant 0 : i32
        %dma_start3A_234 = tpu.memref_slice %arg12[%dma_start3A_232, %dma_start3A_233] : memref<10240x64xf32, #tpu.memory_space<vmem_shared>> -> memref<10240x64xf32, #tpu.memory_space<vmem_shared>>
        tpu.enqueue_indirect_dma source(%dma_start3A_228 : memref<128x64xf32, #tpu.memory_space<vmem>>) target(%dma_start3A_234 : memref<10240x64xf32, #tpu.memory_space<vmem_shared>>) offsets(%dma_start3A_231 : memref<128xi32, #tpu.memory_space<vmem>>) semaphore(%run_scoped3A_225 : memref<!tpu.dma_semaphore, #tpu.memory_space<semaphore_mem>>) {add = true}
        %dma_wait3A_235 = arith.constant 384 : i32
        %dma_wait3A_236 = arith.constant 0 : i32
        %dma_wait3A_237 = tpu.memref_slice %arg11[%dma_wait3A_235, %dma_wait3A_236] : memref<1024x64xf32, #tpu.memory_space<vmem>> -> memref<128x64xf32, #tpu.memory_space<vmem>>
        %dma_wait3A_238 = arith.constant 0 : i32
        %dma_wait3A_239 = tpu.memref_slice %arg9[%run_scoped3A_220, %dma_wait3A_238] : memref<8x128xi32, #tpu.memory_space<vmem>> -> memref<1x128xi32, #tpu.memory_space<vmem>>
        %dma_wait3A_240 = tpu.memref_squeeze %dma_wait3A_239 : memref<1x128xi32, #tpu.memory_space<vmem>> -> memref<128xi32, #tpu.memory_space<vmem>>
        %dma_wait3A_241 = arith.constant 0 : i32
        %dma_wait3A_242 = arith.constant 0 : i32
        %dma_wait3A_243 = tpu.memref_slice %arg12[%dma_wait3A_241, %dma_wait3A_242] : memref<10240x64xf32, #tpu.memory_space<vmem_shared>> -> memref<10240x64xf32, #tpu.memory_space<vmem_shared>>
        tpu.wait_indirect_dma semaphore(%run_scoped3A_225 : memref<!tpu.dma_semaphore, #tpu.memory_space<semaphore_mem>>) src(%dma_wait3A_237 : memref<128x64xf32, #tpu.memory_space<vmem>>) dst(%dma_wait3A_243 : memref<10240x64xf32, #tpu.memory_space<vmem_shared>>)
        tpu.yield
      }) : () -> ()
      %run_scoped3A_221 = arith.constant 4 : i32
      "tpu.region"() ({
        %run_scoped3A_225 = tpu.sem_alloc : memref<!tpu.dma_semaphore, #tpu.memory_space<semaphore_mem>>
        %dma_start3A_226 = arith.constant 512 : i32
        %dma_start3A_227 = arith.constant 0 : i32
        %dma_start3A_228 = tpu.memref_slice %arg11[%dma_start3A_226, %dma_start3A_227] : memref<1024x64xf32, #tpu.memory_space<vmem>> -> memref<128x64xf32, #tpu.memory_space<vmem>>
        %dma_start3A_229 = arith.constant 0 : i32
        %dma_start3A_230 = tpu.memref_slice %arg9[%run_scoped3A_221, %dma_start3A_229] : memref<8x128xi32, #tpu.memory_space<vmem>> -> memref<1x128xi32, #tpu.memory_space<vmem>>
        %dma_start3A_231 = tpu.memref_squeeze %dma_start3A_230 : memref<1x128xi32, #tpu.memory_space<vmem>> -> memref<128xi32, #tpu.memory_space<vmem>>
        %dma_start3A_232 = arith.constant 0 : i32
        %dma_start3A_233 = arith.constant 0 : i32
        %dma_start3A_234 = tpu.memref_slice %arg12[%dma_start3A_232, %dma_start3A_233] : memref<10240x64xf32, #tpu.memory_space<vmem_shared>> -> memref<10240x64xf32, #tpu.memory_space<vmem_shared>>
        tpu.enqueue_indirect_dma source(%dma_start3A_228 : memref<128x64xf32, #tpu.memory_space<vmem>>) target(%dma_start3A_234 : memref<10240x64xf32, #tpu.memory_space<vmem_shared>>) offsets(%dma_start3A_231 : memref<128xi32, #tpu.memory_space<vmem>>) semaphore(%run_scoped3A_225 : memref<!tpu.dma_semaphore, #tpu.memory_space<semaphore_mem>>) {add = true}
        %dma_wait3A_235 = arith.constant 512 : i32
        %dma_wait3A_236 = arith.constant 0 : i32
        %dma_wait3A_237 = tpu.memref_slice %arg11[%dma_wait3A_235, %dma_wait3A_236] : memref<1024x64xf32, #tpu.memory_space<vmem>> -> memref<128x64xf32, #tpu.memory_space<vmem>>
        %dma_wait3A_238 = arith.constant 0 : i32
        %dma_wait3A_239 = tpu.memref_slice %arg9[%run_scoped3A_221, %dma_wait3A_238] : memref<8x128xi32, #tpu.memory_space<vmem>> -> memref<1x128xi32, #tpu.memory_space<vmem>>
        %dma_wait3A_240 = tpu.memref_squeeze %dma_wait3A_239 : memref<1x128xi32, #tpu.memory_space<vmem>> -> memref<128xi32, #tpu.memory_space<vmem>>
        %dma_wait3A_241 = arith.constant 0 : i32
        %dma_wait3A_242 = arith.constant 0 : i32
        %dma_wait3A_243 = tpu.memref_slice %arg12[%dma_wait3A_241, %dma_wait3A_242] : memref<10240x64xf32, #tpu.memory_space<vmem_shared>> -> memref<10240x64xf32, #tpu.memory_space<vmem_shared>>
        tpu.wait_indirect_dma semaphore(%run_scoped3A_225 : memref<!tpu.dma_semaphore, #tpu.memory_space<semaphore_mem>>) src(%dma_wait3A_237 : memref<128x64xf32, #tpu.memory_space<vmem>>) dst(%dma_wait3A_243 : memref<10240x64xf32, #tpu.memory_space<vmem_shared>>)
        tpu.yield
      }) : () -> ()
      %run_scoped3A_222 = arith.constant 5 : i32
      "tpu.region"() ({
        %run_scoped3A_225 = tpu.sem_alloc : memref<!tpu.dma_semaphore, #tpu.memory_space<semaphore_mem>>
        %dma_start3A_226 = arith.constant 640 : i32
        %dma_start3A_227 = arith.constant 0 : i32
        %dma_start3A_228 = tpu.memref_slice %arg11[%dma_start3A_226, %dma_start3A_227] : memref<1024x64xf32, #tpu.memory_space<vmem>> -> memref<128x64xf32, #tpu.memory_space<vmem>>
        %dma_start3A_229 = arith.constant 0 : i32
        %dma_start3A_230 = tpu.memref_slice %arg9[%run_scoped3A_222, %dma_start3A_229] : memref<8x128xi32, #tpu.memory_space<vmem>> -> memref<1x128xi32, #tpu.memory_space<vmem>>
        %dma_start3A_231 = tpu.memref_squeeze %dma_start3A_230 : memref<1x128xi32, #tpu.memory_space<vmem>> -> memref<128xi32, #tpu.memory_space<vmem>>
        %dma_start3A_232 = arith.constant 0 : i32
        %dma_start3A_233 = arith.constant 0 : i32
        %dma_start3A_234 = tpu.memref_slice %arg12[%dma_start3A_232, %dma_start3A_233] : memref<10240x64xf32, #tpu.memory_space<vmem_shared>> -> memref<10240x64xf32, #tpu.memory_space<vmem_shared>>
        tpu.enqueue_indirect_dma source(%dma_start3A_228 : memref<128x64xf32, #tpu.memory_space<vmem>>) target(%dma_start3A_234 : memref<10240x64xf32, #tpu.memory_space<vmem_shared>>) offsets(%dma_start3A_231 : memref<128xi32, #tpu.memory_space<vmem>>) semaphore(%run_scoped3A_225 : memref<!tpu.dma_semaphore, #tpu.memory_space<semaphore_mem>>) {add = true}
        %dma_wait3A_235 = arith.constant 640 : i32
        %dma_wait3A_236 = arith.constant 0 : i32
        %dma_wait3A_237 = tpu.memref_slice %arg11[%dma_wait3A_235, %dma_wait3A_236] : memref<1024x64xf32, #tpu.memory_space<vmem>> -> memref<128x64xf32, #tpu.memory_space<vmem>>
        %dma_wait3A_238 = arith.constant 0 : i32
        %dma_wait3A_239 = tpu.memref_slice %arg9[%run_scoped3A_222, %dma_wait3A_238] : memref<8x128xi32, #tpu.memory_space<vmem>> -> memref<1x128xi32, #tpu.memory_space<vmem>>
        %dma_wait3A_240 = tpu.memref_squeeze %dma_wait3A_239 : memref<1x128xi32, #tpu.memory_space<vmem>> -> memref<128xi32, #tpu.memory_space<vmem>>
        %dma_wait3A_241 = arith.constant 0 : i32
        %dma_wait3A_242 = arith.constant 0 : i32
        %dma_wait3A_243 = tpu.memref_slice %arg12[%dma_wait3A_241, %dma_wait3A_242] : memref<10240x64xf32, #tpu.memory_space<vmem_shared>> -> memref<10240x64xf32, #tpu.memory_space<vmem_shared>>
        tpu.wait_indirect_dma semaphore(%run_scoped3A_225 : memref<!tpu.dma_semaphore, #tpu.memory_space<semaphore_mem>>) src(%dma_wait3A_237 : memref<128x64xf32, #tpu.memory_space<vmem>>) dst(%dma_wait3A_243 : memref<10240x64xf32, #tpu.memory_space<vmem_shared>>)
        tpu.yield
      }) : () -> ()
      %run_scoped3A_223 = arith.constant 6 : i32
      "tpu.region"() ({
        %run_scoped3A_225 = tpu.sem_alloc : memref<!tpu.dma_semaphore, #tpu.memory_space<semaphore_mem>>
        %dma_start3A_226 = arith.constant 768 : i32
        %dma_start3A_227 = arith.constant 0 : i32
        %dma_start3A_228 = tpu.memref_slice %arg11[%dma_start3A_226, %dma_start3A_227] : memref<1024x64xf32, #tpu.memory_space<vmem>> -> memref<128x64xf32, #tpu.memory_space<vmem>>
        %dma_start3A_229 = arith.constant 0 : i32
        %dma_start3A_230 = tpu.memref_slice %arg9[%run_scoped3A_223, %dma_start3A_229] : memref<8x128xi32, #tpu.memory_space<vmem>> -> memref<1x128xi32, #tpu.memory_space<vmem>>
        %dma_start3A_231 = tpu.memref_squeeze %dma_start3A_230 : memref<1x128xi32, #tpu.memory_space<vmem>> -> memref<128xi32, #tpu.memory_space<vmem>>
        %dma_start3A_232 = arith.constant 0 : i32
        %dma_start3A_233 = arith.constant 0 : i32
        %dma_start3A_234 = tpu.memref_slice %arg12[%dma_start3A_232, %dma_start3A_233] : memref<10240x64xf32, #tpu.memory_space<vmem_shared>> -> memref<10240x64xf32, #tpu.memory_space<vmem_shared>>
        tpu.enqueue_indirect_dma source(%dma_start3A_228 : memref<128x64xf32, #tpu.memory_space<vmem>>) target(%dma_start3A_234 : memref<10240x64xf32, #tpu.memory_space<vmem_shared>>) offsets(%dma_start3A_231 : memref<128xi32, #tpu.memory_space<vmem>>) semaphore(%run_scoped3A_225 : memref<!tpu.dma_semaphore, #tpu.memory_space<semaphore_mem>>) {add = true}
        %dma_wait3A_235 = arith.constant 768 : i32
        %dma_wait3A_236 = arith.constant 0 : i32
        %dma_wait3A_237 = tpu.memref_slice %arg11[%dma_wait3A_235, %dma_wait3A_236] : memref<1024x64xf32, #tpu.memory_space<vmem>> -> memref<128x64xf32, #tpu.memory_space<vmem>>
        %dma_wait3A_238 = arith.constant 0 : i32
        %dma_wait3A_239 = tpu.memref_slice %arg9[%run_scoped3A_223, %dma_wait3A_238] : memref<8x128xi32, #tpu.memory_space<vmem>> -> memref<1x128xi32, #tpu.memory_space<vmem>>
        %dma_wait3A_240 = tpu.memref_squeeze %dma_wait3A_239 : memref<1x128xi32, #tpu.memory_space<vmem>> -> memref<128xi32, #tpu.memory_space<vmem>>
        %dma_wait3A_241 = arith.constant 0 : i32
        %dma_wait3A_242 = arith.constant 0 : i32
        %dma_wait3A_243 = tpu.memref_slice %arg12[%dma_wait3A_241, %dma_wait3A_242] : memref<10240x64xf32, #tpu.memory_space<vmem_shared>> -> memref<10240x64xf32, #tpu.memory_space<vmem_shared>>
        tpu.wait_indirect_dma semaphore(%run_scoped3A_225 : memref<!tpu.dma_semaphore, #tpu.memory_space<semaphore_mem>>) src(%dma_wait3A_237 : memref<128x64xf32, #tpu.memory_space<vmem>>) dst(%dma_wait3A_243 : memref<10240x64xf32, #tpu.memory_space<vmem_shared>>)
        tpu.yield
      }) : () -> ()
      %run_scoped3A_224 = arith.constant 7 : i32
      "tpu.region"() ({
        %run_scoped3A_225 = tpu.sem_alloc : memref<!tpu.dma_semaphore, #tpu.memory_space<semaphore_mem>>
        %dma_start3A_226 = arith.constant 896 : i32
        %dma_start3A_227 = arith.constant 0 : i32
        %dma_start3A_228 = tpu.memref_slice %arg11[%dma_start3A_226, %dma_start3A_227] : memref<1024x64xf32, #tpu.memory_space<vmem>> -> memref<128x64xf32, #tpu.memory_space<vmem>>
        %dma_start3A_229 = arith.constant 0 : i32
        %dma_start3A_230 = tpu.memref_slice %arg9[%run_scoped3A_224, %dma_start3A_229] : memref<8x128xi32, #tpu.memory_space<vmem>> -> memref<1x128xi32, #tpu.memory_space<vmem>>
        %dma_start3A_231 = tpu.memref_squeeze %dma_start3A_230 : memref<1x128xi32, #tpu.memory_space<vmem>> -> memref<128xi32, #tpu.memory_space<vmem>>
        %dma_start3A_232 = arith.constant 0 : i32
        %dma_start3A_233 = arith.constant 0 : i32
        %dma_start3A_234 = tpu.memref_slice %arg12[%dma_start3A_232, %dma_start3A_233] : memref<10240x64xf32, #tpu.memory_space<vmem_shared>> -> memref<10240x64xf32, #tpu.memory_space<vmem_shared>>
        tpu.enqueue_indirect_dma source(%dma_start3A_228 : memref<128x64xf32, #tpu.memory_space<vmem>>) target(%dma_start3A_234 : memref<10240x64xf32, #tpu.memory_space<vmem_shared>>) offsets(%dma_start3A_231 : memref<128xi32, #tpu.memory_space<vmem>>) semaphore(%run_scoped3A_225 : memref<!tpu.dma_semaphore, #tpu.memory_space<semaphore_mem>>) {add = true}
        %dma_wait3A_235 = arith.constant 896 : i32
        %dma_wait3A_236 = arith.constant 0 : i32
        %dma_wait3A_237 = tpu.memref_slice %arg11[%dma_wait3A_235, %dma_wait3A_236] : memref<1024x64xf32, #tpu.memory_space<vmem>> -> memref<128x64xf32, #tpu.memory_space<vmem>>
        %dma_wait3A_238 = arith.constant 0 : i32
        %dma_wait3A_239 = tpu.memref_slice %arg9[%run_scoped3A_224, %dma_wait3A_238] : memref<8x128xi32, #tpu.memory_space<vmem>> -> memref<1x128xi32, #tpu.memory_space<vmem>>
        %dma_wait3A_240 = tpu.memref_squeeze %dma_wait3A_239 : memref<1x128xi32, #tpu.memory_space<vmem>> -> memref<128xi32, #tpu.memory_space<vmem>>
        %dma_wait3A_241 = arith.constant 0 : i32
        %dma_wait3A_242 = arith.constant 0 : i32
        %dma_wait3A_243 = tpu.memref_slice %arg12[%dma_wait3A_241, %dma_wait3A_242] : memref<10240x64xf32, #tpu.memory_space<vmem_shared>> -> memref<10240x64xf32, #tpu.memory_space<vmem_shared>>
        tpu.wait_indirect_dma semaphore(%run_scoped3A_225 : memref<!tpu.dma_semaphore, #tpu.memory_space<semaphore_mem>>) src(%dma_wait3A_237 : memref<128x64xf32, #tpu.memory_space<vmem>>) dst(%dma_wait3A_243 : memref<10240x64xf32, #tpu.memory_space<vmem_shared>>)
        tpu.yield
      }) : () -> ()
    }
    %scan3A_11 = arith.constant 20 : i32
    %barrier3A_12 = arith.constant 0 : index
    tpu.barrier barrier_id(%barrier3A_12)
    %mul3A_13 = arith.constant 640 : i32
    %mul3A_14 = arith.muli %arg1, %mul3A_13 : i32
    %mul3A_15 = arith.constant 640 : i32
    %mul3A_16 = arith.muli %arg1, %mul3A_15 : i32
    %add3A = arith.addi %mul3A_0, %mul3A_16 : i32
    "tpu.region"() ({
      %run_scoped3A = tpu.sem_alloc : memref<!tpu.dma_semaphore, #tpu.memory_space<semaphore_mem>>
      %dma_start3A = arith.constant 0 : i32
      %dma_start3A_38 = tpu.memref_slice %arg6[%add3A, %dma_start3A] : memref<20480x64xf32, #tpu.memory_space<hbm>> -> memref<640x64xf32, #tpu.memory_space<hbm>>
      %dma_start3A_39 = arith.constant 0 : i32
      %dma_start3A_40 = tpu.memref_slice %arg12[%mul3A_14, %dma_start3A_39] : memref<10240x64xf32, #tpu.memory_space<vmem_shared>> -> memref<640x64xf32, #tpu.memory_space<vmem_shared>>
      tpu.enqueue_dma source(%dma_start3A_40 : memref<640x64xf32, #tpu.memory_space<vmem_shared>>) target(%dma_start3A_38 : memref<640x64xf32, #tpu.memory_space<hbm>>) target_semaphore(%run_scoped3A : memref<!tpu.dma_semaphore, #tpu.memory_space<semaphore_mem>>)
      %dma_wait3A = arith.constant 0 : i32
      %dma_wait3A_41 = tpu.memref_slice %arg6[%add3A, %dma_wait3A] : memref<20480x64xf32, #tpu.memory_space<hbm>> -> memref<640x64xf32, #tpu.memory_space<hbm>>
      %dma_wait3A_42 = arith.constant 0 : i32
      %dma_wait3A_43 = tpu.memref_slice %arg12[%mul3A_14, %dma_wait3A_42] : memref<10240x64xf32, #tpu.memory_space<vmem_shared>> -> memref<640x64xf32, #tpu.memory_space<vmem_shared>>
      tpu.wait_dma2 semaphore(%run_scoped3A : memref<!tpu.dma_semaphore, #tpu.memory_space<semaphore_mem>>) src(%dma_wait3A_43 : memref<640x64xf32, #tpu.memory_space<vmem_shared>>) dst(%dma_wait3A_41 : memref<640x64xf32, #tpu.memory_space<hbm>>)
      tpu.yield
    }) : () -> ()
    %barrier3A_17 = arith.constant 0 : index
    tpu.barrier barrier_id(%barrier3A_17)
    %scan3A_18 = arith.constant 0 : i32
    %scan3A_19 = arith.constant 640 : i32
    %scan3A_20 = arith.addi %scan3A_18, %scan3A_19 : i32
    %scan3A_21 = arith.constant 1 : i32
    scf.for %scan3A_38 = %scan3A_18 to %scan3A_20 step %scan3A_21  : i32 {
      %mul3A_39 = arith.constant 1 : i32
      %mul3A_40 = arith.muli %scan3A_38, %mul3A_39 : i32
      %add3A_41 = arith.constant 0 : i32
      %add3A_42 = arith.addi %add3A_41, %mul3A_40 : i32
      %broadcast_in_dim3A = arith.constant 0.000000e+00 : f32
      %broadcast_in_dim3A_43 = vector.broadcast %broadcast_in_dim3A : f32 to vector<16xf32>
      %swap3A = arith.index_cast %add3A_42 : i32 to index
      %swap3A_44 = arith.constant 0 : index
      %swap3A_45 = tpu.vector_load %arg11[%swap3A, %swap3A_44] {strides = array<i32>} : memref<1024x64xf32, #tpu.memory_space<vmem>>, vector<1x16xf32>,
      %swap3A_46 = vector.shape_cast %swap3A_45 : vector<1x16xf32> to vector<16xf32>
      %swap3A_47 = vector.shape_cast %broadcast_in_dim3A_43 : vector<16xf32> to vector<1x16xf32>
      tpu.vector_store %arg11[%swap3A, %swap3A_44], %swap3A_47 {strides = array<i32>} : memref<1024x64xf32, #tpu.memory_space<vmem>>, vector<1x16xf32>,
      %broadcast_in_dim3A_48 = arith.constant 0.000000e+00 : f32
      %broadcast_in_dim3A_49 = vector.broadcast %broadcast_in_dim3A_48 : f32 to vector<16xf32>
      %swap3A_50 = arith.index_cast %add3A_42 : i32 to index
      %swap3A_51 = arith.constant 16 : index
      %swap3A_52 = tpu.vector_load %arg11[%swap3A_50, %swap3A_51] {strides = array<i32>} : memref<1024x64xf32, #tpu.memory_space<vmem>>, vector<1x16xf32>,
      %swap3A_53 = vector.shape_cast %swap3A_52 : vector<1x16xf32> to vector<16xf32>
      %swap3A_54 = vector.shape_cast %broadcast_in_dim3A_49 : vector<16xf32> to vector<1x16xf32>
      tpu.vector_store %arg11[%swap3A_50, %swap3A_51], %swap3A_54 {strides = array<i32>} : memref<1024x64xf32, #tpu.memory_space<vmem>>, vector<1x16xf32>,
      %broadcast_in_dim3A_55 = arith.constant 0.000000e+00 : f32
      %broadcast_in_dim3A_56 = vector.broadcast %broadcast_in_dim3A_55 : f32 to vector<16xf32>
      %swap3A_57 = arith.index_cast %add3A_42 : i32 to index
      %swap3A_58 = arith.constant 32 : index
      %swap3A_59 = tpu.vector_load %arg11[%swap3A_57, %swap3A_58] {strides = array<i32>} : memref<1024x64xf32, #tpu.memory_space<vmem>>, vector<1x16xf32>,
      %swap3A_60 = vector.shape_cast %swap3A_59 : vector<1x16xf32> to vector<16xf32>
      %swap3A_61 = vector.shape_cast %broadcast_in_dim3A_56 : vector<16xf32> to vector<1x16xf32>
      tpu.vector_store %arg11[%swap3A_57, %swap3A_58], %swap3A_61 {strides = array<i32>} : memref<1024x64xf32, #tpu.memory_space<vmem>>, vector<1x16xf32>,
      %broadcast_in_dim3A_62 = arith.constant 0.000000e+00 : f32
      %broadcast_in_dim3A_63 = vector.broadcast %broadcast_in_dim3A_62 : f32 to vector<16xf32>
      %swap3A_64 = arith.index_cast %add3A_42 : i32 to index
      %swap3A_65 = arith.constant 48 : index
      %swap3A_66 = tpu.vector_load %arg11[%swap3A_64, %swap3A_65] {strides = array<i32>} : memref<1024x64xf32, #tpu.memory_space<vmem>>, vector<1x16xf32>,
      %swap3A_67 = vector.shape_cast %swap3A_66 : vector<1x16xf32> to vector<16xf32>
      %swap3A_68 = vector.shape_cast %broadcast_in_dim3A_63 : vector<16xf32> to vector<1x16xf32>
      tpu.vector_store %arg11[%swap3A_64, %swap3A_65], %swap3A_68 {strides = array<i32>} : memref<1024x64xf32, #tpu.memory_space<vmem>>, vector<1x16xf32>,
    }
    %scan3A_22 = arith.constant 640 : i32
    %mul3A_23 = arith.constant 640 : i32
    %mul3A_24 = arith.muli %arg1, %mul3A_23 : i32
    "tpu.region"() ({
      %run_scoped3A = tpu.sem_alloc : memref<!tpu.dma_semaphore, #tpu.memory_space<semaphore_mem>>
      %dma_start3A = arith.constant 0 : i32
      %dma_start3A_38 = arith.constant 0 : i32
      %dma_start3A_39 = tpu.memref_slice %arg11[%dma_start3A, %dma_start3A_38] : memref<1024x64xf32, #tpu.memory_space<vmem>> -> memref<640x64xf32, #tpu.memory_space<vmem>>
      %dma_start3A_40 = arith.constant 0 : i32
      %dma_start3A_41 = tpu.memref_slice %arg12[%mul3A_24, %dma_start3A_40] : memref<10240x64xf32, #tpu.memory_space<vmem_shared>> -> memref<640x64xf32, #tpu.memory_space<vmem_shared>>
      %dma_start3A_42 = arith.constant 0 : i32
      %dma_start3A_43 = tpu.memref_slice %arg12[%mul3A_24, %dma_start3A_42] : memref<10240x64xf32, #tpu.memory_space<vmem_shared>> -> memref<640x64xf32, #tpu.memory_space<vmem_shared>>
      %dma_start3A_44 = arith.constant 0 : i32
      %dma_start3A_45 = arith.constant 0 : i32
      %dma_start3A_46 = tpu.memref_slice %arg11[%dma_start3A_44, %dma_start3A_45] : memref<1024x64xf32, #tpu.memory_space<vmem>> -> memref<640x64xf32, #tpu.memory_space<vmem>>
      tpu.enqueue_dma source(%dma_start3A_46 : memref<640x64xf32, #tpu.memory_space<vmem>>) target(%dma_start3A_43 : memref<640x64xf32, #tpu.memory_space<vmem_shared>>) target_semaphore(%run_scoped3A : memref<!tpu.dma_semaphore, #tpu.memory_space<semaphore_mem>>)
      %dma_wait3A = arith.constant 0 : i32
      %dma_wait3A_47 = arith.constant 0 : i32
      %dma_wait3A_48 = tpu.memref_slice %arg11[%dma_wait3A, %dma_wait3A_47] : memref<1024x64xf32, #tpu.memory_space<vmem>> -> memref<640x64xf32, #tpu.memory_space<vmem>>
      %dma_wait3A_49 = arith.constant 0 : i32
      %dma_wait3A_50 = tpu.memref_slice %arg12[%mul3A_24, %dma_wait3A_49] : memref<10240x64xf32, #tpu.memory_space<vmem_shared>> -> memref<640x64xf32, #tpu.memory_space<vmem_shared>>
      %dma_wait3A_51 = arith.constant 0 : i32
      %dma_wait3A_52 = tpu.memref_slice %arg12[%mul3A_24, %dma_wait3A_51] : memref<10240x64xf32, #tpu.memory_space<vmem_shared>> -> memref<640x64xf32, #tpu.memory_space<vmem_shared>>
      %dma_wait3A_53 = arith.constant 0 : i32
      %dma_wait3A_54 = arith.constant 0 : i32
      %dma_wait3A_55 = tpu.memref_slice %arg11[%dma_wait3A_53, %dma_wait3A_54] : memref<1024x64xf32, #tpu.memory_space<vmem>> -> memref<640x64xf32, #tpu.memory_space<vmem>>
      tpu.wait_dma2 semaphore(%run_scoped3A : memref<!tpu.dma_semaphore, #tpu.memory_space<semaphore_mem>>) src(%dma_wait3A_55 : memref<640x64xf32, #tpu.memory_space<vmem>>) dst(%dma_wait3A_52 : memref<640x64xf32, #tpu.memory_space<vmem_shared>>)
      tpu.yield
    }) : () -> ()
    %barrier3A_25 = arith.constant 0 : index
    tpu.barrier barrier_id(%barrier3A_25)
    %scan3A_26 = arith.constant 0 : i32
    %scan3A_27 = arith.constant 20 : i32
    %scan3A_28 = arith.addi %scan3A_26, %scan3A_27 : i32
    %scan3A_29 = arith.constant 1 : i32
    scf.for %scan3A_38 = %scan3A_26 to %scan3A_28 step %scan3A_29  : i32 {
      %mul3A_39 = arith.constant 1 : i32
      %mul3A_40 = arith.muli %scan3A_38, %mul3A_39 : i32
      %add3A_41 = arith.constant 0 : i32
      %add3A_42 = arith.addi %add3A_41, %mul3A_40 : i32
      %mul3A_43 = arith.constant 20 : i32
      %mul3A_44 = arith.muli %arg1, %mul3A_43 : i32
      %add3A_45 = arith.addi %mul3A_44, %add3A_42 : i32
      %mul3A_46 = arith.constant 8 : i32
      %mul3A_47 = arith.muli %add3A_45, %mul3A_46 : i32
      "tpu.region"() ({
        %run_scoped3A_225 = tpu.sem_alloc : memref<!tpu.dma_semaphore, #tpu.memory_space<semaphore_mem>>
        %dma_start3A_226 = arith.constant 0 : i32
        %dma_start3A_227 = tpu.memref_slice %arg3[%mul3A_47, %dma_start3A_226] : memref<2560x128xi32, #tpu.memory_space<hbm>> -> memref<8x128xi32, #tpu.memory_space<hbm>>
        %dma_start3A_228 = arith.constant 0 : i32
        %dma_start3A_229 = tpu.memref_slice %arg3[%mul3A_47, %dma_start3A_228] : memref<2560x128xi32, #tpu.memory_space<hbm>> -> memref<8x128xi32, #tpu.memory_space<hbm>>
        tpu.enqueue_dma source(%dma_start3A_229 : memref<8x128xi32, #tpu.memory_space<hbm>>) target(%arg8 : memref<8x128xi32, #tpu.memory_space<vmem>>) target_semaphore(%run_scoped3A_225 : memref<!tpu.dma_semaphore, #tpu.memory_space<semaphore_mem>>)
        %dma_wait3A_230 = arith.constant 0 : i32
        %dma_wait3A_231 = tpu.memref_slice %arg3[%mul3A_47, %dma_wait3A_230] : memref<2560x128xi32, #tpu.memory_space<hbm>> -> memref<8x128xi32, #tpu.memory_space<hbm>>
        %dma_wait3A_232 = arith.constant 0 : i32
        %dma_wait3A_233 = tpu.memref_slice %arg3[%mul3A_47, %dma_wait3A_232] : memref<2560x128xi32, #tpu.memory_space<hbm>> -> memref<8x128xi32, #tpu.memory_space<hbm>>
        tpu.wait_dma2 semaphore(%run_scoped3A_225 : memref<!tpu.dma_semaphore, #tpu.memory_space<semaphore_mem>>) src(%dma_wait3A_233 : memref<8x128xi32, #tpu.memory_space<hbm>>) dst(%arg8 : memref<8x128xi32, #tpu.memory_space<vmem>>)
        tpu.yield
      }) : () -> ()
      "tpu.region"() ({
        %run_scoped3A_225 = tpu.sem_alloc : memref<!tpu.dma_semaphore, #tpu.memory_space<semaphore_mem>>
        %dma_start3A_226 = arith.constant 0 : i32
        %dma_start3A_227 = tpu.memref_slice %arg4[%mul3A_47, %dma_start3A_226] : memref<2560x128xi32, #tpu.memory_space<hbm>> -> memref<8x128xi32, #tpu.memory_space<hbm>>
        %dma_start3A_228 = arith.constant 0 : i32
        %dma_start3A_229 = tpu.memref_slice %arg4[%mul3A_47, %dma_start3A_228] : memref<2560x128xi32, #tpu.memory_space<hbm>> -> memref<8x128xi32, #tpu.memory_space<hbm>>
        tpu.enqueue_dma source(%dma_start3A_229 : memref<8x128xi32, #tpu.memory_space<hbm>>) target(%arg9 : memref<8x128xi32, #tpu.memory_space<vmem>>) target_semaphore(%run_scoped3A_225 : memref<!tpu.dma_semaphore, #tpu.memory_space<semaphore_mem>>)
        %dma_wait3A_230 = arith.constant 0 : i32
        %dma_wait3A_231 = tpu.memref_slice %arg4[%mul3A_47, %dma_wait3A_230] : memref<2560x128xi32, #tpu.memory_space<hbm>> -> memref<8x128xi32, #tpu.memory_space<hbm>>
        %dma_wait3A_232 = arith.constant 0 : i32
        %dma_wait3A_233 = tpu.memref_slice %arg4[%mul3A_47, %dma_wait3A_232] : memref<2560x128xi32, #tpu.memory_space<hbm>> -> memref<8x128xi32, #tpu.memory_space<hbm>>
        tpu.wait_dma2 semaphore(%run_scoped3A_225 : memref<!tpu.dma_semaphore, #tpu.memory_space<semaphore_mem>>) src(%dma_wait3A_233 : memref<8x128xi32, #tpu.memory_space<hbm>>) dst(%arg9 : memref<8x128xi32, #tpu.memory_space<vmem>>)
        tpu.yield
      }) : () -> ()
      %mul3A_48 = arith.constant 128 : i32
      %mul3A_49 = arith.muli %mul3A_47, %mul3A_48 : i32
      "tpu.region"() ({
        %run_scoped3A_225 = tpu.sem_alloc : memref<!tpu.dma_semaphore, #tpu.memory_space<semaphore_mem>>
        %dma_start3A_226 = tpu.memref_slice %arg5[%mul3A_49] : memref<327680xf32, #tpu.memory_space<hbm>> -> memref<1024xf32, #tpu.memory_space<hbm>>
        %dma_start3A_227 = tpu.memref_slice %arg5[%mul3A_49] : memref<327680xf32, #tpu.memory_space<hbm>> -> memref<1024xf32, #tpu.memory_space<hbm>>
        tpu.enqueue_dma source(%dma_start3A_227 : memref<1024xf32, #tpu.memory_space<hbm>>) target(%arg10 : memref<1024xf32, #tpu.memory_space<vmem>>) target_semaphore(%run_scoped3A_225 : memref<!tpu.dma_semaphore, #tpu.memory_space<semaphore_mem>>)
        %dma_wait3A_228 = tpu.memref_slice %arg5[%mul3A_49] : memref<327680xf32, #tpu.memory_space<hbm>> -> memref<1024xf32, #tpu.memory_space<hbm>>
        %dma_wait3A_229 = tpu.memref_slice %arg5[%mul3A_49] : memref<327680xf32, #tpu.memory_space<hbm>> -> memref<1024xf32, #tpu.memory_space<hbm>>
        tpu.wait_dma2 semaphore(%run_scoped3A_225 : memref<!tpu.dma_semaphore, #tpu.memory_space<semaphore_mem>>) src(%dma_wait3A_229 : memref<1024xf32, #tpu.memory_space<hbm>>) dst(%arg10 : memref<1024xf32, #tpu.memory_space<vmem>>)
        tpu.yield
      }) : () -> ()
      %scan3A_50 = arith.constant 0 : i32
      %scan3A_51 = arith.constant 8 : i32
      %scan3A_52 = arith.addi %scan3A_50, %scan3A_51 : i32
      %scan3A_53 = arith.constant 1 : i32
      scf.for %scan3A_225 = %scan3A_50 to %scan3A_52 step %scan3A_53  : i32 {
        %mul3A_226 = arith.constant 1 : i32
        %mul3A_227 = arith.muli %scan3A_225, %mul3A_226 : i32
        %add3A_228 = arith.constant 0 : i32
        %add3A_229 = arith.addi %add3A_228, %mul3A_227 : i32
        %get3A = arith.index_cast %add3A_229 : i32 to index
        %get3A_230 = arith.constant 0 : index
        %get3A_231 = tpu.vector_load %arg8[%get3A, %get3A_230] {strides = array<i32>} : memref<8x128xi32, #tpu.memory_space<vmem>>, vector<1x16xi32>,
        %get3A_232 = vector.shape_cast %get3A_231 : vector<1x16xi32> to vector<16xi32>
        %add3A_233 = vector.broadcast %mul3A_0 : i32 to vector<16xi32>
        %add3A_234 = arith.addi %get3A_232, %add3A_233 : vector<16xi32>
        %swap3A = arith.index_cast %add3A_229 : i32 to index
        %swap3A_235 = arith.constant 0 : index
        %swap3A_236 = tpu.vector_load %arg8[%swap3A, %swap3A_235] {strides = array<i32>} : memref<8x128xi32, #tpu.memory_space<vmem>>, vector<1x16xi32>,
        %swap3A_237 = vector.shape_cast %swap3A_236 : vector<1x16xi32> to vector<16xi32>
        %swap3A_238 = vector.shape_cast %add3A_234 : vector<16xi32> to vector<1x16xi32>
        tpu.vector_store %arg8[%swap3A, %swap3A_235], %swap3A_238 {strides = array<i32>} : memref<8x128xi32, #tpu.memory_space<vmem>>, vector<1x16xi32>,
        %get3A_239 = arith.index_cast %add3A_229 : i32 to index
        %get3A_240 = arith.constant 16 : index
        %get3A_241 = tpu.vector_load %arg8[%get3A_239, %get3A_240] {strides = array<i32>} : memref<8x128xi32, #tpu.memory_space<vmem>>, vector<1x16xi32>,
        %get3A_242 = vector.shape_cast %get3A_241 : vector<1x16xi32> to vector<16xi32>
        %add3A_243 = vector.broadcast %mul3A_0 : i32 to vector<16xi32>
        %add3A_244 = arith.addi %get3A_242, %add3A_243 : vector<16xi32>
        %swap3A_245 = arith.index_cast %add3A_229 : i32 to index
        %swap3A_246 = arith.constant 16 : index
        %swap3A_247 = tpu.vector_load %arg8[%swap3A_245, %swap3A_246] {strides = array<i32>} : memref<8x128xi32, #tpu.memory_space<vmem>>, vector<1x16xi32>,
        %swap3A_248 = vector.shape_cast %swap3A_247 : vector<1x16xi32> to vector<16xi32>
        %swap3A_249 = vector.shape_cast %add3A_244 : vector<16xi32> to vector<1x16xi32>
        tpu.vector_store %arg8[%swap3A_245, %swap3A_246], %swap3A_249 {strides = array<i32>} : memref<8x128xi32, #tpu.memory_space<vmem>>, vector<1x16xi32>,
        %get3A_250 = arith.index_cast %add3A_229 : i32 to index
        %get3A_251 = arith.constant 32 : index
        %get3A_252 = tpu.vector_load %arg8[%get3A_250, %get3A_251] {strides = array<i32>} : memref<8x128xi32, #tpu.memory_space<vmem>>, vector<1x16xi32>,
        %get3A_253 = vector.shape_cast %get3A_252 : vector<1x16xi32> to vector<16xi32>
        %add3A_254 = vector.broadcast %mul3A_0 : i32 to vector<16xi32>
        %add3A_255 = arith.addi %get3A_253, %add3A_254 : vector<16xi32>
        %swap3A_256 = arith.index_cast %add3A_229 : i32 to index
        %swap3A_257 = arith.constant 32 : index
        %swap3A_258 = tpu.vector_load %arg8[%swap3A_256, %swap3A_257] {strides = array<i32>} : memref<8x128xi32, #tpu.memory_space<vmem>>, vector<1x16xi32>,
        %swap3A_259 = vector.shape_cast %swap3A_258 : vector<1x16xi32> to vector<16xi32>
        %swap3A_260 = vector.shape_cast %add3A_255 : vector<16xi32> to vector<1x16xi32>
        tpu.vector_store %arg8[%swap3A_256, %swap3A_257], %swap3A_260 {strides = array<i32>} : memref<8x128xi32, #tpu.memory_space<vmem>>, vector<1x16xi32>,
        %get3A_261 = arith.index_cast %add3A_229 : i32 to index
        %get3A_262 = arith.constant 48 : index
        %get3A_263 = tpu.vector_load %arg8[%get3A_261, %get3A_262] {strides = array<i32>} : memref<8x128xi32, #tpu.memory_space<vmem>>, vector<1x16xi32>,
        %get3A_264 = vector.shape_cast %get3A_263 : vector<1x16xi32> to vector<16xi32>
        %add3A_265 = vector.broadcast %mul3A_0 : i32 to vector<16xi32>
        %add3A_266 = arith.addi %get3A_264, %add3A_265 : vector<16xi32>
        %swap3A_267 = arith.index_cast %add3A_229 : i32 to index
        %swap3A_268 = arith.constant 48 : index
        %swap3A_269 = tpu.vector_load %arg8[%swap3A_267, %swap3A_268] {strides = array<i32>} : memref<8x128xi32, #tpu.memory_space<vmem>>, vector<1x16xi32>,
        %swap3A_270 = vector.shape_cast %swap3A_269 : vector<1x16xi32> to vector<16xi32>
        %swap3A_271 = vector.shape_cast %add3A_266 : vector<16xi32> to vector<1x16xi32>
        tpu.vector_store %arg8[%swap3A_267, %swap3A_268], %swap3A_271 {strides = array<i32>} : memref<8x128xi32, #tpu.memory_space<vmem>>, vector<1x16xi32>,
        %get3A_272 = arith.index_cast %add3A_229 : i32 to index
        %get3A_273 = arith.constant 64 : index
        %get3A_274 = tpu.vector_load %arg8[%get3A_272, %get3A_273] {strides = array<i32>} : memref<8x128xi32, #tpu.memory_space<vmem>>, vector<1x16xi32>,
        %get3A_275 = vector.shape_cast %get3A_274 : vector<1x16xi32> to vector<16xi32>
        %add3A_276 = vector.broadcast %mul3A_0 : i32 to vector<16xi32>
        %add3A_277 = arith.addi %get3A_275, %add3A_276 : vector<16xi32>
        %swap3A_278 = arith.index_cast %add3A_229 : i32 to index
        %swap3A_279 = arith.constant 64 : index
        %swap3A_280 = tpu.vector_load %arg8[%swap3A_278, %swap3A_279] {strides = array<i32>} : memref<8x128xi32, #tpu.memory_space<vmem>>, vector<1x16xi32>,
        %swap3A_281 = vector.shape_cast %swap3A_280 : vector<1x16xi32> to vector<16xi32>
        %swap3A_282 = vector.shape_cast %add3A_277 : vector<16xi32> to vector<1x16xi32>
        tpu.vector_store %arg8[%swap3A_278, %swap3A_279], %swap3A_282 {strides = array<i32>} : memref<8x128xi32, #tpu.memory_space<vmem>>, vector<1x16xi32>,
        %get3A_283 = arith.index_cast %add3A_229 : i32 to index
        %get3A_284 = arith.constant 80 : index
        %get3A_285 = tpu.vector_load %arg8[%get3A_283, %get3A_284] {strides = array<i32>} : memref<8x128xi32, #tpu.memory_space<vmem>>, vector<1x16xi32>,
        %get3A_286 = vector.shape_cast %get3A_285 : vector<1x16xi32> to vector<16xi32>
        %add3A_287 = vector.broadcast %mul3A_0 : i32 to vector<16xi32>
        %add3A_288 = arith.addi %get3A_286, %add3A_287 : vector<16xi32>
        %swap3A_289 = arith.index_cast %add3A_229 : i32 to index
        %swap3A_290 = arith.constant 80 : index
        %swap3A_291 = tpu.vector_load %arg8[%swap3A_289, %swap3A_290] {strides = array<i32>} : memref<8x128xi32, #tpu.memory_space<vmem>>, vector<1x16xi32>,
        %swap3A_292 = vector.shape_cast %swap3A_291 : vector<1x16xi32> to vector<16xi32>
        %swap3A_293 = vector.shape_cast %add3A_288 : vector<16xi32> to vector<1x16xi32>
        tpu.vector_store %arg8[%swap3A_289, %swap3A_290], %swap3A_293 {strides = array<i32>} : memref<8x128xi32, #tpu.memory_space<vmem>>, vector<1x16xi32>,
        %get3A_294 = arith.index_cast %add3A_229 : i32 to index
        %get3A_295 = arith.constant 96 : index
        %get3A_296 = tpu.vector_load %arg8[%get3A_294, %get3A_295] {strides = array<i32>} : memref<8x128xi32, #tpu.memory_space<vmem>>, vector<1x16xi32>,
        %get3A_297 = vector.shape_cast %get3A_296 : vector<1x16xi32> to vector<16xi32>
        %add3A_298 = vector.broadcast %mul3A_0 : i32 to vector<16xi32>
        %add3A_299 = arith.addi %get3A_297, %add3A_298 : vector<16xi32>
        %swap3A_300 = arith.index_cast %add3A_229 : i32 to index
        %swap3A_301 = arith.constant 96 : index
        %swap3A_302 = tpu.vector_load %arg8[%swap3A_300, %swap3A_301] {strides = array<i32>} : memref<8x128xi32, #tpu.memory_space<vmem>>, vector<1x16xi32>,
        %swap3A_303 = vector.shape_cast %swap3A_302 : vector<1x16xi32> to vector<16xi32>
        %swap3A_304 = vector.shape_cast %add3A_299 : vector<16xi32> to vector<1x16xi32>
        tpu.vector_store %arg8[%swap3A_300, %swap3A_301], %swap3A_304 {strides = array<i32>} : memref<8x128xi32, #tpu.memory_space<vmem>>, vector<1x16xi32>,
        %get3A_305 = arith.index_cast %add3A_229 : i32 to index
        %get3A_306 = arith.constant 112 : index
        %get3A_307 = tpu.vector_load %arg8[%get3A_305, %get3A_306] {strides = array<i32>} : memref<8x128xi32, #tpu.memory_space<vmem>>, vector<1x16xi32>,
        %get3A_308 = vector.shape_cast %get3A_307 : vector<1x16xi32> to vector<16xi32>
        %add3A_309 = vector.broadcast %mul3A_0 : i32 to vector<16xi32>
        %add3A_310 = arith.addi %get3A_308, %add3A_309 : vector<16xi32>
        %swap3A_311 = arith.index_cast %add3A_229 : i32 to index
        %swap3A_312 = arith.constant 112 : index
        %swap3A_313 = tpu.vector_load %arg8[%swap3A_311, %swap3A_312] {strides = array<i32>} : memref<8x128xi32, #tpu.memory_space<vmem>>, vector<1x16xi32>,
        %swap3A_314 = vector.shape_cast %swap3A_313 : vector<1x16xi32> to vector<16xi32>
        %swap3A_315 = vector.shape_cast %add3A_310 : vector<16xi32> to vector<1x16xi32>
        tpu.vector_store %arg8[%swap3A_311, %swap3A_312], %swap3A_315 {strides = array<i32>} : memref<8x128xi32, #tpu.memory_space<vmem>>, vector<1x16xi32>,
      }
      %scan3A_54 = arith.constant 8 : i32
      %dma_start3A = arith.constant 0 : i32
      %dma_start3A_55 = arith.constant 0 : i32
      %dma_start3A_56 = arith.constant 0 : i32
      %dma_start3A_57 = tpu.memref_slice %arg11[%dma_start3A_55, %dma_start3A_56] : memref<1024x64xf32, #tpu.memory_space<vmem>> -> memref<128x64xf32, #tpu.memory_space<vmem>>
      %dma_start3A_58 = arith.constant 0 : i32
      %dma_start3A_59 = tpu.memref_slice %arg8[%dma_start3A, %dma_start3A_58] : memref<8x128xi32, #tpu.memory_space<vmem>> -> memref<1x128xi32, #tpu.memory_space<vmem>>
      %dma_start3A_60 = tpu.memref_squeeze %dma_start3A_59 : memref<1x128xi32, #tpu.memory_space<vmem>> -> memref<128xi32, #tpu.memory_space<vmem>>
      %dma_start3A_61 = arith.constant 0 : i32
      %dma_start3A_62 = arith.constant 0 : i32
      %dma_start3A_63 = tpu.memref_slice %arg6[%dma_start3A_61, %dma_start3A_62] : memref<20480x64xf32, #tpu.memory_space<hbm>> -> memref<20480x64xf32, #tpu.memory_space<hbm>>
      tpu.enqueue_indirect_dma source(%dma_start3A_63 : memref<20480x64xf32, #tpu.memory_space<hbm>>) target(%dma_start3A_57 : memref<128x64xf32, #tpu.memory_space<vmem>>) offsets(%dma_start3A_60 : memref<128xi32, #tpu.memory_space<vmem>>) semaphore(%arg13 : memref<!tpu.dma_semaphore, #tpu.memory_space<semaphore_mem>>)
      %dma_start3A_64 = arith.constant 1 : i32
      %dma_start3A_65 = arith.constant 128 : i32
      %dma_start3A_66 = arith.constant 0 : i32
      %dma_start3A_67 = tpu.memref_slice %arg11[%dma_start3A_65, %dma_start3A_66] : memref<1024x64xf32, #tpu.memory_space<vmem>> -> memref<128x64xf32, #tpu.memory_space<vmem>>
      %dma_start3A_68 = arith.constant 0 : i32
      %dma_start3A_69 = tpu.memref_slice %arg8[%dma_start3A_64, %dma_start3A_68] : memref<8x128xi32, #tpu.memory_space<vmem>> -> memref<1x128xi32, #tpu.memory_space<vmem>>
      %dma_start3A_70 = tpu.memref_squeeze %dma_start3A_69 : memref<1x128xi32, #tpu.memory_space<vmem>> -> memref<128xi32, #tpu.memory_space<vmem>>
      %dma_start3A_71 = arith.constant 0 : i32
      %dma_start3A_72 = arith.constant 0 : i32
      %dma_start3A_73 = tpu.memref_slice %arg6[%dma_start3A_71, %dma_start3A_72] : memref<20480x64xf32, #tpu.memory_space<hbm>> -> memref<20480x64xf32, #tpu.memory_space<hbm>>
      tpu.enqueue_indirect_dma source(%dma_start3A_73 : memref<20480x64xf32, #tpu.memory_space<hbm>>) target(%dma_start3A_67 : memref<128x64xf32, #tpu.memory_space<vmem>>) offsets(%dma_start3A_70 : memref<128xi32, #tpu.memory_space<vmem>>) semaphore(%arg13 : memref<!tpu.dma_semaphore, #tpu.memory_space<semaphore_mem>>)
      %dma_start3A_74 = arith.constant 2 : i32
      %dma_start3A_75 = arith.constant 256 : i32
      %dma_start3A_76 = arith.constant 0 : i32
      %dma_start3A_77 = tpu.memref_slice %arg11[%dma_start3A_75, %dma_start3A_76] : memref<1024x64xf32, #tpu.memory_space<vmem>> -> memref<128x64xf32, #tpu.memory_space<vmem>>
      %dma_start3A_78 = arith.constant 0 : i32
      %dma_start3A_79 = tpu.memref_slice %arg8[%dma_start3A_74, %dma_start3A_78] : memref<8x128xi32, #tpu.memory_space<vmem>> -> memref<1x128xi32, #tpu.memory_space<vmem>>
      %dma_start3A_80 = tpu.memref_squeeze %dma_start3A_79 : memref<1x128xi32, #tpu.memory_space<vmem>> -> memref<128xi32, #tpu.memory_space<vmem>>
      %dma_start3A_81 = arith.constant 0 : i32
      %dma_start3A_82 = arith.constant 0 : i32
      %dma_start3A_83 = tpu.memref_slice %arg6[%dma_start3A_81, %dma_start3A_82] : memref<20480x64xf32, #tpu.memory_space<hbm>> -> memref<20480x64xf32, #tpu.memory_space<hbm>>
      tpu.enqueue_indirect_dma source(%dma_start3A_83 : memref<20480x64xf32, #tpu.memory_space<hbm>>) target(%dma_start3A_77 : memref<128x64xf32, #tpu.memory_space<vmem>>) offsets(%dma_start3A_80 : memref<128xi32, #tpu.memory_space<vmem>>) semaphore(%arg13 : memref<!tpu.dma_semaphore, #tpu.memory_space<semaphore_mem>>)
      %dma_start3A_84 = arith.constant 3 : i32
      %dma_start3A_85 = arith.constant 384 : i32
      %dma_start3A_86 = arith.constant 0 : i32
      %dma_start3A_87 = tpu.memref_slice %arg11[%dma_start3A_85, %dma_start3A_86] : memref<1024x64xf32, #tpu.memory_space<vmem>> -> memref<128x64xf32, #tpu.memory_space<vmem>>
      %dma_start3A_88 = arith.constant 0 : i32
      %dma_start3A_89 = tpu.memref_slice %arg8[%dma_start3A_84, %dma_start3A_88] : memref<8x128xi32, #tpu.memory_space<vmem>> -> memref<1x128xi32, #tpu.memory_space<vmem>>
      %dma_start3A_90 = tpu.memref_squeeze %dma_start3A_89 : memref<1x128xi32, #tpu.memory_space<vmem>> -> memref<128xi32, #tpu.memory_space<vmem>>
      %dma_start3A_91 = arith.constant 0 : i32
      %dma_start3A_92 = arith.constant 0 : i32
      %dma_start3A_93 = tpu.memref_slice %arg6[%dma_start3A_91, %dma_start3A_92] : memref<20480x64xf32, #tpu.memory_space<hbm>> -> memref<20480x64xf32, #tpu.memory_space<hbm>>
      tpu.enqueue_indirect_dma source(%dma_start3A_93 : memref<20480x64xf32, #tpu.memory_space<hbm>>) target(%dma_start3A_87 : memref<128x64xf32, #tpu.memory_space<vmem>>) offsets(%dma_start3A_90 : memref<128xi32, #tpu.memory_space<vmem>>) semaphore(%arg13 : memref<!tpu.dma_semaphore, #tpu.memory_space<semaphore_mem>>)
      %dma_start3A_94 = arith.constant 4 : i32
      %dma_start3A_95 = arith.constant 512 : i32
      %dma_start3A_96 = arith.constant 0 : i32
      %dma_start3A_97 = tpu.memref_slice %arg11[%dma_start3A_95, %dma_start3A_96] : memref<1024x64xf32, #tpu.memory_space<vmem>> -> memref<128x64xf32, #tpu.memory_space<vmem>>
      %dma_start3A_98 = arith.constant 0 : i32
      %dma_start3A_99 = tpu.memref_slice %arg8[%dma_start3A_94, %dma_start3A_98] : memref<8x128xi32, #tpu.memory_space<vmem>> -> memref<1x128xi32, #tpu.memory_space<vmem>>
      %dma_start3A_100 = tpu.memref_squeeze %dma_start3A_99 : memref<1x128xi32, #tpu.memory_space<vmem>> -> memref<128xi32, #tpu.memory_space<vmem>>
      %dma_start3A_101 = arith.constant 0 : i32
      %dma_start3A_102 = arith.constant 0 : i32
      %dma_start3A_103 = tpu.memref_slice %arg6[%dma_start3A_101, %dma_start3A_102] : memref<20480x64xf32, #tpu.memory_space<hbm>> -> memref<20480x64xf32, #tpu.memory_space<hbm>>
      tpu.enqueue_indirect_dma source(%dma_start3A_103 : memref<20480x64xf32, #tpu.memory_space<hbm>>) target(%dma_start3A_97 : memref<128x64xf32, #tpu.memory_space<vmem>>) offsets(%dma_start3A_100 : memref<128xi32, #tpu.memory_space<vmem>>) semaphore(%arg13 : memref<!tpu.dma_semaphore, #tpu.memory_space<semaphore_mem>>)
      %dma_start3A_104 = arith.constant 5 : i32
      %dma_start3A_105 = arith.constant 640 : i32
      %dma_start3A_106 = arith.constant 0 : i32
      %dma_start3A_107 = tpu.memref_slice %arg11[%dma_start3A_105, %dma_start3A_106] : memref<1024x64xf32, #tpu.memory_space<vmem>> -> memref<128x64xf32, #tpu.memory_space<vmem>>
      %dma_start3A_108 = arith.constant 0 : i32
      %dma_start3A_109 = tpu.memref_slice %arg8[%dma_start3A_104, %dma_start3A_108] : memref<8x128xi32, #tpu.memory_space<vmem>> -> memref<1x128xi32, #tpu.memory_space<vmem>>
      %dma_start3A_110 = tpu.memref_squeeze %dma_start3A_109 : memref<1x128xi32, #tpu.memory_space<vmem>> -> memref<128xi32, #tpu.memory_space<vmem>>
      %dma_start3A_111 = arith.constant 0 : i32
      %dma_start3A_112 = arith.constant 0 : i32
      %dma_start3A_113 = tpu.memref_slice %arg6[%dma_start3A_111, %dma_start3A_112] : memref<20480x64xf32, #tpu.memory_space<hbm>> -> memref<20480x64xf32, #tpu.memory_space<hbm>>
      tpu.enqueue_indirect_dma source(%dma_start3A_113 : memref<20480x64xf32, #tpu.memory_space<hbm>>) target(%dma_start3A_107 : memref<128x64xf32, #tpu.memory_space<vmem>>) offsets(%dma_start3A_110 : memref<128xi32, #tpu.memory_space<vmem>>) semaphore(%arg13 : memref<!tpu.dma_semaphore, #tpu.memory_space<semaphore_mem>>)
      %dma_start3A_114 = arith.constant 6 : i32
      %dma_start3A_115 = arith.constant 768 : i32
      %dma_start3A_116 = arith.constant 0 : i32
      %dma_start3A_117 = tpu.memref_slice %arg11[%dma_start3A_115, %dma_start3A_116] : memref<1024x64xf32, #tpu.memory_space<vmem>> -> memref<128x64xf32, #tpu.memory_space<vmem>>
      %dma_start3A_118 = arith.constant 0 : i32
      %dma_start3A_119 = tpu.memref_slice %arg8[%dma_start3A_114, %dma_start3A_118] : memref<8x128xi32, #tpu.memory_space<vmem>> -> memref<1x128xi32, #tpu.memory_space<vmem>>
      %dma_start3A_120 = tpu.memref_squeeze %dma_start3A_119 : memref<1x128xi32, #tpu.memory_space<vmem>> -> memref<128xi32, #tpu.memory_space<vmem>>
      %dma_start3A_121 = arith.constant 0 : i32
      %dma_start3A_122 = arith.constant 0 : i32
      %dma_start3A_123 = tpu.memref_slice %arg6[%dma_start3A_121, %dma_start3A_122] : memref<20480x64xf32, #tpu.memory_space<hbm>> -> memref<20480x64xf32, #tpu.memory_space<hbm>>
      tpu.enqueue_indirect_dma source(%dma_start3A_123 : memref<20480x64xf32, #tpu.memory_space<hbm>>) target(%dma_start3A_117 : memref<128x64xf32, #tpu.memory_space<vmem>>) offsets(%dma_start3A_120 : memref<128xi32, #tpu.memory_space<vmem>>) semaphore(%arg13 : memref<!tpu.dma_semaphore, #tpu.memory_space<semaphore_mem>>)
      %dma_start3A_124 = arith.constant 7 : i32
      %dma_start3A_125 = arith.constant 896 : i32
      %dma_start3A_126 = arith.constant 0 : i32
      %dma_start3A_127 = tpu.memref_slice %arg11[%dma_start3A_125, %dma_start3A_126] : memref<1024x64xf32, #tpu.memory_space<vmem>> -> memref<128x64xf32, #tpu.memory_space<vmem>>
      %dma_start3A_128 = arith.constant 0 : i32
      %dma_start3A_129 = tpu.memref_slice %arg8[%dma_start3A_124, %dma_start3A_128] : memref<8x128xi32, #tpu.memory_space<vmem>> -> memref<1x128xi32, #tpu.memory_space<vmem>>
      %dma_start3A_130 = tpu.memref_squeeze %dma_start3A_129 : memref<1x128xi32, #tpu.memory_space<vmem>> -> memref<128xi32, #tpu.memory_space<vmem>>
      %dma_start3A_131 = arith.constant 0 : i32
      %dma_start3A_132 = arith.constant 0 : i32
      %dma_start3A_133 = tpu.memref_slice %arg6[%dma_start3A_131, %dma_start3A_132] : memref<20480x64xf32, #tpu.memory_space<hbm>> -> memref<20480x64xf32, #tpu.memory_space<hbm>>
      tpu.enqueue_indirect_dma source(%dma_start3A_133 : memref<20480x64xf32, #tpu.memory_space<hbm>>) target(%dma_start3A_127 : memref<128x64xf32, #tpu.memory_space<vmem>>) offsets(%dma_start3A_130 : memref<128xi32, #tpu.memory_space<vmem>>) semaphore(%arg13 : memref<!tpu.dma_semaphore, #tpu.memory_space<semaphore_mem>>)
      %dma_wait3A = arith.constant 0 : i32
      %dma_wait3A_134 = arith.constant 0 : i32
      %dma_wait3A_135 = arith.constant 0 : i32
      %dma_wait3A_136 = tpu.memref_slice %arg11[%dma_wait3A_134, %dma_wait3A_135] : memref<1024x64xf32, #tpu.memory_space<vmem>> -> memref<128x64xf32, #tpu.memory_space<vmem>>
      %dma_wait3A_137 = arith.constant 0 : i32
      %dma_wait3A_138 = tpu.memref_slice %arg8[%dma_wait3A, %dma_wait3A_137] : memref<8x128xi32, #tpu.memory_space<vmem>> -> memref<1x128xi32, #tpu.memory_space<vmem>>
      %dma_wait3A_139 = tpu.memref_squeeze %dma_wait3A_138 : memref<1x128xi32, #tpu.memory_space<vmem>> -> memref<128xi32, #tpu.memory_space<vmem>>
      %dma_wait3A_140 = arith.constant 0 : i32
      %dma_wait3A_141 = arith.constant 0 : i32
      %dma_wait3A_142 = tpu.memref_slice %arg6[%dma_wait3A_140, %dma_wait3A_141] : memref<20480x64xf32, #tpu.memory_space<hbm>> -> memref<20480x64xf32, #tpu.memory_space<hbm>>
      tpu.wait_indirect_dma semaphore(%arg13 : memref<!tpu.dma_semaphore, #tpu.memory_space<semaphore_mem>>) src(%dma_wait3A_142 : memref<20480x64xf32, #tpu.memory_space<hbm>>) dst(%dma_wait3A_136 : memref<128x64xf32, #tpu.memory_space<vmem>>)
      %dma_wait3A_143 = arith.constant 1 : i32
      %dma_wait3A_144 = arith.constant 128 : i32
      %dma_wait3A_145 = arith.constant 0 : i32
      %dma_wait3A_146 = tpu.memref_slice %arg11[%dma_wait3A_144, %dma_wait3A_145] : memref<1024x64xf32, #tpu.memory_space<vmem>> -> memref<128x64xf32, #tpu.memory_space<vmem>>
      %dma_wait3A_147 = arith.constant 0 : i32
      %dma_wait3A_148 = tpu.memref_slice %arg8[%dma_wait3A_143, %dma_wait3A_147] : memref<8x128xi32, #tpu.memory_space<vmem>> -> memref<1x128xi32, #tpu.memory_space<vmem>>
      %dma_wait3A_149 = tpu.memref_squeeze %dma_wait3A_148 : memref<1x128xi32, #tpu.memory_space<vmem>> -> memref<128xi32, #tpu.memory_space<vmem>>
      %dma_wait3A_150 = arith.constant 0 : i32
      %dma_wait3A_151 = arith.constant 0 : i32
      %dma_wait3A_152 = tpu.memref_slice %arg6[%dma_wait3A_150, %dma_wait3A_151] : memref<20480x64xf32, #tpu.memory_space<hbm>> -> memref<20480x64xf32, #tpu.memory_space<hbm>>
      tpu.wait_indirect_dma semaphore(%arg13 : memref<!tpu.dma_semaphore, #tpu.memory_space<semaphore_mem>>) src(%dma_wait3A_152 : memref<20480x64xf32, #tpu.memory_space<hbm>>) dst(%dma_wait3A_146 : memref<128x64xf32, #tpu.memory_space<vmem>>)
      %dma_wait3A_153 = arith.constant 2 : i32
      %dma_wait3A_154 = arith.constant 256 : i32
      %dma_wait3A_155 = arith.constant 0 : i32
      %dma_wait3A_156 = tpu.memref_slice %arg11[%dma_wait3A_154, %dma_wait3A_155] : memref<1024x64xf32, #tpu.memory_space<vmem>> -> memref<128x64xf32, #tpu.memory_space<vmem>>
      %dma_wait3A_157 = arith.constant 0 : i32
      %dma_wait3A_158 = tpu.memref_slice %arg8[%dma_wait3A_153, %dma_wait3A_157] : memref<8x128xi32, #tpu.memory_space<vmem>> -> memref<1x128xi32, #tpu.memory_space<vmem>>
      %dma_wait3A_159 = tpu.memref_squeeze %dma_wait3A_158 : memref<1x128xi32, #tpu.memory_space<vmem>> -> memref<128xi32, #tpu.memory_space<vmem>>
      %dma_wait3A_160 = arith.constant 0 : i32
      %dma_wait3A_161 = arith.constant 0 : i32
      %dma_wait3A_162 = tpu.memref_slice %arg6[%dma_wait3A_160, %dma_wait3A_161] : memref<20480x64xf32, #tpu.memory_space<hbm>> -> memref<20480x64xf32, #tpu.memory_space<hbm>>
      tpu.wait_indirect_dma semaphore(%arg13 : memref<!tpu.dma_semaphore, #tpu.memory_space<semaphore_mem>>) src(%dma_wait3A_162 : memref<20480x64xf32, #tpu.memory_space<hbm>>) dst(%dma_wait3A_156 : memref<128x64xf32, #tpu.memory_space<vmem>>)
      %dma_wait3A_163 = arith.constant 3 : i32
      %dma_wait3A_164 = arith.constant 384 : i32
      %dma_wait3A_165 = arith.constant 0 : i32
      %dma_wait3A_166 = tpu.memref_slice %arg11[%dma_wait3A_164, %dma_wait3A_165] : memref<1024x64xf32, #tpu.memory_space<vmem>> -> memref<128x64xf32, #tpu.memory_space<vmem>>
      %dma_wait3A_167 = arith.constant 0 : i32
      %dma_wait3A_168 = tpu.memref_slice %arg8[%dma_wait3A_163, %dma_wait3A_167] : memref<8x128xi32, #tpu.memory_space<vmem>> -> memref<1x128xi32, #tpu.memory_space<vmem>>
      %dma_wait3A_169 = tpu.memref_squeeze %dma_wait3A_168 : memref<1x128xi32, #tpu.memory_space<vmem>> -> memref<128xi32, #tpu.memory_space<vmem>>
      %dma_wait3A_170 = arith.constant 0 : i32
      %dma_wait3A_171 = arith.constant 0 : i32
      %dma_wait3A_172 = tpu.memref_slice %arg6[%dma_wait3A_170, %dma_wait3A_171] : memref<20480x64xf32, #tpu.memory_space<hbm>> -> memref<20480x64xf32, #tpu.memory_space<hbm>>
      tpu.wait_indirect_dma semaphore(%arg13 : memref<!tpu.dma_semaphore, #tpu.memory_space<semaphore_mem>>) src(%dma_wait3A_172 : memref<20480x64xf32, #tpu.memory_space<hbm>>) dst(%dma_wait3A_166 : memref<128x64xf32, #tpu.memory_space<vmem>>)
      %dma_wait3A_173 = arith.constant 4 : i32
      %dma_wait3A_174 = arith.constant 512 : i32
      %dma_wait3A_175 = arith.constant 0 : i32
      %dma_wait3A_176 = tpu.memref_slice %arg11[%dma_wait3A_174, %dma_wait3A_175] : memref<1024x64xf32, #tpu.memory_space<vmem>> -> memref<128x64xf32, #tpu.memory_space<vmem>>
      %dma_wait3A_177 = arith.constant 0 : i32
      %dma_wait3A_178 = tpu.memref_slice %arg8[%dma_wait3A_173, %dma_wait3A_177] : memref<8x128xi32, #tpu.memory_space<vmem>> -> memref<1x128xi32, #tpu.memory_space<vmem>>
      %dma_wait3A_179 = tpu.memref_squeeze %dma_wait3A_178 : memref<1x128xi32, #tpu.memory_space<vmem>> -> memref<128xi32, #tpu.memory_space<vmem>>
      %dma_wait3A_180 = arith.constant 0 : i32
      %dma_wait3A_181 = arith.constant 0 : i32
      %dma_wait3A_182 = tpu.memref_slice %arg6[%dma_wait3A_180, %dma_wait3A_181] : memref<20480x64xf32, #tpu.memory_space<hbm>> -> memref<20480x64xf32, #tpu.memory_space<hbm>>
      tpu.wait_indirect_dma semaphore(%arg13 : memref<!tpu.dma_semaphore, #tpu.memory_space<semaphore_mem>>) src(%dma_wait3A_182 : memref<20480x64xf32, #tpu.memory_space<hbm>>) dst(%dma_wait3A_176 : memref<128x64xf32, #tpu.memory_space<vmem>>)
      %dma_wait3A_183 = arith.constant 5 : i32
      %dma_wait3A_184 = arith.constant 640 : i32
      %dma_wait3A_185 = arith.constant 0 : i32
      %dma_wait3A_186 = tpu.memref_slice %arg11[%dma_wait3A_184, %dma_wait3A_185] : memref<1024x64xf32, #tpu.memory_space<vmem>> -> memref<128x64xf32, #tpu.memory_space<vmem>>
      %dma_wait3A_187 = arith.constant 0 : i32
      %dma_wait3A_188 = tpu.memref_slice %arg8[%dma_wait3A_183, %dma_wait3A_187] : memref<8x128xi32, #tpu.memory_space<vmem>> -> memref<1x128xi32, #tpu.memory_space<vmem>>
      %dma_wait3A_189 = tpu.memref_squeeze %dma_wait3A_188 : memref<1x128xi32, #tpu.memory_space<vmem>> -> memref<128xi32, #tpu.memory_space<vmem>>
      %dma_wait3A_190 = arith.constant 0 : i32
      %dma_wait3A_191 = arith.constant 0 : i32
      %dma_wait3A_192 = tpu.memref_slice %arg6[%dma_wait3A_190, %dma_wait3A_191] : memref<20480x64xf32, #tpu.memory_space<hbm>> -> memref<20480x64xf32, #tpu.memory_space<hbm>>
      tpu.wait_indirect_dma semaphore(%arg13 : memref<!tpu.dma_semaphore, #tpu.memory_space<semaphore_mem>>) src(%dma_wait3A_192 : memref<20480x64xf32, #tpu.memory_space<hbm>>) dst(%dma_wait3A_186 : memref<128x64xf32, #tpu.memory_space<vmem>>)
      %dma_wait3A_193 = arith.constant 6 : i32
      %dma_wait3A_194 = arith.constant 768 : i32
      %dma_wait3A_195 = arith.constant 0 : i32
      %dma_wait3A_196 = tpu.memref_slice %arg11[%dma_wait3A_194, %dma_wait3A_195] : memref<1024x64xf32, #tpu.memory_space<vmem>> -> memref<128x64xf32, #tpu.memory_space<vmem>>
      %dma_wait3A_197 = arith.constant 0 : i32
      %dma_wait3A_198 = tpu.memref_slice %arg8[%dma_wait3A_193, %dma_wait3A_197] : memref<8x128xi32, #tpu.memory_space<vmem>> -> memref<1x128xi32, #tpu.memory_space<vmem>>
      %dma_wait3A_199 = tpu.memref_squeeze %dma_wait3A_198 : memref<1x128xi32, #tpu.memory_space<vmem>> -> memref<128xi32, #tpu.memory_space<vmem>>
      %dma_wait3A_200 = arith.constant 0 : i32
      %dma_wait3A_201 = arith.constant 0 : i32
      %dma_wait3A_202 = tpu.memref_slice %arg6[%dma_wait3A_200, %dma_wait3A_201] : memref<20480x64xf32, #tpu.memory_space<hbm>> -> memref<20480x64xf32, #tpu.memory_space<hbm>>
      tpu.wait_indirect_dma semaphore(%arg13 : memref<!tpu.dma_semaphore, #tpu.memory_space<semaphore_mem>>) src(%dma_wait3A_202 : memref<20480x64xf32, #tpu.memory_space<hbm>>) dst(%dma_wait3A_196 : memref<128x64xf32, #tpu.memory_space<vmem>>)
      %dma_wait3A_203 = arith.constant 7 : i32
      %dma_wait3A_204 = arith.constant 896 : i32
      %dma_wait3A_205 = arith.constant 0 : i32
      %dma_wait3A_206 = tpu.memref_slice %arg11[%dma_wait3A_204, %dma_wait3A_205] : memref<1024x64xf32, #tpu.memory_space<vmem>> -> memref<128x64xf32, #tpu.memory_space<vmem>>
      %dma_wait3A_207 = arith.constant 0 : i32
      %dma_wait3A_208 = tpu.memref_slice %arg8[%dma_wait3A_203, %dma_wait3A_207] : memref<8x128xi32, #tpu.memory_space<vmem>> -> memref<1x128xi32, #tpu.memory_space<vmem>>
      %dma_wait3A_209 = tpu.memref_squeeze %dma_wait3A_208 : memref<1x128xi32, #tpu.memory_space<vmem>> -> memref<128xi32, #tpu.memory_space<vmem>>
      %dma_wait3A_210 = arith.constant 0 : i32
      %dma_wait3A_211 = arith.constant 0 : i32
      %dma_wait3A_212 = tpu.memref_slice %arg6[%dma_wait3A_210, %dma_wait3A_211] : memref<20480x64xf32, #tpu.memory_space<hbm>> -> memref<20480x64xf32, #tpu.memory_space<hbm>>
      tpu.wait_indirect_dma semaphore(%arg13 : memref<!tpu.dma_semaphore, #tpu.memory_space<semaphore_mem>>) src(%dma_wait3A_212 : memref<20480x64xf32, #tpu.memory_space<hbm>>) dst(%dma_wait3A_206 : memref<128x64xf32, #tpu.memory_space<vmem>>)
      %scan3A_213 = arith.constant 0 : i32
      %scan3A_214 = arith.constant 64 : i32
      %scan3A_215 = arith.addi %scan3A_213, %scan3A_214 : i32
      %scan3A_216 = arith.constant 1 : i32
      scf.for %scan3A_225 = %scan3A_213 to %scan3A_215 step %scan3A_216  : i32 {
        %mul3A_226 = arith.constant 1 : i32
        %mul3A_227 = arith.muli %scan3A_225, %mul3A_226 : i32
        %add3A_228 = arith.constant 0 : i32
        %add3A_229 = arith.addi %add3A_228, %mul3A_227 : i32
        %mul3A_230 = arith.constant 16 : i32
        %mul3A_231 = arith.muli %add3A_229, %mul3A_230 : i32
        %get3A = arith.index_cast %mul3A_231 : i32 to index
        %get3A_232 = tpu.vector_load %arg10[%get3A] {strides = array<i32>} : memref<1024xf32, #tpu.memory_space<vmem>>, vector<16xf32>,
        %get3A_233 = vector.shape_cast %get3A_232 : vector<16xf32> to vector<16xf32>
        %mul3A_234 = arith.constant 16 : i32
        %mul3A_235 = arith.muli %add3A_229, %mul3A_234 : i32
        %add3A_236 = arith.constant 0 : i32
        %add3A_237 = arith.addi %mul3A_235, %add3A_236 : i32
        %slice3A = vector.extract_strided_slice %get3A_233 {offsets = [0], sizes = [1], strides = [1]} : vector<16xf32> to vector<1xf32>
        %squeeze3A = vector.extract %slice3A[0] : f32 from vector<1xf32>
        %get3A_238 = arith.index_cast %add3A_237 : i32 to index
        %get3A_239 = arith.constant 0 : index
        %get3A_240 = tpu.vector_load %arg11[%get3A_238, %get3A_239] {strides = array<i32>} : memref<1024x64xf32, #tpu.memory_space<vmem>>, vector<1x16xf32>,
        %get3A_241 = vector.shape_cast %get3A_240 : vector<1x16xf32> to vector<16xf32>
        %mul3A_242 = vector.broadcast %squeeze3A : f32 to vector<16xf32>
        %mul3A_243 = arith.mulf %get3A_241, %mul3A_242 : vector<16xf32>
        %swap3A = arith.index_cast %add3A_237 : i32 to index
        %swap3A_244 = arith.constant 0 : index
        %swap3A_245 = tpu.vector_load %arg11[%swap3A, %swap3A_244] {strides = array<i32>} : memref<1024x64xf32, #tpu.memory_space<vmem>>, vector<1x16xf32>,
        %swap3A_246 = vector.shape_cast %swap3A_245 : vector<1x16xf32> to vector<16xf32>
        %swap3A_247 = vector.shape_cast %mul3A_243 : vector<16xf32> to vector<1x16xf32>
        tpu.vector_store %arg11[%swap3A, %swap3A_244], %swap3A_247 {strides = array<i32>} : memref<1024x64xf32, #tpu.memory_space<vmem>>, vector<1x16xf32>,
        %get3A_248 = arith.index_cast %add3A_237 : i32 to index
        %get3A_249 = arith.constant 16 : index
        %get3A_250 = tpu.vector_load %arg11[%get3A_248, %get3A_249] {strides = array<i32>} : memref<1024x64xf32, #tpu.memory_space<vmem>>, vector<1x16xf32>,
        %get3A_251 = vector.shape_cast %get3A_250 : vector<1x16xf32> to vector<16xf32>
        %mul3A_252 = vector.broadcast %squeeze3A : f32 to vector<16xf32>
        %mul3A_253 = arith.mulf %get3A_251, %mul3A_252 : vector<16xf32>
        %swap3A_254 = arith.index_cast %add3A_237 : i32 to index
        %swap3A_255 = arith.constant 16 : index
        %swap3A_256 = tpu.vector_load %arg11[%swap3A_254, %swap3A_255] {strides = array<i32>} : memref<1024x64xf32, #tpu.memory_space<vmem>>, vector<1x16xf32>,
        %swap3A_257 = vector.shape_cast %swap3A_256 : vector<1x16xf32> to vector<16xf32>
        %swap3A_258 = vector.shape_cast %mul3A_253 : vector<16xf32> to vector<1x16xf32>
        tpu.vector_store %arg11[%swap3A_254, %swap3A_255], %swap3A_258 {strides = array<i32>} : memref<1024x64xf32, #tpu.memory_space<vmem>>, vector<1x16xf32>,
        %get3A_259 = arith.index_cast %add3A_237 : i32 to index
        %get3A_260 = arith.constant 32 : index
        %get3A_261 = tpu.vector_load %arg11[%get3A_259, %get3A_260] {strides = array<i32>} : memref<1024x64xf32, #tpu.memory_space<vmem>>, vector<1x16xf32>,
        %get3A_262 = vector.shape_cast %get3A_261 : vector<1x16xf32> to vector<16xf32>
        %mul3A_263 = vector.broadcast %squeeze3A : f32 to vector<16xf32>
        %mul3A_264 = arith.mulf %get3A_262, %mul3A_263 : vector<16xf32>
        %swap3A_265 = arith.index_cast %add3A_237 : i32 to index
        %swap3A_266 = arith.constant 32 : index
        %swap3A_267 = tpu.vector_load %arg11[%swap3A_265, %swap3A_266] {strides = array<i32>} : memref<1024x64xf32, #tpu.memory_space<vmem>>, vector<1x16xf32>,
        %swap3A_268 = vector.shape_cast %swap3A_267 : vector<1x16xf32> to vector<16xf32>
        %swap3A_269 = vector.shape_cast %mul3A_264 : vector<16xf32> to vector<1x16xf32>
        tpu.vector_store %arg11[%swap3A_265, %swap3A_266], %swap3A_269 {strides = array<i32>} : memref<1024x64xf32, #tpu.memory_space<vmem>>, vector<1x16xf32>,
        %get3A_270 = arith.index_cast %add3A_237 : i32 to index
        %get3A_271 = arith.constant 48 : index
        %get3A_272 = tpu.vector_load %arg11[%get3A_270, %get3A_271] {strides = array<i32>} : memref<1024x64xf32, #tpu.memory_space<vmem>>, vector<1x16xf32>,
        %get3A_273 = vector.shape_cast %get3A_272 : vector<1x16xf32> to vector<16xf32>
        %mul3A_274 = vector.broadcast %squeeze3A : f32 to vector<16xf32>
        %mul3A_275 = arith.mulf %get3A_273, %mul3A_274 : vector<16xf32>
        %swap3A_276 = arith.index_cast %add3A_237 : i32 to index
        %swap3A_277 = arith.constant 48 : index
        %swap3A_278 = tpu.vector_load %arg11[%swap3A_276, %swap3A_277] {strides = array<i32>} : memref<1024x64xf32, #tpu.memory_space<vmem>>, vector<1x16xf32>,
        %swap3A_279 = vector.shape_cast %swap3A_278 : vector<1x16xf32> to vector<16xf32>
        %swap3A_280 = vector.shape_cast %mul3A_275 : vector<16xf32> to vector<1x16xf32>
        tpu.vector_store %arg11[%swap3A_276, %swap3A_277], %swap3A_280 {strides = array<i32>} : memref<1024x64xf32, #tpu.memory_space<vmem>>, vector<1x16xf32>,
        %mul3A_281 = arith.constant 16 : i32
        %mul3A_282 = arith.muli %add3A_229, %mul3A_281 : i32
        %add3A_283 = arith.constant 1 : i32
        %add3A_284 = arith.addi %mul3A_282, %add3A_283 : i32
        %slice3A_285 = vector.extract_strided_slice %get3A_233 {offsets = [1], sizes = [1], strides = [1]} : vector<16xf32> to vector<1xf32>
        %squeeze3A_286 = vector.extract %slice3A_285[0] : f32 from vector<1xf32>
        %get3A_287 = arith.index_cast %add3A_284 : i32 to index
        %get3A_288 = arith.constant 0 : index
        %get3A_289 = tpu.vector_load %arg11[%get3A_287, %get3A_288] {strides = array<i32>} : memref<1024x64xf32, #tpu.memory_space<vmem>>, vector<1x16xf32>,
        %get3A_290 = vector.shape_cast %get3A_289 : vector<1x16xf32> to vector<16xf32>
        %mul3A_291 = vector.broadcast %squeeze3A_286 : f32 to vector<16xf32>
        %mul3A_292 = arith.mulf %get3A_290, %mul3A_291 : vector<16xf32>
        %swap3A_293 = arith.index_cast %add3A_284 : i32 to index
        %swap3A_294 = arith.constant 0 : index
        %swap3A_295 = tpu.vector_load %arg11[%swap3A_293, %swap3A_294] {strides = array<i32>} : memref<1024x64xf32, #tpu.memory_space<vmem>>, vector<1x16xf32>,
        %swap3A_296 = vector.shape_cast %swap3A_295 : vector<1x16xf32> to vector<16xf32>
        %swap3A_297 = vector.shape_cast %mul3A_292 : vector<16xf32> to vector<1x16xf32>
        tpu.vector_store %arg11[%swap3A_293, %swap3A_294], %swap3A_297 {strides = array<i32>} : memref<1024x64xf32, #tpu.memory_space<vmem>>, vector<1x16xf32>,
        %get3A_298 = arith.index_cast %add3A_284 : i32 to index
        %get3A_299 = arith.constant 16 : index
        %get3A_300 = tpu.vector_load %arg11[%get3A_298, %get3A_299] {strides = array<i32>} : memref<1024x64xf32, #tpu.memory_space<vmem>>, vector<1x16xf32>,
        %get3A_301 = vector.shape_cast %get3A_300 : vector<1x16xf32> to vector<16xf32>
        %mul3A_302 = vector.broadcast %squeeze3A_286 : f32 to vector<16xf32>
        %mul3A_303 = arith.mulf %get3A_301, %mul3A_302 : vector<16xf32>
        %swap3A_304 = arith.index_cast %add3A_284 : i32 to index
        %swap3A_305 = arith.constant 16 : index
        %swap3A_306 = tpu.vector_load %arg11[%swap3A_304, %swap3A_305] {strides = array<i32>} : memref<1024x64xf32, #tpu.memory_space<vmem>>, vector<1x16xf32>,
        %swap3A_307 = vector.shape_cast %swap3A_306 : vector<1x16xf32> to vector<16xf32>
        %swap3A_308 = vector.shape_cast %mul3A_303 : vector<16xf32> to vector<1x16xf32>
        tpu.vector_store %arg11[%swap3A_304, %swap3A_305], %swap3A_308 {strides = array<i32>} : memref<1024x64xf32, #tpu.memory_space<vmem>>, vector<1x16xf32>,
        %get3A_309 = arith.index_cast %add3A_284 : i32 to index
        %get3A_310 = arith.constant 32 : index
        %get3A_311 = tpu.vector_load %arg11[%get3A_309, %get3A_310] {strides = array<i32>} : memref<1024x64xf32, #tpu.memory_space<vmem>>, vector<1x16xf32>,
        %get3A_312 = vector.shape_cast %get3A_311 : vector<1x16xf32> to vector<16xf32>
        %mul3A_313 = vector.broadcast %squeeze3A_286 : f32 to vector<16xf32>
        %mul3A_314 = arith.mulf %get3A_312, %mul3A_313 : vector<16xf32>
        %swap3A_315 = arith.index_cast %add3A_284 : i32 to index
        %swap3A_316 = arith.constant 32 : index
        %swap3A_317 = tpu.vector_load %arg11[%swap3A_315, %swap3A_316] {strides = array<i32>} : memref<1024x64xf32, #tpu.memory_space<vmem>>, vector<1x16xf32>,
        %swap3A_318 = vector.shape_cast %swap3A_317 : vector<1x16xf32> to vector<16xf32>
        %swap3A_319 = vector.shape_cast %mul3A_314 : vector<16xf32> to vector<1x16xf32>
        tpu.vector_store %arg11[%swap3A_315, %swap3A_316], %swap3A_319 {strides = array<i32>} : memref<1024x64xf32, #tpu.memory_space<vmem>>, vector<1x16xf32>,
        %get3A_320 = arith.index_cast %add3A_284 : i32 to index
        %get3A_321 = arith.constant 48 : index
        %get3A_322 = tpu.vector_load %arg11[%get3A_320, %get3A_321] {strides = array<i32>} : memref<1024x64xf32, #tpu.memory_space<vmem>>, vector<1x16xf32>,
        %get3A_323 = vector.shape_cast %get3A_322 : vector<1x16xf32> to vector<16xf32>
        %mul3A_324 = vector.broadcast %squeeze3A_286 : f32 to vector<16xf32>
        %mul3A_325 = arith.mulf %get3A_323, %mul3A_324 : vector<16xf32>
        %swap3A_326 = arith.index_cast %add3A_284 : i32 to index
        %swap3A_327 = arith.constant 48 : index
        %swap3A_328 = tpu.vector_load %arg11[%swap3A_326, %swap3A_327] {strides = array<i32>} : memref<1024x64xf32, #tpu.memory_space<vmem>>, vector<1x16xf32>,
        %swap3A_329 = vector.shape_cast %swap3A_328 : vector<1x16xf32> to vector<16xf32>
        %swap3A_330 = vector.shape_cast %mul3A_325 : vector<16xf32> to vector<1x16xf32>
        tpu.vector_store %arg11[%swap3A_326, %swap3A_327], %swap3A_330 {strides = array<i32>} : memref<1024x64xf32, #tpu.memory_space<vmem>>, vector<1x16xf32>,
        %mul3A_331 = arith.constant 16 : i32
        %mul3A_332 = arith.muli %add3A_229, %mul3A_331 : i32
        %add3A_333 = arith.constant 2 : i32
        %add3A_334 = arith.addi %mul3A_332, %add3A_333 : i32
        %slice3A_335 = vector.extract_strided_slice %get3A_233 {offsets = [2], sizes = [1], strides = [1]} : vector<16xf32> to vector<1xf32>
        %squeeze3A_336 = vector.extract %slice3A_335[0] : f32 from vector<1xf32>
        %get3A_337 = arith.index_cast %add3A_334 : i32 to index
        %get3A_338 = arith.constant 0 : index
        %get3A_339 = tpu.vector_load %arg11[%get3A_337, %get3A_338] {strides = array<i32>} : memref<1024x64xf32, #tpu.memory_space<vmem>>, vector<1x16xf32>,
        %get3A_340 = vector.shape_cast %get3A_339 : vector<1x16xf32> to vector<16xf32>
        %mul3A_341 = vector.broadcast %squeeze3A_336 : f32 to vector<16xf32>
        %mul3A_342 = arith.mulf %get3A_340, %mul3A_341 : vector<16xf32>
        %swap3A_343 = arith.index_cast %add3A_334 : i32 to index
        %swap3A_344 = arith.constant 0 : index
        %swap3A_345 = tpu.vector_load %arg11[%swap3A_343, %swap3A_344] {strides = array<i32>} : memref<1024x64xf32, #tpu.memory_space<vmem>>, vector<1x16xf32>,
        %swap3A_346 = vector.shape_cast %swap3A_345 : vector<1x16xf32> to vector<16xf32>
        %swap3A_347 = vector.shape_cast %mul3A_342 : vector<16xf32> to vector<1x16xf32>
        tpu.vector_store %arg11[%swap3A_343, %swap3A_344], %swap3A_347 {strides = array<i32>} : memref<1024x64xf32, #tpu.memory_space<vmem>>, vector<1x16xf32>,
        %get3A_348 = arith.index_cast %add3A_334 : i32 to index
        %get3A_349 = arith.constant 16 : index
        %get3A_350 = tpu.vector_load %arg11[%get3A_348, %get3A_349] {strides = array<i32>} : memref<1024x64xf32, #tpu.memory_space<vmem>>, vector<1x16xf32>,
        %get3A_351 = vector.shape_cast %get3A_350 : vector<1x16xf32> to vector<16xf32>
        %mul3A_352 = vector.broadcast %squeeze3A_336 : f32 to vector<16xf32>
        %mul3A_353 = arith.mulf %get3A_351, %mul3A_352 : vector<16xf32>
        %swap3A_354 = arith.index_cast %add3A_334 : i32 to index
        %swap3A_355 = arith.constant 16 : index
        %swap3A_356 = tpu.vector_load %arg11[%swap3A_354, %swap3A_355] {strides = array<i32>} : memref<1024x64xf32, #tpu.memory_space<vmem>>, vector<1x16xf32>,
        %swap3A_357 = vector.shape_cast %swap3A_356 : vector<1x16xf32> to vector<16xf32>
        %swap3A_358 = vector.shape_cast %mul3A_353 : vector<16xf32> to vector<1x16xf32>
        tpu.vector_store %arg11[%swap3A_354, %swap3A_355], %swap3A_358 {strides = array<i32>} : memref<1024x64xf32, #tpu.memory_space<vmem>>, vector<1x16xf32>,
        %get3A_359 = arith.index_cast %add3A_334 : i32 to index
        %get3A_360 = arith.constant 32 : index
        %get3A_361 = tpu.vector_load %arg11[%get3A_359, %get3A_360] {strides = array<i32>} : memref<1024x64xf32, #tpu.memory_space<vmem>>, vector<1x16xf32>,
        %get3A_362 = vector.shape_cast %get3A_361 : vector<1x16xf32> to vector<16xf32>
        %mul3A_363 = vector.broadcast %squeeze3A_336 : f32 to vector<16xf32>
        %mul3A_364 = arith.mulf %get3A_362, %mul3A_363 : vector<16xf32>
        %swap3A_365 = arith.index_cast %add3A_334 : i32 to index
        %swap3A_366 = arith.constant 32 : index
        %swap3A_367 = tpu.vector_load %arg11[%swap3A_365, %swap3A_366] {strides = array<i32>} : memref<1024x64xf32, #tpu.memory_space<vmem>>, vector<1x16xf32>,
        %swap3A_368 = vector.shape_cast %swap3A_367 : vector<1x16xf32> to vector<16xf32>
        %swap3A_369 = vector.shape_cast %mul3A_364 : vector<16xf32> to vector<1x16xf32>
        tpu.vector_store %arg11[%swap3A_365, %swap3A_366], %swap3A_369 {strides = array<i32>} : memref<1024x64xf32, #tpu.memory_space<vmem>>, vector<1x16xf32>,
        %get3A_370 = arith.index_cast %add3A_334 : i32 to index
        %get3A_371 = arith.constant 48 : index
        %get3A_372 = tpu.vector_load %arg11[%get3A_370, %get3A_371] {strides = array<i32>} : memref<1024x64xf32, #tpu.memory_space<vmem>>, vector<1x16xf32>,
        %get3A_373 = vector.shape_cast %get3A_372 : vector<1x16xf32> to vector<16xf32>
        %mul3A_374 = vector.broadcast %squeeze3A_336 : f32 to vector<16xf32>
        %mul3A_375 = arith.mulf %get3A_373, %mul3A_374 : vector<16xf32>
        %swap3A_376 = arith.index_cast %add3A_334 : i32 to index
        %swap3A_377 = arith.constant 48 : index
        %swap3A_378 = tpu.vector_load %arg11[%swap3A_376, %swap3A_377] {strides = array<i32>} : memref<1024x64xf32, #tpu.memory_space<vmem>>, vector<1x16xf32>,
        %swap3A_379 = vector.shape_cast %swap3A_378 : vector<1x16xf32> to vector<16xf32>
        %swap3A_380 = vector.shape_cast %mul3A_375 : vector<16xf32> to vector<1x16xf32>
        tpu.vector_store %arg11[%swap3A_376, %swap3A_377], %swap3A_380 {strides = array<i32>} : memref<1024x64xf32, #tpu.memory_space<vmem>>, vector<1x16xf32>,
        %mul3A_381 = arith.constant 16 : i32
        %mul3A_382 = arith.muli %add3A_229, %mul3A_381 : i32
        %add3A_383 = arith.constant 3 : i32
        %add3A_384 = arith.addi %mul3A_382, %add3A_383 : i32
        %slice3A_385 = vector.extract_strided_slice %get3A_233 {offsets = [3], sizes = [1], strides = [1]} : vector<16xf32> to vector<1xf32>
        %squeeze3A_386 = vector.extract %slice3A_385[0] : f32 from vector<1xf32>
        %get3A_387 = arith.index_cast %add3A_384 : i32 to index
        %get3A_388 = arith.constant 0 : index
        %get3A_389 = tpu.vector_load %arg11[%get3A_387, %get3A_388] {strides = array<i32>} : memref<1024x64xf32, #tpu.memory_space<vmem>>, vector<1x16xf32>,
        %get3A_390 = vector.shape_cast %get3A_389 : vector<1x16xf32> to vector<16xf32>
        %mul3A_391 = vector.broadcast %squeeze3A_386 : f32 to vector<16xf32>
        %mul3A_392 = arith.mulf %get3A_390, %mul3A_391 : vector<16xf32>
        %swap3A_393 = arith.index_cast %add3A_384 : i32 to index
        %swap3A_394 = arith.constant 0 : index
        %swap3A_395 = tpu.vector_load %arg11[%swap3A_393, %swap3A_394] {strides = array<i32>} : memref<1024x64xf32, #tpu.memory_space<vmem>>, vector<1x16xf32>,
        %swap3A_396 = vector.shape_cast %swap3A_395 : vector<1x16xf32> to vector<16xf32>
        %swap3A_397 = vector.shape_cast %mul3A_392 : vector<16xf32> to vector<1x16xf32>
        tpu.vector_store %arg11[%swap3A_393, %swap3A_394], %swap3A_397 {strides = array<i32>} : memref<1024x64xf32, #tpu.memory_space<vmem>>, vector<1x16xf32>,
        %get3A_398 = arith.index_cast %add3A_384 : i32 to index
        %get3A_399 = arith.constant 16 : index
        %get3A_400 = tpu.vector_load %arg11[%get3A_398, %get3A_399] {strides = array<i32>} : memref<1024x64xf32, #tpu.memory_space<vmem>>, vector<1x16xf32>,
        %get3A_401 = vector.shape_cast %get3A_400 : vector<1x16xf32> to vector<16xf32>
        %mul3A_402 = vector.broadcast %squeeze3A_386 : f32 to vector<16xf32>
        %mul3A_403 = arith.mulf %get3A_401, %mul3A_402 : vector<16xf32>
        %swap3A_404 = arith.index_cast %add3A_384 : i32 to index
        %swap3A_405 = arith.constant 16 : index
        %swap3A_406 = tpu.vector_load %arg11[%swap3A_404, %swap3A_405] {strides = array<i32>} : memref<1024x64xf32, #tpu.memory_space<vmem>>, vector<1x16xf32>,
        %swap3A_407 = vector.shape_cast %swap3A_406 : vector<1x16xf32> to vector<16xf32>
        %swap3A_408 = vector.shape_cast %mul3A_403 : vector<16xf32> to vector<1x16xf32>
        tpu.vector_store %arg11[%swap3A_404, %swap3A_405], %swap3A_408 {strides = array<i32>} : memref<1024x64xf32, #tpu.memory_space<vmem>>, vector<1x16xf32>,
        %get3A_409 = arith.index_cast %add3A_384 : i32 to index
        %get3A_410 = arith.constant 32 : index
        %get3A_411 = tpu.vector_load %arg11[%get3A_409, %get3A_410] {strides = array<i32>} : memref<1024x64xf32, #tpu.memory_space<vmem>>, vector<1x16xf32>,
        %get3A_412 = vector.shape_cast %get3A_411 : vector<1x16xf32> to vector<16xf32>
        %mul3A_413 = vector.broadcast %squeeze3A_386 : f32 to vector<16xf32>
        %mul3A_414 = arith.mulf %get3A_412, %mul3A_413 : vector<16xf32>
        %swap3A_415 = arith.index_cast %add3A_384 : i32 to index
        %swap3A_416 = arith.constant 32 : index
        %swap3A_417 = tpu.vector_load %arg11[%swap3A_415, %swap3A_416] {strides = array<i32>} : memref<1024x64xf32, #tpu.memory_space<vmem>>, vector<1x16xf32>,
        %swap3A_418 = vector.shape_cast %swap3A_417 : vector<1x16xf32> to vector<16xf32>
        %swap3A_419 = vector.shape_cast %mul3A_414 : vector<16xf32> to vector<1x16xf32>
        tpu.vector_store %arg11[%swap3A_415, %swap3A_416], %swap3A_419 {strides = array<i32>} : memref<1024x64xf32, #tpu.memory_space<vmem>>, vector<1x16xf32>,
        %get3A_420 = arith.index_cast %add3A_384 : i32 to index
        %get3A_421 = arith.constant 48 : index
        %get3A_422 = tpu.vector_load %arg11[%get3A_420, %get3A_421] {strides = array<i32>} : memref<1024x64xf32, #tpu.memory_space<vmem>>, vector<1x16xf32>,
        %get3A_423 = vector.shape_cast %get3A_422 : vector<1x16xf32> to vector<16xf32>
        %mul3A_424 = vector.broadcast %squeeze3A_386 : f32 to vector<16xf32>
        %mul3A_425 = arith.mulf %get3A_423, %mul3A_424 : vector<16xf32>
        %swap3A_426 = arith.index_cast %add3A_384 : i32 to index
        %swap3A_427 = arith.constant 48 : index
        %swap3A_428 = tpu.vector_load %arg11[%swap3A_426, %swap3A_427] {strides = array<i32>} : memref<1024x64xf32, #tpu.memory_space<vmem>>, vector<1x16xf32>,
        %swap3A_429 = vector.shape_cast %swap3A_428 : vector<1x16xf32> to vector<16xf32>
        %swap3A_430 = vector.shape_cast %mul3A_425 : vector<16xf32> to vector<1x16xf32>
        tpu.vector_store %arg11[%swap3A_426, %swap3A_427], %swap3A_430 {strides = array<i32>} : memref<1024x64xf32, #tpu.memory_space<vmem>>, vector<1x16xf32>,
        %mul3A_431 = arith.constant 16 : i32
        %mul3A_432 = arith.muli %add3A_229, %mul3A_431 : i32
        %add3A_433 = arith.constant 4 : i32
        %add3A_434 = arith.addi %mul3A_432, %add3A_433 : i32
        %slice3A_435 = vector.extract_strided_slice %get3A_233 {offsets = [4], sizes = [1], strides = [1]} : vector<16xf32> to vector<1xf32>
        %squeeze3A_436 = vector.extract %slice3A_435[0] : f32 from vector<1xf32>
        %get3A_437 = arith.index_cast %add3A_434 : i32 to index
        %get3A_438 = arith.constant 0 : index
        %get3A_439 = tpu.vector_load %arg11[%get3A_437, %get3A_438] {strides = array<i32>} : memref<1024x64xf32, #tpu.memory_space<vmem>>, vector<1x16xf32>,
        %get3A_440 = vector.shape_cast %get3A_439 : vector<1x16xf32> to vector<16xf32>
        %mul3A_441 = vector.broadcast %squeeze3A_436 : f32 to vector<16xf32>
        %mul3A_442 = arith.mulf %get3A_440, %mul3A_441 : vector<16xf32>
        %swap3A_443 = arith.index_cast %add3A_434 : i32 to index
        %swap3A_444 = arith.constant 0 : index
        %swap3A_445 = tpu.vector_load %arg11[%swap3A_443, %swap3A_444] {strides = array<i32>} : memref<1024x64xf32, #tpu.memory_space<vmem>>, vector<1x16xf32>,
        %swap3A_446 = vector.shape_cast %swap3A_445 : vector<1x16xf32> to vector<16xf32>
        %swap3A_447 = vector.shape_cast %mul3A_442 : vector<16xf32> to vector<1x16xf32>
        tpu.vector_store %arg11[%swap3A_443, %swap3A_444], %swap3A_447 {strides = array<i32>} : memref<1024x64xf32, #tpu.memory_space<vmem>>, vector<1x16xf32>,
        %get3A_448 = arith.index_cast %add3A_434 : i32 to index
        %get3A_449 = arith.constant 16 : index
        %get3A_450 = tpu.vector_load %arg11[%get3A_448, %get3A_449] {strides = array<i32>} : memref<1024x64xf32, #tpu.memory_space<vmem>>, vector<1x16xf32>,
        %get3A_451 = vector.shape_cast %get3A_450 : vector<1x16xf32> to vector<16xf32>
        %mul3A_452 = vector.broadcast %squeeze3A_436 : f32 to vector<16xf32>
        %mul3A_453 = arith.mulf %get3A_451, %mul3A_452 : vector<16xf32>
        %swap3A_454 = arith.index_cast %add3A_434 : i32 to index
        %swap3A_455 = arith.constant 16 : index
        %swap3A_456 = tpu.vector_load %arg11[%swap3A_454, %swap3A_455] {strides = array<i32>} : memref<1024x64xf32, #tpu.memory_space<vmem>>, vector<1x16xf32>,
        %swap3A_457 = vector.shape_cast %swap3A_456 : vector<1x16xf32> to vector<16xf32>
        %swap3A_458 = vector.shape_cast %mul3A_453 : vector<16xf32> to vector<1x16xf32>
        tpu.vector_store %arg11[%swap3A_454, %swap3A_455], %swap3A_458 {strides = array<i32>} : memref<1024x64xf32, #tpu.memory_space<vmem>>, vector<1x16xf32>,
        %get3A_459 = arith.index_cast %add3A_434 : i32 to index
        %get3A_460 = arith.constant 32 : index
        %get3A_461 = tpu.vector_load %arg11[%get3A_459, %get3A_460] {strides = array<i32>} : memref<1024x64xf32, #tpu.memory_space<vmem>>, vector<1x16xf32>,
        %get3A_462 = vector.shape_cast %get3A_461 : vector<1x16xf32> to vector<16xf32>
        %mul3A_463 = vector.broadcast %squeeze3A_436 : f32 to vector<16xf32>
        %mul3A_464 = arith.mulf %get3A_462, %mul3A_463 : vector<16xf32>
        %swap3A_465 = arith.index_cast %add3A_434 : i32 to index
        %swap3A_466 = arith.constant 32 : index
        %swap3A_467 = tpu.vector_load %arg11[%swap3A_465, %swap3A_466] {strides = array<i32>} : memref<1024x64xf32, #tpu.memory_space<vmem>>, vector<1x16xf32>,
        %swap3A_468 = vector.shape_cast %swap3A_467 : vector<1x16xf32> to vector<16xf32>
        %swap3A_469 = vector.shape_cast %mul3A_464 : vector<16xf32> to vector<1x16xf32>
        tpu.vector_store %arg11[%swap3A_465, %swap3A_466], %swap3A_469 {strides = array<i32>} : memref<1024x64xf32, #tpu.memory_space<vmem>>, vector<1x16xf32>,
        %get3A_470 = arith.index_cast %add3A_434 : i32 to index
        %get3A_471 = arith.constant 48 : index
        %get3A_472 = tpu.vector_load %arg11[%get3A_470, %get3A_471] {strides = array<i32>} : memref<1024x64xf32, #tpu.memory_space<vmem>>, vector<1x16xf32>,
        %get3A_473 = vector.shape_cast %get3A_472 : vector<1x16xf32> to vector<16xf32>
        %mul3A_474 = vector.broadcast %squeeze3A_436 : f32 to vector<16xf32>
        %mul3A_475 = arith.mulf %get3A_473, %mul3A_474 : vector<16xf32>
        %swap3A_476 = arith.index_cast %add3A_434 : i32 to index
        %swap3A_477 = arith.constant 48 : index
        %swap3A_478 = tpu.vector_load %arg11[%swap3A_476, %swap3A_477] {strides = array<i32>} : memref<1024x64xf32, #tpu.memory_space<vmem>>, vector<1x16xf32>,
        %swap3A_479 = vector.shape_cast %swap3A_478 : vector<1x16xf32> to vector<16xf32>
        %swap3A_480 = vector.shape_cast %mul3A_475 : vector<16xf32> to vector<1x16xf32>
        tpu.vector_store %arg11[%swap3A_476, %swap3A_477], %swap3A_480 {strides = array<i32>} : memref<1024x64xf32, #tpu.memory_space<vmem>>, vector<1x16xf32>,
        %mul3A_481 = arith.constant 16 : i32
        %mul3A_482 = arith.muli %add3A_229, %mul3A_481 : i32
        %add3A_483 = arith.constant 5 : i32
        %add3A_484 = arith.addi %mul3A_482, %add3A_483 : i32
        %slice3A_485 = vector.extract_strided_slice %get3A_233 {offsets = [5], sizes = [1], strides = [1]} : vector<16xf32> to vector<1xf32>
        %squeeze3A_486 = vector.extract %slice3A_485[0] : f32 from vector<1xf32>
        %get3A_487 = arith.index_cast %add3A_484 : i32 to index
        %get3A_488 = arith.constant 0 : index
        %get3A_489 = tpu.vector_load %arg11[%get3A_487, %get3A_488] {strides = array<i32>} : memref<1024x64xf32, #tpu.memory_space<vmem>>, vector<1x16xf32>,
        %get3A_490 = vector.shape_cast %get3A_489 : vector<1x16xf32> to vector<16xf32>
        %mul3A_491 = vector.broadcast %squeeze3A_486 : f32 to vector<16xf32>
        %mul3A_492 = arith.mulf %get3A_490, %mul3A_491 : vector<16xf32>
        %swap3A_493 = arith.index_cast %add3A_484 : i32 to index
        %swap3A_494 = arith.constant 0 : index
        %swap3A_495 = tpu.vector_load %arg11[%swap3A_493, %swap3A_494] {strides = array<i32>} : memref<1024x64xf32, #tpu.memory_space<vmem>>, vector<1x16xf32>,
        %swap3A_496 = vector.shape_cast %swap3A_495 : vector<1x16xf32> to vector<16xf32>
        %swap3A_497 = vector.shape_cast %mul3A_492 : vector<16xf32> to vector<1x16xf32>
        tpu.vector_store %arg11[%swap3A_493, %swap3A_494], %swap3A_497 {strides = array<i32>} : memref<1024x64xf32, #tpu.memory_space<vmem>>, vector<1x16xf32>,
        %get3A_498 = arith.index_cast %add3A_484 : i32 to index
        %get3A_499 = arith.constant 16 : index
        %get3A_500 = tpu.vector_load %arg11[%get3A_498, %get3A_499] {strides = array<i32>} : memref<1024x64xf32, #tpu.memory_space<vmem>>, vector<1x16xf32>,
        %get3A_501 = vector.shape_cast %get3A_500 : vector<1x16xf32> to vector<16xf32>
        %mul3A_502 = vector.broadcast %squeeze3A_486 : f32 to vector<16xf32>
        %mul3A_503 = arith.mulf %get3A_501, %mul3A_502 : vector<16xf32>
        %swap3A_504 = arith.index_cast %add3A_484 : i32 to index
        %swap3A_505 = arith.constant 16 : index
        %swap3A_506 = tpu.vector_load %arg11[%swap3A_504, %swap3A_505] {strides = array<i32>} : memref<1024x64xf32, #tpu.memory_space<vmem>>, vector<1x16xf32>,
        %swap3A_507 = vector.shape_cast %swap3A_506 : vector<1x16xf32> to vector<16xf32>
        %swap3A_508 = vector.shape_cast %mul3A_503 : vector<16xf32> to vector<1x16xf32>
        tpu.vector_store %arg11[%swap3A_504, %swap3A_505], %swap3A_508 {strides = array<i32>} : memref<1024x64xf32, #tpu.memory_space<vmem>>, vector<1x16xf32>,
        %get3A_509 = arith.index_cast %add3A_484 : i32 to index
        %get3A_510 = arith.constant 32 : index
        %get3A_511 = tpu.vector_load %arg11[%get3A_509, %get3A_510] {strides = array<i32>} : memref<1024x64xf32, #tpu.memory_space<vmem>>, vector<1x16xf32>,
        %get3A_512 = vector.shape_cast %get3A_511 : vector<1x16xf32> to vector<16xf32>
        %mul3A_513 = vector.broadcast %squeeze3A_486 : f32 to vector<16xf32>
        %mul3A_514 = arith.mulf %get3A_512, %mul3A_513 : vector<16xf32>
        %swap3A_515 = arith.index_cast %add3A_484 : i32 to index
        %swap3A_516 = arith.constant 32 : index
        %swap3A_517 = tpu.vector_load %arg11[%swap3A_515, %swap3A_516] {strides = array<i32>} : memref<1024x64xf32, #tpu.memory_space<vmem>>, vector<1x16xf32>,
        %swap3A_518 = vector.shape_cast %swap3A_517 : vector<1x16xf32> to vector<16xf32>
        %swap3A_519 = vector.shape_cast %mul3A_514 : vector<16xf32> to vector<1x16xf32>
        tpu.vector_store %arg11[%swap3A_515, %swap3A_516], %swap3A_519 {strides = array<i32>} : memref<1024x64xf32, #tpu.memory_space<vmem>>, vector<1x16xf32>,
        %get3A_520 = arith.index_cast %add3A_484 : i32 to index
        %get3A_521 = arith.constant 48 : index
        %get3A_522 = tpu.vector_load %arg11[%get3A_520, %get3A_521] {strides = array<i32>} : memref<1024x64xf32, #tpu.memory_space<vmem>>, vector<1x16xf32>,
        %get3A_523 = vector.shape_cast %get3A_522 : vector<1x16xf32> to vector<16xf32>
        %mul3A_524 = vector.broadcast %squeeze3A_486 : f32 to vector<16xf32>
        %mul3A_525 = arith.mulf %get3A_523, %mul3A_524 : vector<16xf32>
        %swap3A_526 = arith.index_cast %add3A_484 : i32 to index
        %swap3A_527 = arith.constant 48 : index
        %swap3A_528 = tpu.vector_load %arg11[%swap3A_526, %swap3A_527] {strides = array<i32>} : memref<1024x64xf32, #tpu.memory_space<vmem>>, vector<1x16xf32>,
        %swap3A_529 = vector.shape_cast %swap3A_528 : vector<1x16xf32> to vector<16xf32>
        %swap3A_530 = vector.shape_cast %mul3A_525 : vector<16xf32> to vector<1x16xf32>
        tpu.vector_store %arg11[%swap3A_526, %swap3A_527], %swap3A_530 {strides = array<i32>} : memref<1024x64xf32, #tpu.memory_space<vmem>>, vector<1x16xf32>,
        %mul3A_531 = arith.constant 16 : i32
        %mul3A_532 = arith.muli %add3A_229, %mul3A_531 : i32
        %add3A_533 = arith.constant 6 : i32
        %add3A_534 = arith.addi %mul3A_532, %add3A_533 : i32
        %slice3A_535 = vector.extract_strided_slice %get3A_233 {offsets = [6], sizes = [1], strides = [1]} : vector<16xf32> to vector<1xf32>
        %squeeze3A_536 = vector.extract %slice3A_535[0] : f32 from vector<1xf32>
        %get3A_537 = arith.index_cast %add3A_534 : i32 to index
        %get3A_538 = arith.constant 0 : index
        %get3A_539 = tpu.vector_load %arg11[%get3A_537, %get3A_538] {strides = array<i32>} : memref<1024x64xf32, #tpu.memory_space<vmem>>, vector<1x16xf32>,
        %get3A_540 = vector.shape_cast %get3A_539 : vector<1x16xf32> to vector<16xf32>
        %mul3A_541 = vector.broadcast %squeeze3A_536 : f32 to vector<16xf32>
        %mul3A_542 = arith.mulf %get3A_540, %mul3A_541 : vector<16xf32>
        %swap3A_543 = arith.index_cast %add3A_534 : i32 to index
        %swap3A_544 = arith.constant 0 : index
        %swap3A_545 = tpu.vector_load %arg11[%swap3A_543, %swap3A_544] {strides = array<i32>} : memref<1024x64xf32, #tpu.memory_space<vmem>>, vector<1x16xf32>,
        %swap3A_546 = vector.shape_cast %swap3A_545 : vector<1x16xf32> to vector<16xf32>
        %swap3A_547 = vector.shape_cast %mul3A_542 : vector<16xf32> to vector<1x16xf32>
        tpu.vector_store %arg11[%swap3A_543, %swap3A_544], %swap3A_547 {strides = array<i32>} : memref<1024x64xf32, #tpu.memory_space<vmem>>, vector<1x16xf32>,
        %get3A_548 = arith.index_cast %add3A_534 : i32 to index
        %get3A_549 = arith.constant 16 : index
        %get3A_550 = tpu.vector_load %arg11[%get3A_548, %get3A_549] {strides = array<i32>} : memref<1024x64xf32, #tpu.memory_space<vmem>>, vector<1x16xf32>,
        %get3A_551 = vector.shape_cast %get3A_550 : vector<1x16xf32> to vector<16xf32>
        %mul3A_552 = vector.broadcast %squeeze3A_536 : f32 to vector<16xf32>
        %mul3A_553 = arith.mulf %get3A_551, %mul3A_552 : vector<16xf32>
        %swap3A_554 = arith.index_cast %add3A_534 : i32 to index
        %swap3A_555 = arith.constant 16 : index
        %swap3A_556 = tpu.vector_load %arg11[%swap3A_554, %swap3A_555] {strides = array<i32>} : memref<1024x64xf32, #tpu.memory_space<vmem>>, vector<1x16xf32>,
        %swap3A_557 = vector.shape_cast %swap3A_556 : vector<1x16xf32> to vector<16xf32>
        %swap3A_558 = vector.shape_cast %mul3A_553 : vector<16xf32> to vector<1x16xf32>
        tpu.vector_store %arg11[%swap3A_554, %swap3A_555], %swap3A_558 {strides = array<i32>} : memref<1024x64xf32, #tpu.memory_space<vmem>>, vector<1x16xf32>,
        %get3A_559 = arith.index_cast %add3A_534 : i32 to index
        %get3A_560 = arith.constant 32 : index
        %get3A_561 = tpu.vector_load %arg11[%get3A_559, %get3A_560] {strides = array<i32>} : memref<1024x64xf32, #tpu.memory_space<vmem>>, vector<1x16xf32>,
        %get3A_562 = vector.shape_cast %get3A_561 : vector<1x16xf32> to vector<16xf32>
        %mul3A_563 = vector.broadcast %squeeze3A_536 : f32 to vector<16xf32>
        %mul3A_564 = arith.mulf %get3A_562, %mul3A_563 : vector<16xf32>
        %swap3A_565 = arith.index_cast %add3A_534 : i32 to index
        %swap3A_566 = arith.constant 32 : index
        %swap3A_567 = tpu.vector_load %arg11[%swap3A_565, %swap3A_566] {strides = array<i32>} : memref<1024x64xf32, #tpu.memory_space<vmem>>, vector<1x16xf32>,
        %swap3A_568 = vector.shape_cast %swap3A_567 : vector<1x16xf32> to vector<16xf32>
        %swap3A_569 = vector.shape_cast %mul3A_564 : vector<16xf32> to vector<1x16xf32>
        tpu.vector_store %arg11[%swap3A_565, %swap3A_566], %swap3A_569 {strides = array<i32>} : memref<1024x64xf32, #tpu.memory_space<vmem>>, vector<1x16xf32>,
        %get3A_570 = arith.index_cast %add3A_534 : i32 to index
        %get3A_571 = arith.constant 48 : index
        %get3A_572 = tpu.vector_load %arg11[%get3A_570, %get3A_571] {strides = array<i32>} : memref<1024x64xf32, #tpu.memory_space<vmem>>, vector<1x16xf32>,
        %get3A_573 = vector.shape_cast %get3A_572 : vector<1x16xf32> to vector<16xf32>
        %mul3A_574 = vector.broadcast %squeeze3A_536 : f32 to vector<16xf32>
        %mul3A_575 = arith.mulf %get3A_573, %mul3A_574 : vector<16xf32>
        %swap3A_576 = arith.index_cast %add3A_534 : i32 to index
        %swap3A_577 = arith.constant 48 : index
        %swap3A_578 = tpu.vector_load %arg11[%swap3A_576, %swap3A_577] {strides = array<i32>} : memref<1024x64xf32, #tpu.memory_space<vmem>>, vector<1x16xf32>,
        %swap3A_579 = vector.shape_cast %swap3A_578 : vector<1x16xf32> to vector<16xf32>
        %swap3A_580 = vector.shape_cast %mul3A_575 : vector<16xf32> to vector<1x16xf32>
        tpu.vector_store %arg11[%swap3A_576, %swap3A_577], %swap3A_580 {strides = array<i32>} : memref<1024x64xf32, #tpu.memory_space<vmem>>, vector<1x16xf32>,
        %mul3A_581 = arith.constant 16 : i32
        %mul3A_582 = arith.muli %add3A_229, %mul3A_581 : i32
        %add3A_583 = arith.constant 7 : i32
        %add3A_584 = arith.addi %mul3A_582, %add3A_583 : i32
        %slice3A_585 = vector.extract_strided_slice %get3A_233 {offsets = [7], sizes = [1], strides = [1]} : vector<16xf32> to vector<1xf32>
        %squeeze3A_586 = vector.extract %slice3A_585[0] : f32 from vector<1xf32>
        %get3A_587 = arith.index_cast %add3A_584 : i32 to index
        %get3A_588 = arith.constant 0 : index
        %get3A_589 = tpu.vector_load %arg11[%get3A_587, %get3A_588] {strides = array<i32>} : memref<1024x64xf32, #tpu.memory_space<vmem>>, vector<1x16xf32>,
        %get3A_590 = vector.shape_cast %get3A_589 : vector<1x16xf32> to vector<16xf32>
        %mul3A_591 = vector.broadcast %squeeze3A_586 : f32 to vector<16xf32>
        %mul3A_592 = arith.mulf %get3A_590, %mul3A_591 : vector<16xf32>
        %swap3A_593 = arith.index_cast %add3A_584 : i32 to index
        %swap3A_594 = arith.constant 0 : index
        %swap3A_595 = tpu.vector_load %arg11[%swap3A_593, %swap3A_594] {strides = array<i32>} : memref<1024x64xf32, #tpu.memory_space<vmem>>, vector<1x16xf32>,
        %swap3A_596 = vector.shape_cast %swap3A_595 : vector<1x16xf32> to vector<16xf32>
        %swap3A_597 = vector.shape_cast %mul3A_592 : vector<16xf32> to vector<1x16xf32>
        tpu.vector_store %arg11[%swap3A_593, %swap3A_594], %swap3A_597 {strides = array<i32>} : memref<1024x64xf32, #tpu.memory_space<vmem>>, vector<1x16xf32>,
        %get3A_598 = arith.index_cast %add3A_584 : i32 to index
        %get3A_599 = arith.constant 16 : index
        %get3A_600 = tpu.vector_load %arg11[%get3A_598, %get3A_599] {strides = array<i32>} : memref<1024x64xf32, #tpu.memory_space<vmem>>, vector<1x16xf32>,
        %get3A_601 = vector.shape_cast %get3A_600 : vector<1x16xf32> to vector<16xf32>
        %mul3A_602 = vector.broadcast %squeeze3A_586 : f32 to vector<16xf32>
        %mul3A_603 = arith.mulf %get3A_601, %mul3A_602 : vector<16xf32>
        %swap3A_604 = arith.index_cast %add3A_584 : i32 to index
        %swap3A_605 = arith.constant 16 : index
        %swap3A_606 = tpu.vector_load %arg11[%swap3A_604, %swap3A_605] {strides = array<i32>} : memref<1024x64xf32, #tpu.memory_space<vmem>>, vector<1x16xf32>,
        %swap3A_607 = vector.shape_cast %swap3A_606 : vector<1x16xf32> to vector<16xf32>
        %swap3A_608 = vector.shape_cast %mul3A_603 : vector<16xf32> to vector<1x16xf32>
        tpu.vector_store %arg11[%swap3A_604, %swap3A_605], %swap3A_608 {strides = array<i32>} : memref<1024x64xf32, #tpu.memory_space<vmem>>, vector<1x16xf32>,
        %get3A_609 = arith.index_cast %add3A_584 : i32 to index
        %get3A_610 = arith.constant 32 : index
        %get3A_611 = tpu.vector_load %arg11[%get3A_609, %get3A_610] {strides = array<i32>} : memref<1024x64xf32, #tpu.memory_space<vmem>>, vector<1x16xf32>,
        %get3A_612 = vector.shape_cast %get3A_611 : vector<1x16xf32> to vector<16xf32>
        %mul3A_613 = vector.broadcast %squeeze3A_586 : f32 to vector<16xf32>
        %mul3A_614 = arith.mulf %get3A_612, %mul3A_613 : vector<16xf32>
        %swap3A_615 = arith.index_cast %add3A_584 : i32 to index
        %swap3A_616 = arith.constant 32 : index
        %swap3A_617 = tpu.vector_load %arg11[%swap3A_615, %swap3A_616] {strides = array<i32>} : memref<1024x64xf32, #tpu.memory_space<vmem>>, vector<1x16xf32>,
        %swap3A_618 = vector.shape_cast %swap3A_617 : vector<1x16xf32> to vector<16xf32>
        %swap3A_619 = vector.shape_cast %mul3A_614 : vector<16xf32> to vector<1x16xf32>
        tpu.vector_store %arg11[%swap3A_615, %swap3A_616], %swap3A_619 {strides = array<i32>} : memref<1024x64xf32, #tpu.memory_space<vmem>>, vector<1x16xf32>,
        %get3A_620 = arith.index_cast %add3A_584 : i32 to index
        %get3A_621 = arith.constant 48 : index
        %get3A_622 = tpu.vector_load %arg11[%get3A_620, %get3A_621] {strides = array<i32>} : memref<1024x64xf32, #tpu.memory_space<vmem>>, vector<1x16xf32>,
        %get3A_623 = vector.shape_cast %get3A_622 : vector<1x16xf32> to vector<16xf32>
        %mul3A_624 = vector.broadcast %squeeze3A_586 : f32 to vector<16xf32>
        %mul3A_625 = arith.mulf %get3A_623, %mul3A_624 : vector<16xf32>
        %swap3A_626 = arith.index_cast %add3A_584 : i32 to index
        %swap3A_627 = arith.constant 48 : index
        %swap3A_628 = tpu.vector_load %arg11[%swap3A_626, %swap3A_627] {strides = array<i32>} : memref<1024x64xf32, #tpu.memory_space<vmem>>, vector<1x16xf32>,
        %swap3A_629 = vector.shape_cast %swap3A_628 : vector<1x16xf32> to vector<16xf32>
        %swap3A_630 = vector.shape_cast %mul3A_625 : vector<16xf32> to vector<1x16xf32>
        tpu.vector_store %arg11[%swap3A_626, %swap3A_627], %swap3A_630 {strides = array<i32>} : memref<1024x64xf32, #tpu.memory_space<vmem>>, vector<1x16xf32>,
        %mul3A_631 = arith.constant 16 : i32
        %mul3A_632 = arith.muli %add3A_229, %mul3A_631 : i32
        %add3A_633 = arith.constant 8 : i32
        %add3A_634 = arith.addi %mul3A_632, %add3A_633 : i32
        %slice3A_635 = vector.extract_strided_slice %get3A_233 {offsets = [8], sizes = [1], strides = [1]} : vector<16xf32> to vector<1xf32>
        %squeeze3A_636 = vector.extract %slice3A_635[0] : f32 from vector<1xf32>
        %get3A_637 = arith.index_cast %add3A_634 : i32 to index
        %get3A_638 = arith.constant 0 : index
        %get3A_639 = tpu.vector_load %arg11[%get3A_637, %get3A_638] {strides = array<i32>} : memref<1024x64xf32, #tpu.memory_space<vmem>>, vector<1x16xf32>,
        %get3A_640 = vector.shape_cast %get3A_639 : vector<1x16xf32> to vector<16xf32>
        %mul3A_641 = vector.broadcast %squeeze3A_636 : f32 to vector<16xf32>
        %mul3A_642 = arith.mulf %get3A_640, %mul3A_641 : vector<16xf32>
        %swap3A_643 = arith.index_cast %add3A_634 : i32 to index
        %swap3A_644 = arith.constant 0 : index
        %swap3A_645 = tpu.vector_load %arg11[%swap3A_643, %swap3A_644] {strides = array<i32>} : memref<1024x64xf32, #tpu.memory_space<vmem>>, vector<1x16xf32>,
        %swap3A_646 = vector.shape_cast %swap3A_645 : vector<1x16xf32> to vector<16xf32>
        %swap3A_647 = vector.shape_cast %mul3A_642 : vector<16xf32> to vector<1x16xf32>
        tpu.vector_store %arg11[%swap3A_643, %swap3A_644], %swap3A_647 {strides = array<i32>} : memref<1024x64xf32, #tpu.memory_space<vmem>>, vector<1x16xf32>,
        %get3A_648 = arith.index_cast %add3A_634 : i32 to index
        %get3A_649 = arith.constant 16 : index
        %get3A_650 = tpu.vector_load %arg11[%get3A_648, %get3A_649] {strides = array<i32>} : memref<1024x64xf32, #tpu.memory_space<vmem>>, vector<1x16xf32>,
        %get3A_651 = vector.shape_cast %get3A_650 : vector<1x16xf32> to vector<16xf32>
        %mul3A_652 = vector.broadcast %squeeze3A_636 : f32 to vector<16xf32>
        %mul3A_653 = arith.mulf %get3A_651, %mul3A_652 : vector<16xf32>
        %swap3A_654 = arith.index_cast %add3A_634 : i32 to index
        %swap3A_655 = arith.constant 16 : index
        %swap3A_656 = tpu.vector_load %arg11[%swap3A_654, %swap3A_655] {strides = array<i32>} : memref<1024x64xf32, #tpu.memory_space<vmem>>, vector<1x16xf32>,
        %swap3A_657 = vector.shape_cast %swap3A_656 : vector<1x16xf32> to vector<16xf32>
        %swap3A_658 = vector.shape_cast %mul3A_653 : vector<16xf32> to vector<1x16xf32>
        tpu.vector_store %arg11[%swap3A_654, %swap3A_655], %swap3A_658 {strides = array<i32>} : memref<1024x64xf32, #tpu.memory_space<vmem>>, vector<1x16xf32>,
        %get3A_659 = arith.index_cast %add3A_634 : i32 to index
        %get3A_660 = arith.constant 32 : index
        %get3A_661 = tpu.vector_load %arg11[%get3A_659, %get3A_660] {strides = array<i32>} : memref<1024x64xf32, #tpu.memory_space<vmem>>, vector<1x16xf32>,
        %get3A_662 = vector.shape_cast %get3A_661 : vector<1x16xf32> to vector<16xf32>
        %mul3A_663 = vector.broadcast %squeeze3A_636 : f32 to vector<16xf32>
        %mul3A_664 = arith.mulf %get3A_662, %mul3A_663 : vector<16xf32>
        %swap3A_665 = arith.index_cast %add3A_634 : i32 to index
        %swap3A_666 = arith.constant 32 : index
        %swap3A_667 = tpu.vector_load %arg11[%swap3A_665, %swap3A_666] {strides = array<i32>} : memref<1024x64xf32, #tpu.memory_space<vmem>>, vector<1x16xf32>,
        %swap3A_668 = vector.shape_cast %swap3A_667 : vector<1x16xf32> to vector<16xf32>
        %swap3A_669 = vector.shape_cast %mul3A_664 : vector<16xf32> to vector<1x16xf32>
        tpu.vector_store %arg11[%swap3A_665, %swap3A_666], %swap3A_669 {strides = array<i32>} : memref<1024x64xf32, #tpu.memory_space<vmem>>, vector<1x16xf32>,
        %get3A_670 = arith.index_cast %add3A_634 : i32 to index
        %get3A_671 = arith.constant 48 : index
        %get3A_672 = tpu.vector_load %arg11[%get3A_670, %get3A_671] {strides = array<i32>} : memref<1024x64xf32, #tpu.memory_space<vmem>>, vector<1x16xf32>,
        %get3A_673 = vector.shape_cast %get3A_672 : vector<1x16xf32> to vector<16xf32>
        %mul3A_674 = vector.broadcast %squeeze3A_636 : f32 to vector<16xf32>
        %mul3A_675 = arith.mulf %get3A_673, %mul3A_674 : vector<16xf32>
        %swap3A_676 = arith.index_cast %add3A_634 : i32 to index
        %swap3A_677 = arith.constant 48 : index
        %swap3A_678 = tpu.vector_load %arg11[%swap3A_676, %swap3A_677] {strides = array<i32>} : memref<1024x64xf32, #tpu.memory_space<vmem>>, vector<1x16xf32>,
        %swap3A_679 = vector.shape_cast %swap3A_678 : vector<1x16xf32> to vector<16xf32>
        %swap3A_680 = vector.shape_cast %mul3A_675 : vector<16xf32> to vector<1x16xf32>
        tpu.vector_store %arg11[%swap3A_676, %swap3A_677], %swap3A_680 {strides = array<i32>} : memref<1024x64xf32, #tpu.memory_space<vmem>>, vector<1x16xf32>,
        %mul3A_681 = arith.constant 16 : i32
        %mul3A_682 = arith.muli %add3A_229, %mul3A_681 : i32
        %add3A_683 = arith.constant 9 : i32
        %add3A_684 = arith.addi %mul3A_682, %add3A_683 : i32
        %slice3A_685 = vector.extract_strided_slice %get3A_233 {offsets = [9], sizes = [1], strides = [1]} : vector<16xf32> to vector<1xf32>
        %squeeze3A_686 = vector.extract %slice3A_685[0] : f32 from vector<1xf32>
        %get3A_687 = arith.index_cast %add3A_684 : i32 to index
        %get3A_688 = arith.constant 0 : index
        %get3A_689 = tpu.vector_load %arg11[%get3A_687, %get3A_688] {strides = array<i32>} : memref<1024x64xf32, #tpu.memory_space<vmem>>, vector<1x16xf32>,
        %get3A_690 = vector.shape_cast %get3A_689 : vector<1x16xf32> to vector<16xf32>
        %mul3A_691 = vector.broadcast %squeeze3A_686 : f32 to vector<16xf32>
        %mul3A_692 = arith.mulf %get3A_690, %mul3A_691 : vector<16xf32>
        %swap3A_693 = arith.index_cast %add3A_684 : i32 to index
        %swap3A_694 = arith.constant 0 : index
        %swap3A_695 = tpu.vector_load %arg11[%swap3A_693, %swap3A_694] {strides = array<i32>} : memref<1024x64xf32, #tpu.memory_space<vmem>>, vector<1x16xf32>,
        %swap3A_696 = vector.shape_cast %swap3A_695 : vector<1x16xf32> to vector<16xf32>
        %swap3A_697 = vector.shape_cast %mul3A_692 : vector<16xf32> to vector<1x16xf32>
        tpu.vector_store %arg11[%swap3A_693, %swap3A_694], %swap3A_697 {strides = array<i32>} : memref<1024x64xf32, #tpu.memory_space<vmem>>, vector<1x16xf32>,
        %get3A_698 = arith.index_cast %add3A_684 : i32 to index
        %get3A_699 = arith.constant 16 : index
        %get3A_700 = tpu.vector_load %arg11[%get3A_698, %get3A_699] {strides = array<i32>} : memref<1024x64xf32, #tpu.memory_space<vmem>>, vector<1x16xf32>,
        %get3A_701 = vector.shape_cast %get3A_700 : vector<1x16xf32> to vector<16xf32>
        %mul3A_702 = vector.broadcast %squeeze3A_686 : f32 to vector<16xf32>
        %mul3A_703 = arith.mulf %get3A_701, %mul3A_702 : vector<16xf32>
        %swap3A_704 = arith.index_cast %add3A_684 : i32 to index
        %swap3A_705 = arith.constant 16 : index
        %swap3A_706 = tpu.vector_load %arg11[%swap3A_704, %swap3A_705] {strides = array<i32>} : memref<1024x64xf32, #tpu.memory_space<vmem>>, vector<1x16xf32>,
        %swap3A_707 = vector.shape_cast %swap3A_706 : vector<1x16xf32> to vector<16xf32>
        %swap3A_708 = vector.shape_cast %mul3A_703 : vector<16xf32> to vector<1x16xf32>
        tpu.vector_store %arg11[%swap3A_704, %swap3A_705], %swap3A_708 {strides = array<i32>} : memref<1024x64xf32, #tpu.memory_space<vmem>>, vector<1x16xf32>,
        %get3A_709 = arith.index_cast %add3A_684 : i32 to index
        %get3A_710 = arith.constant 32 : index
        %get3A_711 = tpu.vector_load %arg11[%get3A_709, %get3A_710] {strides = array<i32>} : memref<1024x64xf32, #tpu.memory_space<vmem>>, vector<1x16xf32>,
        %get3A_712 = vector.shape_cast %get3A_711 : vector<1x16xf32> to vector<16xf32>
        %mul3A_713 = vector.broadcast %squeeze3A_686 : f32 to vector<16xf32>
        %mul3A_714 = arith.mulf %get3A_712, %mul3A_713 : vector<16xf32>
        %swap3A_715 = arith.index_cast %add3A_684 : i32 to index
        %swap3A_716 = arith.constant 32 : index
        %swap3A_717 = tpu.vector_load %arg11[%swap3A_715, %swap3A_716] {strides = array<i32>} : memref<1024x64xf32, #tpu.memory_space<vmem>>, vector<1x16xf32>,
        %swap3A_718 = vector.shape_cast %swap3A_717 : vector<1x16xf32> to vector<16xf32>
        %swap3A_719 = vector.shape_cast %mul3A_714 : vector<16xf32> to vector<1x16xf32>
        tpu.vector_store %arg11[%swap3A_715, %swap3A_716], %swap3A_719 {strides = array<i32>} : memref<1024x64xf32, #tpu.memory_space<vmem>>, vector<1x16xf32>,
        %get3A_720 = arith.index_cast %add3A_684 : i32 to index
        %get3A_721 = arith.constant 48 : index
        %get3A_722 = tpu.vector_load %arg11[%get3A_720, %get3A_721] {strides = array<i32>} : memref<1024x64xf32, #tpu.memory_space<vmem>>, vector<1x16xf32>,
        %get3A_723 = vector.shape_cast %get3A_722 : vector<1x16xf32> to vector<16xf32>
        %mul3A_724 = vector.broadcast %squeeze3A_686 : f32 to vector<16xf32>
        %mul3A_725 = arith.mulf %get3A_723, %mul3A_724 : vector<16xf32>
        %swap3A_726 = arith.index_cast %add3A_684 : i32 to index
        %swap3A_727 = arith.constant 48 : index
        %swap3A_728 = tpu.vector_load %arg11[%swap3A_726, %swap3A_727] {strides = array<i32>} : memref<1024x64xf32, #tpu.memory_space<vmem>>, vector<1x16xf32>,
        %swap3A_729 = vector.shape_cast %swap3A_728 : vector<1x16xf32> to vector<16xf32>
        %swap3A_730 = vector.shape_cast %mul3A_725 : vector<16xf32> to vector<1x16xf32>
        tpu.vector_store %arg11[%swap3A_726, %swap3A_727], %swap3A_730 {strides = array<i32>} : memref<1024x64xf32, #tpu.memory_space<vmem>>, vector<1x16xf32>,
        %mul3A_731 = arith.constant 16 : i32
        %mul3A_732 = arith.muli %add3A_229, %mul3A_731 : i32
        %add3A_733 = arith.constant 10 : i32
        %add3A_734 = arith.addi %mul3A_732, %add3A_733 : i32
        %slice3A_735 = vector.extract_strided_slice %get3A_233 {offsets = [10], sizes = [1], strides = [1]} : vector<16xf32> to vector<1xf32>
        %squeeze3A_736 = vector.extract %slice3A_735[0] : f32 from vector<1xf32>
        %get3A_737 = arith.index_cast %add3A_734 : i32 to index
        %get3A_738 = arith.constant 0 : index
        %get3A_739 = tpu.vector_load %arg11[%get3A_737, %get3A_738] {strides = array<i32>} : memref<1024x64xf32, #tpu.memory_space<vmem>>, vector<1x16xf32>,
        %get3A_740 = vector.shape_cast %get3A_739 : vector<1x16xf32> to vector<16xf32>
        %mul3A_741 = vector.broadcast %squeeze3A_736 : f32 to vector<16xf32>
        %mul3A_742 = arith.mulf %get3A_740, %mul3A_741 : vector<16xf32>
        %swap3A_743 = arith.index_cast %add3A_734 : i32 to index
        %swap3A_744 = arith.constant 0 : index
        %swap3A_745 = tpu.vector_load %arg11[%swap3A_743, %swap3A_744] {strides = array<i32>} : memref<1024x64xf32, #tpu.memory_space<vmem>>, vector<1x16xf32>,
        %swap3A_746 = vector.shape_cast %swap3A_745 : vector<1x16xf32> to vector<16xf32>
        %swap3A_747 = vector.shape_cast %mul3A_742 : vector<16xf32> to vector<1x16xf32>
        tpu.vector_store %arg11[%swap3A_743, %swap3A_744], %swap3A_747 {strides = array<i32>} : memref<1024x64xf32, #tpu.memory_space<vmem>>, vector<1x16xf32>,
        %get3A_748 = arith.index_cast %add3A_734 : i32 to index
        %get3A_749 = arith.constant 16 : index
        %get3A_750 = tpu.vector_load %arg11[%get3A_748, %get3A_749] {strides = array<i32>} : memref<1024x64xf32, #tpu.memory_space<vmem>>, vector<1x16xf32>,
        %get3A_751 = vector.shape_cast %get3A_750 : vector<1x16xf32> to vector<16xf32>
        %mul3A_752 = vector.broadcast %squeeze3A_736 : f32 to vector<16xf32>
        %mul3A_753 = arith.mulf %get3A_751, %mul3A_752 : vector<16xf32>
        %swap3A_754 = arith.index_cast %add3A_734 : i32 to index
        %swap3A_755 = arith.constant 16 : index
        %swap3A_756 = tpu.vector_load %arg11[%swap3A_754, %swap3A_755] {strides = array<i32>} : memref<1024x64xf32, #tpu.memory_space<vmem>>, vector<1x16xf32>,
        %swap3A_757 = vector.shape_cast %swap3A_756 : vector<1x16xf32> to vector<16xf32>
        %swap3A_758 = vector.shape_cast %mul3A_753 : vector<16xf32> to vector<1x16xf32>
        tpu.vector_store %arg11[%swap3A_754, %swap3A_755], %swap3A_758 {strides = array<i32>} : memref<1024x64xf32, #tpu.memory_space<vmem>>, vector<1x16xf32>,
        %get3A_759 = arith.index_cast %add3A_734 : i32 to index
        %get3A_760 = arith.constant 32 : index
        %get3A_761 = tpu.vector_load %arg11[%get3A_759, %get3A_760] {strides = array<i32>} : memref<1024x64xf32, #tpu.memory_space<vmem>>, vector<1x16xf32>,
        %get3A_762 = vector.shape_cast %get3A_761 : vector<1x16xf32> to vector<16xf32>
        %mul3A_763 = vector.broadcast %squeeze3A_736 : f32 to vector<16xf32>
        %mul3A_764 = arith.mulf %get3A_762, %mul3A_763 : vector<16xf32>
        %swap3A_765 = arith.index_cast %add3A_734 : i32 to index
        %swap3A_766 = arith.constant 32 : index
        %swap3A_767 = tpu.vector_load %arg11[%swap3A_765, %swap3A_766] {strides = array<i32>} : memref<1024x64xf32, #tpu.memory_space<vmem>>, vector<1x16xf32>,
        %swap3A_768 = vector.shape_cast %swap3A_767 : vector<1x16xf32> to vector<16xf32>
        %swap3A_769 = vector.shape_cast %mul3A_764 : vector<16xf32> to vector<1x16xf32>
        tpu.vector_store %arg11[%swap3A_765, %swap3A_766], %swap3A_769 {strides = array<i32>} : memref<1024x64xf32, #tpu.memory_space<vmem>>, vector<1x16xf32>,
        %get3A_770 = arith.index_cast %add3A_734 : i32 to index
        %get3A_771 = arith.constant 48 : index
        %get3A_772 = tpu.vector_load %arg11[%get3A_770, %get3A_771] {strides = array<i32>} : memref<1024x64xf32, #tpu.memory_space<vmem>>, vector<1x16xf32>,
        %get3A_773 = vector.shape_cast %get3A_772 : vector<1x16xf32> to vector<16xf32>
        %mul3A_774 = vector.broadcast %squeeze3A_736 : f32 to vector<16xf32>
        %mul3A_775 = arith.mulf %get3A_773, %mul3A_774 : vector<16xf32>
        %swap3A_776 = arith.index_cast %add3A_734 : i32 to index
        %swap3A_777 = arith.constant 48 : index
        %swap3A_778 = tpu.vector_load %arg11[%swap3A_776, %swap3A_777] {strides = array<i32>} : memref<1024x64xf32, #tpu.memory_space<vmem>>, vector<1x16xf32>,
        %swap3A_779 = vector.shape_cast %swap3A_778 : vector<1x16xf32> to vector<16xf32>
        %swap3A_780 = vector.shape_cast %mul3A_775 : vector<16xf32> to vector<1x16xf32>
        tpu.vector_store %arg11[%swap3A_776, %swap3A_777], %swap3A_780 {strides = array<i32>} : memref<1024x64xf32, #tpu.memory_space<vmem>>, vector<1x16xf32>,
        %mul3A_781 = arith.constant 16 : i32
        %mul3A_782 = arith.muli %add3A_229, %mul3A_781 : i32
        %add3A_783 = arith.constant 11 : i32
        %add3A_784 = arith.addi %mul3A_782, %add3A_783 : i32
        %slice3A_785 = vector.extract_strided_slice %get3A_233 {offsets = [11], sizes = [1], strides = [1]} : vector<16xf32> to vector<1xf32>
        %squeeze3A_786 = vector.extract %slice3A_785[0] : f32 from vector<1xf32>
        %get3A_787 = arith.index_cast %add3A_784 : i32 to index
        %get3A_788 = arith.constant 0 : index
        %get3A_789 = tpu.vector_load %arg11[%get3A_787, %get3A_788] {strides = array<i32>} : memref<1024x64xf32, #tpu.memory_space<vmem>>, vector<1x16xf32>,
        %get3A_790 = vector.shape_cast %get3A_789 : vector<1x16xf32> to vector<16xf32>
        %mul3A_791 = vector.broadcast %squeeze3A_786 : f32 to vector<16xf32>
        %mul3A_792 = arith.mulf %get3A_790, %mul3A_791 : vector<16xf32>
        %swap3A_793 = arith.index_cast %add3A_784 : i32 to index
        %swap3A_794 = arith.constant 0 : index
        %swap3A_795 = tpu.vector_load %arg11[%swap3A_793, %swap3A_794] {strides = array<i32>} : memref<1024x64xf32, #tpu.memory_space<vmem>>, vector<1x16xf32>,
        %swap3A_796 = vector.shape_cast %swap3A_795 : vector<1x16xf32> to vector<16xf32>
        %swap3A_797 = vector.shape_cast %mul3A_792 : vector<16xf32> to vector<1x16xf32>
        tpu.vector_store %arg11[%swap3A_793, %swap3A_794], %swap3A_797 {strides = array<i32>} : memref<1024x64xf32, #tpu.memory_space<vmem>>, vector<1x16xf32>,
        %get3A_798 = arith.index_cast %add3A_784 : i32 to index
        %get3A_799 = arith.constant 16 : index
        %get3A_800 = tpu.vector_load %arg11[%get3A_798, %get3A_799] {strides = array<i32>} : memref<1024x64xf32, #tpu.memory_space<vmem>>, vector<1x16xf32>,
        %get3A_801 = vector.shape_cast %get3A_800 : vector<1x16xf32> to vector<16xf32>
        %mul3A_802 = vector.broadcast %squeeze3A_786 : f32 to vector<16xf32>
        %mul3A_803 = arith.mulf %get3A_801, %mul3A_802 : vector<16xf32>
        %swap3A_804 = arith.index_cast %add3A_784 : i32 to index
        %swap3A_805 = arith.constant 16 : index
        %swap3A_806 = tpu.vector_load %arg11[%swap3A_804, %swap3A_805] {strides = array<i32>} : memref<1024x64xf32, #tpu.memory_space<vmem>>, vector<1x16xf32>,
        %swap3A_807 = vector.shape_cast %swap3A_806 : vector<1x16xf32> to vector<16xf32>
        %swap3A_808 = vector.shape_cast %mul3A_803 : vector<16xf32> to vector<1x16xf32>
        tpu.vector_store %arg11[%swap3A_804, %swap3A_805], %swap3A_808 {strides = array<i32>} : memref<1024x64xf32, #tpu.memory_space<vmem>>, vector<1x16xf32>,
        %get3A_809 = arith.index_cast %add3A_784 : i32 to index
        %get3A_810 = arith.constant 32 : index
        %get3A_811 = tpu.vector_load %arg11[%get3A_809, %get3A_810] {strides = array<i32>} : memref<1024x64xf32, #tpu.memory_space<vmem>>, vector<1x16xf32>,
        %get3A_812 = vector.shape_cast %get3A_811 : vector<1x16xf32> to vector<16xf32>
        %mul3A_813 = vector.broadcast %squeeze3A_786 : f32 to vector<16xf32>
        %mul3A_814 = arith.mulf %get3A_812, %mul3A_813 : vector<16xf32>
        %swap3A_815 = arith.index_cast %add3A_784 : i32 to index
        %swap3A_816 = arith.constant 32 : index
        %swap3A_817 = tpu.vector_load %arg11[%swap3A_815, %swap3A_816] {strides = array<i32>} : memref<1024x64xf32, #tpu.memory_space<vmem>>, vector<1x16xf32>,
        %swap3A_818 = vector.shape_cast %swap3A_817 : vector<1x16xf32> to vector<16xf32>
        %swap3A_819 = vector.shape_cast %mul3A_814 : vector<16xf32> to vector<1x16xf32>
        tpu.vector_store %arg11[%swap3A_815, %swap3A_816], %swap3A_819 {strides = array<i32>} : memref<1024x64xf32, #tpu.memory_space<vmem>>, vector<1x16xf32>,
        %get3A_820 = arith.index_cast %add3A_784 : i32 to index
        %get3A_821 = arith.constant 48 : index
        %get3A_822 = tpu.vector_load %arg11[%get3A_820, %get3A_821] {strides = array<i32>} : memref<1024x64xf32, #tpu.memory_space<vmem>>, vector<1x16xf32>,
        %get3A_823 = vector.shape_cast %get3A_822 : vector<1x16xf32> to vector<16xf32>
        %mul3A_824 = vector.broadcast %squeeze3A_786 : f32 to vector<16xf32>
        %mul3A_825 = arith.mulf %get3A_823, %mul3A_824 : vector<16xf32>
        %swap3A_826 = arith.index_cast %add3A_784 : i32 to index
        %swap3A_827 = arith.constant 48 : index
        %swap3A_828 = tpu.vector_load %arg11[%swap3A_826, %swap3A_827] {strides = array<i32>} : memref<1024x64xf32, #tpu.memory_space<vmem>>, vector<1x16xf32>,
        %swap3A_829 = vector.shape_cast %swap3A_828 : vector<1x16xf32> to vector<16xf32>
        %swap3A_830 = vector.shape_cast %mul3A_825 : vector<16xf32> to vector<1x16xf32>
        tpu.vector_store %arg11[%swap3A_826, %swap3A_827], %swap3A_830 {strides = array<i32>} : memref<1024x64xf32, #tpu.memory_space<vmem>>, vector<1x16xf32>,
        %mul3A_831 = arith.constant 16 : i32
        %mul3A_832 = arith.muli %add3A_229, %mul3A_831 : i32
        %add3A_833 = arith.constant 12 : i32
        %add3A_834 = arith.addi %mul3A_832, %add3A_833 : i32
        %slice3A_835 = vector.extract_strided_slice %get3A_233 {offsets = [12], sizes = [1], strides = [1]} : vector<16xf32> to vector<1xf32>
        %squeeze3A_836 = vector.extract %slice3A_835[0] : f32 from vector<1xf32>
        %get3A_837 = arith.index_cast %add3A_834 : i32 to index
        %get3A_838 = arith.constant 0 : index
        %get3A_839 = tpu.vector_load %arg11[%get3A_837, %get3A_838] {strides = array<i32>} : memref<1024x64xf32, #tpu.memory_space<vmem>>, vector<1x16xf32>,
        %get3A_840 = vector.shape_cast %get3A_839 : vector<1x16xf32> to vector<16xf32>
        %mul3A_841 = vector.broadcast %squeeze3A_836 : f32 to vector<16xf32>
        %mul3A_842 = arith.mulf %get3A_840, %mul3A_841 : vector<16xf32>
        %swap3A_843 = arith.index_cast %add3A_834 : i32 to index
        %swap3A_844 = arith.constant 0 : index
        %swap3A_845 = tpu.vector_load %arg11[%swap3A_843, %swap3A_844] {strides = array<i32>} : memref<1024x64xf32, #tpu.memory_space<vmem>>, vector<1x16xf32>,
        %swap3A_846 = vector.shape_cast %swap3A_845 : vector<1x16xf32> to vector<16xf32>
        %swap3A_847 = vector.shape_cast %mul3A_842 : vector<16xf32> to vector<1x16xf32>
        tpu.vector_store %arg11[%swap3A_843, %swap3A_844], %swap3A_847 {strides = array<i32>} : memref<1024x64xf32, #tpu.memory_space<vmem>>, vector<1x16xf32>,
        %get3A_848 = arith.index_cast %add3A_834 : i32 to index
        %get3A_849 = arith.constant 16 : index
        %get3A_850 = tpu.vector_load %arg11[%get3A_848, %get3A_849] {strides = array<i32>} : memref<1024x64xf32, #tpu.memory_space<vmem>>, vector<1x16xf32>,
        %get3A_851 = vector.shape_cast %get3A_850 : vector<1x16xf32> to vector<16xf32>
        %mul3A_852 = vector.broadcast %squeeze3A_836 : f32 to vector<16xf32>
        %mul3A_853 = arith.mulf %get3A_851, %mul3A_852 : vector<16xf32>
        %swap3A_854 = arith.index_cast %add3A_834 : i32 to index
        %swap3A_855 = arith.constant 16 : index
        %swap3A_856 = tpu.vector_load %arg11[%swap3A_854, %swap3A_855] {strides = array<i32>} : memref<1024x64xf32, #tpu.memory_space<vmem>>, vector<1x16xf32>,
        %swap3A_857 = vector.shape_cast %swap3A_856 : vector<1x16xf32> to vector<16xf32>
        %swap3A_858 = vector.shape_cast %mul3A_853 : vector<16xf32> to vector<1x16xf32>
        tpu.vector_store %arg11[%swap3A_854, %swap3A_855], %swap3A_858 {strides = array<i32>} : memref<1024x64xf32, #tpu.memory_space<vmem>>, vector<1x16xf32>,
        %get3A_859 = arith.index_cast %add3A_834 : i32 to index
        %get3A_860 = arith.constant 32 : index
        %get3A_861 = tpu.vector_load %arg11[%get3A_859, %get3A_860] {strides = array<i32>} : memref<1024x64xf32, #tpu.memory_space<vmem>>, vector<1x16xf32>,
        %get3A_862 = vector.shape_cast %get3A_861 : vector<1x16xf32> to vector<16xf32>
        %mul3A_863 = vector.broadcast %squeeze3A_836 : f32 to vector<16xf32>
        %mul3A_864 = arith.mulf %get3A_862, %mul3A_863 : vector<16xf32>
        %swap3A_865 = arith.index_cast %add3A_834 : i32 to index
        %swap3A_866 = arith.constant 32 : index
        %swap3A_867 = tpu.vector_load %arg11[%swap3A_865, %swap3A_866] {strides = array<i32>} : memref<1024x64xf32, #tpu.memory_space<vmem>>, vector<1x16xf32>,
        %swap3A_868 = vector.shape_cast %swap3A_867 : vector<1x16xf32> to vector<16xf32>
        %swap3A_869 = vector.shape_cast %mul3A_864 : vector<16xf32> to vector<1x16xf32>
        tpu.vector_store %arg11[%swap3A_865, %swap3A_866], %swap3A_869 {strides = array<i32>} : memref<1024x64xf32, #tpu.memory_space<vmem>>, vector<1x16xf32>,
        %get3A_870 = arith.index_cast %add3A_834 : i32 to index
        %get3A_871 = arith.constant 48 : index
        %get3A_872 = tpu.vector_load %arg11[%get3A_870, %get3A_871] {strides = array<i32>} : memref<1024x64xf32, #tpu.memory_space<vmem>>, vector<1x16xf32>,
        %get3A_873 = vector.shape_cast %get3A_872 : vector<1x16xf32> to vector<16xf32>
        %mul3A_874 = vector.broadcast %squeeze3A_836 : f32 to vector<16xf32>
        %mul3A_875 = arith.mulf %get3A_873, %mul3A_874 : vector<16xf32>
        %swap3A_876 = arith.index_cast %add3A_834 : i32 to index
        %swap3A_877 = arith.constant 48 : index
        %swap3A_878 = tpu.vector_load %arg11[%swap3A_876, %swap3A_877] {strides = array<i32>} : memref<1024x64xf32, #tpu.memory_space<vmem>>, vector<1x16xf32>,
        %swap3A_879 = vector.shape_cast %swap3A_878 : vector<1x16xf32> to vector<16xf32>
        %swap3A_880 = vector.shape_cast %mul3A_875 : vector<16xf32> to vector<1x16xf32>
        tpu.vector_store %arg11[%swap3A_876, %swap3A_877], %swap3A_880 {strides = array<i32>} : memref<1024x64xf32, #tpu.memory_space<vmem>>, vector<1x16xf32>,
        %mul3A_881 = arith.constant 16 : i32
        %mul3A_882 = arith.muli %add3A_229, %mul3A_881 : i32
        %add3A_883 = arith.constant 13 : i32
        %add3A_884 = arith.addi %mul3A_882, %add3A_883 : i32
        %slice3A_885 = vector.extract_strided_slice %get3A_233 {offsets = [13], sizes = [1], strides = [1]} : vector<16xf32> to vector<1xf32>
        %squeeze3A_886 = vector.extract %slice3A_885[0] : f32 from vector<1xf32>
        %get3A_887 = arith.index_cast %add3A_884 : i32 to index
        %get3A_888 = arith.constant 0 : index
        %get3A_889 = tpu.vector_load %arg11[%get3A_887, %get3A_888] {strides = array<i32>} : memref<1024x64xf32, #tpu.memory_space<vmem>>, vector<1x16xf32>,
        %get3A_890 = vector.shape_cast %get3A_889 : vector<1x16xf32> to vector<16xf32>
        %mul3A_891 = vector.broadcast %squeeze3A_886 : f32 to vector<16xf32>
        %mul3A_892 = arith.mulf %get3A_890, %mul3A_891 : vector<16xf32>
        %swap3A_893 = arith.index_cast %add3A_884 : i32 to index
        %swap3A_894 = arith.constant 0 : index
        %swap3A_895 = tpu.vector_load %arg11[%swap3A_893, %swap3A_894] {strides = array<i32>} : memref<1024x64xf32, #tpu.memory_space<vmem>>, vector<1x16xf32>,
        %swap3A_896 = vector.shape_cast %swap3A_895 : vector<1x16xf32> to vector<16xf32>
        %swap3A_897 = vector.shape_cast %mul3A_892 : vector<16xf32> to vector<1x16xf32>
        tpu.vector_store %arg11[%swap3A_893, %swap3A_894], %swap3A_897 {strides = array<i32>} : memref<1024x64xf32, #tpu.memory_space<vmem>>, vector<1x16xf32>,
        %get3A_898 = arith.index_cast %add3A_884 : i32 to index
        %get3A_899 = arith.constant 16 : index
        %get3A_900 = tpu.vector_load %arg11[%get3A_898, %get3A_899] {strides = array<i32>} : memref<1024x64xf32, #tpu.memory_space<vmem>>, vector<1x16xf32>,
        %get3A_901 = vector.shape_cast %get3A_900 : vector<1x16xf32> to vector<16xf32>
        %mul3A_902 = vector.broadcast %squeeze3A_886 : f32 to vector<16xf32>
        %mul3A_903 = arith.mulf %get3A_901, %mul3A_902 : vector<16xf32>
        %swap3A_904 = arith.index_cast %add3A_884 : i32 to index
        %swap3A_905 = arith.constant 16 : index
        %swap3A_906 = tpu.vector_load %arg11[%swap3A_904, %swap3A_905] {strides = array<i32>} : memref<1024x64xf32, #tpu.memory_space<vmem>>, vector<1x16xf32>,
        %swap3A_907 = vector.shape_cast %swap3A_906 : vector<1x16xf32> to vector<16xf32>
        %swap3A_908 = vector.shape_cast %mul3A_903 : vector<16xf32> to vector<1x16xf32>
        tpu.vector_store %arg11[%swap3A_904, %swap3A_905], %swap3A_908 {strides = array<i32>} : memref<1024x64xf32, #tpu.memory_space<vmem>>, vector<1x16xf32>,
        %get3A_909 = arith.index_cast %add3A_884 : i32 to index
        %get3A_910 = arith.constant 32 : index
        %get3A_911 = tpu.vector_load %arg11[%get3A_909, %get3A_910] {strides = array<i32>} : memref<1024x64xf32, #tpu.memory_space<vmem>>, vector<1x16xf32>,
        %get3A_912 = vector.shape_cast %get3A_911 : vector<1x16xf32> to vector<16xf32>
        %mul3A_913 = vector.broadcast %squeeze3A_886 : f32 to vector<16xf32>
        %mul3A_914 = arith.mulf %get3A_912, %mul3A_913 : vector<16xf32>
        %swap3A_915 = arith.index_cast %add3A_884 : i32 to index
        %swap3A_916 = arith.constant 32 : index
        %swap3A_917 = tpu.vector_load %arg11[%swap3A_915, %swap3A_916] {strides = array<i32>} : memref<1024x64xf32, #tpu.memory_space<vmem>>, vector<1x16xf32>,
        %swap3A_918 = vector.shape_cast %swap3A_917 : vector<1x16xf32> to vector<16xf32>
        %swap3A_919 = vector.shape_cast %mul3A_914 : vector<16xf32> to vector<1x16xf32>
        tpu.vector_store %arg11[%swap3A_915, %swap3A_916], %swap3A_919 {strides = array<i32>} : memref<1024x64xf32, #tpu.memory_space<vmem>>, vector<1x16xf32>,
        %get3A_920 = arith.index_cast %add3A_884 : i32 to index
        %get3A_921 = arith.constant 48 : index
        %get3A_922 = tpu.vector_load %arg11[%get3A_920, %get3A_921] {strides = array<i32>} : memref<1024x64xf32, #tpu.memory_space<vmem>>, vector<1x16xf32>,
        %get3A_923 = vector.shape_cast %get3A_922 : vector<1x16xf32> to vector<16xf32>
        %mul3A_924 = vector.broadcast %squeeze3A_886 : f32 to vector<16xf32>
        %mul3A_925 = arith.mulf %get3A_923, %mul3A_924 : vector<16xf32>
        %swap3A_926 = arith.index_cast %add3A_884 : i32 to index
        %swap3A_927 = arith.constant 48 : index
        %swap3A_928 = tpu.vector_load %arg11[%swap3A_926, %swap3A_927] {strides = array<i32>} : memref<1024x64xf32, #tpu.memory_space<vmem>>, vector<1x16xf32>,
        %swap3A_929 = vector.shape_cast %swap3A_928 : vector<1x16xf32> to vector<16xf32>
        %swap3A_930 = vector.shape_cast %mul3A_925 : vector<16xf32> to vector<1x16xf32>
        tpu.vector_store %arg11[%swap3A_926, %swap3A_927], %swap3A_930 {strides = array<i32>} : memref<1024x64xf32, #tpu.memory_space<vmem>>, vector<1x16xf32>,
        %mul3A_931 = arith.constant 16 : i32
        %mul3A_932 = arith.muli %add3A_229, %mul3A_931 : i32
        %add3A_933 = arith.constant 14 : i32
        %add3A_934 = arith.addi %mul3A_932, %add3A_933 : i32
        %slice3A_935 = vector.extract_strided_slice %get3A_233 {offsets = [14], sizes = [1], strides = [1]} : vector<16xf32> to vector<1xf32>
        %squeeze3A_936 = vector.extract %slice3A_935[0] : f32 from vector<1xf32>
        %get3A_937 = arith.index_cast %add3A_934 : i32 to index
        %get3A_938 = arith.constant 0 : index
        %get3A_939 = tpu.vector_load %arg11[%get3A_937, %get3A_938] {strides = array<i32>} : memref<1024x64xf32, #tpu.memory_space<vmem>>, vector<1x16xf32>,
        %get3A_940 = vector.shape_cast %get3A_939 : vector<1x16xf32> to vector<16xf32>
        %mul3A_941 = vector.broadcast %squeeze3A_936 : f32 to vector<16xf32>
        %mul3A_942 = arith.mulf %get3A_940, %mul3A_941 : vector<16xf32>
        %swap3A_943 = arith.index_cast %add3A_934 : i32 to index
        %swap3A_944 = arith.constant 0 : index
        %swap3A_945 = tpu.vector_load %arg11[%swap3A_943, %swap3A_944] {strides = array<i32>} : memref<1024x64xf32, #tpu.memory_space<vmem>>, vector<1x16xf32>,
        %swap3A_946 = vector.shape_cast %swap3A_945 : vector<1x16xf32> to vector<16xf32>
        %swap3A_947 = vector.shape_cast %mul3A_942 : vector<16xf32> to vector<1x16xf32>
        tpu.vector_store %arg11[%swap3A_943, %swap3A_944], %swap3A_947 {strides = array<i32>} : memref<1024x64xf32, #tpu.memory_space<vmem>>, vector<1x16xf32>,
        %get3A_948 = arith.index_cast %add3A_934 : i32 to index
        %get3A_949 = arith.constant 16 : index
        %get3A_950 = tpu.vector_load %arg11[%get3A_948, %get3A_949] {strides = array<i32>} : memref<1024x64xf32, #tpu.memory_space<vmem>>, vector<1x16xf32>,
        %get3A_951 = vector.shape_cast %get3A_950 : vector<1x16xf32> to vector<16xf32>
        %mul3A_952 = vector.broadcast %squeeze3A_936 : f32 to vector<16xf32>
        %mul3A_953 = arith.mulf %get3A_951, %mul3A_952 : vector<16xf32>
        %swap3A_954 = arith.index_cast %add3A_934 : i32 to index
        %swap3A_955 = arith.constant 16 : index
        %swap3A_956 = tpu.vector_load %arg11[%swap3A_954, %swap3A_955] {strides = array<i32>} : memref<1024x64xf32, #tpu.memory_space<vmem>>, vector<1x16xf32>,
        %swap3A_957 = vector.shape_cast %swap3A_956 : vector<1x16xf32> to vector<16xf32>
        %swap3A_958 = vector.shape_cast %mul3A_953 : vector<16xf32> to vector<1x16xf32>
        tpu.vector_store %arg11[%swap3A_954, %swap3A_955], %swap3A_958 {strides = array<i32>} : memref<1024x64xf32, #tpu.memory_space<vmem>>, vector<1x16xf32>,
        %get3A_959 = arith.index_cast %add3A_934 : i32 to index
        %get3A_960 = arith.constant 32 : index
        %get3A_961 = tpu.vector_load %arg11[%get3A_959, %get3A_960] {strides = array<i32>} : memref<1024x64xf32, #tpu.memory_space<vmem>>, vector<1x16xf32>,
        %get3A_962 = vector.shape_cast %get3A_961 : vector<1x16xf32> to vector<16xf32>
        %mul3A_963 = vector.broadcast %squeeze3A_936 : f32 to vector<16xf32>
        %mul3A_964 = arith.mulf %get3A_962, %mul3A_963 : vector<16xf32>
        %swap3A_965 = arith.index_cast %add3A_934 : i32 to index
        %swap3A_966 = arith.constant 32 : index
        %swap3A_967 = tpu.vector_load %arg11[%swap3A_965, %swap3A_966] {strides = array<i32>} : memref<1024x64xf32, #tpu.memory_space<vmem>>, vector<1x16xf32>,
        %swap3A_968 = vector.shape_cast %swap3A_967 : vector<1x16xf32> to vector<16xf32>
        %swap3A_969 = vector.shape_cast %mul3A_964 : vector<16xf32> to vector<1x16xf32>
        tpu.vector_store %arg11[%swap3A_965, %swap3A_966], %swap3A_969 {strides = array<i32>} : memref<1024x64xf32, #tpu.memory_space<vmem>>, vector<1x16xf32>,
        %get3A_970 = arith.index_cast %add3A_934 : i32 to index
        %get3A_971 = arith.constant 48 : index
        %get3A_972 = tpu.vector_load %arg11[%get3A_970, %get3A_971] {strides = array<i32>} : memref<1024x64xf32, #tpu.memory_space<vmem>>, vector<1x16xf32>,
        %get3A_973 = vector.shape_cast %get3A_972 : vector<1x16xf32> to vector<16xf32>
        %mul3A_974 = vector.broadcast %squeeze3A_936 : f32 to vector<16xf32>
        %mul3A_975 = arith.mulf %get3A_973, %mul3A_974 : vector<16xf32>
        %swap3A_976 = arith.index_cast %add3A_934 : i32 to index
        %swap3A_977 = arith.constant 48 : index
        %swap3A_978 = tpu.vector_load %arg11[%swap3A_976, %swap3A_977] {strides = array<i32>} : memref<1024x64xf32, #tpu.memory_space<vmem>>, vector<1x16xf32>,
        %swap3A_979 = vector.shape_cast %swap3A_978 : vector<1x16xf32> to vector<16xf32>
        %swap3A_980 = vector.shape_cast %mul3A_975 : vector<16xf32> to vector<1x16xf32>
        tpu.vector_store %arg11[%swap3A_976, %swap3A_977], %swap3A_980 {strides = array<i32>} : memref<1024x64xf32, #tpu.memory_space<vmem>>, vector<1x16xf32>,
        %mul3A_981 = arith.constant 16 : i32
        %mul3A_982 = arith.muli %add3A_229, %mul3A_981 : i32
        %add3A_983 = arith.constant 15 : i32
        %add3A_984 = arith.addi %mul3A_982, %add3A_983 : i32
        %slice3A_985 = vector.extract_strided_slice %get3A_233 {offsets = [15], sizes = [1], strides = [1]} : vector<16xf32> to vector<1xf32>
        %squeeze3A_986 = vector.extract %slice3A_985[0] : f32 from vector<1xf32>
        %get3A_987 = arith.index_cast %add3A_984 : i32 to index
        %get3A_988 = arith.constant 0 : index
        %get3A_989 = tpu.vector_load %arg11[%get3A_987, %get3A_988] {strides = array<i32>} : memref<1024x64xf32, #tpu.memory_space<vmem>>, vector<1x16xf32>,
        %get3A_990 = vector.shape_cast %get3A_989 : vector<1x16xf32> to vector<16xf32>
        %mul3A_991 = vector.broadcast %squeeze3A_986 : f32 to vector<16xf32>
        %mul3A_992 = arith.mulf %get3A_990, %mul3A_991 : vector<16xf32>
        %swap3A_993 = arith.index_cast %add3A_984 : i32 to index
        %swap3A_994 = arith.constant 0 : index
        %swap3A_995 = tpu.vector_load %arg11[%swap3A_993, %swap3A_994] {strides = array<i32>} : memref<1024x64xf32, #tpu.memory_space<vmem>>, vector<1x16xf32>,
        %swap3A_996 = vector.shape_cast %swap3A_995 : vector<1x16xf32> to vector<16xf32>
        %swap3A_997 = vector.shape_cast %mul3A_992 : vector<16xf32> to vector<1x16xf32>
        tpu.vector_store %arg11[%swap3A_993, %swap3A_994], %swap3A_997 {strides = array<i32>} : memref<1024x64xf32, #tpu.memory_space<vmem>>, vector<1x16xf32>,
        %get3A_998 = arith.index_cast %add3A_984 : i32 to index
        %get3A_999 = arith.constant 16 : index
        %get3A_1000 = tpu.vector_load %arg11[%get3A_998, %get3A_999] {strides = array<i32>} : memref<1024x64xf32, #tpu.memory_space<vmem>>, vector<1x16xf32>,
        %get3A_1001 = vector.shape_cast %get3A_1000 : vector<1x16xf32> to vector<16xf32>
        %mul3A_1002 = vector.broadcast %squeeze3A_986 : f32 to vector<16xf32>
        %mul3A_1003 = arith.mulf %get3A_1001, %mul3A_1002 : vector<16xf32>
        %swap3A_1004 = arith.index_cast %add3A_984 : i32 to index
        %swap3A_1005 = arith.constant 16 : index
        %swap3A_1006 = tpu.vector_load %arg11[%swap3A_1004, %swap3A_1005] {strides = array<i32>} : memref<1024x64xf32, #tpu.memory_space<vmem>>, vector<1x16xf32>,
        %swap3A_1007 = vector.shape_cast %swap3A_1006 : vector<1x16xf32> to vector<16xf32>
        %swap3A_1008 = vector.shape_cast %mul3A_1003 : vector<16xf32> to vector<1x16xf32>
        tpu.vector_store %arg11[%swap3A_1004, %swap3A_1005], %swap3A_1008 {strides = array<i32>} : memref<1024x64xf32, #tpu.memory_space<vmem>>, vector<1x16xf32>,
        %get3A_1009 = arith.index_cast %add3A_984 : i32 to index
        %get3A_1010 = arith.constant 32 : index
        %get3A_1011 = tpu.vector_load %arg11[%get3A_1009, %get3A_1010] {strides = array<i32>} : memref<1024x64xf32, #tpu.memory_space<vmem>>, vector<1x16xf32>,
        %get3A_1012 = vector.shape_cast %get3A_1011 : vector<1x16xf32> to vector<16xf32>
        %mul3A_1013 = vector.broadcast %squeeze3A_986 : f32 to vector<16xf32>
        %mul3A_1014 = arith.mulf %get3A_1012, %mul3A_1013 : vector<16xf32>
        %swap3A_1015 = arith.index_cast %add3A_984 : i32 to index
        %swap3A_1016 = arith.constant 32 : index
        %swap3A_1017 = tpu.vector_load %arg11[%swap3A_1015, %swap3A_1016] {strides = array<i32>} : memref<1024x64xf32, #tpu.memory_space<vmem>>, vector<1x16xf32>,
        %swap3A_1018 = vector.shape_cast %swap3A_1017 : vector<1x16xf32> to vector<16xf32>
        %swap3A_1019 = vector.shape_cast %mul3A_1014 : vector<16xf32> to vector<1x16xf32>
        tpu.vector_store %arg11[%swap3A_1015, %swap3A_1016], %swap3A_1019 {strides = array<i32>} : memref<1024x64xf32, #tpu.memory_space<vmem>>, vector<1x16xf32>,
        %get3A_1020 = arith.index_cast %add3A_984 : i32 to index
        %get3A_1021 = arith.constant 48 : index
        %get3A_1022 = tpu.vector_load %arg11[%get3A_1020, %get3A_1021] {strides = array<i32>} : memref<1024x64xf32, #tpu.memory_space<vmem>>, vector<1x16xf32>,
        %get3A_1023 = vector.shape_cast %get3A_1022 : vector<1x16xf32> to vector<16xf32>
        %mul3A_1024 = vector.broadcast %squeeze3A_986 : f32 to vector<16xf32>
        %mul3A_1025 = arith.mulf %get3A_1023, %mul3A_1024 : vector<16xf32>
        %swap3A_1026 = arith.index_cast %add3A_984 : i32 to index
        %swap3A_1027 = arith.constant 48 : index
        %swap3A_1028 = tpu.vector_load %arg11[%swap3A_1026, %swap3A_1027] {strides = array<i32>} : memref<1024x64xf32, #tpu.memory_space<vmem>>, vector<1x16xf32>,
        %swap3A_1029 = vector.shape_cast %swap3A_1028 : vector<1x16xf32> to vector<16xf32>
        %swap3A_1030 = vector.shape_cast %mul3A_1025 : vector<16xf32> to vector<1x16xf32>
        tpu.vector_store %arg11[%swap3A_1026, %swap3A_1027], %swap3A_1030 {strides = array<i32>} : memref<1024x64xf32, #tpu.memory_space<vmem>>, vector<1x16xf32>,
      }
      %scan3A_217 = arith.constant 64 : i32
      %run_scoped3A = arith.constant 0 : i32
      "tpu.region"() ({
        %run_scoped3A_225 = tpu.sem_alloc : memref<!tpu.dma_semaphore, #tpu.memory_space<semaphore_mem>>
        %dma_start3A_226 = arith.constant 0 : i32
        %dma_start3A_227 = arith.constant 0 : i32
        %dma_start3A_228 = tpu.memref_slice %arg11[%dma_start3A_226, %dma_start3A_227] : memref<1024x64xf32, #tpu.memory_space<vmem>> -> memref<128x64xf32, #tpu.memory_space<vmem>>
        %dma_start3A_229 = arith.constant 0 : i32
        %dma_start3A_230 = tpu.memref_slice %arg9[%run_scoped3A, %dma_start3A_229] : memref<8x128xi32, #tpu.memory_space<vmem>> -> memref<1x128xi32, #tpu.memory_space<vmem>>
        %dma_start3A_231 = tpu.memref_squeeze %dma_start3A_230 : memref<1x128xi32, #tpu.memory_space<vmem>> -> memref<128xi32, #tpu.memory_space<vmem>>
        %dma_start3A_232 = arith.constant 0 : i32
        %dma_start3A_233 = arith.constant 0 : i32
        %dma_start3A_234 = tpu.memref_slice %arg12[%dma_start3A_232, %dma_start3A_233] : memref<10240x64xf32, #tpu.memory_space<vmem_shared>> -> memref<10240x64xf32, #tpu.memory_space<vmem_shared>>
        tpu.enqueue_indirect_dma source(%dma_start3A_228 : memref<128x64xf32, #tpu.memory_space<vmem>>) target(%dma_start3A_234 : memref<10240x64xf32, #tpu.memory_space<vmem_shared>>) offsets(%dma_start3A_231 : memref<128xi32, #tpu.memory_space<vmem>>) semaphore(%run_scoped3A_225 : memref<!tpu.dma_semaphore, #tpu.memory_space<semaphore_mem>>) {add = true}
        %dma_wait3A_235 = arith.constant 0 : i32
        %dma_wait3A_236 = arith.constant 0 : i32
        %dma_wait3A_237 = tpu.memref_slice %arg11[%dma_wait3A_235, %dma_wait3A_236] : memref<1024x64xf32, #tpu.memory_space<vmem>> -> memref<128x64xf32, #tpu.memory_space<vmem>>
        %dma_wait3A_238 = arith.constant 0 : i32
        %dma_wait3A_239 = tpu.memref_slice %arg9[%run_scoped3A, %dma_wait3A_238] : memref<8x128xi32, #tpu.memory_space<vmem>> -> memref<1x128xi32, #tpu.memory_space<vmem>>
        %dma_wait3A_240 = tpu.memref_squeeze %dma_wait3A_239 : memref<1x128xi32, #tpu.memory_space<vmem>> -> memref<128xi32, #tpu.memory_space<vmem>>
        %dma_wait3A_241 = arith.constant 0 : i32
        %dma_wait3A_242 = arith.constant 0 : i32
        %dma_wait3A_243 = tpu.memref_slice %arg12[%dma_wait3A_241, %dma_wait3A_242] : memref<10240x64xf32, #tpu.memory_space<vmem_shared>> -> memref<10240x64xf32, #tpu.memory_space<vmem_shared>>
        tpu.wait_indirect_dma semaphore(%run_scoped3A_225 : memref<!tpu.dma_semaphore, #tpu.memory_space<semaphore_mem>>) src(%dma_wait3A_237 : memref<128x64xf32, #tpu.memory_space<vmem>>) dst(%dma_wait3A_243 : memref<10240x64xf32, #tpu.memory_space<vmem_shared>>)
        tpu.yield
      }) : () -> ()
      %run_scoped3A_218 = arith.constant 1 : i32
      "tpu.region"() ({
        %run_scoped3A_225 = tpu.sem_alloc : memref<!tpu.dma_semaphore, #tpu.memory_space<semaphore_mem>>
        %dma_start3A_226 = arith.constant 128 : i32
        %dma_start3A_227 = arith.constant 0 : i32
        %dma_start3A_228 = tpu.memref_slice %arg11[%dma_start3A_226, %dma_start3A_227] : memref<1024x64xf32, #tpu.memory_space<vmem>> -> memref<128x64xf32, #tpu.memory_space<vmem>>
        %dma_start3A_229 = arith.constant 0 : i32
        %dma_start3A_230 = tpu.memref_slice %arg9[%run_scoped3A_218, %dma_start3A_229] : memref<8x128xi32, #tpu.memory_space<vmem>> -> memref<1x128xi32, #tpu.memory_space<vmem>>
        %dma_start3A_231 = tpu.memref_squeeze %dma_start3A_230 : memref<1x128xi32, #tpu.memory_space<vmem>> -> memref<128xi32, #tpu.memory_space<vmem>>
        %dma_start3A_232 = arith.constant 0 : i32
        %dma_start3A_233 = arith.constant 0 : i32
        %dma_start3A_234 = tpu.memref_slice %arg12[%dma_start3A_232, %dma_start3A_233] : memref<10240x64xf32, #tpu.memory_space<vmem_shared>> -> memref<10240x64xf32, #tpu.memory_space<vmem_shared>>
        tpu.enqueue_indirect_dma source(%dma_start3A_228 : memref<128x64xf32, #tpu.memory_space<vmem>>) target(%dma_start3A_234 : memref<10240x64xf32, #tpu.memory_space<vmem_shared>>) offsets(%dma_start3A_231 : memref<128xi32, #tpu.memory_space<vmem>>) semaphore(%run_scoped3A_225 : memref<!tpu.dma_semaphore, #tpu.memory_space<semaphore_mem>>) {add = true}
        %dma_wait3A_235 = arith.constant 128 : i32
        %dma_wait3A_236 = arith.constant 0 : i32
        %dma_wait3A_237 = tpu.memref_slice %arg11[%dma_wait3A_235, %dma_wait3A_236] : memref<1024x64xf32, #tpu.memory_space<vmem>> -> memref<128x64xf32, #tpu.memory_space<vmem>>
        %dma_wait3A_238 = arith.constant 0 : i32
        %dma_wait3A_239 = tpu.memref_slice %arg9[%run_scoped3A_218, %dma_wait3A_238] : memref<8x128xi32, #tpu.memory_space<vmem>> -> memref<1x128xi32, #tpu.memory_space<vmem>>
        %dma_wait3A_240 = tpu.memref_squeeze %dma_wait3A_239 : memref<1x128xi32, #tpu.memory_space<vmem>> -> memref<128xi32, #tpu.memory_space<vmem>>
        %dma_wait3A_241 = arith.constant 0 : i32
        %dma_wait3A_242 = arith.constant 0 : i32
        %dma_wait3A_243 = tpu.memref_slice %arg12[%dma_wait3A_241, %dma_wait3A_242] : memref<10240x64xf32, #tpu.memory_space<vmem_shared>> -> memref<10240x64xf32, #tpu.memory_space<vmem_shared>>
        tpu.wait_indirect_dma semaphore(%run_scoped3A_225 : memref<!tpu.dma_semaphore, #tpu.memory_space<semaphore_mem>>) src(%dma_wait3A_237 : memref<128x64xf32, #tpu.memory_space<vmem>>) dst(%dma_wait3A_243 : memref<10240x64xf32, #tpu.memory_space<vmem_shared>>)
        tpu.yield
      }) : () -> ()
      %run_scoped3A_219 = arith.constant 2 : i32
      "tpu.region"() ({
        %run_scoped3A_225 = tpu.sem_alloc : memref<!tpu.dma_semaphore, #tpu.memory_space<semaphore_mem>>
        %dma_start3A_226 = arith.constant 256 : i32
        %dma_start3A_227 = arith.constant 0 : i32
        %dma_start3A_228 = tpu.memref_slice %arg11[%dma_start3A_226, %dma_start3A_227] : memref<1024x64xf32, #tpu.memory_space<vmem>> -> memref<128x64xf32, #tpu.memory_space<vmem>>
        %dma_start3A_229 = arith.constant 0 : i32
        %dma_start3A_230 = tpu.memref_slice %arg9[%run_scoped3A_219, %dma_start3A_229] : memref<8x128xi32, #tpu.memory_space<vmem>> -> memref<1x128xi32, #tpu.memory_space<vmem>>
        %dma_start3A_231 = tpu.memref_squeeze %dma_start3A_230 : memref<1x128xi32, #tpu.memory_space<vmem>> -> memref<128xi32, #tpu.memory_space<vmem>>
        %dma_start3A_232 = arith.constant 0 : i32
        %dma_start3A_233 = arith.constant 0 : i32
        %dma_start3A_234 = tpu.memref_slice %arg12[%dma_start3A_232, %dma_start3A_233] : memref<10240x64xf32, #tpu.memory_space<vmem_shared>> -> memref<10240x64xf32, #tpu.memory_space<vmem_shared>>
        tpu.enqueue_indirect_dma source(%dma_start3A_228 : memref<128x64xf32, #tpu.memory_space<vmem>>) target(%dma_start3A_234 : memref<10240x64xf32, #tpu.memory_space<vmem_shared>>) offsets(%dma_start3A_231 : memref<128xi32, #tpu.memory_space<vmem>>) semaphore(%run_scoped3A_225 : memref<!tpu.dma_semaphore, #tpu.memory_space<semaphore_mem>>) {add = true}
        %dma_wait3A_235 = arith.constant 256 : i32
        %dma_wait3A_236 = arith.constant 0 : i32
        %dma_wait3A_237 = tpu.memref_slice %arg11[%dma_wait3A_235, %dma_wait3A_236] : memref<1024x64xf32, #tpu.memory_space<vmem>> -> memref<128x64xf32, #tpu.memory_space<vmem>>
        %dma_wait3A_238 = arith.constant 0 : i32
        %dma_wait3A_239 = tpu.memref_slice %arg9[%run_scoped3A_219, %dma_wait3A_238] : memref<8x128xi32, #tpu.memory_space<vmem>> -> memref<1x128xi32, #tpu.memory_space<vmem>>
        %dma_wait3A_240 = tpu.memref_squeeze %dma_wait3A_239 : memref<1x128xi32, #tpu.memory_space<vmem>> -> memref<128xi32, #tpu.memory_space<vmem>>
        %dma_wait3A_241 = arith.constant 0 : i32
        %dma_wait3A_242 = arith.constant 0 : i32
        %dma_wait3A_243 = tpu.memref_slice %arg12[%dma_wait3A_241, %dma_wait3A_242] : memref<10240x64xf32, #tpu.memory_space<vmem_shared>> -> memref<10240x64xf32, #tpu.memory_space<vmem_shared>>
        tpu.wait_indirect_dma semaphore(%run_scoped3A_225 : memref<!tpu.dma_semaphore, #tpu.memory_space<semaphore_mem>>) src(%dma_wait3A_237 : memref<128x64xf32, #tpu.memory_space<vmem>>) dst(%dma_wait3A_243 : memref<10240x64xf32, #tpu.memory_space<vmem_shared>>)
        tpu.yield
      }) : () -> ()
      %run_scoped3A_220 = arith.constant 3 : i32
      "tpu.region"() ({
        %run_scoped3A_225 = tpu.sem_alloc : memref<!tpu.dma_semaphore, #tpu.memory_space<semaphore_mem>>
        %dma_start3A_226 = arith.constant 384 : i32
        %dma_start3A_227 = arith.constant 0 : i32
        %dma_start3A_228 = tpu.memref_slice %arg11[%dma_start3A_226, %dma_start3A_227] : memref<1024x64xf32, #tpu.memory_space<vmem>> -> memref<128x64xf32, #tpu.memory_space<vmem>>
        %dma_start3A_229 = arith.constant 0 : i32
        %dma_start3A_230 = tpu.memref_slice %arg9[%run_scoped3A_220, %dma_start3A_229] : memref<8x128xi32, #tpu.memory_space<vmem>> -> memref<1x128xi32, #tpu.memory_space<vmem>>
        %dma_start3A_231 = tpu.memref_squeeze %dma_start3A_230 : memref<1x128xi32, #tpu.memory_space<vmem>> -> memref<128xi32, #tpu.memory_space<vmem>>
        %dma_start3A_232 = arith.constant 0 : i32
        %dma_start3A_233 = arith.constant 0 : i32
        %dma_start3A_234 = tpu.memref_slice %arg12[%dma_start3A_232, %dma_start3A_233] : memref<10240x64xf32, #tpu.memory_space<vmem_shared>> -> memref<10240x64xf32, #tpu.memory_space<vmem_shared>>
        tpu.enqueue_indirect_dma source(%dma_start3A_228 : memref<128x64xf32, #tpu.memory_space<vmem>>) target(%dma_start3A_234 : memref<10240x64xf32, #tpu.memory_space<vmem_shared>>) offsets(%dma_start3A_231 : memref<128xi32, #tpu.memory_space<vmem>>) semaphore(%run_scoped3A_225 : memref<!tpu.dma_semaphore, #tpu.memory_space<semaphore_mem>>) {add = true}
        %dma_wait3A_235 = arith.constant 384 : i32
        %dma_wait3A_236 = arith.constant 0 : i32
        %dma_wait3A_237 = tpu.memref_slice %arg11[%dma_wait3A_235, %dma_wait3A_236] : memref<1024x64xf32, #tpu.memory_space<vmem>> -> memref<128x64xf32, #tpu.memory_space<vmem>>
        %dma_wait3A_238 = arith.constant 0 : i32
        %dma_wait3A_239 = tpu.memref_slice %arg9[%run_scoped3A_220, %dma_wait3A_238] : memref<8x128xi32, #tpu.memory_space<vmem>> -> memref<1x128xi32, #tpu.memory_space<vmem>>
        %dma_wait3A_240 = tpu.memref_squeeze %dma_wait3A_239 : memref<1x128xi32, #tpu.memory_space<vmem>> -> memref<128xi32, #tpu.memory_space<vmem>>
        %dma_wait3A_241 = arith.constant 0 : i32
        %dma_wait3A_242 = arith.constant 0 : i32
        %dma_wait3A_243 = tpu.memref_slice %arg12[%dma_wait3A_241, %dma_wait3A_242] : memref<10240x64xf32, #tpu.memory_space<vmem_shared>> -> memref<10240x64xf32, #tpu.memory_space<vmem_shared>>
        tpu.wait_indirect_dma semaphore(%run_scoped3A_225 : memref<!tpu.dma_semaphore, #tpu.memory_space<semaphore_mem>>) src(%dma_wait3A_237 : memref<128x64xf32, #tpu.memory_space<vmem>>) dst(%dma_wait3A_243 : memref<10240x64xf32, #tpu.memory_space<vmem_shared>>)
        tpu.yield
      }) : () -> ()
      %run_scoped3A_221 = arith.constant 4 : i32
      "tpu.region"() ({
        %run_scoped3A_225 = tpu.sem_alloc : memref<!tpu.dma_semaphore, #tpu.memory_space<semaphore_mem>>
        %dma_start3A_226 = arith.constant 512 : i32
        %dma_start3A_227 = arith.constant 0 : i32
        %dma_start3A_228 = tpu.memref_slice %arg11[%dma_start3A_226, %dma_start3A_227] : memref<1024x64xf32, #tpu.memory_space<vmem>> -> memref<128x64xf32, #tpu.memory_space<vmem>>
        %dma_start3A_229 = arith.constant 0 : i32
        %dma_start3A_230 = tpu.memref_slice %arg9[%run_scoped3A_221, %dma_start3A_229] : memref<8x128xi32, #tpu.memory_space<vmem>> -> memref<1x128xi32, #tpu.memory_space<vmem>>
        %dma_start3A_231 = tpu.memref_squeeze %dma_start3A_230 : memref<1x128xi32, #tpu.memory_space<vmem>> -> memref<128xi32, #tpu.memory_space<vmem>>
        %dma_start3A_232 = arith.constant 0 : i32
        %dma_start3A_233 = arith.constant 0 : i32
        %dma_start3A_234 = tpu.memref_slice %arg12[%dma_start3A_232, %dma_start3A_233] : memref<10240x64xf32, #tpu.memory_space<vmem_shared>> -> memref<10240x64xf32, #tpu.memory_space<vmem_shared>>
        tpu.enqueue_indirect_dma source(%dma_start3A_228 : memref<128x64xf32, #tpu.memory_space<vmem>>) target(%dma_start3A_234 : memref<10240x64xf32, #tpu.memory_space<vmem_shared>>) offsets(%dma_start3A_231 : memref<128xi32, #tpu.memory_space<vmem>>) semaphore(%run_scoped3A_225 : memref<!tpu.dma_semaphore, #tpu.memory_space<semaphore_mem>>) {add = true}
        %dma_wait3A_235 = arith.constant 512 : i32
        %dma_wait3A_236 = arith.constant 0 : i32
        %dma_wait3A_237 = tpu.memref_slice %arg11[%dma_wait3A_235, %dma_wait3A_236] : memref<1024x64xf32, #tpu.memory_space<vmem>> -> memref<128x64xf32, #tpu.memory_space<vmem>>
        %dma_wait3A_238 = arith.constant 0 : i32
        %dma_wait3A_239 = tpu.memref_slice %arg9[%run_scoped3A_221, %dma_wait3A_238] : memref<8x128xi32, #tpu.memory_space<vmem>> -> memref<1x128xi32, #tpu.memory_space<vmem>>
        %dma_wait3A_240 = tpu.memref_squeeze %dma_wait3A_239 : memref<1x128xi32, #tpu.memory_space<vmem>> -> memref<128xi32, #tpu.memory_space<vmem>>
        %dma_wait3A_241 = arith.constant 0 : i32
        %dma_wait3A_242 = arith.constant 0 : i32
        %dma_wait3A_243 = tpu.memref_slice %arg12[%dma_wait3A_241, %dma_wait3A_242] : memref<10240x64xf32, #tpu.memory_space<vmem_shared>> -> memref<10240x64xf32, #tpu.memory_space<vmem_shared>>
        tpu.wait_indirect_dma semaphore(%run_scoped3A_225 : memref<!tpu.dma_semaphore, #tpu.memory_space<semaphore_mem>>) src(%dma_wait3A_237 : memref<128x64xf32, #tpu.memory_space<vmem>>) dst(%dma_wait3A_243 : memref<10240x64xf32, #tpu.memory_space<vmem_shared>>)
        tpu.yield
      }) : () -> ()
      %run_scoped3A_222 = arith.constant 5 : i32
      "tpu.region"() ({
        %run_scoped3A_225 = tpu.sem_alloc : memref<!tpu.dma_semaphore, #tpu.memory_space<semaphore_mem>>
        %dma_start3A_226 = arith.constant 640 : i32
        %dma_start3A_227 = arith.constant 0 : i32
        %dma_start3A_228 = tpu.memref_slice %arg11[%dma_start3A_226, %dma_start3A_227] : memref<1024x64xf32, #tpu.memory_space<vmem>> -> memref<128x64xf32, #tpu.memory_space<vmem>>
        %dma_start3A_229 = arith.constant 0 : i32
        %dma_start3A_230 = tpu.memref_slice %arg9[%run_scoped3A_222, %dma_start3A_229] : memref<8x128xi32, #tpu.memory_space<vmem>> -> memref<1x128xi32, #tpu.memory_space<vmem>>
        %dma_start3A_231 = tpu.memref_squeeze %dma_start3A_230 : memref<1x128xi32, #tpu.memory_space<vmem>> -> memref<128xi32, #tpu.memory_space<vmem>>
        %dma_start3A_232 = arith.constant 0 : i32
        %dma_start3A_233 = arith.constant 0 : i32
        %dma_start3A_234 = tpu.memref_slice %arg12[%dma_start3A_232, %dma_start3A_233] : memref<10240x64xf32, #tpu.memory_space<vmem_shared>> -> memref<10240x64xf32, #tpu.memory_space<vmem_shared>>
        tpu.enqueue_indirect_dma source(%dma_start3A_228 : memref<128x64xf32, #tpu.memory_space<vmem>>) target(%dma_start3A_234 : memref<10240x64xf32, #tpu.memory_space<vmem_shared>>) offsets(%dma_start3A_231 : memref<128xi32, #tpu.memory_space<vmem>>) semaphore(%run_scoped3A_225 : memref<!tpu.dma_semaphore, #tpu.memory_space<semaphore_mem>>) {add = true}
        %dma_wait3A_235 = arith.constant 640 : i32
        %dma_wait3A_236 = arith.constant 0 : i32
        %dma_wait3A_237 = tpu.memref_slice %arg11[%dma_wait3A_235, %dma_wait3A_236] : memref<1024x64xf32, #tpu.memory_space<vmem>> -> memref<128x64xf32, #tpu.memory_space<vmem>>
        %dma_wait3A_238 = arith.constant 0 : i32
        %dma_wait3A_239 = tpu.memref_slice %arg9[%run_scoped3A_222, %dma_wait3A_238] : memref<8x128xi32, #tpu.memory_space<vmem>> -> memref<1x128xi32, #tpu.memory_space<vmem>>
        %dma_wait3A_240 = tpu.memref_squeeze %dma_wait3A_239 : memref<1x128xi32, #tpu.memory_space<vmem>> -> memref<128xi32, #tpu.memory_space<vmem>>
        %dma_wait3A_241 = arith.constant 0 : i32
        %dma_wait3A_242 = arith.constant 0 : i32
        %dma_wait3A_243 = tpu.memref_slice %arg12[%dma_wait3A_241, %dma_wait3A_242] : memref<10240x64xf32, #tpu.memory_space<vmem_shared>> -> memref<10240x64xf32, #tpu.memory_space<vmem_shared>>
        tpu.wait_indirect_dma semaphore(%run_scoped3A_225 : memref<!tpu.dma_semaphore, #tpu.memory_space<semaphore_mem>>) src(%dma_wait3A_237 : memref<128x64xf32, #tpu.memory_space<vmem>>) dst(%dma_wait3A_243 : memref<10240x64xf32, #tpu.memory_space<vmem_shared>>)
        tpu.yield
      }) : () -> ()
      %run_scoped3A_223 = arith.constant 6 : i32
      "tpu.region"() ({
        %run_scoped3A_225 = tpu.sem_alloc : memref<!tpu.dma_semaphore, #tpu.memory_space<semaphore_mem>>
        %dma_start3A_226 = arith.constant 768 : i32
        %dma_start3A_227 = arith.constant 0 : i32
        %dma_start3A_228 = tpu.memref_slice %arg11[%dma_start3A_226, %dma_start3A_227] : memref<1024x64xf32, #tpu.memory_space<vmem>> -> memref<128x64xf32, #tpu.memory_space<vmem>>
        %dma_start3A_229 = arith.constant 0 : i32
        %dma_start3A_230 = tpu.memref_slice %arg9[%run_scoped3A_223, %dma_start3A_229] : memref<8x128xi32, #tpu.memory_space<vmem>> -> memref<1x128xi32, #tpu.memory_space<vmem>>
        %dma_start3A_231 = tpu.memref_squeeze %dma_start3A_230 : memref<1x128xi32, #tpu.memory_space<vmem>> -> memref<128xi32, #tpu.memory_space<vmem>>
        %dma_start3A_232 = arith.constant 0 : i32
        %dma_start3A_233 = arith.constant 0 : i32
        %dma_start3A_234 = tpu.memref_slice %arg12[%dma_start3A_232, %dma_start3A_233] : memref<10240x64xf32, #tpu.memory_space<vmem_shared>> -> memref<10240x64xf32, #tpu.memory_space<vmem_shared>>
        tpu.enqueue_indirect_dma source(%dma_start3A_228 : memref<128x64xf32, #tpu.memory_space<vmem>>) target(%dma_start3A_234 : memref<10240x64xf32, #tpu.memory_space<vmem_shared>>) offsets(%dma_start3A_231 : memref<128xi32, #tpu.memory_space<vmem>>) semaphore(%run_scoped3A_225 : memref<!tpu.dma_semaphore, #tpu.memory_space<semaphore_mem>>) {add = true}
        %dma_wait3A_235 = arith.constant 768 : i32
        %dma_wait3A_236 = arith.constant 0 : i32
        %dma_wait3A_237 = tpu.memref_slice %arg11[%dma_wait3A_235, %dma_wait3A_236] : memref<1024x64xf32, #tpu.memory_space<vmem>> -> memref<128x64xf32, #tpu.memory_space<vmem>>
        %dma_wait3A_238 = arith.constant 0 : i32
        %dma_wait3A_239 = tpu.memref_slice %arg9[%run_scoped3A_223, %dma_wait3A_238] : memref<8x128xi32, #tpu.memory_space<vmem>> -> memref<1x128xi32, #tpu.memory_space<vmem>>
        %dma_wait3A_240 = tpu.memref_squeeze %dma_wait3A_239 : memref<1x128xi32, #tpu.memory_space<vmem>> -> memref<128xi32, #tpu.memory_space<vmem>>
        %dma_wait3A_241 = arith.constant 0 : i32
        %dma_wait3A_242 = arith.constant 0 : i32
        %dma_wait3A_243 = tpu.memref_slice %arg12[%dma_wait3A_241, %dma_wait3A_242] : memref<10240x64xf32, #tpu.memory_space<vmem_shared>> -> memref<10240x64xf32, #tpu.memory_space<vmem_shared>>
        tpu.wait_indirect_dma semaphore(%run_scoped3A_225 : memref<!tpu.dma_semaphore, #tpu.memory_space<semaphore_mem>>) src(%dma_wait3A_237 : memref<128x64xf32, #tpu.memory_space<vmem>>) dst(%dma_wait3A_243 : memref<10240x64xf32, #tpu.memory_space<vmem_shared>>)
        tpu.yield
      }) : () -> ()
      %run_scoped3A_224 = arith.constant 7 : i32
      "tpu.region"() ({
        %run_scoped3A_225 = tpu.sem_alloc : memref<!tpu.dma_semaphore, #tpu.memory_space<semaphore_mem>>
        %dma_start3A_226 = arith.constant 896 : i32
        %dma_start3A_227 = arith.constant 0 : i32
        %dma_start3A_228 = tpu.memref_slice %arg11[%dma_start3A_226, %dma_start3A_227] : memref<1024x64xf32, #tpu.memory_space<vmem>> -> memref<128x64xf32, #tpu.memory_space<vmem>>
        %dma_start3A_229 = arith.constant 0 : i32
        %dma_start3A_230 = tpu.memref_slice %arg9[%run_scoped3A_224, %dma_start3A_229] : memref<8x128xi32, #tpu.memory_space<vmem>> -> memref<1x128xi32, #tpu.memory_space<vmem>>
        %dma_start3A_231 = tpu.memref_squeeze %dma_start3A_230 : memref<1x128xi32, #tpu.memory_space<vmem>> -> memref<128xi32, #tpu.memory_space<vmem>>
        %dma_start3A_232 = arith.constant 0 : i32
        %dma_start3A_233 = arith.constant 0 : i32
        %dma_start3A_234 = tpu.memref_slice %arg12[%dma_start3A_232, %dma_start3A_233] : memref<10240x64xf32, #tpu.memory_space<vmem_shared>> -> memref<10240x64xf32, #tpu.memory_space<vmem_shared>>
        tpu.enqueue_indirect_dma source(%dma_start3A_228 : memref<128x64xf32, #tpu.memory_space<vmem>>) target(%dma_start3A_234 : memref<10240x64xf32, #tpu.memory_space<vmem_shared>>) offsets(%dma_start3A_231 : memref<128xi32, #tpu.memory_space<vmem>>) semaphore(%run_scoped3A_225 : memref<!tpu.dma_semaphore, #tpu.memory_space<semaphore_mem>>) {add = true}
        %dma_wait3A_235 = arith.constant 896 : i32
        %dma_wait3A_236 = arith.constant 0 : i32
        %dma_wait3A_237 = tpu.memref_slice %arg11[%dma_wait3A_235, %dma_wait3A_236] : memref<1024x64xf32, #tpu.memory_space<vmem>> -> memref<128x64xf32, #tpu.memory_space<vmem>>
        %dma_wait3A_238 = arith.constant 0 : i32
        %dma_wait3A_239 = tpu.memref_slice %arg9[%run_scoped3A_224, %dma_wait3A_238] : memref<8x128xi32, #tpu.memory_space<vmem>> -> memref<1x128xi32, #tpu.memory_space<vmem>>
        %dma_wait3A_240 = tpu.memref_squeeze %dma_wait3A_239 : memref<1x128xi32, #tpu.memory_space<vmem>> -> memref<128xi32, #tpu.memory_space<vmem>>
        %dma_wait3A_241 = arith.constant 0 : i32
        %dma_wait3A_242 = arith.constant 0 : i32
        %dma_wait3A_243 = tpu.memref_slice %arg12[%dma_wait3A_241, %dma_wait3A_242] : memref<10240x64xf32, #tpu.memory_space<vmem_shared>> -> memref<10240x64xf32, #tpu.memory_space<vmem_shared>>
        tpu.wait_indirect_dma semaphore(%run_scoped3A_225 : memref<!tpu.dma_semaphore, #tpu.memory_space<semaphore_mem>>) src(%dma_wait3A_237 : memref<128x64xf32, #tpu.memory_space<vmem>>) dst(%dma_wait3A_243 : memref<10240x64xf32, #tpu.memory_space<vmem_shared>>)
        tpu.yield
      }) : () -> ()
    }
    %scan3A_30 = arith.constant 20 : i32
    %barrier3A_31 = arith.constant 0 : index
    tpu.barrier barrier_id(%barrier3A_31)
    %mul3A_32 = arith.constant 640 : i32
    %mul3A_33 = arith.muli %arg1, %mul3A_32 : i32
    %mul3A_34 = arith.constant 640 : i32
    %mul3A_35 = arith.muli %arg1, %mul3A_34 : i32
    %add3A_36 = arith.addi %mul3A_0, %mul3A_35 : i32
    "tpu.region"() ({
      %run_scoped3A = tpu.sem_alloc : memref<!tpu.dma_semaphore, #tpu.memory_space<semaphore_mem>>
      %dma_start3A = arith.constant 0 : i32
      %dma_start3A_38 = tpu.memref_slice %arg7[%add3A_36, %dma_start3A] : memref<20480x64xf32, #tpu.memory_space<hbm>> -> memref<640x64xf32, #tpu.memory_space<hbm>>
      %dma_start3A_39 = arith.constant 0 : i32
      %dma_start3A_40 = tpu.memref_slice %arg12[%mul3A_33, %dma_start3A_39] : memref<10240x64xf32, #tpu.memory_space<vmem_shared>> -> memref<640x64xf32, #tpu.memory_space<vmem_shared>>
      tpu.enqueue_dma source(%dma_start3A_40 : memref<640x64xf32, #tpu.memory_space<vmem_shared>>) target(%dma_start3A_38 : memref<640x64xf32, #tpu.memory_space<hbm>>) target_semaphore(%run_scoped3A : memref<!tpu.dma_semaphore, #tpu.memory_space<semaphore_mem>>)
      %dma_wait3A = arith.constant 0 : i32
      %dma_wait3A_41 = tpu.memref_slice %arg7[%add3A_36, %dma_wait3A] : memref<20480x64xf32, #tpu.memory_space<hbm>> -> memref<640x64xf32, #tpu.memory_space<hbm>>
      %dma_wait3A_42 = arith.constant 0 : i32
      %dma_wait3A_43 = tpu.memref_slice %arg12[%mul3A_33, %dma_wait3A_42] : memref<10240x64xf32, #tpu.memory_space<vmem_shared>> -> memref<640x64xf32, #tpu.memory_space<vmem_shared>>
      tpu.wait_dma2 semaphore(%run_scoped3A : memref<!tpu.dma_semaphore, #tpu.memory_space<semaphore_mem>>) src(%dma_wait3A_43 : memref<640x64xf32, #tpu.memory_space<vmem_shared>>) dst(%dma_wait3A_41 : memref<640x64xf32, #tpu.memory_space<hbm>>)
      tpu.yield
    }) : () -> ()
    %barrier3A_37 = arith.constant 0 : index
    tpu.barrier barrier_id(%barrier3A_37)
    return
  }
}

module attributes {stable_mosaic.version = 14 : i64} {
  func.func @body(%arg0: i32, %arg1: memref<640x128xf32, #tpu.memory_space<vmem>>, %arg2: memref<640x64xf32, #tpu.memory_space<vmem>>, %arg3: memref<640x64xf32, #tpu.memory_space<vmem>>, %arg4: memref<640x64xf32, #tpu.memory_space<vmem>>, %arg5: memref<640x64xf32, #tpu.memory_space<vmem>>, %arg6: memref<384x128xf32, #tpu.memory_space<vmem>>, %arg7: memref<1x128xf32, #tpu.memory_space<vmem>>, %arg8: memref<640x128xf32, #tpu.memory_space<vmem>>) attributes {dimension_semantics = [#tpu.dimension_semantics<arbitrary>], iteration_bounds = array<i64: 16>, scalar_prefetch = 0 : i64, scratch_operands = 0 : i64, tpu.core_type = #tpu.core_type<tc>, window_params = [{transform_indices = @transform_0, window_bounds = array<i64: 640, 128>}, {transform_indices = @transform_1, window_bounds = array<i64: 640, 64>}, {transform_indices = @transform_2, window_bounds = array<i64: 640, 64>}, {transform_indices = @transform_3, window_bounds = array<i64: 640, 64>}, {transform_indices = @transform_4, window_bounds = array<i64: 640, 64>}, {pipeline_mode = #tpu.pipeline_mode<synchronous>, transform_indices = @transform_5, window_bounds = array<i64: 384, 128>}, {pipeline_mode = #tpu.pipeline_mode<synchronous>, transform_indices = @transform_6, window_bounds = array<i64: 1, 128>}, {transform_indices = @transform_7, window_bounds = array<i64: 640, 128>}]} {
    %get3A = arith.constant 0 : index
    %get3A_0 = arith.constant 0 : index
    %get3A_1 = vector.load %arg1[%get3A, %get3A_0] : memref<640x128xf32, #tpu.memory_space<vmem>>, vector<640x128xf32>
    %get3A_2 = arith.constant 0 : index
    %get3A_3 = arith.constant 0 : index
    %get3A_4 = vector.load %arg6[%get3A_2, %get3A_3] : memref<384x128xf32, #tpu.memory_space<vmem>>, vector<128x128xf32>
    %dot_general3A = arith.constant dense<0.000000e+00> : vector<640x128xf32>
    %dot_general3A_5 = tpu.matmul %get3A_1, %get3A_4, %dot_general3A {dimension_numbers = #tpu.dot_dimension_numbers<[1], [0], [0], [1], [0, 0, 1, 1], [], []>, precision = #tpu.contract_precision<fp32>, transpose_lhs_hint = false} : vector<640x128xf32>, vector<128x128xf32>, vector<640x128xf32> -> vector<640x128xf32>
    %get3A_6 = arith.constant 0 : index
    %get3A_7 = arith.constant 0 : index
    %get3A_8 = vector.load %arg2[%get3A_6, %get3A_7] : memref<640x64xf32, #tpu.memory_space<vmem>>, vector<640x64xf32>
    %get3A_9 = arith.constant 128 : index
    %get3A_10 = arith.constant 0 : index
    %get3A_11 = vector.load %arg6[%get3A_9, %get3A_10] : memref<384x128xf32, #tpu.memory_space<vmem>>, vector<64x128xf32>
    %dot_general3A_12 = arith.constant dense<0.000000e+00> : vector<640x128xf32>
    %dot_general3A_13 = tpu.matmul %get3A_8, %get3A_11, %dot_general3A_12 {dimension_numbers = #tpu.dot_dimension_numbers<[1], [0], [0], [1], [0, 0, 1, 1], [], []>, precision = #tpu.contract_precision<fp32>, transpose_lhs_hint = false} : vector<640x64xf32>, vector<64x128xf32>, vector<640x128xf32> -> vector<640x128xf32>
    %add3A = arith.addf %dot_general3A_5, %dot_general3A_13 : vector<640x128xf32>
    %get3A_14 = arith.constant 0 : index
    %get3A_15 = arith.constant 0 : index
    %get3A_16 = vector.load %arg3[%get3A_14, %get3A_15] : memref<640x64xf32, #tpu.memory_space<vmem>>, vector<640x64xf32>
    %get3A_17 = arith.constant 192 : index
    %get3A_18 = arith.constant 0 : index
    %get3A_19 = vector.load %arg6[%get3A_17, %get3A_18] : memref<384x128xf32, #tpu.memory_space<vmem>>, vector<64x128xf32>
    %dot_general3A_20 = arith.constant dense<0.000000e+00> : vector<640x128xf32>
    %dot_general3A_21 = tpu.matmul %get3A_16, %get3A_19, %dot_general3A_20 {dimension_numbers = #tpu.dot_dimension_numbers<[1], [0], [0], [1], [0, 0, 1, 1], [], []>, precision = #tpu.contract_precision<fp32>, transpose_lhs_hint = false} : vector<640x64xf32>, vector<64x128xf32>, vector<640x128xf32> -> vector<640x128xf32>
    %add3A_22 = arith.addf %add3A, %dot_general3A_21 : vector<640x128xf32>
    %get3A_23 = arith.constant 0 : index
    %get3A_24 = arith.constant 0 : index
    %get3A_25 = vector.load %arg4[%get3A_23, %get3A_24] : memref<640x64xf32, #tpu.memory_space<vmem>>, vector<640x64xf32>
    %get3A_26 = arith.constant 256 : index
    %get3A_27 = arith.constant 0 : index
    %get3A_28 = vector.load %arg6[%get3A_26, %get3A_27] : memref<384x128xf32, #tpu.memory_space<vmem>>, vector<64x128xf32>
    %dot_general3A_29 = arith.constant dense<0.000000e+00> : vector<640x128xf32>
    %dot_general3A_30 = tpu.matmul %get3A_25, %get3A_28, %dot_general3A_29 {dimension_numbers = #tpu.dot_dimension_numbers<[1], [0], [0], [1], [0, 0, 1, 1], [], []>, precision = #tpu.contract_precision<fp32>, transpose_lhs_hint = false} : vector<640x64xf32>, vector<64x128xf32>, vector<640x128xf32> -> vector<640x128xf32>
    %add3A_31 = arith.addf %add3A_22, %dot_general3A_30 : vector<640x128xf32>
    %get3A_32 = arith.constant 0 : index
    %get3A_33 = arith.constant 0 : index
    %get3A_34 = vector.load %arg5[%get3A_32, %get3A_33] : memref<640x64xf32, #tpu.memory_space<vmem>>, vector<640x64xf32>
    %get3A_35 = arith.constant 320 : index
    %get3A_36 = arith.constant 0 : index
    %get3A_37 = vector.load %arg6[%get3A_35, %get3A_36] : memref<384x128xf32, #tpu.memory_space<vmem>>, vector<64x128xf32>
    %dot_general3A_38 = arith.constant dense<0.000000e+00> : vector<640x128xf32>
    %dot_general3A_39 = tpu.matmul %get3A_34, %get3A_37, %dot_general3A_38 {dimension_numbers = #tpu.dot_dimension_numbers<[1], [0], [0], [1], [0, 0, 1, 1], [], []>, precision = #tpu.contract_precision<fp32>, transpose_lhs_hint = false} : vector<640x64xf32>, vector<64x128xf32>, vector<640x128xf32> -> vector<640x128xf32>
    %add3A_40 = arith.addf %add3A_31, %dot_general3A_39 : vector<640x128xf32>
    %get3A_41 = arith.constant 0 : index
    %get3A_42 = arith.constant 0 : index
    %get3A_43 = vector.load %arg7[%get3A_41, %get3A_42] : memref<1x128xf32, #tpu.memory_space<vmem>>, vector<1x128xf32>
    %add3A_44 = vector.broadcast %get3A_43 : vector<1x128xf32> to vector<640x128xf32>
    %add3A_45 = arith.addf %add3A_40, %add3A_44 : vector<640x128xf32>
    %swap3A = arith.constant 0 : index
    %swap3A_46 = arith.constant 0 : index
    %swap3A_47 = vector.load %arg8[%swap3A, %swap3A_46] : memref<640x128xf32, #tpu.memory_space<vmem>>, vector<640x128xf32>
    tpu.vector_store %arg8[%swap3A, %swap3A_46], %add3A_45 {strides = array<i32>} : memref<640x128xf32, #tpu.memory_space<vmem>>, vector<640x128xf32>,
    return
  }
  func.func @transform_0(%arg0: i32) -> (i32, i32) {
    %c0_i32 = arith.constant 0 : i32
    %c0_i32_0 = arith.constant 0 : i32
    return %arg0, %c0_i32 : i32, i32
  }
  func.func @transform_1(%arg0: i32) -> (i32, i32) {
    %c0_i32 = arith.constant 0 : i32
    %c0_i32_0 = arith.constant 0 : i32
    return %arg0, %c0_i32 : i32, i32
  }
  func.func @transform_2(%arg0: i32) -> (i32, i32) {
    %add3A = arith.constant 16 : i32
    %add3A_0 = arith.addi %arg0, %add3A : i32
    %c0_i32 = arith.constant 0 : i32
    %c0_i32_1 = arith.constant 0 : i32
    return %add3A_0, %c0_i32 : i32, i32
  }
  func.func @transform_3(%arg0: i32) -> (i32, i32) {
    %c0_i32 = arith.constant 0 : i32
    %c0_i32_0 = arith.constant 0 : i32
    return %arg0, %c0_i32 : i32, i32
  }
  func.func @transform_4(%arg0: i32) -> (i32, i32) {
    %add3A = arith.constant 16 : i32
    %add3A_0 = arith.addi %arg0, %add3A : i32
    %c0_i32 = arith.constant 0 : i32
    %c0_i32_1 = arith.constant 0 : i32
    return %add3A_0, %c0_i32 : i32, i32
  }
  func.func @transform_5(%arg0: i32) -> (i32, i32) {
    %c0_i32 = arith.constant 0 : i32
    %c0_i32_0 = arith.constant 0 : i32
    %c0_i32_1 = arith.constant 0 : i32
    return %c0_i32, %c0_i32_0 : i32, i32
  }
  func.func @transform_6(%arg0: i32) -> (i32, i32) {
    %c0_i32 = arith.constant 0 : i32
    %c0_i32_0 = arith.constant 0 : i32
    %c0_i32_1 = arith.constant 0 : i32
    return %c0_i32, %c0_i32_0 : i32, i32
  }
  func.func @transform_7(%arg0: i32) -> (i32, i32) {
    %c0_i32 = arith.constant 0 : i32
    %c0_i32_0 = arith.constant 0 : i32
    return %arg0, %c0_i32 : i32, i32
  }
}

</mosaic_0001>

<sc_bundles>
// kernel: kernel.4.cloned.1.call-start
scs
__scs_entry_jumppad:
0x0: {  	(pc) =	sbr.rel $0x88, $3  }
0x1: {  	(tag) =	ssettag $0x0;
	lr =	simm.s32 $0x1  }
0x2: {  	[smem:$0x3F9C] =	sst lr;
	_ =	strace $0xD0000000  }
0x3: {  	_ = 	snop  }
0x4: {  	_ = 	snop  }
0x5: {  	_ = 	snop  }
0x6: {  	_ = 	snop  }
0x7: {  	_ = 	snop  }
__scs_overlays_trampoline_lowered:
0x8: {  	[smem:$0x3FAB] =	sst s0  }
0x9: {  	[smem:$0x3FAC] =	sst s1  }
0xa: {  	[smem:$0x3FAD] =	sst s2  }
0xb: {  	[smem:$0x3FAE] =	sst s3  }
0xc: {  	[smem:$0x3FAF] =	sst s4  }
0xd: {  	[smem:$0x3FB0] =	sst s5  }
0xe: {  	[smem:$0x3FB1] =	sst s6  }
0xf: {  	[smem:$0x3FB2] =	sst s7  }
0x10: {  	[smem:$0x3FB3] =	sst s8  }
0x11: {  	[smem:$0x3FB4] =	sst s9;
	s0 =	simm.s32 @!p0 $0x0  }
0x12: {  	s1 =	sld [smem:$0x3F9A];
	s0 =	simm.s32 @p0 $0x1  }
0x13: {  	[smem:$0x3FB5] =	sst s0;
	s0 =	simm.s32 @!p1 $0x0  }
0x14: {  	s2 =	sld [smem:$0x3F99];
	s0 =	simm.s32 @p1 $0x1  }
0x15: {  	[smem:$0x3FB6] =	sst s0;
	s0 =	simm.s32 @!p2 $0x0  }
0x16: {  	s3 =	sld [smem:$0x3FDB];
	s0 =	simm.s32 @p2 $0x1  }
0x17: {  	s4 =	simm.s32 $0x1BF5;
	[smem:$0x3FB8] =	sst s0  }
0x18: {  	s0 =	sld [smem:$0x3F9B];
	_ =	swait.ge [sflag:s4], $0x0  }
0x19: {  	s7 =	sld [smem:$0x3F9C]  }
0x1a: {  	s8 =	sadd.s32 $0xFFFFE003, lr  }
0x1b: {  	s9 =	sadd.s32 $0xFFFFFEF7, lr;
	s5 =	simm.s32 $0xFFFFFFFF;
	p2 =	slt.u32 s8, $0xFFFFF086  }
0x1c: {  	p1 =	slt.u32 s9, $0xF7A;
	s5 =	simm.s32 @!p2 $0x0  }
0x1d: {  	s5 =	simm.s32 @p1 $0x1;
	p0 =	seq.s32 s7, s2  }
0x1e: {  	s7 =	smul.u32 @!p0 $0xF7A, s2;
	p2 =	seq.s32 @!p0 s5, $0x0  }
0x1f: {  	s9 =	smul.u32 $0xF7A, s1;
	s8 =	simm.s32 @!p0 $0x1BF5;
	p2 =	por !p2, p0  }
0x20: {  	[sflag:s8] =	ssyncset.s32 @!p0 $0xFFFFF086;
	s6 =	sadd.s32 @!p0 s3, s7;
	s7 =	simm.s32 @!p0 $0x108  }
0x21: {  	s3 =	sadd.s32 s3, s9;
	s6 =	sadd.s32 @!p0 $0x88, s6;
	s7 =	simm.s32 @p2 $0x1082  }
0x22: {  	[simem:s7], [sflag:s8] =	dma.local @!p0 [hbm:s6], $0xF7A  }
0x23: {  	s9 =	sor.u32 $0xD0000000, s2;
	s6 =	simm.s32 $0x108;
	_ =	swait.ge @!p0 [sflag:s8], $0x0  }
0x24: {  	s3 =	sadd.s32 $0x88, s3;
	s6 =	simm.s32 @!p1 $0x1082;
	[sflag:s4] =	ssyncset.s32 $0xFFFFF086  }
0x25: {  	[simem:s6], [sflag:s4] =	dma.local [hbm:s3], $0xF7A  }
0x26: {  	[smem:$0x3F9C] =	sst s1;
	(tag) =	ssettag s2;
	_ =	strace s9  }
0x27: {  	s1 =	sld [smem:$0x3FAC]  }
0x28: {  	s2 =	sld [smem:$0x3FAD]  }
0x29: {  	s4 =	sld [smem:$0x3FAF]  }
0x2a: {  	p0 =	seq.s32 s5, $0x0;
	s5 =	sld [smem:$0x3FB0]  }
0x2b: {  	s6 =	sld [smem:$0x3FB1]  }
0x2c: {  	s7 =	sld [smem:$0x3FB2]  }
0x2d: {  	s3 =	simm.s32 $0x108;
	s8 =	sld [smem:$0x3FB3]  }
0x2e: {  	s3 =	simm.s32 @!p0 $0x1082;
	s9 =	sld [smem:$0x3FB4]  }
0x2f: {  	lr =	sadd.s32 s0, s3;
	s0 =	sld [smem:$0x3FAB]  }
0x30: {  	s3 =	sld [smem:$0x3FAE]  }
0x31: {  	[smem:$0x3FB7] =	sst s10  }
0x32: {  	s10 =	sld [smem:$0x3FB5];
	_ =	sdelay $0x3  }
0x33: {  	p0 =	seq.s32 s10, $0x1;
	s10 =	sld [smem:$0x3FB7];
	_ =	sdelay $0x3  }
0x34: {  	[smem:$0x3FB7] =	sst s10  }
0x35: {  	s10 =	sld [smem:$0x3FB6];
	_ =	sdelay $0x3  }
0x36: {  	p1 =	seq.s32 s10, $0x1;
	s10 =	sld [smem:$0x3FB7];
	_ =	sdelay $0x3  }
0x37: {  	[smem:$0x3FB7] =	sst s10  }
0x38: {  	s10 =	sld [smem:$0x3FB8]  }
0x39: {  	_ = 	snop;
	(pc) =	sbr.ind lr, $3  }
0x3a: {  	_ = 	snop  }
0x3b: {  	_ = 	snop  }
0x3c: {  	p2 =	seq.s32 s10, $0x1;
	s10 =	sld [smem:$0x3FB7]  }
0x3d: {  	_ =	shalt  }
0x3e: {  	_ =	shalt  }
0x3f: {  	_ =	shalt  }
0x40: {  	_ =	shalt  }
0x41: {  	_ =	shalt  }
0x42: {  	_ =	shalt  }
0x43: {  	_ =	shalt  }
0x44: {  	_ =	shalt  }
0x45: {  	_ =	shalt  }
0x46: {  	_ =	shalt  }
0x47: {  	_ =	shalt  }
0x48: {  	_ =	shalt  }
0x49: {  	_ =	shalt  }
0x4a: {  	_ =	shalt  }
0x4b: {  	_ =	shalt  }
0x4c: {  	_ =	shalt  }
0x4d: {  	_ =	shalt  }
0x4e: {  	_ =	shalt  }
0x4f: {  	_ =	shalt  }
0x50: {  	_ =	shalt  }
0x51: {  	_ =	shalt  }
0x52: {  	_ =	shalt  }
0x53: {  	_ =	shalt  }
0x54: {  	_ =	shalt  }
0x55: {  	_ =	shalt  }
0x56: {  	_ =	shalt  }
0x57: {  	_ =	shalt  }
0x58: {  	_ =	shalt  }
0x59: {  	_ =	shalt  }
0x5a: {  	_ =	shalt  }
0x5b: {  	_ =	shalt  }
0x5c: {  	_ =	shalt  }
0x5d: {  	_ =	shalt  }
0x5e: {  	_ =	shalt  }
0x5f: {  	_ =	shalt  }
0x60: {  	_ =	shalt  }
0x61: {  	_ =	shalt  }
0x62: {  	_ =	shalt  }
0x63: {  	_ =	shalt  }
0x64: {  	_ =	shalt  }
0x65: {  	_ =	shalt  }
0x66: {  	_ =	shalt  }
0x67: {  	_ =	shalt  }
0x68: {  	_ =	shalt  }
0x69: {  	_ =	shalt  }
0x6a: {  	_ =	shalt  }
0x6b: {  	_ =	shalt  }
0x6c: {  	_ =	shalt  }
0x6d: {  	_ =	shalt  }
0x6e: {  	_ =	shalt  }
0x6f: {  	_ =	shalt  }
0x70: {  	_ =	shalt  }
0x71: {  	_ =	shalt  }
0x72: {  	_ =	shalt  }
0x73: {  	_ =	shalt  }
0x74: {  	_ =	shalt  }
0x75: {  	_ =	shalt  }
0x76: {  	_ =	shalt  }
0x77: {  	_ =	shalt  }
0x78: {  	_ =	shalt  }
0x79: {  	_ =	shalt  }
0x7a: {  	_ =	shalt  }
0x7b: {  	_ =	shalt  }
0x7c: {  	_ =	shalt  }
0x7d: {  	_ =	shalt  }
0x7e: {  	_ =	shalt  }
0x7f: {  	_ =	shalt  }
0x80: {  	_ =	shalt  }
0x81: {  	_ =	shalt  }
0x82: {  	_ =	shalt  }
0x83: {  	_ =	shalt  }
0x84: {  	_ =	shalt  }
0x85: {  	_ =	shalt  }
0x86: {  	_ =	shalt  }
0x87: {  	_ =	shalt  }
.Lfunc_end0:
.L_simem_size_0:
called_computation_lowered:
.L_overlay_start_0:
0x88: {  	s2 =	sld [smem:$0x3FD9]  }
0x89: {  	s3 =	sld [smem:$0x3FFE];
	_ =	sdelay $0x1  }
0x8a: {  	s1 =	srdreg.scid  }
0x8b: {  	s0 =	sand.u32 $0x1, s1  }
0x8c: {  	s17 =	sshll.u32 s0, $0xA;
	s2 =	sadd.s32 s3, s2  }
0x8d: {  	s2 =	sadd.s32 s2, s17  }
0x8e: {  	[smem:$0x3FC3] =	sst s2  }
0x8f: {  	_ = 	snop  }
0x90: {  	s2 =	sld [smem:$0x3FD0];
	(tm) =	ssettm $0x1  }
0x91: {  	s18 =	sld [smem:$0x3FFB];
	_ =	sdelay $0x3  }
0x92: {  	_ =	strace s18  }
0x93: {  	s3 =	sld [smem:$0x3FFC];
	_ =	sdelay $0x3  }
0x94: {  	_ =	strace s3  }
0x95: {  	s3 =	sld [smem:$0x3FFD];
	_ =	sdelay $0x3  }
0x96: {  	_ =	strace s3  }
0x97: {  	_ =	strace $0x8FFFFFFF  }
0x98: {  	s19 =	sld [smem:$0x3FDB];
	_ =	sdelay $0x1  }
0x99: {  	s4 =	simm.s32 $_scs_section_size  }
0x9a: {  	s5 =	simm.s32 $_size__tile_overlayer_lowered;
	s6 =	simm.s32 $_tile_overlayer_lowered  }
0x9b: {  	s22 =	simm.s32 $0x1BFF;
	s21 =	sshll.u32 s6, $0x1;
	s3 =	sadd.s32 s4, s19  }
0x9c: {  	s7 =	simm.s32 $0x0;
	s20 =	sshll.u32 s5, $0x1;
	s5 =	sadd.s32 s21, s3  }
0x9d: {  	[timem:s7], [sflag:s22] =	dma.local [hbm:s5], s20  }
0x9e: {  	_ =	swait.ge [sflag:s22], s20  }
0x9f: {  	s4 =	ssub.s32 $0x0, s20;
	[sflag:s22] =	ssyncset.done $0x0  }
0xa0: {  	[sflag:s22] =	ssyncadd.s32 s4;
	_ =	sdelay $0x1  }
0xa1: {  	s23 =	simm.s32 $0x1B8B  }
0xa2: {  	_ =	swait.ge [sflag:s23], $0x1  }
0xa3: {  	[sflag:s23] =	ssyncset.done $0x0  }
0xa4: {  	s25 =	simm.s32 $0x1B8E;
	s24 =	sld [smem:$0x3FFE];
	[sflag:s23] =	ssyncadd.s32 $0xFFFFFFFF  }
0xa5: {  	s26 =	simm.s32 $execute0_lowered;
	[smem:$0x3FD2] =	sst s25  }
0xa6: {  	s5 =	sshll.u32 s26, $0x1;
	_ =	strace $0x80000046;
	[dreg:$0x1] =	wrdreg $0xFFFFFFFF  }
0xa7: {  	s28 =	simm.s32 $_size_execute0_lowered;
	s3 =	sadd.s32 s3, s5;
	[dreg:$0x0] =	wrdreg $0x0  }
0xa8: {  	s5 =	sshll.u32 s28, $0x1;
	[dreg:$0x2] =	wrdreg s3  }
0xa9: {  	[dreg:$0x3] =	wrdreg s5  }
0xaa: {  	[dreg:$0x4] =	wrdreg $0xC0  }
0xab: {  	_ =	task [dreg:s7], $0x5FFFF  }
0xac: {  	[dreg:$0x1] =	wrdreg $0xFFFFFFFF  }
0xad: {  	[dreg:$0x0] =	wrdreg $0x60  }
0xae: {  	[dreg:$0x2] =	wrdreg s24  }
0xaf: {  	[dreg:$0x3] =	wrdreg s2  }
0xb0: {  	[dreg:$0x4] =	wrdreg $0x10C000  }
0xb1: {  	[dreg:$0x5] =	wrdreg $0x9  }
0xb2: {  	_ =	task.clear_ibuf [dreg:s7], $0x6FFFF;
	_ =	strace $0x90000046  }
0xb3: {  	s29 =	simm.s32 $0x9;
	_ =	strace $0x80000048  }
0xb4: {  	_ =	swait.ge [sflag:s29], $0x1  }
0xb5: {  	[sflag:s29] =	ssyncadd.s32 $0xFFFFFFFF  }
0xb6: {  	_ =	strace $0x90000048  }
0xb7: {  	_ =	sfence  }
0xb8: {  	s30 =	sld [smem:$0x0];
	_ =	sdelay $0x2  }
0xb9: {  	s31 =	sshll.u32 s1, $0xD;
	s1 =	sshrl.u32 s1, $0x2  }
0xba: {  	s3 =	sand.u32 $0x4000, s31;
	s1 =	sadd.s32 s1, s30  }
0xbb: {  	s0 =	sor.u32 s3, s0;
	s1 =	sshll.u32 s1, $0x11  }
0xbc: {  	s0 =	sor.u32 s1, s0  }
0xbd: {  	s0 =	sadd.s32 $0x8F2B, s0  }
0xbe: {  	[sflag:s0] =	ssyncadd.remote.s32 $0x1  }
0xbf: {  	_ =	sfence.sel $0xFFFF  }
0xc0: {  	[dreg:$0x0] =	wrdreg $0xFFFFFFFF;
	(pc) =	sbr.abs _section_cstart, $3  }
0xc1: {  	[dreg:$0x1] =	wrdreg $0xFFFFFFFF  }
0xc2: {  	_ =	task.clear_ibuf [dreg:s7], $0x2FFFF;
	_ =	strace $0x9FFFFFFF  }
0xc3: {  	(tm) =	ssettm $0x7FFFFFFF  }
tec
execute0_lowered:
.L_overlay_start_1:
0x0: {  	(tag) =	ssettag $0x1  }
0x1: {  	s0 =	rddreg [dreg:$0x0]  }
0x2: {  	s2 =	rddreg [dreg:$0x2];
	s20 =	simm.s32 $0x0  }
0x3: {  	s1 =	srdreg.scid;
	s11 =	stileid.u32;
	s14 =	simm.s32 $0xC00  }
0x4: {  	s15 =	simm.s32 $0x2;
	s16 =	simm.s32 $0x400;
	s18 =	simm.s32 $0x80  }
0x5: {  	s19 =	simm.s32 $0x2C00;
	s21 =	simm.s32 $0x4C00;
	s23 =	simm.s32 $0x6C00  }
0x6: {  	s25 =	simm.s32 $0x8C00;
	s28 =	simm.s32 $0xAC00;
	s30 =	simm.s32 $0xCC00  }
0x7: {  	s31 =	simm.s32 $0x380;
	s12 =	simm.s32 $0x500;
	s13 =	simm.s32 $0x580  }
0x8: {  	s17 =	simm.s32 $0x780;
	[smem:$0x7FF] =	sst s20;
	s3 =	smul.u32 $0x280, s11  }
0x9: {  	s1 =	sand.u32 $0x1, s1;
	s5 =	sadd.s32 $0x14C00, s0;
	s9 =	smul.u32 $0x28000, s11  }
0xa: {  	s6 =	sadd.s32 $0xC00, s0;
	s7 =	sadd.s32 $0xAC00, s0;
	s4 =	smul.u32 $0x2800, s1  }
0xb: {  	s8 =	sadd.s32 $0x64C00, s0;
	_ =	strace $0x80000047;
	s1 =	ssub.s32 $0x2, s1  }
0xc: {  	s10 =	sshrl.u32 s1, $0x1;
	s9 =	sshrl.u32 s9, $0x2;
	s3 =	sadd.s32 s3, s4  }
0xd: {  	s1 =	ssub.s32 s1, s10;
	s9 =	sadd.s32 s9, s2;
	s10 =	smul.u32 $0x14, s11  }
0xe: {  	s11 =	simm.s32 $0x480;
	v0 =	vmov s4;
	s4 =	simm.s32 $0x680;
	s3 =	sshll.u32 s3, $0x3  }
0xf: {  	[dreg:$0x5] =	wrdreg s9;
	s29 =	smax.u32 s1, $0x1;
	s9 =	simm.s32 $0x600  }
0x10: {  	s0 =	sadd.s32 s3, s0;
	s3 =	sadd.s32 s8, s3;
	[dreg:$0x8] =	wrdreg s29  }
0x11: {  	s1 =	simm.s32 $0x700;
	[dreg:$0x6] =	wrdreg s3;
	s0 =	sadd.s32 $0x3CC00, s0  }
0x12: {  	v1 =	vimm.f32 $0.0e+00;
	s3 =	simm.s32 $0x1;
	[dreg:$0x7] =	wrdreg s0;
	s0 =	simm.s32 $0xEC00  }
.LBB2_1:
0x13: {  	[dreg:$0x4] =	wrdreg s20;
	s22 =	simm.s32 $0x100;
	s20 =	simm.s32 $0x0  }
.LBB2_2:
0x14: {  	p0 =	sne.s32 s22, $0x27F00;
	[tilespmem:s20+$0xC30] =	vst v1;
	s24 =	smov.u32 s22;
	s22 =	sadd.s32 $0x100, s22  }
.Ltmp0:
0x15: {  	[tilespmem:s20+$0xC20] =	vst v1;
	(pc) =	sbr.rel @p0 .LBB2_2-.Ltmp0, $3  }
0x16: {  	[tilespmem:s20+$0xC00] =	vst v1  }
0x17: {  	[tilespmem:s20+$0xC10] =	vst v1;
	_ =	sdelay $0x1  }
0x18: {  	s20 =	sshra.s32 s24, $0x2  }
0x19: {  	[tilespmem:s20+$0xC30] =	vst v1  }
0x1a: {  	[tilespmem:s20+$0xC20] =	vst v1  }
0x1b: {  	[tilespmem:s20+$0xC00] =	vst v1  }
0x1c: {  	[tilespmem:s20+$0xC10] =	vst v1;
	s29 =	rddreg [dreg:$0x5]  }
0x1d: {  	[spmem:s29] =	stream.linear.scatter [tilespmem:s14], [sflag:$0x2], $0xA000, $0x38;
	[tilespmem:$0x1AC00] =	vst v63  }
0x1e: {  	_ =	swait.ge [sflag:s15], $0xA000  }
0x1f: {  	[sflag:s15] =	ssyncset.done $0x0  }
0x20: {  	[sflag:s15] =	ssyncadd.s32 $0xFFFF6000  }
0x21: {  	s20 =	simm.s32 $0x0;
	s22 =	simm.s32 $0x0;
	[bflag:$0x0] =	sbarrier.arrive $0xFFFF  }
.LBB2_4:
0x22: {  	s24 =	sadd.s32 s10, s22  }
0x23: {  	s26 =	rddreg [dreg:$0x1];
	s24 =	sshll.u32 s24, $0x7  }
0x24: {  	s26 =	sadd.s32 s26, s24  }
0x25: {  	[tilespmem:s20], [sflag:$0x2] =	stream.linear.gather [hbm4b:s26+s20], $0x400, $0x38;
	[tilespmem:$0x1AC00] =	vst v63  }
0x26: {  	_ =	swait.ge [sflag:s15], $0x400  }
0x27: {  	[sflag:s15] =	ssyncset.done $0x0  }
0x28: {  	s29 =	sadd.s32 s6, s24;
	[sflag:s15] =	ssyncadd.s32 $0xFFFFFC00  }
0x29: {  	[tilespmem:s16], [sflag:$0x2] =	stream.linear.gather [hbm4b:s29+s20], $0x400, $0x38;
	[tilespmem:$0x1AC00] =	vst v63  }
0x2a: {  	_ =	swait.ge [sflag:s15], $0x400  }
0x2b: {  	[sflag:s15] =	ssyncset.done $0x0  }
0x2c: {  	s24 =	sadd.s32 s7, s24;
	s29 =	simm.s32 $0x800;
	[sflag:s15] =	ssyncadd.s32 $0xFFFFFC00  }
0x2d: {  	[tilespmem:s29], [sflag:$0x2] =	stream.linear.gather [hbm4b:s24+s20], $0x400, $0x38;
	[tilespmem:$0x1AC00] =	vst v63  }
0x2e: {  	_ =	swait.ge [sflag:s15], $0x400  }
0x2f: {  	[sflag:s15] =	ssyncset.done $0x0  }
0x30: {  	s24 =	simm.s32 $0x0;
	[sflag:s15] =	ssyncadd.s32 $0xFFFFFC00  }
0x31: {  	v4 =	vld [tilespmem:s24+$0x0]  }
0x32: {  	v6 =	vld [tilespmem:s24+$0x10]  }
0x33: {  	v5 =	vld [tilespmem:s24+$0x20]  }
0x34: {  	v3 =	vld [tilespmem:s24+$0x30]  }
0x35: {  	v2 =	vld [tilespmem:s24+$0x40]  }
0x36: {  	v7 =	vadd.s32 v0, v4;
	v4 =	vld [tilespmem:s24+$0x50]  }
0x37: {  	s26 =	simm.s32 $0x200;
	[tilespmem:s24+$0x0] =	vst v7;
	v7 =	vadd.s32 v0, v6;
	v6 =	vld [tilespmem:s24+$0x60]  }
.LBB2_5:
0x38: {  	s29 =	sshra.s32 s26, $0x2;
	p0 =	sne.s32 s26, $0xE00;
	[tilespmem:s24+$0x10] =	vst v7;
	v5 =	vadd.s32 v0, v5;
	v7 =	vld [tilespmem:s24+$0x70]  }
0x39: {  	v8 =	vld [tilespmem:s29+$0x0];
	[tilespmem:s24+$0x20] =	vst v5;
	v3 =	vadd.s32 v0, v3  }
0x3a: {  	v9 =	vld [tilespmem:s29+$0x10];
	[tilespmem:s24+$0x30] =	vst v3;
	v2 =	vadd.s32 v0, v2  }
.Ltmp1:
0x3b: {  	v5 =	vld [tilespmem:s29+$0x20];
	[tilespmem:s24+$0x40] =	vst v2;
	v2 =	vadd.s32 v0, v4;
	(pc) =	sbr.rel @p0 .LBB2_5-.Ltmp1, $4  }
0x3c: {  	v3 =	vld [tilespmem:s29+$0x30];
	[tilespmem:s24+$0x50] =	vst v2;
	v4 =	vadd.s32 v0, v6  }
0x3d: {  	v2 =	vld [tilespmem:s29+$0x40];
	[tilespmem:s24+$0x60] =	vst v4;
	v6 =	vadd.s32 v0, v7  }
0x3e: {  	v7 =	vadd.s32 v0, v8;
	v4 =	vld [tilespmem:s29+$0x50];
	[tilespmem:s24+$0x70] =	vst v6;
	s24 =	smov.u32 s29  }
0x3f: {  	s26 =	sadd.s32 $0x200, s26;
	[tilespmem:s24+$0x0] =	vst v7;
	v7 =	vadd.s32 v0, v9;
	v6 =	vld [tilespmem:s24+$0x60]  }
0x40: {  	[tilespmem:s24+$0x10] =	vst v7;
	v5 =	vadd.s32 v0, v5;
	v63 =	vld [tilespmem:s24+$0x70]  }
0x41: {  	[tilespmem:s24+$0x20] =	vst v5;
	v3 =	vadd.s32 v0, v3  }
0x42: {  	[tilespmem:s24+$0x30] =	vst v3;
	v2 =	vadd.s32 v0, v2  }
0x43: {  	[tilespmem:s24+$0x40] =	vst v2;
	v2 =	vadd.s32 v0, v4  }
0x44: {  	[tilespmem:s24+$0x50] =	vst v2;
	v2 =	vadd.s32 v0, v6  }
0x45: {  	[tilespmem:s24+$0x60] =	vst v2;
	v2 =	vadd.s32 v0, v63  }
0x46: {  	[tilespmem:s24+$0x70] =	vst v2;
	s24 =	simm.s32 $0x0  }
0x47: {  	[tilespmem:s14], [sflag:$0x1] =	stream.indirect.gather [hbm4b:s5+s18], $0x40, s24, s18, $0xb8;
	[tilespmem:$0x1AC00] =	vst v63  }
0x48: {  	_ = 	snop  }
0x49: {  	[tilespmem:s19], [sflag:$0x1] =	stream.indirect.gather [hbm4b:s5+s18], $0x40, s18, s18, $0xb8;
	[tilespmem:$0x1AC00] =	vst v63  }
0x4a: {  	s26 =	simm.s32 $0x100  }
0x4b: {  	[tilespmem:s21], [sflag:$0x1] =	stream.indirect.gather [hbm4b:s5+s18], $0x40, s26, s18, $0xb8;
	[tilespmem:$0x1AC00] =	vst v63  }
0x4c: {  	s29 =	simm.s32 $0x180  }
0x4d: {  	[tilespmem:s23], [sflag:$0x1] =	stream.indirect.gather [hbm4b:s5+s18], $0x40, s29, s18, $0xb8;
	[tilespmem:$0x1AC00] =	vst v63  }
0x4e: {  	s29 =	simm.s32 $0x200  }
0x4f: {  	[tilespmem:s25], [sflag:$0x1] =	stream.indirect.gather [hbm4b:s5+s18], $0x40, s29, s18, $0xb8;
	[tilespmem:$0x1AC00] =	vst v63  }
0x50: {  	s29 =	simm.s32 $0x280  }
0x51: {  	[tilespmem:s28], [sflag:$0x1] =	stream.indirect.gather [hbm4b:s5+s18], $0x40, s29, s18, $0xb8;
	[tilespmem:$0x1AC00] =	vst v63  }
0x52: {  	s29 =	simm.s32 $0x300  }
0x53: {  	[tilespmem:s30], [sflag:$0x1] =	stream.indirect.gather [hbm4b:s5+s18], $0x40, s29, s18, $0xb8;
	[tilespmem:$0x1AC00] =	vst v63  }
0x54: {  	_ = 	snop  }
0x55: {  	[tilespmem:s0], [sflag:$0x1] =	stream.indirect.gather [hbm4b:s5+s18], $0x40, s31, s18, $0xb8;
	[tilespmem:$0x1AC00] =	vst v63  }
0x56: {  	_ =	swait.ge [sflag:s3], $0x2000  }
0x57: {  	[sflag:s3] =	ssyncset.done $0x0  }
0x58: {  	[sflag:s3] =	ssyncadd.s32 $0xFFFFE000  }
0x59: {  	_ =	swait.ge [sflag:s3], $0x2000  }
0x5a: {  	[sflag:s3] =	ssyncset.done $0x0  }
0x5b: {  	[sflag:s3] =	ssyncadd.s32 $0xFFFFE000  }
0x5c: {  	_ =	swait.ge [sflag:s3], $0x2000  }
0x5d: {  	[sflag:s3] =	ssyncset.done $0x0  }
0x5e: {  	[sflag:s3] =	ssyncadd.s32 $0xFFFFE000  }
0x5f: {  	_ =	swait.ge [sflag:s3], $0x2000  }
0x60: {  	[sflag:s3] =	ssyncset.done $0x0  }
0x61: {  	[sflag:s3] =	ssyncadd.s32 $0xFFFFE000  }
0x62: {  	_ =	swait.ge [sflag:s3], $0x2000  }
0x63: {  	[sflag:s3] =	ssyncset.done $0x0  }
0x64: {  	[sflag:s3] =	ssyncadd.s32 $0xFFFFE000  }
0x65: {  	_ =	swait.ge [sflag:s3], $0x2000  }
0x66: {  	[sflag:s3] =	ssyncset.done $0x0  }
0x67: {  	[sflag:s3] =	ssyncadd.s32 $0xFFFFE000  }
0x68: {  	_ =	swait.ge [sflag:s3], $0x2000  }
0x69: {  	[sflag:s3] =	ssyncset.done $0x0  }
0x6a: {  	[sflag:s3] =	ssyncadd.s32 $0xFFFFE000  }
0x6b: {  	_ =	swait.ge [sflag:s3], $0x2000  }
0x6c: {  	[sflag:s3] =	ssyncset.done $0x0  }
0x6d: {  	s26 =	simm.s32 $0xE00;
	[sflag:s3] =	ssyncadd.s32 $0xFFFFE000  }
.LBB2_7:
0x6e: {  	s29 =	sshra.s32 s24, $0x2  }
0x6f: {  	v2 =	vld [tilespmem:s29+$0x800];
	_ =	sdelay $0x1  }
0x70: {  	v3 =	vld [tilespmem:s26+$0xFFFFFE00];
	_ =	sdelay $0x2  }
0x71: {  	v4 =	vbroadcast v2, $0x0;
	_ =	sdelay $0x1  }
0x72: {  	v3 =	vmul.f32 v4, v3;
	_ =	sdelay $0x1  }
0x73: {  	[tilespmem:s26+$0xFFFFFE00] =	vst v3;
	v3 =	vld [tilespmem:s26+$0xFFFFFE10];
	_ =	sdelay $0x4  }
0x74: {  	v3 =	vmul.f32 v3, v4;
	_ =	sdelay $0x1  }
0x75: {  	[tilespmem:s26+$0xFFFFFE10] =	vst v3;
	v3 =	vld [tilespmem:s26+$0xFFFFFE20];
	_ =	sdelay $0x4  }
0x76: {  	v3 =	vmul.f32 v3, v4;
	_ =	sdelay $0x1  }
0x77: {  	[tilespmem:s26+$0xFFFFFE20] =	vst v3;
	v3 =	vld [tilespmem:s26+$0xFFFFFE30];
	_ =	sdelay $0x4  }
0x78: {  	v3 =	vmul.f32 v3, v4;
	_ =	sdelay $0x1  }
0x79: {  	[tilespmem:s26+$0xFFFFFE30] =	vst v3;
	v3 =	vld [tilespmem:s26+$0xFFFFFE40];
	_ =	sdelay $0x2  }
0x7a: {  	v50 =	vbroadcast v2, $0x1;
	_ =	sdelay $0x1  }
0x7b: {  	v3 =	vmul.f32 v3, v50;
	_ =	sdelay $0x1  }
0x7c: {  	[tilespmem:s26+$0xFFFFFE40] =	vst v3;
	v3 =	vld [tilespmem:s26+$0xFFFFFE50];
	_ =	sdelay $0x4  }
0x7d: {  	v3 =	vmul.f32 v3, v50;
	_ =	sdelay $0x1  }
0x7e: {  	[tilespmem:s26+$0xFFFFFE50] =	vst v3;
	v3 =	vld [tilespmem:s26+$0xFFFFFE60];
	_ =	sdelay $0x4  }
0x7f: {  	v3 =	vmul.f32 v3, v50;
	_ =	sdelay $0x1  }
0x80: {  	[tilespmem:s26+$0xFFFFFE60] =	vst v3;
	v3 =	vld [tilespmem:s26+$0xFFFFFE70];
	_ =	sdelay $0x4  }
0x81: {  	v3 =	vmul.f32 v3, v50;
	_ =	sdelay $0x1  }
0x82: {  	[tilespmem:s26+$0xFFFFFE70] =	vst v3;
	v3 =	vld [tilespmem:s26+$0xFFFFFE80];
	_ =	sdelay $0x2  }
0x83: {  	v51 =	vbroadcast v2, $0x2;
	_ =	sdelay $0x1  }
0x84: {  	v3 =	vmul.f32 v3, v51;
	_ =	sdelay $0x1  }
0x85: {  	[tilespmem:s26+$0xFFFFFE80] =	vst v3;
	v3 =	vld [tilespmem:s26+$0xFFFFFE90];
	_ =	sdelay $0x4  }
0x86: {  	v3 =	vmul.f32 v3, v51;
	_ =	sdelay $0x1  }
0x87: {  	[tilespmem:s26+$0xFFFFFE90] =	vst v3;
	v3 =	vld [tilespmem:s26+$0xFFFFFEA0];
	_ =	sdelay $0x4  }
0x88: {  	v3 =	vmul.f32 v3, v51;
	_ =	sdelay $0x1  }
0x89: {  	[tilespmem:s26+$0xFFFFFEA0] =	vst v3;
	v3 =	vld [tilespmem:s26+$0xFFFFFEB0];
	_ =	sdelay $0x4  }
0x8a: {  	v3 =	vmul.f32 v3, v51;
	_ =	sdelay $0x1  }
0x8b: {  	[tilespmem:s26+$0xFFFFFEB0] =	vst v3;
	v3 =	vld [tilespmem:s26+$0xFFFFFEC0];
	_ =	sdelay $0x2  }
0x8c: {  	v52 =	vbroadcast v2, $0x3;
	_ =	sdelay $0x1  }
0x8d: {  	v3 =	vmul.f32 v3, v52;
	_ =	sdelay $0x1  }
0x8e: {  	[tilespmem:s26+$0xFFFFFEC0] =	vst v3;
	v3 =	vld [tilespmem:s26+$0xFFFFFED0];
	_ =	sdelay $0x4  }
0x8f: {  	v3 =	vmul.f32 v3, v52;
	_ =	sdelay $0x1  }
0x90: {  	[tilespmem:s26+$0xFFFFFED0] =	vst v3;
	v3 =	vld [tilespmem:s26+$0xFFFFFEE0];
	_ =	sdelay $0x4  }
0x91: {  	v3 =	vmul.f32 v3, v52;
	_ =	sdelay $0x1  }
0x92: {  	[tilespmem:s26+$0xFFFFFEE0] =	vst v3;
	v3 =	vld [tilespmem:s26+$0xFFFFFEF0];
	_ =	sdelay $0x4  }
0x93: {  	v3 =	vmul.f32 v3, v52;
	_ =	sdelay $0x1  }
0x94: {  	[tilespmem:s26+$0xFFFFFEF0] =	vst v3;
	v3 =	vld [tilespmem:s26+$0xFFFFFF00];
	_ =	sdelay $0x2  }
0x95: {  	v53 =	vbroadcast v2, $0x4;
	_ =	sdelay $0x1  }
0x96: {  	v3 =	vmul.f32 v3, v53;
	_ =	sdelay $0x1  }
0x97: {  	[tilespmem:s26+$0xFFFFFF00] =	vst v3;
	v3 =	vld [tilespmem:s26+$0xFFFFFF10];
	_ =	sdelay $0x4  }
0x98: {  	v3 =	vmul.f32 v3, v53;
	_ =	sdelay $0x1  }
0x99: {  	[tilespmem:s26+$0xFFFFFF10] =	vst v3;
	v3 =	vld [tilespmem:s26+$0xFFFFFF20];
	_ =	sdelay $0x4  }
0x9a: {  	v3 =	vmul.f32 v3, v53;
	_ =	sdelay $0x1  }
0x9b: {  	[tilespmem:s26+$0xFFFFFF20] =	vst v3;
	v3 =	vld [tilespmem:s26+$0xFFFFFF30];
	_ =	sdelay $0x4  }
0x9c: {  	v3 =	vmul.f32 v3, v53;
	_ =	sdelay $0x1  }
0x9d: {  	[tilespmem:s26+$0xFFFFFF30] =	vst v3;
	v3 =	vld [tilespmem:s26+$0xFFFFFF40];
	_ =	sdelay $0x2  }
0x9e: {  	v54 =	vbroadcast v2, $0x5;
	_ =	sdelay $0x1  }
0x9f: {  	v3 =	vmul.f32 v3, v54;
	_ =	sdelay $0x1  }
0xa0: {  	[tilespmem:s26+$0xFFFFFF40] =	vst v3;
	v3 =	vld [tilespmem:s26+$0xFFFFFF50];
	_ =	sdelay $0x4  }
0xa1: {  	v3 =	vmul.f32 v3, v54;
	_ =	sdelay $0x1  }
0xa2: {  	[tilespmem:s26+$0xFFFFFF50] =	vst v3;
	v3 =	vld [tilespmem:s26+$0xFFFFFF60];
	_ =	sdelay $0x4  }
0xa3: {  	v3 =	vmul.f32 v3, v54;
	_ =	sdelay $0x1  }
0xa4: {  	[tilespmem:s26+$0xFFFFFF60] =	vst v3;
	v3 =	vld [tilespmem:s26+$0xFFFFFF70];
	_ =	sdelay $0x4  }
0xa5: {  	v3 =	vmul.f32 v3, v54;
	_ =	sdelay $0x1  }
0xa6: {  	[tilespmem:s26+$0xFFFFFF70] =	vst v3;
	v3 =	vld [tilespmem:s26+$0xFFFFFF80];
	_ =	sdelay $0x2  }
0xa7: {  	v55 =	vbroadcast v2, $0x6;
	_ =	sdelay $0x1  }
0xa8: {  	v3 =	vmul.f32 v3, v55;
	_ =	sdelay $0x1  }
0xa9: {  	[tilespmem:s26+$0xFFFFFF80] =	vst v3;
	v3 =	vld [tilespmem:s26+$0xFFFFFF90];
	_ =	sdelay $0x4  }
0xaa: {  	v3 =	vmul.f32 v3, v55;
	_ =	sdelay $0x1  }
0xab: {  	[tilespmem:s26+$0xFFFFFF90] =	vst v3;
	v3 =	vld [tilespmem:s26+$0xFFFFFFA0];
	_ =	sdelay $0x4  }
0xac: {  	v3 =	vmul.f32 v3, v55;
	_ =	sdelay $0x1  }
0xad: {  	[tilespmem:s26+$0xFFFFFFA0] =	vst v3;
	v3 =	vld [tilespmem:s26+$0xFFFFFFB0];
	_ =	sdelay $0x4  }
0xae: {  	v3 =	vmul.f32 v3, v55;
	_ =	sdelay $0x1  }
0xaf: {  	[tilespmem:s26+$0xFFFFFFB0] =	vst v3;
	v3 =	vld [tilespmem:s26+$0xFFFFFFC0];
	_ =	sdelay $0x2  }
0xb0: {  	v56 =	vbroadcast v2, $0x7;
	_ =	sdelay $0x1  }
0xb1: {  	v3 =	vmul.f32 v3, v56;
	_ =	sdelay $0x1  }
0xb2: {  	[tilespmem:s26+$0xFFFFFFC0] =	vst v3;
	v3 =	vld [tilespmem:s26+$0xFFFFFFD0];
	_ =	sdelay $0x4  }
0xb3: {  	v3 =	vmul.f32 v3, v56;
	_ =	sdelay $0x1  }
0xb4: {  	[tilespmem:s26+$0xFFFFFFD0] =	vst v3;
	v3 =	vld [tilespmem:s26+$0xFFFFFFE0];
	_ =	sdelay $0x4  }
0xb5: {  	v3 =	vmul.f32 v3, v56;
	_ =	sdelay $0x1  }
0xb6: {  	[tilespmem:s26+$0xFFFFFFE0] =	vst v3;
	v3 =	vld [tilespmem:s26+$0xFFFFFFF0];
	_ =	sdelay $0x4  }
0xb7: {  	v3 =	vmul.f32 v3, v56;
	_ =	sdelay $0x1  }
0xb8: {  	[tilespmem:s26+$0xFFFFFFF0] =	vst v3;
	v3 =	vld [tilespmem:s26+$0x0];
	_ =	sdelay $0x2  }
0xb9: {  	v57 =	vbroadcast v2, $0x8;
	_ =	sdelay $0x1  }
0xba: {  	v3 =	vmul.f32 v3, v57;
	_ =	sdelay $0x1  }
0xbb: {  	[tilespmem:s26+$0x0] =	vst v3;
	v3 =	vld [tilespmem:s26+$0x10];
	_ =	sdelay $0x4  }
0xbc: {  	v3 =	vmul.f32 v3, v57;
	_ =	sdelay $0x1  }
0xbd: {  	[tilespmem:s26+$0x10] =	vst v3;
	v3 =	vld [tilespmem:s26+$0x20];
	_ =	sdelay $0x4  }
0xbe: {  	v3 =	vmul.f32 v3, v57;
	_ =	sdelay $0x1  }
0xbf: {  	[tilespmem:s26+$0x20] =	vst v3;
	v3 =	vld [tilespmem:s26+$0x30];
	_ =	sdelay $0x4  }
0xc0: {  	v3 =	vmul.f32 v3, v57;
	_ =	sdelay $0x1  }
0xc1: {  	[tilespmem:s26+$0x30] =	vst v3;
	v3 =	vld [tilespmem:s26+$0x40];
	_ =	sdelay $0x2  }
0xc2: {  	v58 =	vbroadcast v2, $0x9;
	_ =	sdelay $0x1  }
0xc3: {  	v3 =	vmul.f32 v3, v58;
	_ =	sdelay $0x1  }
0xc4: {  	[tilespmem:s26+$0x40] =	vst v3;
	v3 =	vld [tilespmem:s26+$0x50];
	_ =	sdelay $0x4  }
0xc5: {  	v3 =	vmul.f32 v3, v58;
	_ =	sdelay $0x1  }
0xc6: {  	[tilespmem:s26+$0x50] =	vst v3;
	v3 =	vld [tilespmem:s26+$0x60];
	_ =	sdelay $0x4  }
0xc7: {  	v3 =	vmul.f32 v3, v58;
	_ =	sdelay $0x1  }
0xc8: {  	[tilespmem:s26+$0x60] =	vst v3;
	v3 =	vld [tilespmem:s26+$0x70];
	_ =	sdelay $0x4  }
0xc9: {  	v3 =	vmul.f32 v3, v58;
	_ =	sdelay $0x1  }
0xca: {  	[tilespmem:s26+$0x70] =	vst v3;
	v3 =	vld [tilespmem:s26+$0x80];
	_ =	sdelay $0x2  }
0xcb: {  	v59 =	vbroadcast v2, $0xA;
	_ =	sdelay $0x1  }
0xcc: {  	v3 =	vmul.f32 v3, v59;
	_ =	sdelay $0x1  }
0xcd: {  	[tilespmem:s26+$0x80] =	vst v3;
	v3 =	vld [tilespmem:s26+$0x90];
	_ =	sdelay $0x4  }
0xce: {  	v3 =	vmul.f32 v3, v59;
	_ =	sdelay $0x1  }
0xcf: {  	[tilespmem:s26+$0x90] =	vst v3;
	v3 =	vld [tilespmem:s26+$0xA0];
	_ =	sdelay $0x4  }
0xd0: {  	v3 =	vmul.f32 v3, v59;
	_ =	sdelay $0x1  }
0xd1: {  	[tilespmem:s26+$0xA0] =	vst v3;
	v3 =	vld [tilespmem:s26+$0xB0];
	_ =	sdelay $0x4  }
0xd2: {  	v3 =	vmul.f32 v3, v59;
	_ =	sdelay $0x1  }
0xd3: {  	[tilespmem:s26+$0xB0] =	vst v3;
	v3 =	vld [tilespmem:s26+$0xC0];
	_ =	sdelay $0x2  }
0xd4: {  	v60 =	vbroadcast v2, $0xB;
	_ =	sdelay $0x1  }
0xd5: {  	v3 =	vmul.f32 v3, v60;
	_ =	sdelay $0x1  }
0xd6: {  	[tilespmem:s26+$0xC0] =	vst v3;
	v3 =	vld [tilespmem:s26+$0xD0];
	_ =	sdelay $0x4  }
0xd7: {  	v3 =	vmul.f32 v3, v60;
	_ =	sdelay $0x1  }
0xd8: {  	[tilespmem:s26+$0xD0] =	vst v3;
	v3 =	vld [tilespmem:s26+$0xE0];
	_ =	sdelay $0x4  }
0xd9: {  	v3 =	vmul.f32 v3, v60;
	_ =	sdelay $0x1  }
0xda: {  	[tilespmem:s26+$0xE0] =	vst v3;
	v3 =	vld [tilespmem:s26+$0xF0];
	_ =	sdelay $0x4  }
0xdb: {  	v3 =	vmul.f32 v3, v60;
	_ =	sdelay $0x1  }
0xdc: {  	[tilespmem:s26+$0xF0] =	vst v3;
	v3 =	vld [tilespmem:s26+$0x100];
	_ =	sdelay $0x2  }
0xdd: {  	v61 =	vbroadcast v2, $0xC;
	_ =	sdelay $0x1  }
0xde: {  	v3 =	vmul.f32 v3, v61;
	_ =	sdelay $0x1  }
0xdf: {  	[tilespmem:s26+$0x100] =	vst v3;
	v3 =	vld [tilespmem:s26+$0x110];
	_ =	sdelay $0x4  }
0xe0: {  	v3 =	vmul.f32 v3, v61;
	_ =	sdelay $0x1  }
0xe1: {  	[tilespmem:s26+$0x110] =	vst v3;
	v3 =	vld [tilespmem:s26+$0x120];
	_ =	sdelay $0x4  }
0xe2: {  	v3 =	vmul.f32 v3, v61;
	_ =	sdelay $0x1  }
0xe3: {  	[tilespmem:s26+$0x120] =	vst v3;
	v3 =	vld [tilespmem:s26+$0x130];
	_ =	sdelay $0x4  }
0xe4: {  	v3 =	vmul.f32 v3, v61;
	_ =	sdelay $0x1  }
0xe5: {  	[tilespmem:s26+$0x130] =	vst v3;
	v3 =	vld [tilespmem:s26+$0x140];
	_ =	sdelay $0x2  }
0xe6: {  	v62 =	vbroadcast v2, $0xD;
	_ =	sdelay $0x1  }
0xe7: {  	v3 =	vmul.f32 v3, v62;
	_ =	sdelay $0x1  }
0xe8: {  	[tilespmem:s26+$0x140] =	vst v3;
	v3 =	vld [tilespmem:s26+$0x150];
	_ =	sdelay $0x4  }
0xe9: {  	v3 =	vmul.f32 v3, v62;
	_ =	sdelay $0x1  }
0xea: {  	[tilespmem:s26+$0x150] =	vst v3;
	v3 =	vld [tilespmem:s26+$0x160];
	_ =	sdelay $0x4  }
0xeb: {  	v3 =	vmul.f32 v3, v62;
	_ =	sdelay $0x1  }
0xec: {  	[tilespmem:s26+$0x160] =	vst v3;
	v3 =	vld [tilespmem:s26+$0x170];
	_ =	sdelay $0x4  }
0xed: {  	v3 =	vmul.f32 v3, v62;
	_ =	sdelay $0x1  }
0xee: {  	[tilespmem:s26+$0x170] =	vst v3;
	v3 =	vld [tilespmem:s26+$0x180];
	_ =	sdelay $0x2  }
0xef: {  	v63 =	vbroadcast v2, $0xE;
	_ =	sdelay $0x1  }
0xf0: {  	v3 =	vmul.f32 v3, v63;
	_ =	sdelay $0x1  }
0xf1: {  	[tilespmem:s26+$0x180] =	vst v3;
	v3 =	vld [tilespmem:s26+$0x190];
	_ =	sdelay $0x4  }
0xf2: {  	v3 =	vmul.f32 v3, v63;
	_ =	sdelay $0x1  }
0xf3: {  	[tilespmem:s26+$0x190] =	vst v3;
	v3 =	vld [tilespmem:s26+$0x1A0];
	_ =	sdelay $0x4  }
0xf4: {  	v3 =	vmul.f32 v3, v63;
	_ =	sdelay $0x1  }
0xf5: {  	[tilespmem:s26+$0x1A0] =	vst v3;
	v3 =	vld [tilespmem:s26+$0x1B0];
	_ =	sdelay $0x4  }
0xf6: {  	v3 =	vmul.f32 v3, v63;
	_ =	sdelay $0x1  }
0xf7: {  	[tilespmem:s26+$0x1B0] =	vst v3;
	v3 =	vld [tilespmem:s26+$0x1C0];
	_ =	sdelay $0x2  }
0xf8: {  	v2 =	vbroadcast v2, $0xF;
	_ =	sdelay $0x1  }
0xf9: {  	v3 =	vmul.f32 v3, v2;
	_ =	sdelay $0x1  }
0xfa: {  	[tilespmem:s26+$0x1C0] =	vst v3;
	v3 =	vld [tilespmem:s26+$0x1D0];
	_ =	sdelay $0x4  }
0xfb: {  	v3 =	vmul.f32 v3, v2;
	_ =	sdelay $0x1  }
0xfc: {  	[tilespmem:s26+$0x1D0] =	vst v3;
	v3 =	vld [tilespmem:s26+$0x1E0];
	_ =	sdelay $0x4  }
0xfd: {  	v3 =	vmul.f32 v3, v2;
	_ =	sdelay $0x1  }
0xfe: {  	[tilespmem:s26+$0x1E0] =	vst v3;
	v3 =	vld [tilespmem:s26+$0x1F0];
	_ =	sdelay $0x1  }
0xff: {  	p0 =	sne.s32 s24, $0xFC0  }
.Ltmp2:
0x100: {  	_ = 	snop;
	(pc) =	sbr.rel @p0 .LBB2_7-.Ltmp2, $3  }
0x101: {  	_ = 	snop  }
0x102: {  	v2 =	vmul.f32 v3, v2;
	_ =	sdelay $0x1  }
0x103: {  	s24 =	sadd.s32 $0x40, s24;
	[tilespmem:s26+$0x1F0] =	vst v2;
	s26 =	sadd.s32 $0x400, s26  }
0x104: {  	[spmem:s2] =	stream.indirect.scatter.add.f32 [tilespmem:s14], [sflag:$0x2], $0x40, s16, s18, $0xb8;
	[tilespmem:$0x1AC00] =	vst v63  }
0x105: {  	_ =	swait.ge [sflag:s15], $0x2000  }
0x106: {  	[sflag:s15] =	ssyncset.done $0x0  }
0x107: {  	[sflag:s15] =	ssyncadd.s32 $0xFFFFE000  }
0x108: {  	[spmem:s2] =	stream.indirect.scatter.add.f32 [tilespmem:s19], [sflag:$0x2], $0x40, s11, s18, $0xb8;
	[tilespmem:$0x1AC00] =	vst v63  }
0x109: {  	_ =	swait.ge [sflag:s15], $0x2000  }
0x10a: {  	[sflag:s15] =	ssyncset.done $0x0  }
0x10b: {  	[sflag:s15] =	ssyncadd.s32 $0xFFFFE000  }
0x10c: {  	[spmem:s2] =	stream.indirect.scatter.add.f32 [tilespmem:s21], [sflag:$0x2], $0x40, s12, s18, $0xb8;
	[tilespmem:$0x1AC00] =	vst v63  }
0x10d: {  	_ =	swait.ge [sflag:s15], $0x2000  }
0x10e: {  	[sflag:s15] =	ssyncset.done $0x0  }
0x10f: {  	[sflag:s15] =	ssyncadd.s32 $0xFFFFE000  }
0x110: {  	[spmem:s2] =	stream.indirect.scatter.add.f32 [tilespmem:s23], [sflag:$0x2], $0x40, s13, s18, $0xb8;
	[tilespmem:$0x1AC00] =	vst v63  }
0x111: {  	_ =	swait.ge [sflag:s15], $0x2000  }
0x112: {  	[sflag:s15] =	ssyncset.done $0x0  }
0x113: {  	[sflag:s15] =	ssyncadd.s32 $0xFFFFE000  }
0x114: {  	[spmem:s2] =	stream.indirect.scatter.add.f32 [tilespmem:s25], [sflag:$0x2], $0x40, s9, s18, $0xb8;
	[tilespmem:$0x1AC00] =	vst v63  }
0x115: {  	_ =	swait.ge [sflag:s15], $0x2000  }
0x116: {  	[sflag:s15] =	ssyncset.done $0x0  }
0x117: {  	[sflag:s15] =	ssyncadd.s32 $0xFFFFE000  }
0x118: {  	[spmem:s2] =	stream.indirect.scatter.add.f32 [tilespmem:s28], [sflag:$0x2], $0x40, s4, s18, $0xb8;
	[tilespmem:$0x1AC00] =	vst v63  }
0x119: {  	_ =	swait.ge [sflag:s15], $0x2000  }
0x11a: {  	[sflag:s15] =	ssyncset.done $0x0  }
0x11b: {  	[sflag:s15] =	ssyncadd.s32 $0xFFFFE000  }
0x11c: {  	[spmem:s2] =	stream.indirect.scatter.add.f32 [tilespmem:s30], [sflag:$0x2], $0x40, s1, s18, $0xb8;
	[tilespmem:$0x1AC00] =	vst v63  }
0x11d: {  	s22 =	sadd.s32 $0x1, s22;
	_ =	swait.ge [sflag:s15], $0x2000  }
0x11e: {  	p0 =	sne.s32 s22, $0x14;
	[sflag:s15] =	ssyncset.done $0x0  }
.Ltmp3:
0x11f: {  	[sflag:s15] =	ssyncadd.s32 $0xFFFFE000;
	(pc) =	sbr.rel @p0 .LBB2_4-.Ltmp3, $4  }
0x120: {  	[spmem:s2] =	stream.indirect.scatter.add.f32 [tilespmem:s0], [sflag:$0x2], $0x40, s17, s18, $0xb8;
	[tilespmem:$0x1AC00] =	vst v63  }
0x121: {  	_ =	swait.ge [sflag:s15], $0x2000  }
0x122: {  	[sflag:s15] =	ssyncset.done $0x0  }
0x123: {  	[sflag:s15] =	ssyncadd.s32 $0xFFFFE000  }
0x124: {  	s20 =	stileid.u32;
	[bflag:$0x0] =	sbarrier.arrive $0xFFFF  }
0x125: {  	s20 =	sshll.u32 s20, $0x6;
	s26 =	rddreg [dreg:$0x5]  }
0x126: {  	s29 =	rddreg [dreg:$0x6];
	s22 =	sor.u32 $0x1C02, s20  }
0x127: {  	s24 =	sshrl.u32 s26, $0x3;
	[dreg:$0x9] =	wrdreg s22  }
0x128: {  	[dreg:$0xa] =	wrdreg s24  }
0x129: {  	[hbm:s29], [sflag:s22] =	dma.local [spmem:s24], $0x1400  }
0x12a: {  	_ =	swait.ge [sflag:s15], $0x1400  }
0x12b: {  	[sflag:s15] =	ssyncset.done $0x0  }
0x12c: {  	[sflag:s15] =	ssyncadd.s32 $0xFFFFEC00  }
0x12d: {  	s20 =	simm.s32 $0x0;
	s22 =	simm.s32 $0x100;
	[bflag:$0x0] =	sbarrier.arrive $0xFFFF  }
.LBB2_10:
0x12e: {  	p0 =	sne.s32 s22, $0x27F00;
	[tilespmem:s20+$0xC30] =	vst v1;
	s24 =	smov.u32 s22;
	s22 =	sadd.s32 $0x100, s22  }
.Ltmp4:
0x12f: {  	[tilespmem:s20+$0xC20] =	vst v1;
	(pc) =	sbr.rel @p0 .LBB2_10-.Ltmp4, $3  }
0x130: {  	[tilespmem:s20+$0xC00] =	vst v1  }
0x131: {  	[tilespmem:s20+$0xC10] =	vst v1;
	_ =	sdelay $0x1  }
0x132: {  	s20 =	sshra.s32 s24, $0x2  }
0x133: {  	[tilespmem:s20+$0xC30] =	vst v1  }
0x134: {  	[tilespmem:s20+$0xC20] =	vst v1  }
0x135: {  	[tilespmem:s20+$0xC00] =	vst v1  }
0x136: {  	[tilespmem:s20+$0xC10] =	vst v1;
	s29 =	rddreg [dreg:$0x5]  }
0x137: {  	[spmem:s29] =	stream.linear.scatter [tilespmem:s14], [sflag:$0x2], $0xA000, $0x38;
	[tilespmem:$0x1AC00] =	vst v63  }
0x138: {  	_ =	swait.ge [sflag:s15], $0xA000  }
0x139: {  	[sflag:s15] =	ssyncset.done $0x0  }
0x13a: {  	[sflag:s15] =	ssyncadd.s32 $0xFFFF6000  }
0x13b: {  	s20 =	simm.s32 $0x0;
	s22 =	simm.s32 $0x0;
	[bflag:$0x0] =	sbarrier.arrive $0xFFFF  }
.LBB2_12:
0x13c: {  	s24 =	sadd.s32 s10, s22  }
0x13d: {  	s26 =	rddreg [dreg:$0x1];
	s24 =	sshll.u32 s24, $0x7  }
0x13e: {  	s26 =	sadd.s32 s26, s24  }
0x13f: {  	[tilespmem:s20], [sflag:$0x2] =	stream.linear.gather [hbm4b:s26+s20], $0x400, $0x38;
	[tilespmem:$0x1AC00] =	vst v63  }
0x140: {  	_ =	swait.ge [sflag:s15], $0x400  }
0x141: {  	[sflag:s15] =	ssyncset.done $0x0  }
0x142: {  	s29 =	sadd.s32 s6, s24;
	[sflag:s15] =	ssyncadd.s32 $0xFFFFFC00  }
0x143: {  	[tilespmem:s16], [sflag:$0x2] =	stream.linear.gather [hbm4b:s29+s20], $0x400, $0x38;
	[tilespmem:$0x1AC00] =	vst v63  }
0x144: {  	_ =	swait.ge [sflag:s15], $0x400  }
0x145: {  	[sflag:s15] =	ssyncset.done $0x0  }
0x146: {  	s24 =	sadd.s32 s7, s24;
	s29 =	simm.s32 $0x800;
	[sflag:s15] =	ssyncadd.s32 $0xFFFFFC00  }
0x147: {  	[tilespmem:s29], [sflag:$0x2] =	stream.linear.gather [hbm4b:s24+s20], $0x400, $0x38;
	[tilespmem:$0x1AC00] =	vst v63  }
0x148: {  	_ =	swait.ge [sflag:s15], $0x400  }
0x149: {  	[sflag:s15] =	ssyncset.done $0x0  }
0x14a: {  	s24 =	simm.s32 $0x0;
	[sflag:s15] =	ssyncadd.s32 $0xFFFFFC00  }
0x14b: {  	v4 =	vld [tilespmem:s24+$0x0]  }
0x14c: {  	v6 =	vld [tilespmem:s24+$0x10]  }
0x14d: {  	v5 =	vld [tilespmem:s24+$0x20]  }
0x14e: {  	v3 =	vld [tilespmem:s24+$0x30]  }
0x14f: {  	v2 =	vld [tilespmem:s24+$0x40]  }
0x150: {  	v7 =	vadd.s32 v0, v4;
	v4 =	vld [tilespmem:s24+$0x50]  }
0x151: {  	s26 =	simm.s32 $0x200;
	[tilespmem:s24+$0x0] =	vst v7;
	v7 =	vadd.s32 v0, v6;
	v6 =	vld [tilespmem:s24+$0x60]  }
.LBB2_13:
0x152: {  	s29 =	sshra.s32 s26, $0x2;
	p0 =	sne.s32 s26, $0xE00;
	[tilespmem:s24+$0x10] =	vst v7;
	v5 =	vadd.s32 v0, v5;
	v7 =	vld [tilespmem:s24+$0x70]  }
0x153: {  	v8 =	vld [tilespmem:s29+$0x0];
	[tilespmem:s24+$0x20] =	vst v5;
	v3 =	vadd.s32 v0, v3  }
0x154: {  	v9 =	vld [tilespmem:s29+$0x10];
	[tilespmem:s24+$0x30] =	vst v3;
	v2 =	vadd.s32 v0, v2  }
.Ltmp5:
0x155: {  	v5 =	vld [tilespmem:s29+$0x20];
	[tilespmem:s24+$0x40] =	vst v2;
	v2 =	vadd.s32 v0, v4;
	(pc) =	sbr.rel @p0 .LBB2_13-.Ltmp5, $4  }
0x156: {  	v3 =	vld [tilespmem:s29+$0x30];
	[tilespmem:s24+$0x50] =	vst v2;
	v4 =	vadd.s32 v0, v6  }
0x157: {  	v2 =	vld [tilespmem:s29+$0x40];
	[tilespmem:s24+$0x60] =	vst v4;
	v6 =	vadd.s32 v0, v7  }
0x158: {  	v7 =	vadd.s32 v0, v8;
	v4 =	vld [tilespmem:s29+$0x50];
	[tilespmem:s24+$0x70] =	vst v6;
	s24 =	smov.u32 s29  }
0x159: {  	s26 =	sadd.s32 $0x200, s26;
	[tilespmem:s24+$0x0] =	vst v7;
	v7 =	vadd.s32 v0, v9;
	v6 =	vld [tilespmem:s24+$0x60]  }
0x15a: {  	[tilespmem:s24+$0x10] =	vst v7;
	v5 =	vadd.s32 v0, v5;
	v63 =	vld [tilespmem:s24+$0x70]  }
0x15b: {  	[tilespmem:s24+$0x20] =	vst v5;
	v3 =	vadd.s32 v0, v3  }
0x15c: {  	[tilespmem:s24+$0x30] =	vst v3;
	v2 =	vadd.s32 v0, v2  }
0x15d: {  	[tilespmem:s24+$0x40] =	vst v2;
	v2 =	vadd.s32 v0, v4  }
0x15e: {  	[tilespmem:s24+$0x50] =	vst v2;
	v2 =	vadd.s32 v0, v6  }
0x15f: {  	[tilespmem:s24+$0x60] =	vst v2;
	v2 =	vadd.s32 v0, v63  }
0x160: {  	[tilespmem:s24+$0x70] =	vst v2;
	s24 =	simm.s32 $0x0  }
0x161: {  	[tilespmem:s14], [sflag:$0x1] =	stream.indirect.gather [hbm4b:s8+s18], $0x40, s24, s18, $0xb8;
	[tilespmem:$0x1AC00] =	vst v63  }
0x162: {  	_ = 	snop  }
0x163: {  	[tilespmem:s19], [sflag:$0x1] =	stream.indirect.gather [hbm4b:s8+s18], $0x40, s18, s18, $0xb8;
	[tilespmem:$0x1AC00] =	vst v63  }
0x164: {  	s26 =	simm.s32 $0x100  }
0x165: {  	[tilespmem:s21], [sflag:$0x1] =	stream.indirect.gather [hbm4b:s8+s18], $0x40, s26, s18, $0xb8;
	[tilespmem:$0x1AC00] =	vst v63  }
0x166: {  	s29 =	simm.s32 $0x180  }
0x167: {  	[tilespmem:s23], [sflag:$0x1] =	stream.indirect.gather [hbm4b:s8+s18], $0x40, s29, s18, $0xb8;
	[tilespmem:$0x1AC00] =	vst v63  }
0x168: {  	s29 =	simm.s32 $0x200  }
0x169: {  	[tilespmem:s25], [sflag:$0x1] =	stream.indirect.gather [hbm4b:s8+s18], $0x40, s29, s18, $0xb8;
	[tilespmem:$0x1AC00] =	vst v63  }
0x16a: {  	s29 =	simm.s32 $0x280  }
0x16b: {  	[tilespmem:s28], [sflag:$0x1] =	stream.indirect.gather [hbm4b:s8+s18], $0x40, s29, s18, $0xb8;
	[tilespmem:$0x1AC00] =	vst v63  }
0x16c: {  	s29 =	simm.s32 $0x300  }
0x16d: {  	[tilespmem:s30], [sflag:$0x1] =	stream.indirect.gather [hbm4b:s8+s18], $0x40, s29, s18, $0xb8;
	[tilespmem:$0x1AC00] =	vst v63  }
0x16e: {  	_ = 	snop  }
0x16f: {  	[tilespmem:s0], [sflag:$0x1] =	stream.indirect.gather [hbm4b:s8+s18], $0x40, s31, s18, $0xb8;
	[tilespmem:$0x1AC00] =	vst v63  }
0x170: {  	_ =	swait.ge [sflag:s3], $0x2000  }
0x171: {  	[sflag:s3] =	ssyncset.done $0x0  }
0x172: {  	[sflag:s3] =	ssyncadd.s32 $0xFFFFE000  }
0x173: {  	_ =	swait.ge [sflag:s3], $0x2000  }
0x174: {  	[sflag:s3] =	ssyncset.done $0x0  }
0x175: {  	[sflag:s3] =	ssyncadd.s32 $0xFFFFE000  }
0x176: {  	_ =	swait.ge [sflag:s3], $0x2000  }
0x177: {  	[sflag:s3] =	ssyncset.done $0x0  }
0x178: {  	[sflag:s3] =	ssyncadd.s32 $0xFFFFE000  }
0x179: {  	_ =	swait.ge [sflag:s3], $0x2000  }
0x17a: {  	[sflag:s3] =	ssyncset.done $0x0  }
0x17b: {  	[sflag:s3] =	ssyncadd.s32 $0xFFFFE000  }
0x17c: {  	_ =	swait.ge [sflag:s3], $0x2000  }
0x17d: {  	[sflag:s3] =	ssyncset.done $0x0  }
0x17e: {  	[sflag:s3] =	ssyncadd.s32 $0xFFFFE000  }
0x17f: {  	_ =	swait.ge [sflag:s3], $0x2000  }
0x180: {  	[sflag:s3] =	ssyncset.done $0x0  }
0x181: {  	[sflag:s3] =	ssyncadd.s32 $0xFFFFE000  }
0x182: {  	_ =	swait.ge [sflag:s3], $0x2000  }
0x183: {  	[sflag:s3] =	ssyncset.done $0x0  }
0x184: {  	[sflag:s3] =	ssyncadd.s32 $0xFFFFE000  }
0x185: {  	_ =	swait.ge [sflag:s3], $0x2000  }
0x186: {  	[sflag:s3] =	ssyncset.done $0x0  }
0x187: {  	s26 =	simm.s32 $0xE00;
	[sflag:s3] =	ssyncadd.s32 $0xFFFFE000  }
.LBB2_15:
0x188: {  	s29 =	sshra.s32 s24, $0x2  }
0x189: {  	v2 =	vld [tilespmem:s29+$0x800];
	_ =	sdelay $0x1  }
0x18a: {  	v3 =	vld [tilespmem:s26+$0xFFFFFE00];
	_ =	sdelay $0x2  }
0x18b: {  	v4 =	vbroadcast v2, $0x0;
	_ =	sdelay $0x1  }
0x18c: {  	v3 =	vmul.f32 v4, v3;
	_ =	sdelay $0x1  }
0x18d: {  	[tilespmem:s26+$0xFFFFFE00] =	vst v3;
	v3 =	vld [tilespmem:s26+$0xFFFFFE10];
	_ =	sdelay $0x4  }
0x18e: {  	v3 =	vmul.f32 v3, v4;
	_ =	sdelay $0x1  }
0x18f: {  	[tilespmem:s26+$0xFFFFFE10] =	vst v3;
	v3 =	vld [tilespmem:s26+$0xFFFFFE20];
	_ =	sdelay $0x4  }
0x190: {  	v3 =	vmul.f32 v3, v4;
	_ =	sdelay $0x1  }
0x191: {  	[tilespmem:s26+$0xFFFFFE20] =	vst v3;
	v3 =	vld [tilespmem:s26+$0xFFFFFE30];
	_ =	sdelay $0x4  }
0x192: {  	v3 =	vmul.f32 v3, v4;
	_ =	sdelay $0x1  }
0x193: {  	[tilespmem:s26+$0xFFFFFE30] =	vst v3;
	v3 =	vld [tilespmem:s26+$0xFFFFFE40];
	_ =	sdelay $0x2  }
0x194: {  	v50 =	vbroadcast v2, $0x1;
	_ =	sdelay $0x1  }
0x195: {  	v3 =	vmul.f32 v3, v50;
	_ =	sdelay $0x1  }
0x196: {  	[tilespmem:s26+$0xFFFFFE40] =	vst v3;
	v3 =	vld [tilespmem:s26+$0xFFFFFE50];
	_ =	sdelay $0x4  }
0x197: {  	v3 =	vmul.f32 v3, v50;
	_ =	sdelay $0x1  }
0x198: {  	[tilespmem:s26+$0xFFFFFE50] =	vst v3;
	v3 =	vld [tilespmem:s26+$0xFFFFFE60];
	_ =	sdelay $0x4  }
0x199: {  	v3 =	vmul.f32 v3, v50;
	_ =	sdelay $0x1  }
0x19a: {  	[tilespmem:s26+$0xFFFFFE60] =	vst v3;
	v3 =	vld [tilespmem:s26+$0xFFFFFE70];
	_ =	sdelay $0x4  }
0x19b: {  	v3 =	vmul.f32 v3, v50;
	_ =	sdelay $0x1  }
0x19c: {  	[tilespmem:s26+$0xFFFFFE70] =	vst v3;
	v3 =	vld [tilespmem:s26+$0xFFFFFE80];
	_ =	sdelay $0x2  }
0x19d: {  	v51 =	vbroadcast v2, $0x2;
	_ =	sdelay $0x1  }
0x19e: {  	v3 =	vmul.f32 v3, v51;
	_ =	sdelay $0x1  }
0x19f: {  	[tilespmem:s26+$0xFFFFFE80] =	vst v3;
	v3 =	vld [tilespmem:s26+$0xFFFFFE90];
	_ =	sdelay $0x4  }
0x1a0: {  	v3 =	vmul.f32 v3, v51;
	_ =	sdelay $0x1  }
0x1a1: {  	[tilespmem:s26+$0xFFFFFE90] =	vst v3;
	v3 =	vld [tilespmem:s26+$0xFFFFFEA0];
	_ =	sdelay $0x4  }
0x1a2: {  	v3 =	vmul.f32 v3, v51;
	_ =	sdelay $0x1  }
0x1a3: {  	[tilespmem:s26+$0xFFFFFEA0] =	vst v3;
	v3 =	vld [tilespmem:s26+$0xFFFFFEB0];
	_ =	sdelay $0x4  }
0x1a4: {  	v3 =	vmul.f32 v3, v51;
	_ =	sdelay $0x1  }
0x1a5: {  	[tilespmem:s26+$0xFFFFFEB0] =	vst v3;
	v3 =	vld [tilespmem:s26+$0xFFFFFEC0];
	_ =	sdelay $0x2  }
0x1a6: {  	v52 =	vbroadcast v2, $0x3;
	_ =	sdelay $0x1  }
0x1a7: {  	v3 =	vmul.f32 v3, v52;
	_ =	sdelay $0x1  }
0x1a8: {  	[tilespmem:s26+$0xFFFFFEC0] =	vst v3;
	v3 =	vld [tilespmem:s26+$0xFFFFFED0];
	_ =	sdelay $0x4  }
0x1a9: {  	v3 =	vmul.f32 v3, v52;
	_ =	sdelay $0x1  }
0x1aa: {  	[tilespmem:s26+$0xFFFFFED0] =	vst v3;
	v3 =	vld [tilespmem:s26+$0xFFFFFEE0];
	_ =	sdelay $0x4  }
0x1ab: {  	v3 =	vmul.f32 v3, v52;
	_ =	sdelay $0x1  }
0x1ac: {  	[tilespmem:s26+$0xFFFFFEE0] =	vst v3;
	v3 =	vld [tilespmem:s26+$0xFFFFFEF0];
	_ =	sdelay $0x4  }
0x1ad: {  	v3 =	vmul.f32 v3, v52;
	_ =	sdelay $0x1  }
0x1ae: {  	[tilespmem:s26+$0xFFFFFEF0] =	vst v3;
	v3 =	vld [tilespmem:s26+$0xFFFFFF00];
	_ =	sdelay $0x2  }
0x1af: {  	v53 =	vbroadcast v2, $0x4;
	_ =	sdelay $0x1  }
0x1b0: {  	v3 =	vmul.f32 v3, v53;
	_ =	sdelay $0x1  }
0x1b1: {  	[tilespmem:s26+$0xFFFFFF00] =	vst v3;
	v3 =	vld [tilespmem:s26+$0xFFFFFF10];
	_ =	sdelay $0x4  }
0x1b2: {  	v3 =	vmul.f32 v3, v53;
	_ =	sdelay $0x1  }
0x1b3: {  	[tilespmem:s26+$0xFFFFFF10] =	vst v3;
	v3 =	vld [tilespmem:s26+$0xFFFFFF20];
	_ =	sdelay $0x4  }
0x1b4: {  	v3 =	vmul.f32 v3, v53;
	_ =	sdelay $0x1  }
0x1b5: {  	[tilespmem:s26+$0xFFFFFF20] =	vst v3;
	v3 =	vld [tilespmem:s26+$0xFFFFFF30];
	_ =	sdelay $0x4  }
0x1b6: {  	v3 =	vmul.f32 v3, v53;
	_ =	sdelay $0x1  }
0x1b7: {  	[tilespmem:s26+$0xFFFFFF30] =	vst v3;
	v3 =	vld [tilespmem:s26+$0xFFFFFF40];
	_ =	sdelay $0x2  }
0x1b8: {  	v54 =	vbroadcast v2, $0x5;
	_ =	sdelay $0x1  }
0x1b9: {  	v3 =	vmul.f32 v3, v54;
	_ =	sdelay $0x1  }
0x1ba: {  	[tilespmem:s26+$0xFFFFFF40] =	vst v3;
	v3 =	vld [tilespmem:s26+$0xFFFFFF50];
	_ =	sdelay $0x4  }
0x1bb: {  	v3 =	vmul.f32 v3, v54;
	_ =	sdelay $0x1  }
0x1bc: {  	[tilespmem:s26+$0xFFFFFF50] =	vst v3;
	v3 =	vld [tilespmem:s26+$0xFFFFFF60];
	_ =	sdelay $0x4  }
0x1bd: {  	v3 =	vmul.f32 v3, v54;
	_ =	sdelay $0x1  }
0x1be: {  	[tilespmem:s26+$0xFFFFFF60] =	vst v3;
	v3 =	vld [tilespmem:s26+$0xFFFFFF70];
	_ =	sdelay $0x4  }
0x1bf: {  	v3 =	vmul.f32 v3, v54;
	_ =	sdelay $0x1  }
0x1c0: {  	[tilespmem:s26+$0xFFFFFF70] =	vst v3;
	v3 =	vld [tilespmem:s26+$0xFFFFFF80];
	_ =	sdelay $0x2  }
0x1c1: {  	v55 =	vbroadcast v2, $0x6;
	_ =	sdelay $0x1  }
0x1c2: {  	v3 =	vmul.f32 v3, v55;
	_ =	sdelay $0x1  }
0x1c3: {  	[tilespmem:s26+$0xFFFFFF80] =	vst v3;
	v3 =	vld [tilespmem:s26+$0xFFFFFF90];
	_ =	sdelay $0x4  }
0x1c4: {  	v3 =	vmul.f32 v3, v55;
	_ =	sdelay $0x1  }
0x1c5: {  	[tilespmem:s26+$0xFFFFFF90] =	vst v3;
	v3 =	vld [tilespmem:s26+$0xFFFFFFA0];
	_ =	sdelay $0x4  }
0x1c6: {  	v3 =	vmul.f32 v3, v55;
	_ =	sdelay $0x1  }
0x1c7: {  	[tilespmem:s26+$0xFFFFFFA0] =	vst v3;
	v3 =	vld [tilespmem:s26+$0xFFFFFFB0];
	_ =	sdelay $0x4  }
0x1c8: {  	v3 =	vmul.f32 v3, v55;
	_ =	sdelay $0x1  }
0x1c9: {  	[tilespmem:s26+$0xFFFFFFB0] =	vst v3;
	v3 =	vld [tilespmem:s26+$0xFFFFFFC0];
	_ =	sdelay $0x2  }
0x1ca: {  	v56 =	vbroadcast v2, $0x7;
	_ =	sdelay $0x1  }
0x1cb: {  	v3 =	vmul.f32 v3, v56;
	_ =	sdelay $0x1  }
0x1cc: {  	[tilespmem:s26+$0xFFFFFFC0] =	vst v3;
	v3 =	vld [tilespmem:s26+$0xFFFFFFD0];
	_ =	sdelay $0x4  }
0x1cd: {  	v3 =	vmul.f32 v3, v56;
	_ =	sdelay $0x1  }
0x1ce: {  	[tilespmem:s26+$0xFFFFFFD0] =	vst v3;
	v3 =	vld [tilespmem:s26+$0xFFFFFFE0];
	_ =	sdelay $0x4  }
0x1cf: {  	v3 =	vmul.f32 v3, v56;
	_ =	sdelay $0x1  }
0x1d0: {  	[tilespmem:s26+$0xFFFFFFE0] =	vst v3;
	v3 =	vld [tilespmem:s26+$0xFFFFFFF0];
	_ =	sdelay $0x4  }
0x1d1: {  	v3 =	vmul.f32 v3, v56;
	_ =	sdelay $0x1  }
0x1d2: {  	[tilespmem:s26+$0xFFFFFFF0] =	vst v3;
	v3 =	vld [tilespmem:s26+$0x0];
	_ =	sdelay $0x2  }
0x1d3: {  	v57 =	vbroadcast v2, $0x8;
	_ =	sdelay $0x1  }
0x1d4: {  	v3 =	vmul.f32 v3, v57;
	_ =	sdelay $0x1  }
0x1d5: {  	[tilespmem:s26+$0x0] =	vst v3;
	v3 =	vld [tilespmem:s26+$0x10];
	_ =	sdelay $0x4  }
0x1d6: {  	v3 =	vmul.f32 v3, v57;
	_ =	sdelay $0x1  }
0x1d7: {  	[tilespmem:s26+$0x10] =	vst v3;
	v3 =	vld [tilespmem:s26+$0x20];
	_ =	sdelay $0x4  }
0x1d8: {  	v3 =	vmul.f32 v3, v57;
	_ =	sdelay $0x1  }
0x1d9: {  	[tilespmem:s26+$0x20] =	vst v3;
	v3 =	vld [tilespmem:s26+$0x30];
	_ =	sdelay $0x4  }
0x1da: {  	v3 =	vmul.f32 v3, v57;
	_ =	sdelay $0x1  }
0x1db: {  	[tilespmem:s26+$0x30] =	vst v3;
	v3 =	vld [tilespmem:s26+$0x40];
	_ =	sdelay $0x2  }
0x1dc: {  	v58 =	vbroadcast v2, $0x9;
	_ =	sdelay $0x1  }
0x1dd: {  	v3 =	vmul.f32 v3, v58;
	_ =	sdelay $0x1  }
0x1de: {  	[tilespmem:s26+$0x40] =	vst v3;
	v3 =	vld [tilespmem:s26+$0x50];
	_ =	sdelay $0x4  }
0x1df: {  	v3 =	vmul.f32 v3, v58;
	_ =	sdelay $0x1  }
0x1e0: {  	[tilespmem:s26+$0x50] =	vst v3;
	v3 =	vld [tilespmem:s26+$0x60];
	_ =	sdelay $0x4  }
0x1e1: {  	v3 =	vmul.f32 v3, v58;
	_ =	sdelay $0x1  }
0x1e2: {  	[tilespmem:s26+$0x60] =	vst v3;
	v3 =	vld [tilespmem:s26+$0x70];
	_ =	sdelay $0x4  }
0x1e3: {  	v3 =	vmul.f32 v3, v58;
	_ =	sdelay $0x1  }
0x1e4: {  	[tilespmem:s26+$0x70] =	vst v3;
	v3 =	vld [tilespmem:s26+$0x80];
	_ =	sdelay $0x2  }
0x1e5: {  	v59 =	vbroadcast v2, $0xA;
	_ =	sdelay $0x1  }
0x1e6: {  	v3 =	vmul.f32 v3, v59;
	_ =	sdelay $0x1  }
0x1e7: {  	[tilespmem:s26+$0x80] =	vst v3;
	v3 =	vld [tilespmem:s26+$0x90];
	_ =	sdelay $0x4  }
0x1e8: {  	v3 =	vmul.f32 v3, v59;
	_ =	sdelay $0x1  }
0x1e9: {  	[tilespmem:s26+$0x90] =	vst v3;
	v3 =	vld [tilespmem:s26+$0xA0];
	_ =	sdelay $0x4  }
0x1ea: {  	v3 =	vmul.f32 v3, v59;
	_ =	sdelay $0x1  }
0x1eb: {  	[tilespmem:s26+$0xA0] =	vst v3;
	v3 =	vld [tilespmem:s26+$0xB0];
	_ =	sdelay $0x4  }
0x1ec: {  	v3 =	vmul.f32 v3, v59;
	_ =	sdelay $0x1  }
0x1ed: {  	[tilespmem:s26+$0xB0] =	vst v3;
	v3 =	vld [tilespmem:s26+$0xC0];
	_ =	sdelay $0x2  }
0x1ee: {  	v60 =	vbroadcast v2, $0xB;
	_ =	sdelay $0x1  }
0x1ef: {  	v3 =	vmul.f32 v3, v60;
	_ =	sdelay $0x1  }
0x1f0: {  	[tilespmem:s26+$0xC0] =	vst v3;
	v3 =	vld [tilespmem:s26+$0xD0];
	_ =	sdelay $0x4  }
0x1f1: {  	v3 =	vmul.f32 v3, v60;
	_ =	sdelay $0x1  }
0x1f2: {  	[tilespmem:s26+$0xD0] =	vst v3;
	v3 =	vld [tilespmem:s26+$0xE0];
	_ =	sdelay $0x4  }
0x1f3: {  	v3 =	vmul.f32 v3, v60;
	_ =	sdelay $0x1  }
0x1f4: {  	[tilespmem:s26+$0xE0] =	vst v3;
	v3 =	vld [tilespmem:s26+$0xF0];
	_ =	sdelay $0x4  }
0x1f5: {  	v3 =	vmul.f32 v3, v60;
	_ =	sdelay $0x1  }
0x1f6: {  	[tilespmem:s26+$0xF0] =	vst v3;
	v3 =	vld [tilespmem:s26+$0x100];
	_ =	sdelay $0x2  }
0x1f7: {  	v61 =	vbroadcast v2, $0xC;
	_ =	sdelay $0x1  }
0x1f8: {  	v3 =	vmul.f32 v3, v61;
	_ =	sdelay $0x1  }
0x1f9: {  	[tilespmem:s26+$0x100] =	vst v3;
	v3 =	vld [tilespmem:s26+$0x110];
	_ =	sdelay $0x4  }
0x1fa: {  	v3 =	vmul.f32 v3, v61;
	_ =	sdelay $0x1  }
0x1fb: {  	[tilespmem:s26+$0x110] =	vst v3;
	v3 =	vld [tilespmem:s26+$0x120];
	_ =	sdelay $0x4  }
0x1fc: {  	v3 =	vmul.f32 v3, v61;
	_ =	sdelay $0x1  }
0x1fd: {  	[tilespmem:s26+$0x120] =	vst v3;
	v3 =	vld [tilespmem:s26+$0x130];
	_ =	sdelay $0x4  }
0x1fe: {  	v3 =	vmul.f32 v3, v61;
	_ =	sdelay $0x1  }
0x1ff: {  	[tilespmem:s26+$0x130] =	vst v3;
	v3 =	vld [tilespmem:s26+$0x140];
	_ =	sdelay $0x2  }
0x200: {  	v62 =	vbroadcast v2, $0xD;
	_ =	sdelay $0x1  }
0x201: {  	v3 =	vmul.f32 v3, v62;
	_ =	sdelay $0x1  }
0x202: {  	[tilespmem:s26+$0x140] =	vst v3;
	v3 =	vld [tilespmem:s26+$0x150];
	_ =	sdelay $0x4  }
0x203: {  	v3 =	vmul.f32 v3, v62;
	_ =	sdelay $0x1  }
0x204: {  	[tilespmem:s26+$0x150] =	vst v3;
	v3 =	vld [tilespmem:s26+$0x160];
	_ =	sdelay $0x4  }
0x205: {  	v3 =	vmul.f32 v3, v62;
	_ =	sdelay $0x1  }
0x206: {  	[tilespmem:s26+$0x160] =	vst v3;
	v3 =	vld [tilespmem:s26+$0x170];
	_ =	sdelay $0x4  }
0x207: {  	v3 =	vmul.f32 v3, v62;
	_ =	sdelay $0x1  }
0x208: {  	[tilespmem:s26+$0x170] =	vst v3;
	v3 =	vld [tilespmem:s26+$0x180];
	_ =	sdelay $0x2  }
0x209: {  	v63 =	vbroadcast v2, $0xE;
	_ =	sdelay $0x1  }
0x20a: {  	v3 =	vmul.f32 v3, v63;
	_ =	sdelay $0x1  }
0x20b: {  	[tilespmem:s26+$0x180] =	vst v3;
	v3 =	vld [tilespmem:s26+$0x190];
	_ =	sdelay $0x4  }
0x20c: {  	v3 =	vmul.f32 v3, v63;
	_ =	sdelay $0x1  }
0x20d: {  	[tilespmem:s26+$0x190] =	vst v3;
	v3 =	vld [tilespmem:s26+$0x1A0];
	_ =	sdelay $0x4  }
0x20e: {  	v3 =	vmul.f32 v3, v63;
	_ =	sdelay $0x1  }
0x20f: {  	[tilespmem:s26+$0x1A0] =	vst v3;
	v3 =	vld [tilespmem:s26+$0x1B0];
	_ =	sdelay $0x4  }
0x210: {  	v3 =	vmul.f32 v3, v63;
	_ =	sdelay $0x1  }
0x211: {  	[tilespmem:s26+$0x1B0] =	vst v3;
	v3 =	vld [tilespmem:s26+$0x1C0];
	_ =	sdelay $0x2  }
0x212: {  	v2 =	vbroadcast v2, $0xF;
	_ =	sdelay $0x1  }
0x213: {  	v3 =	vmul.f32 v3, v2;
	_ =	sdelay $0x1  }
0x214: {  	[tilespmem:s26+$0x1C0] =	vst v3;
	v3 =	vld [tilespmem:s26+$0x1D0];
	_ =	sdelay $0x4  }
0x215: {  	v3 =	vmul.f32 v3, v2;
	_ =	sdelay $0x1  }
0x216: {  	[tilespmem:s26+$0x1D0] =	vst v3;
	v3 =	vld [tilespmem:s26+$0x1E0];
	_ =	sdelay $0x4  }
0x217: {  	v3 =	vmul.f32 v3, v2;
	_ =	sdelay $0x1  }
0x218: {  	[tilespmem:s26+$0x1E0] =	vst v3;
	v3 =	vld [tilespmem:s26+$0x1F0];
	_ =	sdelay $0x1  }
0x219: {  	p0 =	sne.s32 s24, $0xFC0  }
.Ltmp6:
0x21a: {  	_ = 	snop;
	(pc) =	sbr.rel @p0 .LBB2_15-.Ltmp6, $3  }
0x21b: {  	_ = 	snop  }
0x21c: {  	v2 =	vmul.f32 v3, v2;
	_ =	sdelay $0x1  }
0x21d: {  	s24 =	sadd.s32 $0x40, s24;
	[tilespmem:s26+$0x1F0] =	vst v2;
	s26 =	sadd.s32 $0x400, s26  }
0x21e: {  	[spmem:s2] =	stream.indirect.scatter.add.f32 [tilespmem:s14], [sflag:$0x2], $0x40, s16, s18, $0xb8;
	[tilespmem:$0x1AC00] =	vst v63  }
0x21f: {  	_ =	swait.ge [sflag:s15], $0x2000  }
0x220: {  	[sflag:s15] =	ssyncset.done $0x0  }
0x221: {  	[sflag:s15] =	ssyncadd.s32 $0xFFFFE000  }
0x222: {  	[spmem:s2] =	stream.indirect.scatter.add.f32 [tilespmem:s19], [sflag:$0x2], $0x40, s11, s18, $0xb8;
	[tilespmem:$0x1AC00] =	vst v63  }
0x223: {  	_ =	swait.ge [sflag:s15], $0x2000  }
0x224: {  	[sflag:s15] =	ssyncset.done $0x0  }
0x225: {  	[sflag:s15] =	ssyncadd.s32 $0xFFFFE000  }
0x226: {  	[spmem:s2] =	stream.indirect.scatter.add.f32 [tilespmem:s21], [sflag:$0x2], $0x40, s12, s18, $0xb8;
	[tilespmem:$0x1AC00] =	vst v63  }
0x227: {  	_ =	swait.ge [sflag:s15], $0x2000  }
0x228: {  	[sflag:s15] =	ssyncset.done $0x0  }
0x229: {  	[sflag:s15] =	ssyncadd.s32 $0xFFFFE000  }
0x22a: {  	[spmem:s2] =	stream.indirect.scatter.add.f32 [tilespmem:s23], [sflag:$0x2], $0x40, s13, s18, $0xb8;
	[tilespmem:$0x1AC00] =	vst v63  }
0x22b: {  	_ =	swait.ge [sflag:s15], $0x2000  }
0x22c: {  	[sflag:s15] =	ssyncset.done $0x0  }
0x22d: {  	[sflag:s15] =	ssyncadd.s32 $0xFFFFE000  }
0x22e: {  	[spmem:s2] =	stream.indirect.scatter.add.f32 [tilespmem:s25], [sflag:$0x2], $0x40, s9, s18, $0xb8;
	[tilespmem:$0x1AC00] =	vst v63  }
0x22f: {  	_ =	swait.ge [sflag:s15], $0x2000  }
0x230: {  	[sflag:s15] =	ssyncset.done $0x0  }
0x231: {  	[sflag:s15] =	ssyncadd.s32 $0xFFFFE000  }
0x232: {  	[spmem:s2] =	stream.indirect.scatter.add.f32 [tilespmem:s28], [sflag:$0x2], $0x40, s4, s18, $0xb8;
	[tilespmem:$0x1AC00] =	vst v63  }
0x233: {  	_ =	swait.ge [sflag:s15], $0x2000  }
0x234: {  	[sflag:s15] =	ssyncset.done $0x0  }
0x235: {  	[sflag:s15] =	ssyncadd.s32 $0xFFFFE000  }
0x236: {  	[spmem:s2] =	stream.indirect.scatter.add.f32 [tilespmem:s30], [sflag:$0x2], $0x40, s1, s18, $0xb8;
	[tilespmem:$0x1AC00] =	vst v63  }
0x237: {  	s22 =	sadd.s32 $0x1, s22;
	_ =	swait.ge [sflag:s15], $0x2000  }
0x238: {  	p0 =	sne.s32 s22, $0x14;
	[sflag:s15] =	ssyncset.done $0x0  }
.Ltmp7:
0x239: {  	[sflag:s15] =	ssyncadd.s32 $0xFFFFE000;
	(pc) =	sbr.rel @p0 .LBB2_12-.Ltmp7, $4  }
0x23a: {  	[spmem:s2] =	stream.indirect.scatter.add.f32 [tilespmem:s0], [sflag:$0x2], $0x40, s17, s18, $0xb8;
	[tilespmem:$0x1AC00] =	vst v63  }
0x23b: {  	_ =	swait.ge [sflag:s15], $0x2000  }
0x23c: {  	[sflag:s15] =	ssyncset.done $0x0  }
0x23d: {  	[sflag:s15] =	ssyncadd.s32 $0xFFFFE000  }
0x23e: {  	[bflag:$0x0] =	sbarrier.arrive $0xFFFF  }
0x23f: {  	s20 =	rddreg [dreg:$0x7]  }
0x240: {  	s22 =	rddreg [dreg:$0x9]  }
0x241: {  	s24 =	rddreg [dreg:$0xa]  }
0x242: {  	[hbm:s20], [sflag:s22] =	dma.local [spmem:s24], $0x1400  }
0x243: {  	_ =	swait.ge [sflag:s15], $0x1400  }
0x244: {  	s26 =	rddreg [dreg:$0x4]  }
0x245: {  	s29 =	rddreg [dreg:$0x8];
	s20 =	sadd.s32 $0x1, s26  }
0x246: {  	p0 =	sne.s32 s20, s29  }
.Ltmp8:
0x247: {  	_ = 	snop;
	(pc) =	sbr.rel @p0 .LBB2_1-.Ltmp8, $3  }
0x248: {  	[sflag:s15] =	ssyncset.done $0x0  }
0x249: {  	[sflag:s15] =	ssyncadd.s32 $0xFFFFEC00  }
0x24a: {  	[bflag:$0x0] =	sbarrier.arrive $0xFFFF;
	_ =	sdelay $0x1  }
0x24b: {  	_ =	sfence.sel $0x180000  }
0x24c: {  	[bflag:$0x0] =	sbarrier.arrive $0xFFFF  }
0x24d: {  	_ =	strace $0x90000047  }
0x24e: {  	s0 =	stileid.u32;
	[bflag:$0x2] =	sbarrier.arrive $0xFFFF  }
0x24f: {  	p0 =	sne.s32 s0, $0x0;
	s0 =	rddreg [dreg:$0x3]  }
0x250: {  	s0 =	sadd.s32 @!p0 $0x100000, s0  }
0x251: {  	[sflag:s0] =	ssyncadd.tile.s32 @!p0 $0x1;
	_ =	shalt  }
.Lfunc_end2:
_tile_overlayer_lowered:
.L_overlay_start_2:
0x252: {  	(tag) =	ssettag $0x2  }
0x253: {  	s0 =	rddreg [dreg:$0x0];
	s2 =	stileid.u32  }
0x254: {  	s1 =	rddreg [dreg:$0x1];
	p0 =	sne.s32 s2, $0x0  }
0x255: {  	s3 =	rddreg [dreg:$0x2];
	[bflag:$0x3] =	sbarrier.arrive $0xFFFF;
	s2 =	simm.s32 @!p0 $0x1C02  }
0x256: {  	[timem:s3], [sflag:s2] =	dma.local @!p0 [hbm:s0], s1  }
0x257: {  	s0 =	simm.s32 @!p0 $0x2  }
0x258: {  	_ =	swait.ge @!p0 [sflag:s0], s1  }
0x259: {  	s1 =	ssub.s32 @!p0 $0x0, s1;
	[sflag:s0] =	ssyncset.done @!p0 $0x0  }
0x25a: {  	[sflag:s0] =	ssyncadd.s32 @!p0 s1  }
0x25b: {  	[bflag:$0x3] =	sbarrier.arrive $0xFFFF  }
0x25c: {  	_ =	shalt  }

</sc_bundles>
